<compile_context>
chip_gen: v7x
topology: tpu7x:2x2x1
jax: 0.10.2.dev20260603
libtpu: 0.0.44.dev20260713+nightly
codegen_flags: <defaults>
</compile_context>

<pallas_src>
import functools

import jax
import jax.numpy as jnp
from jax import lax
from jax.experimental import pallas as pl
from jax.experimental.pallas import tpu as pltpu
from jax.experimental.pallas import tpu_sc as plsc

BATCH = 4
NUM_POSITIONS = 8192
FEATURE_DIM = 768

_NC = 2
_NS = 16
_NW = _NC * _NS
_SPAN = NUM_POSITIONS // _NW
_C = 16
_CHUNKS = _SPAN // _C
_XROWS = BATCH * NUM_POSITIONS


def _sc_body(x_hbm, e_hbm, o_hbm, xbufs, obufs, ebufs, lsems, ssems, esems):
    wid = lax.axis_index("s") * _NC + lax.axis_index("c")
    pos_base = wid * _SPAN

    def xo_row(chunk, b):
        row = b * NUM_POSITIONS + pos_base + chunk * _C
        return jnp.minimum(row, _XROWS - _C)

    def e_load(chunk, cc):
        row = jnp.minimum(pos_base + chunk * _C, NUM_POSITIONS - _C)
        return pltpu.async_copy(e_hbm.at[pl.ds(row, _C)], ebufs[cc], esems[cc])

    def x_load(chunk, b, s):
        return pltpu.async_copy(
            x_hbm.at[pl.ds(xo_row(chunk, b), _C)], xbufs[s], lsems[s])

    def o_store(chunk, b, s):
        return pltpu.async_copy(
            obufs[s], o_hbm.at[pl.ds(xo_row(chunk, b), _C)], ssems[s])

    def wait_x(s):
        pltpu.make_async_copy(x_hbm.at[pl.ds(0, _C)], xbufs[s], lsems[s]).wait()

    def wait_e(cc):
        pltpu.make_async_copy(e_hbm.at[pl.ds(0, _C)], ebufs[cc], esems[cc]).wait()

    def wait_s(s):
        pltpu.make_async_copy(obufs[s], o_hbm.at[pl.ds(0, _C)], ssems[s]).wait()

    e_load(0, 0)
    e_load(1, 1)
    x_load(0, 0, 0)
    x_load(0, 1, 1)
    o_store(0, 0, 0)
    o_store(0, 1, 1)

    def pair_body(k, carry):
        for cc in range(2):
            c = 2 * k + cc
            wait_e(cc)
            for u in range(BATCH):
                t_par2 = u % 2
                nc, nb = (c, u + 2) if u < 2 else (c + 1, u - 2)
                x_load(nc, nb, (u + 2) % 4)
                wait_x(u)
                wait_s(t_par2)
                xbuf, obuf, ebuf = xbufs[u], obufs[t_par2], ebufs[cc]

                @plsc.parallel_loop(0, FEATURE_DIM, 16)
                def _add(i):
                    for r in range(_C):
                        obuf[r, pl.ds(i, 16)] = (
                            xbuf[r, pl.ds(i, 16)] + ebuf[r, pl.ds(i, 16)])

                o_store(c, u, t_par2)
            e_load(c + 2, cc)
        return carry

    lax.fori_loop(0, _CHUNKS // 2, pair_body, 0)

    wait_x(0)
    wait_x(1)
    wait_e(0)
    wait_e(1)
    wait_s(0)
    wait_s(1)


@functools.partial(
    pl.kernel,
    out_type=jax.ShapeDtypeStruct((BATCH * NUM_POSITIONS, FEATURE_DIM), jnp.float32),
    mesh=plsc.VectorSubcoreMesh(core_axis_name="c", subcore_axis_name="s"),
    scratch_types=[
        [pltpu.VMEM((_C, FEATURE_DIM), jnp.float32) for _ in range(BATCH)],
        [pltpu.VMEM((_C, FEATURE_DIM), jnp.float32) for _ in range(2)],
        [pltpu.VMEM((_C, FEATURE_DIM), jnp.float32) for _ in range(2)],
        [pltpu.SemaphoreType.DMA for _ in range(BATCH)],
        [pltpu.SemaphoreType.DMA for _ in range(2)],
        [pltpu.SemaphoreType.DMA for _ in range(2)],
    ],
)
def _sc_kernel(x_hbm, e_hbm, o_hbm, xbufs, obufs, ebufs, lsems, ssems, esems):
    _sc_body(x_hbm, e_hbm, o_hbm, xbufs, obufs, ebufs, lsems, ssems, esems)


def kernel(x, embedding):
    x2d = x.reshape(BATCH * NUM_POSITIONS, FEATURE_DIM)
    out = _sc_kernel(x2d, embedding)
    return out.reshape(BATCH, NUM_POSITIONS, FEATURE_DIM)

# --- scband reference (transcript-rebuilt; emitter-appended) ---
"""Pipeline reference for scband-auto-positional-embedding-41085657154199 (READ-ONLY COPY).

The authoritative reference and input builder live on the scoring server;
editing this copy changes nothing except your own understanding.
"""

import jax, jax.numpy as jnp
import numpy as np

NUM_POSITIONS = 8192
FEATURE_DIM = 768
BATCH = 4

def setup_inputs(seed: int = 0) -> dict:
    key = jax.random.key(seed)
    kx, ke = jax.random.split(key)
    x = jax.random.normal(kx, (BATCH, NUM_POSITIONS, FEATURE_DIM), dtype=jnp.float32)
    # learned positional embedding table, sized per init_kwargs
    embedding = jax.random.normal(ke, (NUM_POSITIONS, FEATURE_DIM), dtype=jnp.float32) * 0.02
    return {"x": x, "embedding": embedding}

def reference(x, embedding):
    # Faithful translation of AutoPositionalEmbedding.__call__:
    # positions = arange(num_positions); e = Embed(...)(positions); return x + e
    positions = jnp.arange(NUM_POSITIONS)
    e = jnp.take(embedding, positions, axis=0)  # embedding lookup / gather
    return x + e  # broadcasts over batch dim

if __name__ == "__main__":
    import jax
    _d = setup_inputs()
    print(jax.jit(kernel)(*tuple(_d.values())))

</pallas_src>

<mosaic_0001>
#map = affine_map<(d0, d1) -> (0, 0)>
module attributes {stable_mosaic.version = 14 : i64} {
  func.func @_sc_kernel(%arg0: i32, %arg1: i32, %arg2: memref<32768x768xf32, #tpu.memory_space<hbm>>, %arg3: memref<8192x768xf32, #tpu.memory_space<hbm>>, %arg4: memref<32768x768xf32, #tpu.memory_space<hbm>>, %arg5: memref<16x768xf32, #tpu.memory_space<vmem>>, %arg6: memref<16x768xf32, #tpu.memory_space<vmem>>, %arg7: memref<16x768xf32, #tpu.memory_space<vmem>>, %arg8: memref<16x768xf32, #tpu.memory_space<vmem>>, %arg9: memref<16x768xf32, #tpu.memory_space<vmem>>, %arg10: memref<16x768xf32, #tpu.memory_space<vmem>>, %arg11: memref<16x768xf32, #tpu.memory_space<vmem>>, %arg12: memref<16x768xf32, #tpu.memory_space<vmem>>, %arg13: memref<!tpu.dma_semaphore, #tpu.memory_space<semaphore_mem>>, %arg14: memref<!tpu.dma_semaphore, #tpu.memory_space<semaphore_mem>>, %arg15: memref<!tpu.dma_semaphore, #tpu.memory_space<semaphore_mem>>, %arg16: memref<!tpu.dma_semaphore, #tpu.memory_space<semaphore_mem>>, %arg17: memref<!tpu.dma_semaphore, #tpu.memory_space<semaphore_mem>>, %arg18: memref<!tpu.dma_semaphore, #tpu.memory_space<semaphore_mem>>, %arg19: memref<!tpu.dma_semaphore, #tpu.memory_space<semaphore_mem>>, %arg20: memref<!tpu.dma_semaphore, #tpu.memory_space<semaphore_mem>>) attributes {dimension_semantics = [#tpu.dimension_semantics<core_parallel>, #tpu.dimension_semantics<subcore_parallel>], iteration_bounds = array<i64: 2, 16>, scalar_prefetch = 0 : i64, scratch_operands = 16 : i64, tpu.core_type = #tpu.core_type<sc_vector_subcore>, window_params = [{transform_indices = #map}, {transform_indices = #map}, {transform_indices = #map}]} {
    %mul3A = arith.constant 2 : i32
    %mul3A_0 = arith.muli %arg1, %mul3A : i32
    %add3A = arith.addi %mul3A_0, %arg0 : i32
    %mul3A_1 = arith.constant 256 : i32
    %mul3A_2 = arith.muli %add3A, %mul3A_1 : i32
    %add3A_3 = arith.constant 0 : i32
    %add3A_4 = arith.addi %mul3A_2, %add3A_3 : i32
    %min3A = arith.constant 8176 : i32
    %min3A_5 = arith.minsi %add3A_4, %min3A : i32
    %dma_start3A = arith.constant 0 : i32
    %dma_start3A_6 = tpu.memref_slice %arg3[%min3A_5, %dma_start3A] : memref<8192x768xf32, #tpu.memory_space<hbm>> -> memref<16x768xf32, #tpu.memory_space<hbm>>
    %dma_start3A_7 = arith.constant 0 : i32
    %dma_start3A_8 = tpu.memref_slice %arg3[%min3A_5, %dma_start3A_7] : memref<8192x768xf32, #tpu.memory_space<hbm>> -> memref<16x768xf32, #tpu.memory_space<hbm>>
    tpu.enqueue_dma source(%dma_start3A_8 : memref<16x768xf32, #tpu.memory_space<hbm>>) target(%arg11 : memref<16x768xf32, #tpu.memory_space<vmem>>) target_semaphore(%arg19 : memref<!tpu.dma_semaphore, #tpu.memory_space<semaphore_mem>>)
    %add3A_9 = arith.constant 16 : i32
    %add3A_10 = arith.addi %mul3A_2, %add3A_9 : i32
    %min3A_11 = arith.constant 8176 : i32
    %min3A_12 = arith.minsi %add3A_10, %min3A_11 : i32
    %dma_start3A_13 = arith.constant 0 : i32
    %dma_start3A_14 = tpu.memref_slice %arg3[%min3A_12, %dma_start3A_13] : memref<8192x768xf32, #tpu.memory_space<hbm>> -> memref<16x768xf32, #tpu.memory_space<hbm>>
    %dma_start3A_15 = arith.constant 0 : i32
    %dma_start3A_16 = tpu.memref_slice %arg3[%min3A_12, %dma_start3A_15] : memref<8192x768xf32, #tpu.memory_space<hbm>> -> memref<16x768xf32, #tpu.memory_space<hbm>>
    tpu.enqueue_dma source(%dma_start3A_16 : memref<16x768xf32, #tpu.memory_space<hbm>>) target(%arg12 : memref<16x768xf32, #tpu.memory_space<vmem>>) target_semaphore(%arg20 : memref<!tpu.dma_semaphore, #tpu.memory_space<semaphore_mem>>)
    %add3A_17 = arith.constant 0 : i32
    %add3A_18 = arith.addi %add3A_17, %mul3A_2 : i32
    %add3A_19 = arith.constant 0 : i32
    %add3A_20 = arith.addi %add3A_18, %add3A_19 : i32
    %min3A_21 = arith.constant 32752 : i32
    %min3A_22 = arith.minsi %add3A_20, %min3A_21 : i32
    %dma_start3A_23 = arith.constant 0 : i32
    %dma_start3A_24 = tpu.memref_slice %arg2[%min3A_22, %dma_start3A_23] : memref<32768x768xf32, #tpu.memory_space<hbm>> -> memref<16x768xf32, #tpu.memory_space<hbm>>
    %dma_start3A_25 = arith.constant 0 : i32
    %dma_start3A_26 = tpu.memref_slice %arg2[%min3A_22, %dma_start3A_25] : memref<32768x768xf32, #tpu.memory_space<hbm>> -> memref<16x768xf32, #tpu.memory_space<hbm>>
    tpu.enqueue_dma source(%dma_start3A_26 : memref<16x768xf32, #tpu.memory_space<hbm>>) target(%arg5 : memref<16x768xf32, #tpu.memory_space<vmem>>) target_semaphore(%arg13 : memref<!tpu.dma_semaphore, #tpu.memory_space<semaphore_mem>>)
    %add3A_27 = arith.constant 8192 : i32
    %add3A_28 = arith.addi %add3A_27, %mul3A_2 : i32
    %add3A_29 = arith.constant 0 : i32
    %add3A_30 = arith.addi %add3A_28, %add3A_29 : i32
    %min3A_31 = arith.constant 32752 : i32
    %min3A_32 = arith.minsi %add3A_30, %min3A_31 : i32
    %dma_start3A_33 = arith.constant 0 : i32
    %dma_start3A_34 = tpu.memref_slice %arg2[%min3A_32, %dma_start3A_33] : memref<32768x768xf32, #tpu.memory_space<hbm>> -> memref<16x768xf32, #tpu.memory_space<hbm>>
    %dma_start3A_35 = arith.constant 0 : i32
    %dma_start3A_36 = tpu.memref_slice %arg2[%min3A_32, %dma_start3A_35] : memref<32768x768xf32, #tpu.memory_space<hbm>> -> memref<16x768xf32, #tpu.memory_space<hbm>>
    tpu.enqueue_dma source(%dma_start3A_36 : memref<16x768xf32, #tpu.memory_space<hbm>>) target(%arg6 : memref<16x768xf32, #tpu.memory_space<vmem>>) target_semaphore(%arg14 : memref<!tpu.dma_semaphore, #tpu.memory_space<semaphore_mem>>)
    %add3A_37 = arith.constant 0 : i32
    %add3A_38 = arith.addi %add3A_37, %mul3A_2 : i32
    %add3A_39 = arith.constant 0 : i32
    %add3A_40 = arith.addi %add3A_38, %add3A_39 : i32
    %min3A_41 = arith.constant 32752 : i32
    %min3A_42 = arith.minsi %add3A_40, %min3A_41 : i32
    %dma_start3A_43 = arith.constant 0 : i32
    %dma_start3A_44 = tpu.memref_slice %arg4[%min3A_42, %dma_start3A_43] : memref<32768x768xf32, #tpu.memory_space<hbm>> -> memref<16x768xf32, #tpu.memory_space<hbm>>
    %dma_start3A_45 = arith.constant 0 : i32
    %dma_start3A_46 = tpu.memref_slice %arg4[%min3A_42, %dma_start3A_45] : memref<32768x768xf32, #tpu.memory_space<hbm>> -> memref<16x768xf32, #tpu.memory_space<hbm>>
    tpu.enqueue_dma source(%arg9 : memref<16x768xf32, #tpu.memory_space<vmem>>) target(%dma_start3A_46 : memref<16x768xf32, #tpu.memory_space<hbm>>) target_semaphore(%arg17 : memref<!tpu.dma_semaphore, #tpu.memory_space<semaphore_mem>>)
    %add3A_47 = arith.constant 8192 : i32
    %add3A_48 = arith.addi %add3A_47, %mul3A_2 : i32
    %add3A_49 = arith.constant 0 : i32
    %add3A_50 = arith.addi %add3A_48, %add3A_49 : i32
    %min3A_51 = arith.constant 32752 : i32
    %min3A_52 = arith.minsi %add3A_50, %min3A_51 : i32
    %dma_start3A_53 = arith.constant 0 : i32
    %dma_start3A_54 = tpu.memref_slice %arg4[%min3A_52, %dma_start3A_53] : memref<32768x768xf32, #tpu.memory_space<hbm>> -> memref<16x768xf32, #tpu.memory_space<hbm>>
    %dma_start3A_55 = arith.constant 0 : i32
    %dma_start3A_56 = tpu.memref_slice %arg4[%min3A_52, %dma_start3A_55] : memref<32768x768xf32, #tpu.memory_space<hbm>> -> memref<16x768xf32, #tpu.memory_space<hbm>>
    tpu.enqueue_dma source(%arg10 : memref<16x768xf32, #tpu.memory_space<vmem>>) target(%dma_start3A_56 : memref<16x768xf32, #tpu.memory_space<hbm>>) target_semaphore(%arg18 : memref<!tpu.dma_semaphore, #tpu.memory_space<semaphore_mem>>)
    %scan3A = arith.constant 0 : i32
    %scan3A_57 = arith.constant 0 : i32
    %scan3A_58 = arith.constant 8 : i32
    %scan3A_59 = arith.addi %scan3A_57, %scan3A_58 : i32
    %scan3A_60 = arith.constant 1 : i32
    scf.for %scan3A_97 = %scan3A_57 to %scan3A_59 step %scan3A_60  : i32 {
      %mul3A_98 = arith.constant 2 : i32
      %mul3A_99 = arith.muli %mul3A_98, %scan3A_97 : i32
      %add3A_100 = arith.constant 0 : i32
      %add3A_101 = arith.addi %mul3A_99, %add3A_100 : i32
      %dma_wait3A_102 = arith.constant 0 : i32
      %dma_wait3A_103 = arith.constant 0 : i32
      %dma_wait3A_104 = tpu.memref_slice %arg3[%dma_wait3A_102, %dma_wait3A_103] : memref<8192x768xf32, #tpu.memory_space<hbm>> -> memref<16x768xf32, #tpu.memory_space<hbm>>
      %dma_wait3A_105 = arith.constant 0 : i32
      %dma_wait3A_106 = arith.constant 0 : i32
      %dma_wait3A_107 = tpu.memref_slice %arg3[%dma_wait3A_105, %dma_wait3A_106] : memref<8192x768xf32, #tpu.memory_space<hbm>> -> memref<16x768xf32, #tpu.memory_space<hbm>>
      tpu.wait_dma2 semaphore(%arg19 : memref<!tpu.dma_semaphore, #tpu.memory_space<semaphore_mem>>) src(%dma_wait3A_107 : memref<16x768xf32, #tpu.memory_space<hbm>>) dst(%arg11 : memref<16x768xf32, #tpu.memory_space<vmem>>)
      %add3A_108 = arith.constant 16384 : i32
      %add3A_109 = arith.addi %add3A_108, %mul3A_2 : i32
      %mul3A_110 = arith.constant 16 : i32
      %mul3A_111 = arith.muli %add3A_101, %mul3A_110 : i32
      %add3A_112 = arith.addi %add3A_109, %mul3A_111 : i32
      %min3A_113 = arith.constant 32752 : i32
      %min3A_114 = arith.minsi %add3A_112, %min3A_113 : i32
      %dma_start3A_115 = arith.constant 0 : i32
      %dma_start3A_116 = tpu.memref_slice %arg2[%min3A_114, %dma_start3A_115] : memref<32768x768xf32, #tpu.memory_space<hbm>> -> memref<16x768xf32, #tpu.memory_space<hbm>>
      %dma_start3A_117 = arith.constant 0 : i32
      %dma_start3A_118 = tpu.memref_slice %arg2[%min3A_114, %dma_start3A_117] : memref<32768x768xf32, #tpu.memory_space<hbm>> -> memref<16x768xf32, #tpu.memory_space<hbm>>
      tpu.enqueue_dma source(%dma_start3A_118 : memref<16x768xf32, #tpu.memory_space<hbm>>) target(%arg7 : memref<16x768xf32, #tpu.memory_space<vmem>>) target_semaphore(%arg15 : memref<!tpu.dma_semaphore, #tpu.memory_space<semaphore_mem>>)
      %dma_wait3A_119 = arith.constant 0 : i32
      %dma_wait3A_120 = arith.constant 0 : i32
      %dma_wait3A_121 = tpu.memref_slice %arg2[%dma_wait3A_119, %dma_wait3A_120] : memref<32768x768xf32, #tpu.memory_space<hbm>> -> memref<16x768xf32, #tpu.memory_space<hbm>>
      %dma_wait3A_122 = arith.constant 0 : i32
      %dma_wait3A_123 = arith.constant 0 : i32
      %dma_wait3A_124 = tpu.memref_slice %arg2[%dma_wait3A_122, %dma_wait3A_123] : memref<32768x768xf32, #tpu.memory_space<hbm>> -> memref<16x768xf32, #tpu.memory_space<hbm>>
      tpu.wait_dma2 semaphore(%arg13 : memref<!tpu.dma_semaphore, #tpu.memory_space<semaphore_mem>>) src(%dma_wait3A_124 : memref<16x768xf32, #tpu.memory_space<hbm>>) dst(%arg5 : memref<16x768xf32, #tpu.memory_space<vmem>>)
      %dma_wait3A_125 = arith.constant 0 : i32
      %dma_wait3A_126 = arith.constant 0 : i32
      %dma_wait3A_127 = tpu.memref_slice %arg4[%dma_wait3A_125, %dma_wait3A_126] : memref<32768x768xf32, #tpu.memory_space<hbm>> -> memref<16x768xf32, #tpu.memory_space<hbm>>
      %dma_wait3A_128 = arith.constant 0 : i32
      %dma_wait3A_129 = arith.constant 0 : i32
      %dma_wait3A_130 = tpu.memref_slice %arg4[%dma_wait3A_128, %dma_wait3A_129] : memref<32768x768xf32, #tpu.memory_space<hbm>> -> memref<16x768xf32, #tpu.memory_space<hbm>>
      tpu.wait_dma2 semaphore(%arg17 : memref<!tpu.dma_semaphore, #tpu.memory_space<semaphore_mem>>) src(%arg9 : memref<16x768xf32, #tpu.memory_space<vmem>>) dst(%dma_wait3A_130 : memref<16x768xf32, #tpu.memory_space<hbm>>)
      %parallel_loop3A = arith.constant 0 : i32
      %parallel_loop3A_131 = arith.constant 768 : i32
      %parallel_loop3A_132 = arith.constant 16 : i32
      scf.for %parallel_loop3A_443 = %parallel_loop3A to %parallel_loop3A_131 step %parallel_loop3A_132  : i32 {
        %parallel_loop3A_444 = arith.constant 0 : i32
        %parallel_loop3A_445 = arith.index_cast %parallel_loop3A_444 : i32 to index
        %parallel_loop3A_446 = arith.index_cast %parallel_loop3A_443 : i32 to index
        %parallel_loop3A_447 = tpu.vector_load %arg5[%parallel_loop3A_445, %parallel_loop3A_446] {strides = array<i32>} : memref<16x768xf32, #tpu.memory_space<vmem>>, vector<1x16xf32>,
        %parallel_loop3A_448 = vector.shape_cast %parallel_loop3A_447 : vector<1x16xf32> to vector<16xf32>
        %parallel_loop3A_449 = arith.constant 0 : i32
        %parallel_loop3A_450 = arith.index_cast %parallel_loop3A_449 : i32 to index
        %parallel_loop3A_451 = arith.index_cast %parallel_loop3A_443 : i32 to index
        %parallel_loop3A_452 = tpu.vector_load %arg11[%parallel_loop3A_450, %parallel_loop3A_451] {strides = array<i32>} : memref<16x768xf32, #tpu.memory_space<vmem>>, vector<1x16xf32>,
        %parallel_loop3A_453 = vector.shape_cast %parallel_loop3A_452 : vector<1x16xf32> to vector<16xf32>
        %parallel_loop3A_454 = arith.addf %parallel_loop3A_448, %parallel_loop3A_453 : vector<16xf32>
        %parallel_loop3A_455 = arith.constant 0 : i32
        %parallel_loop3A_456 = arith.index_cast %parallel_loop3A_455 : i32 to index
        %parallel_loop3A_457 = arith.index_cast %parallel_loop3A_443 : i32 to index
        %parallel_loop3A_458 = tpu.vector_load %arg9[%parallel_loop3A_456, %parallel_loop3A_457] {strides = array<i32>} : memref<16x768xf32, #tpu.memory_space<vmem>>, vector<1x16xf32>,
        %parallel_loop3A_459 = vector.shape_cast %parallel_loop3A_458 : vector<1x16xf32> to vector<16xf32>
        %parallel_loop3A_460 = vector.shape_cast %parallel_loop3A_454 : vector<16xf32> to vector<1x16xf32>
        tpu.vector_store %arg9[%parallel_loop3A_456, %parallel_loop3A_457], %parallel_loop3A_460 {strides = array<i32>} : memref<16x768xf32, #tpu.memory_space<vmem>>, vector<1x16xf32>,
        %parallel_loop3A_461 = arith.constant 1 : i32
        %parallel_loop3A_462 = arith.index_cast %parallel_loop3A_461 : i32 to index
        %parallel_loop3A_463 = arith.index_cast %parallel_loop3A_443 : i32 to index
        %parallel_loop3A_464 = tpu.vector_load %arg5[%parallel_loop3A_462, %parallel_loop3A_463] {strides = array<i32>} : memref<16x768xf32, #tpu.memory_space<vmem>>, vector<1x16xf32>,
        %parallel_loop3A_465 = vector.shape_cast %parallel_loop3A_464 : vector<1x16xf32> to vector<16xf32>
        %parallel_loop3A_466 = arith.constant 1 : i32
        %parallel_loop3A_467 = arith.index_cast %parallel_loop3A_466 : i32 to index
        %parallel_loop3A_468 = arith.index_cast %parallel_loop3A_443 : i32 to index
        %parallel_loop3A_469 = tpu.vector_load %arg11[%parallel_loop3A_467, %parallel_loop3A_468] {strides = array<i32>} : memref<16x768xf32, #tpu.memory_space<vmem>>, vector<1x16xf32>,
        %parallel_loop3A_470 = vector.shape_cast %parallel_loop3A_469 : vector<1x16xf32> to vector<16xf32>
        %parallel_loop3A_471 = arith.addf %parallel_loop3A_465, %parallel_loop3A_470 : vector<16xf32>
        %parallel_loop3A_472 = arith.constant 1 : i32
        %parallel_loop3A_473 = arith.index_cast %parallel_loop3A_472 : i32 to index
        %parallel_loop3A_474 = arith.index_cast %parallel_loop3A_443 : i32 to index
        %parallel_loop3A_475 = tpu.vector_load %arg9[%parallel_loop3A_473, %parallel_loop3A_474] {strides = array<i32>} : memref<16x768xf32, #tpu.memory_space<vmem>>, vector<1x16xf32>,
        %parallel_loop3A_476 = vector.shape_cast %parallel_loop3A_475 : vector<1x16xf32> to vector<16xf32>
        %parallel_loop3A_477 = vector.shape_cast %parallel_loop3A_471 : vector<16xf32> to vector<1x16xf32>
        tpu.vector_store %arg9[%parallel_loop3A_473, %parallel_loop3A_474], %parallel_loop3A_477 {strides = array<i32>} : memref<16x768xf32, #tpu.memory_space<vmem>>, vector<1x16xf32>,
        %parallel_loop3A_478 = arith.constant 2 : i32
        %parallel_loop3A_479 = arith.index_cast %parallel_loop3A_478 : i32 to index
        %parallel_loop3A_480 = arith.index_cast %parallel_loop3A_443 : i32 to index
        %parallel_loop3A_481 = tpu.vector_load %arg5[%parallel_loop3A_479, %parallel_loop3A_480] {strides = array<i32>} : memref<16x768xf32, #tpu.memory_space<vmem>>, vector<1x16xf32>,
        %parallel_loop3A_482 = vector.shape_cast %parallel_loop3A_481 : vector<1x16xf32> to vector<16xf32>
        %parallel_loop3A_483 = arith.constant 2 : i32
        %parallel_loop3A_484 = arith.index_cast %parallel_loop3A_483 : i32 to index
        %parallel_loop3A_485 = arith.index_cast %parallel_loop3A_443 : i32 to index
        %parallel_loop3A_486 = tpu.vector_load %arg11[%parallel_loop3A_484, %parallel_loop3A_485] {strides = array<i32>} : memref<16x768xf32, #tpu.memory_space<vmem>>, vector<1x16xf32>,
        %parallel_loop3A_487 = vector.shape_cast %parallel_loop3A_486 : vector<1x16xf32> to vector<16xf32>
        %parallel_loop3A_488 = arith.addf %parallel_loop3A_482, %parallel_loop3A_487 : vector<16xf32>
        %parallel_loop3A_489 = arith.constant 2 : i32
        %parallel_loop3A_490 = arith.index_cast %parallel_loop3A_489 : i32 to index
        %parallel_loop3A_491 = arith.index_cast %parallel_loop3A_443 : i32 to index
        %parallel_loop3A_492 = tpu.vector_load %arg9[%parallel_loop3A_490, %parallel_loop3A_491] {strides = array<i32>} : memref<16x768xf32, #tpu.memory_space<vmem>>, vector<1x16xf32>,
        %parallel_loop3A_493 = vector.shape_cast %parallel_loop3A_492 : vector<1x16xf32> to vector<16xf32>
        %parallel_loop3A_494 = vector.shape_cast %parallel_loop3A_488 : vector<16xf32> to vector<1x16xf32>
        tpu.vector_store %arg9[%parallel_loop3A_490, %parallel_loop3A_491], %parallel_loop3A_494 {strides = array<i32>} : memref<16x768xf32, #tpu.memory_space<vmem>>, vector<1x16xf32>,
        %parallel_loop3A_495 = arith.constant 3 : i32
        %parallel_loop3A_496 = arith.index_cast %parallel_loop3A_495 : i32 to index
        %parallel_loop3A_497 = arith.index_cast %parallel_loop3A_443 : i32 to index
        %parallel_loop3A_498 = tpu.vector_load %arg5[%parallel_loop3A_496, %parallel_loop3A_497] {strides = array<i32>} : memref<16x768xf32, #tpu.memory_space<vmem>>, vector<1x16xf32>,
        %parallel_loop3A_499 = vector.shape_cast %parallel_loop3A_498 : vector<1x16xf32> to vector<16xf32>
        %parallel_loop3A_500 = arith.constant 3 : i32
        %parallel_loop3A_501 = arith.index_cast %parallel_loop3A_500 : i32 to index
        %parallel_loop3A_502 = arith.index_cast %parallel_loop3A_443 : i32 to index
        %parallel_loop3A_503 = tpu.vector_load %arg11[%parallel_loop3A_501, %parallel_loop3A_502] {strides = array<i32>} : memref<16x768xf32, #tpu.memory_space<vmem>>, vector<1x16xf32>,
        %parallel_loop3A_504 = vector.shape_cast %parallel_loop3A_503 : vector<1x16xf32> to vector<16xf32>
        %parallel_loop3A_505 = arith.addf %parallel_loop3A_499, %parallel_loop3A_504 : vector<16xf32>
        %parallel_loop3A_506 = arith.constant 3 : i32
        %parallel_loop3A_507 = arith.index_cast %parallel_loop3A_506 : i32 to index
        %parallel_loop3A_508 = arith.index_cast %parallel_loop3A_443 : i32 to index
        %parallel_loop3A_509 = tpu.vector_load %arg9[%parallel_loop3A_507, %parallel_loop3A_508] {strides = array<i32>} : memref<16x768xf32, #tpu.memory_space<vmem>>, vector<1x16xf32>,
        %parallel_loop3A_510 = vector.shape_cast %parallel_loop3A_509 : vector<1x16xf32> to vector<16xf32>
        %parallel_loop3A_511 = vector.shape_cast %parallel_loop3A_505 : vector<16xf32> to vector<1x16xf32>
        tpu.vector_store %arg9[%parallel_loop3A_507, %parallel_loop3A_508], %parallel_loop3A_511 {strides = array<i32>} : memref<16x768xf32, #tpu.memory_space<vmem>>, vector<1x16xf32>,
        %parallel_loop3A_512 = arith.constant 4 : i32
        %parallel_loop3A_513 = arith.index_cast %parallel_loop3A_512 : i32 to index
        %parallel_loop3A_514 = arith.index_cast %parallel_loop3A_443 : i32 to index
        %parallel_loop3A_515 = tpu.vector_load %arg5[%parallel_loop3A_513, %parallel_loop3A_514] {strides = array<i32>} : memref<16x768xf32, #tpu.memory_space<vmem>>, vector<1x16xf32>,
        %parallel_loop3A_516 = vector.shape_cast %parallel_loop3A_515 : vector<1x16xf32> to vector<16xf32>
        %parallel_loop3A_517 = arith.constant 4 : i32
        %parallel_loop3A_518 = arith.index_cast %parallel_loop3A_517 : i32 to index
        %parallel_loop3A_519 = arith.index_cast %parallel_loop3A_443 : i32 to index
        %parallel_loop3A_520 = tpu.vector_load %arg11[%parallel_loop3A_518, %parallel_loop3A_519] {strides = array<i32>} : memref<16x768xf32, #tpu.memory_space<vmem>>, vector<1x16xf32>,
        %parallel_loop3A_521 = vector.shape_cast %parallel_loop3A_520 : vector<1x16xf32> to vector<16xf32>
        %parallel_loop3A_522 = arith.addf %parallel_loop3A_516, %parallel_loop3A_521 : vector<16xf32>
        %parallel_loop3A_523 = arith.constant 4 : i32
        %parallel_loop3A_524 = arith.index_cast %parallel_loop3A_523 : i32 to index
        %parallel_loop3A_525 = arith.index_cast %parallel_loop3A_443 : i32 to index
        %parallel_loop3A_526 = tpu.vector_load %arg9[%parallel_loop3A_524, %parallel_loop3A_525] {strides = array<i32>} : memref<16x768xf32, #tpu.memory_space<vmem>>, vector<1x16xf32>,
        %parallel_loop3A_527 = vector.shape_cast %parallel_loop3A_526 : vector<1x16xf32> to vector<16xf32>
        %parallel_loop3A_528 = vector.shape_cast %parallel_loop3A_522 : vector<16xf32> to vector<1x16xf32>
        tpu.vector_store %arg9[%parallel_loop3A_524, %parallel_loop3A_525], %parallel_loop3A_528 {strides = array<i32>} : memref<16x768xf32, #tpu.memory_space<vmem>>, vector<1x16xf32>,
        %parallel_loop3A_529 = arith.constant 5 : i32
        %parallel_loop3A_530 = arith.index_cast %parallel_loop3A_529 : i32 to index
        %parallel_loop3A_531 = arith.index_cast %parallel_loop3A_443 : i32 to index
        %parallel_loop3A_532 = tpu.vector_load %arg5[%parallel_loop3A_530, %parallel_loop3A_531] {strides = array<i32>} : memref<16x768xf32, #tpu.memory_space<vmem>>, vector<1x16xf32>,
        %parallel_loop3A_533 = vector.shape_cast %parallel_loop3A_532 : vector<1x16xf32> to vector<16xf32>
        %parallel_loop3A_534 = arith.constant 5 : i32
        %parallel_loop3A_535 = arith.index_cast %parallel_loop3A_534 : i32 to index
        %parallel_loop3A_536 = arith.index_cast %parallel_loop3A_443 : i32 to index
        %parallel_loop3A_537 = tpu.vector_load %arg11[%parallel_loop3A_535, %parallel_loop3A_536] {strides = array<i32>} : memref<16x768xf32, #tpu.memory_space<vmem>>, vector<1x16xf32>,
        %parallel_loop3A_538 = vector.shape_cast %parallel_loop3A_537 : vector<1x16xf32> to vector<16xf32>
        %parallel_loop3A_539 = arith.addf %parallel_loop3A_533, %parallel_loop3A_538 : vector<16xf32>
        %parallel_loop3A_540 = arith.constant 5 : i32
        %parallel_loop3A_541 = arith.index_cast %parallel_loop3A_540 : i32 to index
        %parallel_loop3A_542 = arith.index_cast %parallel_loop3A_443 : i32 to index
        %parallel_loop3A_543 = tpu.vector_load %arg9[%parallel_loop3A_541, %parallel_loop3A_542] {strides = array<i32>} : memref<16x768xf32, #tpu.memory_space<vmem>>, vector<1x16xf32>,
        %parallel_loop3A_544 = vector.shape_cast %parallel_loop3A_543 : vector<1x16xf32> to vector<16xf32>
        %parallel_loop3A_545 = vector.shape_cast %parallel_loop3A_539 : vector<16xf32> to vector<1x16xf32>
        tpu.vector_store %arg9[%parallel_loop3A_541, %parallel_loop3A_542], %parallel_loop3A_545 {strides = array<i32>} : memref<16x768xf32, #tpu.memory_space<vmem>>, vector<1x16xf32>,
        %parallel_loop3A_546 = arith.constant 6 : i32
        %parallel_loop3A_547 = arith.index_cast %parallel_loop3A_546 : i32 to index
        %parallel_loop3A_548 = arith.index_cast %parallel_loop3A_443 : i32 to index
        %parallel_loop3A_549 = tpu.vector_load %arg5[%parallel_loop3A_547, %parallel_loop3A_548] {strides = array<i32>} : memref<16x768xf32, #tpu.memory_space<vmem>>, vector<1x16xf32>,
        %parallel_loop3A_550 = vector.shape_cast %parallel_loop3A_549 : vector<1x16xf32> to vector<16xf32>
        %parallel_loop3A_551 = arith.constant 6 : i32
        %parallel_loop3A_552 = arith.index_cast %parallel_loop3A_551 : i32 to index
        %parallel_loop3A_553 = arith.index_cast %parallel_loop3A_443 : i32 to index
        %parallel_loop3A_554 = tpu.vector_load %arg11[%parallel_loop3A_552, %parallel_loop3A_553] {strides = array<i32>} : memref<16x768xf32, #tpu.memory_space<vmem>>, vector<1x16xf32>,
        %parallel_loop3A_555 = vector.shape_cast %parallel_loop3A_554 : vector<1x16xf32> to vector<16xf32>
        %parallel_loop3A_556 = arith.addf %parallel_loop3A_550, %parallel_loop3A_555 : vector<16xf32>
        %parallel_loop3A_557 = arith.constant 6 : i32
        %parallel_loop3A_558 = arith.index_cast %parallel_loop3A_557 : i32 to index
        %parallel_loop3A_559 = arith.index_cast %parallel_loop3A_443 : i32 to index
        %parallel_loop3A_560 = tpu.vector_load %arg9[%parallel_loop3A_558, %parallel_loop3A_559] {strides = array<i32>} : memref<16x768xf32, #tpu.memory_space<vmem>>, vector<1x16xf32>,
        %parallel_loop3A_561 = vector.shape_cast %parallel_loop3A_560 : vector<1x16xf32> to vector<16xf32>
        %parallel_loop3A_562 = vector.shape_cast %parallel_loop3A_556 : vector<16xf32> to vector<1x16xf32>
        tpu.vector_store %arg9[%parallel_loop3A_558, %parallel_loop3A_559], %parallel_loop3A_562 {strides = array<i32>} : memref<16x768xf32, #tpu.memory_space<vmem>>, vector<1x16xf32>,
        %parallel_loop3A_563 = arith.constant 7 : i32
        %parallel_loop3A_564 = arith.index_cast %parallel_loop3A_563 : i32 to index
        %parallel_loop3A_565 = arith.index_cast %parallel_loop3A_443 : i32 to index
        %parallel_loop3A_566 = tpu.vector_load %arg5[%parallel_loop3A_564, %parallel_loop3A_565] {strides = array<i32>} : memref<16x768xf32, #tpu.memory_space<vmem>>, vector<1x16xf32>,
        %parallel_loop3A_567 = vector.shape_cast %parallel_loop3A_566 : vector<1x16xf32> to vector<16xf32>
        %parallel_loop3A_568 = arith.constant 7 : i32
        %parallel_loop3A_569 = arith.index_cast %parallel_loop3A_568 : i32 to index
        %parallel_loop3A_570 = arith.index_cast %parallel_loop3A_443 : i32 to index
        %parallel_loop3A_571 = tpu.vector_load %arg11[%parallel_loop3A_569, %parallel_loop3A_570] {strides = array<i32>} : memref<16x768xf32, #tpu.memory_space<vmem>>, vector<1x16xf32>,
        %parallel_loop3A_572 = vector.shape_cast %parallel_loop3A_571 : vector<1x16xf32> to vector<16xf32>
        %parallel_loop3A_573 = arith.addf %parallel_loop3A_567, %parallel_loop3A_572 : vector<16xf32>
        %parallel_loop3A_574 = arith.constant 7 : i32
        %parallel_loop3A_575 = arith.index_cast %parallel_loop3A_574 : i32 to index
        %parallel_loop3A_576 = arith.index_cast %parallel_loop3A_443 : i32 to index
        %parallel_loop3A_577 = tpu.vector_load %arg9[%parallel_loop3A_575, %parallel_loop3A_576] {strides = array<i32>} : memref<16x768xf32, #tpu.memory_space<vmem>>, vector<1x16xf32>,
        %parallel_loop3A_578 = vector.shape_cast %parallel_loop3A_577 : vector<1x16xf32> to vector<16xf32>
        %parallel_loop3A_579 = vector.shape_cast %parallel_loop3A_573 : vector<16xf32> to vector<1x16xf32>
        tpu.vector_store %arg9[%parallel_loop3A_575, %parallel_loop3A_576], %parallel_loop3A_579 {strides = array<i32>} : memref<16x768xf32, #tpu.memory_space<vmem>>, vector<1x16xf32>,
        %parallel_loop3A_580 = arith.constant 8 : i32
        %parallel_loop3A_581 = arith.index_cast %parallel_loop3A_580 : i32 to index
        %parallel_loop3A_582 = arith.index_cast %parallel_loop3A_443 : i32 to index
        %parallel_loop3A_583 = tpu.vector_load %arg5[%parallel_loop3A_581, %parallel_loop3A_582] {strides = array<i32>} : memref<16x768xf32, #tpu.memory_space<vmem>>, vector<1x16xf32>,
        %parallel_loop3A_584 = vector.shape_cast %parallel_loop3A_583 : vector<1x16xf32> to vector<16xf32>
        %parallel_loop3A_585 = arith.constant 8 : i32
        %parallel_loop3A_586 = arith.index_cast %parallel_loop3A_585 : i32 to index
        %parallel_loop3A_587 = arith.index_cast %parallel_loop3A_443 : i32 to index
        %parallel_loop3A_588 = tpu.vector_load %arg11[%parallel_loop3A_586, %parallel_loop3A_587] {strides = array<i32>} : memref<16x768xf32, #tpu.memory_space<vmem>>, vector<1x16xf32>,
        %parallel_loop3A_589 = vector.shape_cast %parallel_loop3A_588 : vector<1x16xf32> to vector<16xf32>
        %parallel_loop3A_590 = arith.addf %parallel_loop3A_584, %parallel_loop3A_589 : vector<16xf32>
        %parallel_loop3A_591 = arith.constant 8 : i32
        %parallel_loop3A_592 = arith.index_cast %parallel_loop3A_591 : i32 to index
        %parallel_loop3A_593 = arith.index_cast %parallel_loop3A_443 : i32 to index
        %parallel_loop3A_594 = tpu.vector_load %arg9[%parallel_loop3A_592, %parallel_loop3A_593] {strides = array<i32>} : memref<16x768xf32, #tpu.memory_space<vmem>>, vector<1x16xf32>,
        %parallel_loop3A_595 = vector.shape_cast %parallel_loop3A_594 : vector<1x16xf32> to vector<16xf32>
        %parallel_loop3A_596 = vector.shape_cast %parallel_loop3A_590 : vector<16xf32> to vector<1x16xf32>
        tpu.vector_store %arg9[%parallel_loop3A_592, %parallel_loop3A_593], %parallel_loop3A_596 {strides = array<i32>} : memref<16x768xf32, #tpu.memory_space<vmem>>, vector<1x16xf32>,
        %parallel_loop3A_597 = arith.constant 9 : i32
        %parallel_loop3A_598 = arith.index_cast %parallel_loop3A_597 : i32 to index
        %parallel_loop3A_599 = arith.index_cast %parallel_loop3A_443 : i32 to index
        %parallel_loop3A_600 = tpu.vector_load %arg5[%parallel_loop3A_598, %parallel_loop3A_599] {strides = array<i32>} : memref<16x768xf32, #tpu.memory_space<vmem>>, vector<1x16xf32>,
        %parallel_loop3A_601 = vector.shape_cast %parallel_loop3A_600 : vector<1x16xf32> to vector<16xf32>
        %parallel_loop3A_602 = arith.constant 9 : i32
        %parallel_loop3A_603 = arith.index_cast %parallel_loop3A_602 : i32 to index
        %parallel_loop3A_604 = arith.index_cast %parallel_loop3A_443 : i32 to index
        %parallel_loop3A_605 = tpu.vector_load %arg11[%parallel_loop3A_603, %parallel_loop3A_604] {strides = array<i32>} : memref<16x768xf32, #tpu.memory_space<vmem>>, vector<1x16xf32>,
        %parallel_loop3A_606 = vector.shape_cast %parallel_loop3A_605 : vector<1x16xf32> to vector<16xf32>
        %parallel_loop3A_607 = arith.addf %parallel_loop3A_601, %parallel_loop3A_606 : vector<16xf32>
        %parallel_loop3A_608 = arith.constant 9 : i32
        %parallel_loop3A_609 = arith.index_cast %parallel_loop3A_608 : i32 to index
        %parallel_loop3A_610 = arith.index_cast %parallel_loop3A_443 : i32 to index
        %parallel_loop3A_611 = tpu.vector_load %arg9[%parallel_loop3A_609, %parallel_loop3A_610] {strides = array<i32>} : memref<16x768xf32, #tpu.memory_space<vmem>>, vector<1x16xf32>,
        %parallel_loop3A_612 = vector.shape_cast %parallel_loop3A_611 : vector<1x16xf32> to vector<16xf32>
        %parallel_loop3A_613 = vector.shape_cast %parallel_loop3A_607 : vector<16xf32> to vector<1x16xf32>
        tpu.vector_store %arg9[%parallel_loop3A_609, %parallel_loop3A_610], %parallel_loop3A_613 {strides = array<i32>} : memref<16x768xf32, #tpu.memory_space<vmem>>, vector<1x16xf32>,
        %parallel_loop3A_614 = arith.constant 10 : i32
        %parallel_loop3A_615 = arith.index_cast %parallel_loop3A_614 : i32 to index
        %parallel_loop3A_616 = arith.index_cast %parallel_loop3A_443 : i32 to index
        %parallel_loop3A_617 = tpu.vector_load %arg5[%parallel_loop3A_615, %parallel_loop3A_616] {strides = array<i32>} : memref<16x768xf32, #tpu.memory_space<vmem>>, vector<1x16xf32>,
        %parallel_loop3A_618 = vector.shape_cast %parallel_loop3A_617 : vector<1x16xf32> to vector<16xf32>
        %parallel_loop3A_619 = arith.constant 10 : i32
        %parallel_loop3A_620 = arith.index_cast %parallel_loop3A_619 : i32 to index
        %parallel_loop3A_621 = arith.index_cast %parallel_loop3A_443 : i32 to index
        %parallel_loop3A_622 = tpu.vector_load %arg11[%parallel_loop3A_620, %parallel_loop3A_621] {strides = array<i32>} : memref<16x768xf32, #tpu.memory_space<vmem>>, vector<1x16xf32>,
        %parallel_loop3A_623 = vector.shape_cast %parallel_loop3A_622 : vector<1x16xf32> to vector<16xf32>
        %parallel_loop3A_624 = arith.addf %parallel_loop3A_618, %parallel_loop3A_623 : vector<16xf32>
        %parallel_loop3A_625 = arith.constant 10 : i32
        %parallel_loop3A_626 = arith.index_cast %parallel_loop3A_625 : i32 to index
        %parallel_loop3A_627 = arith.index_cast %parallel_loop3A_443 : i32 to index
        %parallel_loop3A_628 = tpu.vector_load %arg9[%parallel_loop3A_626, %parallel_loop3A_627] {strides = array<i32>} : memref<16x768xf32, #tpu.memory_space<vmem>>, vector<1x16xf32>,
        %parallel_loop3A_629 = vector.shape_cast %parallel_loop3A_628 : vector<1x16xf32> to vector<16xf32>
        %parallel_loop3A_630 = vector.shape_cast %parallel_loop3A_624 : vector<16xf32> to vector<1x16xf32>
        tpu.vector_store %arg9[%parallel_loop3A_626, %parallel_loop3A_627], %parallel_loop3A_630 {strides = array<i32>} : memref<16x768xf32, #tpu.memory_space<vmem>>, vector<1x16xf32>,
        %parallel_loop3A_631 = arith.constant 11 : i32
        %parallel_loop3A_632 = arith.index_cast %parallel_loop3A_631 : i32 to index
        %parallel_loop3A_633 = arith.index_cast %parallel_loop3A_443 : i32 to index
        %parallel_loop3A_634 = tpu.vector_load %arg5[%parallel_loop3A_632, %parallel_loop3A_633] {strides = array<i32>} : memref<16x768xf32, #tpu.memory_space<vmem>>, vector<1x16xf32>,
        %parallel_loop3A_635 = vector.shape_cast %parallel_loop3A_634 : vector<1x16xf32> to vector<16xf32>
        %parallel_loop3A_636 = arith.constant 11 : i32
        %parallel_loop3A_637 = arith.index_cast %parallel_loop3A_636 : i32 to index
        %parallel_loop3A_638 = arith.index_cast %parallel_loop3A_443 : i32 to index
        %parallel_loop3A_639 = tpu.vector_load %arg11[%parallel_loop3A_637, %parallel_loop3A_638] {strides = array<i32>} : memref<16x768xf32, #tpu.memory_space<vmem>>, vector<1x16xf32>,
        %parallel_loop3A_640 = vector.shape_cast %parallel_loop3A_639 : vector<1x16xf32> to vector<16xf32>
        %parallel_loop3A_641 = arith.addf %parallel_loop3A_635, %parallel_loop3A_640 : vector<16xf32>
        %parallel_loop3A_642 = arith.constant 11 : i32
        %parallel_loop3A_643 = arith.index_cast %parallel_loop3A_642 : i32 to index
        %parallel_loop3A_644 = arith.index_cast %parallel_loop3A_443 : i32 to index
        %parallel_loop3A_645 = tpu.vector_load %arg9[%parallel_loop3A_643, %parallel_loop3A_644] {strides = array<i32>} : memref<16x768xf32, #tpu.memory_space<vmem>>, vector<1x16xf32>,
        %parallel_loop3A_646 = vector.shape_cast %parallel_loop3A_645 : vector<1x16xf32> to vector<16xf32>
        %parallel_loop3A_647 = vector.shape_cast %parallel_loop3A_641 : vector<16xf32> to vector<1x16xf32>
        tpu.vector_store %arg9[%parallel_loop3A_643, %parallel_loop3A_644], %parallel_loop3A_647 {strides = array<i32>} : memref<16x768xf32, #tpu.memory_space<vmem>>, vector<1x16xf32>,
        %parallel_loop3A_648 = arith.constant 12 : i32
        %parallel_loop3A_649 = arith.index_cast %parallel_loop3A_648 : i32 to index
        %parallel_loop3A_650 = arith.index_cast %parallel_loop3A_443 : i32 to index
        %parallel_loop3A_651 = tpu.vector_load %arg5[%parallel_loop3A_649, %parallel_loop3A_650] {strides = array<i32>} : memref<16x768xf32, #tpu.memory_space<vmem>>, vector<1x16xf32>,
        %parallel_loop3A_652 = vector.shape_cast %parallel_loop3A_651 : vector<1x16xf32> to vector<16xf32>
        %parallel_loop3A_653 = arith.constant 12 : i32
        %parallel_loop3A_654 = arith.index_cast %parallel_loop3A_653 : i32 to index
        %parallel_loop3A_655 = arith.index_cast %parallel_loop3A_443 : i32 to index
        %parallel_loop3A_656 = tpu.vector_load %arg11[%parallel_loop3A_654, %parallel_loop3A_655] {strides = array<i32>} : memref<16x768xf32, #tpu.memory_space<vmem>>, vector<1x16xf32>,
        %parallel_loop3A_657 = vector.shape_cast %parallel_loop3A_656 : vector<1x16xf32> to vector<16xf32>
        %parallel_loop3A_658 = arith.addf %parallel_loop3A_652, %parallel_loop3A_657 : vector<16xf32>
        %parallel_loop3A_659 = arith.constant 12 : i32
        %parallel_loop3A_660 = arith.index_cast %parallel_loop3A_659 : i32 to index
        %parallel_loop3A_661 = arith.index_cast %parallel_loop3A_443 : i32 to index
        %parallel_loop3A_662 = tpu.vector_load %arg9[%parallel_loop3A_660, %parallel_loop3A_661] {strides = array<i32>} : memref<16x768xf32, #tpu.memory_space<vmem>>, vector<1x16xf32>,
        %parallel_loop3A_663 = vector.shape_cast %parallel_loop3A_662 : vector<1x16xf32> to vector<16xf32>
        %parallel_loop3A_664 = vector.shape_cast %parallel_loop3A_658 : vector<16xf32> to vector<1x16xf32>
        tpu.vector_store %arg9[%parallel_loop3A_660, %parallel_loop3A_661], %parallel_loop3A_664 {strides = array<i32>} : memref<16x768xf32, #tpu.memory_space<vmem>>, vector<1x16xf32>,
        %parallel_loop3A_665 = arith.constant 13 : i32
        %parallel_loop3A_666 = arith.index_cast %parallel_loop3A_665 : i32 to index
        %parallel_loop3A_667 = arith.index_cast %parallel_loop3A_443 : i32 to index
        %parallel_loop3A_668 = tpu.vector_load %arg5[%parallel_loop3A_666, %parallel_loop3A_667] {strides = array<i32>} : memref<16x768xf32, #tpu.memory_space<vmem>>, vector<1x16xf32>,
        %parallel_loop3A_669 = vector.shape_cast %parallel_loop3A_668 : vector<1x16xf32> to vector<16xf32>
        %parallel_loop3A_670 = arith.constant 13 : i32
        %parallel_loop3A_671 = arith.index_cast %parallel_loop3A_670 : i32 to index
        %parallel_loop3A_672 = arith.index_cast %parallel_loop3A_443 : i32 to index
        %parallel_loop3A_673 = tpu.vector_load %arg11[%parallel_loop3A_671, %parallel_loop3A_672] {strides = array<i32>} : memref<16x768xf32, #tpu.memory_space<vmem>>, vector<1x16xf32>,
        %parallel_loop3A_674 = vector.shape_cast %parallel_loop3A_673 : vector<1x16xf32> to vector<16xf32>
        %parallel_loop3A_675 = arith.addf %parallel_loop3A_669, %parallel_loop3A_674 : vector<16xf32>
        %parallel_loop3A_676 = arith.constant 13 : i32
        %parallel_loop3A_677 = arith.index_cast %parallel_loop3A_676 : i32 to index
        %parallel_loop3A_678 = arith.index_cast %parallel_loop3A_443 : i32 to index
        %parallel_loop3A_679 = tpu.vector_load %arg9[%parallel_loop3A_677, %parallel_loop3A_678] {strides = array<i32>} : memref<16x768xf32, #tpu.memory_space<vmem>>, vector<1x16xf32>,
        %parallel_loop3A_680 = vector.shape_cast %parallel_loop3A_679 : vector<1x16xf32> to vector<16xf32>
        %parallel_loop3A_681 = vector.shape_cast %parallel_loop3A_675 : vector<16xf32> to vector<1x16xf32>
        tpu.vector_store %arg9[%parallel_loop3A_677, %parallel_loop3A_678], %parallel_loop3A_681 {strides = array<i32>} : memref<16x768xf32, #tpu.memory_space<vmem>>, vector<1x16xf32>,
        %parallel_loop3A_682 = arith.constant 14 : i32
        %parallel_loop3A_683 = arith.index_cast %parallel_loop3A_682 : i32 to index
        %parallel_loop3A_684 = arith.index_cast %parallel_loop3A_443 : i32 to index
        %parallel_loop3A_685 = tpu.vector_load %arg5[%parallel_loop3A_683, %parallel_loop3A_684] {strides = array<i32>} : memref<16x768xf32, #tpu.memory_space<vmem>>, vector<1x16xf32>,
        %parallel_loop3A_686 = vector.shape_cast %parallel_loop3A_685 : vector<1x16xf32> to vector<16xf32>
        %parallel_loop3A_687 = arith.constant 14 : i32
        %parallel_loop3A_688 = arith.index_cast %parallel_loop3A_687 : i32 to index
        %parallel_loop3A_689 = arith.index_cast %parallel_loop3A_443 : i32 to index
        %parallel_loop3A_690 = tpu.vector_load %arg11[%parallel_loop3A_688, %parallel_loop3A_689] {strides = array<i32>} : memref<16x768xf32, #tpu.memory_space<vmem>>, vector<1x16xf32>,
        %parallel_loop3A_691 = vector.shape_cast %parallel_loop3A_690 : vector<1x16xf32> to vector<16xf32>
        %parallel_loop3A_692 = arith.addf %parallel_loop3A_686, %parallel_loop3A_691 : vector<16xf32>
        %parallel_loop3A_693 = arith.constant 14 : i32
        %parallel_loop3A_694 = arith.index_cast %parallel_loop3A_693 : i32 to index
        %parallel_loop3A_695 = arith.index_cast %parallel_loop3A_443 : i32 to index
        %parallel_loop3A_696 = tpu.vector_load %arg9[%parallel_loop3A_694, %parallel_loop3A_695] {strides = array<i32>} : memref<16x768xf32, #tpu.memory_space<vmem>>, vector<1x16xf32>,
        %parallel_loop3A_697 = vector.shape_cast %parallel_loop3A_696 : vector<1x16xf32> to vector<16xf32>
        %parallel_loop3A_698 = vector.shape_cast %parallel_loop3A_692 : vector<16xf32> to vector<1x16xf32>
        tpu.vector_store %arg9[%parallel_loop3A_694, %parallel_loop3A_695], %parallel_loop3A_698 {strides = array<i32>} : memref<16x768xf32, #tpu.memory_space<vmem>>, vector<1x16xf32>,
        %parallel_loop3A_699 = arith.constant 15 : i32
        %parallel_loop3A_700 = arith.index_cast %parallel_loop3A_699 : i32 to index
        %parallel_loop3A_701 = arith.index_cast %parallel_loop3A_443 : i32 to index
        %parallel_loop3A_702 = tpu.vector_load %arg5[%parallel_loop3A_700, %parallel_loop3A_701] {strides = array<i32>} : memref<16x768xf32, #tpu.memory_space<vmem>>, vector<1x16xf32>,
        %parallel_loop3A_703 = vector.shape_cast %parallel_loop3A_702 : vector<1x16xf32> to vector<16xf32>
        %parallel_loop3A_704 = arith.constant 15 : i32
        %parallel_loop3A_705 = arith.index_cast %parallel_loop3A_704 : i32 to index
        %parallel_loop3A_706 = arith.index_cast %parallel_loop3A_443 : i32 to index
        %parallel_loop3A_707 = tpu.vector_load %arg11[%parallel_loop3A_705, %parallel_loop3A_706] {strides = array<i32>} : memref<16x768xf32, #tpu.memory_space<vmem>>, vector<1x16xf32>,
        %parallel_loop3A_708 = vector.shape_cast %parallel_loop3A_707 : vector<1x16xf32> to vector<16xf32>
        %parallel_loop3A_709 = arith.addf %parallel_loop3A_703, %parallel_loop3A_708 : vector<16xf32>
        %parallel_loop3A_710 = arith.constant 15 : i32
        %parallel_loop3A_711 = arith.index_cast %parallel_loop3A_710 : i32 to index
        %parallel_loop3A_712 = arith.index_cast %parallel_loop3A_443 : i32 to index
        %parallel_loop3A_713 = tpu.vector_load %arg9[%parallel_loop3A_711, %parallel_loop3A_712] {strides = array<i32>} : memref<16x768xf32, #tpu.memory_space<vmem>>, vector<1x16xf32>,
        %parallel_loop3A_714 = vector.shape_cast %parallel_loop3A_713 : vector<1x16xf32> to vector<16xf32>
        %parallel_loop3A_715 = vector.shape_cast %parallel_loop3A_709 : vector<16xf32> to vector<1x16xf32>
        tpu.vector_store %arg9[%parallel_loop3A_711, %parallel_loop3A_712], %parallel_loop3A_715 {strides = array<i32>} : memref<16x768xf32, #tpu.memory_space<vmem>>, vector<1x16xf32>,
      } {sc.loop_unroll_factor = 1 : i64, sc.parallel_access}
      %add3A_133 = arith.constant 0 : i32
      %add3A_134 = arith.addi %add3A_133, %mul3A_2 : i32
      %mul3A_135 = arith.constant 16 : i32
      %mul3A_136 = arith.muli %add3A_101, %mul3A_135 : i32
      %add3A_137 = arith.addi %add3A_134, %mul3A_136 : i32
      %min3A_138 = arith.constant 32752 : i32
      %min3A_139 = arith.minsi %add3A_137, %min3A_138 : i32
      %dma_start3A_140 = arith.constant 0 : i32
      %dma_start3A_141 = tpu.memref_slice %arg4[%min3A_139, %dma_start3A_140] : memref<32768x768xf32, #tpu.memory_space<hbm>> -> memref<16x768xf32, #tpu.memory_space<hbm>>
      %dma_start3A_142 = arith.constant 0 : i32
      %dma_start3A_143 = tpu.memref_slice %arg4[%min3A_139, %dma_start3A_142] : memref<32768x768xf32, #tpu.memory_space<hbm>> -> memref<16x768xf32, #tpu.memory_space<hbm>>
      tpu.enqueue_dma source(%arg9 : memref<16x768xf32, #tpu.memory_space<vmem>>) target(%dma_start3A_143 : memref<16x768xf32, #tpu.memory_space<hbm>>) target_semaphore(%arg17 : memref<!tpu.dma_semaphore, #tpu.memory_space<semaphore_mem>>)
      %add3A_144 = arith.constant 24576 : i32
      %add3A_145 = arith.addi %add3A_144, %mul3A_2 : i32
      %mul3A_146 = arith.constant 16 : i32
      %mul3A_147 = arith.muli %add3A_101, %mul3A_146 : i32
      %add3A_148 = arith.addi %add3A_145, %mul3A_147 : i32
      %min3A_149 = arith.constant 32752 : i32
      %min3A_150 = arith.minsi %add3A_148, %min3A_149 : i32
      %dma_start3A_151 = arith.constant 0 : i32
      %dma_start3A_152 = tpu.memref_slice %arg2[%min3A_150, %dma_start3A_151] : memref<32768x768xf32, #tpu.memory_space<hbm>> -> memref<16x768xf32, #tpu.memory_space<hbm>>
      %dma_start3A_153 = arith.constant 0 : i32
      %dma_start3A_154 = tpu.memref_slice %arg2[%min3A_150, %dma_start3A_153] : memref<32768x768xf32, #tpu.memory_space<hbm>> -> memref<16x768xf32, #tpu.memory_space<hbm>>
      tpu.enqueue_dma source(%dma_start3A_154 : memref<16x768xf32, #tpu.memory_space<hbm>>) target(%arg8 : memref<16x768xf32, #tpu.memory_space<vmem>>) target_semaphore(%arg16 : memref<!tpu.dma_semaphore, #tpu.memory_space<semaphore_mem>>)
      %dma_wait3A_155 = arith.constant 0 : i32
      %dma_wait3A_156 = arith.constant 0 : i32
      %dma_wait3A_157 = tpu.memref_slice %arg2[%dma_wait3A_155, %dma_wait3A_156] : memref<32768x768xf32, #tpu.memory_space<hbm>> -> memref<16x768xf32, #tpu.memory_space<hbm>>
      %dma_wait3A_158 = arith.constant 0 : i32
      %dma_wait3A_159 = arith.constant 0 : i32
      %dma_wait3A_160 = tpu.memref_slice %arg2[%dma_wait3A_158, %dma_wait3A_159] : memref<32768x768xf32, #tpu.memory_space<hbm>> -> memref<16x768xf32, #tpu.memory_space<hbm>>
      tpu.wait_dma2 semaphore(%arg14 : memref<!tpu.dma_semaphore, #tpu.memory_space<semaphore_mem>>) src(%dma_wait3A_160 : memref<16x768xf32, #tpu.memory_space<hbm>>) dst(%arg6 : memref<16x768xf32, #tpu.memory_space<vmem>>)
      %dma_wait3A_161 = arith.constant 0 : i32
      %dma_wait3A_162 = arith.constant 0 : i32
      %dma_wait3A_163 = tpu.memref_slice %arg4[%dma_wait3A_161, %dma_wait3A_162] : memref<32768x768xf32, #tpu.memory_space<hbm>> -> memref<16x768xf32, #tpu.memory_space<hbm>>
      %dma_wait3A_164 = arith.constant 0 : i32
      %dma_wait3A_165 = arith.constant 0 : i32
      %dma_wait3A_166 = tpu.memref_slice %arg4[%dma_wait3A_164, %dma_wait3A_165] : memref<32768x768xf32, #tpu.memory_space<hbm>> -> memref<16x768xf32, #tpu.memory_space<hbm>>
      tpu.wait_dma2 semaphore(%arg18 : memref<!tpu.dma_semaphore, #tpu.memory_space<semaphore_mem>>) src(%arg10 : memref<16x768xf32, #tpu.memory_space<vmem>>) dst(%dma_wait3A_166 : memref<16x768xf32, #tpu.memory_space<hbm>>)
      %parallel_loop3A_167 = arith.constant 0 : i32
      %parallel_loop3A_168 = arith.constant 768 : i32
      %parallel_loop3A_169 = arith.constant 16 : i32
      scf.for %parallel_loop3A_443 = %parallel_loop3A_167 to %parallel_loop3A_168 step %parallel_loop3A_169  : i32 {
        %parallel_loop3A_444 = arith.constant 0 : i32
        %parallel_loop3A_445 = arith.index_cast %parallel_loop3A_444 : i32 to index
        %parallel_loop3A_446 = arith.index_cast %parallel_loop3A_443 : i32 to index
        %parallel_loop3A_447 = tpu.vector_load %arg6[%parallel_loop3A_445, %parallel_loop3A_446] {strides = array<i32>} : memref<16x768xf32, #tpu.memory_space<vmem>>, vector<1x16xf32>,
        %parallel_loop3A_448 = vector.shape_cast %parallel_loop3A_447 : vector<1x16xf32> to vector<16xf32>
        %parallel_loop3A_449 = arith.constant 0 : i32
        %parallel_loop3A_450 = arith.index_cast %parallel_loop3A_449 : i32 to index
        %parallel_loop3A_451 = arith.index_cast %parallel_loop3A_443 : i32 to index
        %parallel_loop3A_452 = tpu.vector_load %arg11[%parallel_loop3A_450, %parallel_loop3A_451] {strides = array<i32>} : memref<16x768xf32, #tpu.memory_space<vmem>>, vector<1x16xf32>,
        %parallel_loop3A_453 = vector.shape_cast %parallel_loop3A_452 : vector<1x16xf32> to vector<16xf32>
        %parallel_loop3A_454 = arith.addf %parallel_loop3A_448, %parallel_loop3A_453 : vector<16xf32>
        %parallel_loop3A_455 = arith.constant 0 : i32
        %parallel_loop3A_456 = arith.index_cast %parallel_loop3A_455 : i32 to index
        %parallel_loop3A_457 = arith.index_cast %parallel_loop3A_443 : i32 to index
        %parallel_loop3A_458 = tpu.vector_load %arg10[%parallel_loop3A_456, %parallel_loop3A_457] {strides = array<i32>} : memref<16x768xf32, #tpu.memory_space<vmem>>, vector<1x16xf32>,
        %parallel_loop3A_459 = vector.shape_cast %parallel_loop3A_458 : vector<1x16xf32> to vector<16xf32>
        %parallel_loop3A_460 = vector.shape_cast %parallel_loop3A_454 : vector<16xf32> to vector<1x16xf32>
        tpu.vector_store %arg10[%parallel_loop3A_456, %parallel_loop3A_457], %parallel_loop3A_460 {strides = array<i32>} : memref<16x768xf32, #tpu.memory_space<vmem>>, vector<1x16xf32>,
        %parallel_loop3A_461 = arith.constant 1 : i32
        %parallel_loop3A_462 = arith.index_cast %parallel_loop3A_461 : i32 to index
        %parallel_loop3A_463 = arith.index_cast %parallel_loop3A_443 : i32 to index
        %parallel_loop3A_464 = tpu.vector_load %arg6[%parallel_loop3A_462, %parallel_loop3A_463] {strides = array<i32>} : memref<16x768xf32, #tpu.memory_space<vmem>>, vector<1x16xf32>,
        %parallel_loop3A_465 = vector.shape_cast %parallel_loop3A_464 : vector<1x16xf32> to vector<16xf32>
        %parallel_loop3A_466 = arith.constant 1 : i32
        %parallel_loop3A_467 = arith.index_cast %parallel_loop3A_466 : i32 to index
        %parallel_loop3A_468 = arith.index_cast %parallel_loop3A_443 : i32 to index
        %parallel_loop3A_469 = tpu.vector_load %arg11[%parallel_loop3A_467, %parallel_loop3A_468] {strides = array<i32>} : memref<16x768xf32, #tpu.memory_space<vmem>>, vector<1x16xf32>,
        %parallel_loop3A_470 = vector.shape_cast %parallel_loop3A_469 : vector<1x16xf32> to vector<16xf32>
        %parallel_loop3A_471 = arith.addf %parallel_loop3A_465, %parallel_loop3A_470 : vector<16xf32>
        %parallel_loop3A_472 = arith.constant 1 : i32
        %parallel_loop3A_473 = arith.index_cast %parallel_loop3A_472 : i32 to index
        %parallel_loop3A_474 = arith.index_cast %parallel_loop3A_443 : i32 to index
        %parallel_loop3A_475 = tpu.vector_load %arg10[%parallel_loop3A_473, %parallel_loop3A_474] {strides = array<i32>} : memref<16x768xf32, #tpu.memory_space<vmem>>, vector<1x16xf32>,
        %parallel_loop3A_476 = vector.shape_cast %parallel_loop3A_475 : vector<1x16xf32> to vector<16xf32>
        %parallel_loop3A_477 = vector.shape_cast %parallel_loop3A_471 : vector<16xf32> to vector<1x16xf32>
        tpu.vector_store %arg10[%parallel_loop3A_473, %parallel_loop3A_474], %parallel_loop3A_477 {strides = array<i32>} : memref<16x768xf32, #tpu.memory_space<vmem>>, vector<1x16xf32>,
        %parallel_loop3A_478 = arith.constant 2 : i32
        %parallel_loop3A_479 = arith.index_cast %parallel_loop3A_478 : i32 to index
        %parallel_loop3A_480 = arith.index_cast %parallel_loop3A_443 : i32 to index
        %parallel_loop3A_481 = tpu.vector_load %arg6[%parallel_loop3A_479, %parallel_loop3A_480] {strides = array<i32>} : memref<16x768xf32, #tpu.memory_space<vmem>>, vector<1x16xf32>,
        %parallel_loop3A_482 = vector.shape_cast %parallel_loop3A_481 : vector<1x16xf32> to vector<16xf32>
        %parallel_loop3A_483 = arith.constant 2 : i32
        %parallel_loop3A_484 = arith.index_cast %parallel_loop3A_483 : i32 to index
        %parallel_loop3A_485 = arith.index_cast %parallel_loop3A_443 : i32 to index
        %parallel_loop3A_486 = tpu.vector_load %arg11[%parallel_loop3A_484, %parallel_loop3A_485] {strides = array<i32>} : memref<16x768xf32, #tpu.memory_space<vmem>>, vector<1x16xf32>,
        %parallel_loop3A_487 = vector.shape_cast %parallel_loop3A_486 : vector<1x16xf32> to vector<16xf32>
        %parallel_loop3A_488 = arith.addf %parallel_loop3A_482, %parallel_loop3A_487 : vector<16xf32>
        %parallel_loop3A_489 = arith.constant 2 : i32
        %parallel_loop3A_490 = arith.index_cast %parallel_loop3A_489 : i32 to index
        %parallel_loop3A_491 = arith.index_cast %parallel_loop3A_443 : i32 to index
        %parallel_loop3A_492 = tpu.vector_load %arg10[%parallel_loop3A_490, %parallel_loop3A_491] {strides = array<i32>} : memref<16x768xf32, #tpu.memory_space<vmem>>, vector<1x16xf32>,
        %parallel_loop3A_493 = vector.shape_cast %parallel_loop3A_492 : vector<1x16xf32> to vector<16xf32>
        %parallel_loop3A_494 = vector.shape_cast %parallel_loop3A_488 : vector<16xf32> to vector<1x16xf32>
        tpu.vector_store %arg10[%parallel_loop3A_490, %parallel_loop3A_491], %parallel_loop3A_494 {strides = array<i32>} : memref<16x768xf32, #tpu.memory_space<vmem>>, vector<1x16xf32>,
        %parallel_loop3A_495 = arith.constant 3 : i32
        %parallel_loop3A_496 = arith.index_cast %parallel_loop3A_495 : i32 to index
        %parallel_loop3A_497 = arith.index_cast %parallel_loop3A_443 : i32 to index
        %parallel_loop3A_498 = tpu.vector_load %arg6[%parallel_loop3A_496, %parallel_loop3A_497] {strides = array<i32>} : memref<16x768xf32, #tpu.memory_space<vmem>>, vector<1x16xf32>,
        %parallel_loop3A_499 = vector.shape_cast %parallel_loop3A_498 : vector<1x16xf32> to vector<16xf32>
        %parallel_loop3A_500 = arith.constant 3 : i32
        %parallel_loop3A_501 = arith.index_cast %parallel_loop3A_500 : i32 to index
        %parallel_loop3A_502 = arith.index_cast %parallel_loop3A_443 : i32 to index
        %parallel_loop3A_503 = tpu.vector_load %arg11[%parallel_loop3A_501, %parallel_loop3A_502] {strides = array<i32>} : memref<16x768xf32, #tpu.memory_space<vmem>>, vector<1x16xf32>,
        %parallel_loop3A_504 = vector.shape_cast %parallel_loop3A_503 : vector<1x16xf32> to vector<16xf32>
        %parallel_loop3A_505 = arith.addf %parallel_loop3A_499, %parallel_loop3A_504 : vector<16xf32>
        %parallel_loop3A_506 = arith.constant 3 : i32
        %parallel_loop3A_507 = arith.index_cast %parallel_loop3A_506 : i32 to index
        %parallel_loop3A_508 = arith.index_cast %parallel_loop3A_443 : i32 to index
        %parallel_loop3A_509 = tpu.vector_load %arg10[%parallel_loop3A_507, %parallel_loop3A_508] {strides = array<i32>} : memref<16x768xf32, #tpu.memory_space<vmem>>, vector<1x16xf32>,
        %parallel_loop3A_510 = vector.shape_cast %parallel_loop3A_509 : vector<1x16xf32> to vector<16xf32>
        %parallel_loop3A_511 = vector.shape_cast %parallel_loop3A_505 : vector<16xf32> to vector<1x16xf32>
        tpu.vector_store %arg10[%parallel_loop3A_507, %parallel_loop3A_508], %parallel_loop3A_511 {strides = array<i32>} : memref<16x768xf32, #tpu.memory_space<vmem>>, vector<1x16xf32>,
        %parallel_loop3A_512 = arith.constant 4 : i32
        %parallel_loop3A_513 = arith.index_cast %parallel_loop3A_512 : i32 to index
        %parallel_loop3A_514 = arith.index_cast %parallel_loop3A_443 : i32 to index
        %parallel_loop3A_515 = tpu.vector_load %arg6[%parallel_loop3A_513, %parallel_loop3A_514] {strides = array<i32>} : memref<16x768xf32, #tpu.memory_space<vmem>>, vector<1x16xf32>,
        %parallel_loop3A_516 = vector.shape_cast %parallel_loop3A_515 : vector<1x16xf32> to vector<16xf32>
        %parallel_loop3A_517 = arith.constant 4 : i32
        %parallel_loop3A_518 = arith.index_cast %parallel_loop3A_517 : i32 to index
        %parallel_loop3A_519 = arith.index_cast %parallel_loop3A_443 : i32 to index
        %parallel_loop3A_520 = tpu.vector_load %arg11[%parallel_loop3A_518, %parallel_loop3A_519] {strides = array<i32>} : memref<16x768xf32, #tpu.memory_space<vmem>>, vector<1x16xf32>,
        %parallel_loop3A_521 = vector.shape_cast %parallel_loop3A_520 : vector<1x16xf32> to vector<16xf32>
        %parallel_loop3A_522 = arith.addf %parallel_loop3A_516, %parallel_loop3A_521 : vector<16xf32>
        %parallel_loop3A_523 = arith.constant 4 : i32
        %parallel_loop3A_524 = arith.index_cast %parallel_loop3A_523 : i32 to index
        %parallel_loop3A_525 = arith.index_cast %parallel_loop3A_443 : i32 to index
        %parallel_loop3A_526 = tpu.vector_load %arg10[%parallel_loop3A_524, %parallel_loop3A_525] {strides = array<i32>} : memref<16x768xf32, #tpu.memory_space<vmem>>, vector<1x16xf32>,
        %parallel_loop3A_527 = vector.shape_cast %parallel_loop3A_526 : vector<1x16xf32> to vector<16xf32>
        %parallel_loop3A_528 = vector.shape_cast %parallel_loop3A_522 : vector<16xf32> to vector<1x16xf32>
        tpu.vector_store %arg10[%parallel_loop3A_524, %parallel_loop3A_525], %parallel_loop3A_528 {strides = array<i32>} : memref<16x768xf32, #tpu.memory_space<vmem>>, vector<1x16xf32>,
        %parallel_loop3A_529 = arith.constant 5 : i32
        %parallel_loop3A_530 = arith.index_cast %parallel_loop3A_529 : i32 to index
        %parallel_loop3A_531 = arith.index_cast %parallel_loop3A_443 : i32 to index
        %parallel_loop3A_532 = tpu.vector_load %arg6[%parallel_loop3A_530, %parallel_loop3A_531] {strides = array<i32>} : memref<16x768xf32, #tpu.memory_space<vmem>>, vector<1x16xf32>,
        %parallel_loop3A_533 = vector.shape_cast %parallel_loop3A_532 : vector<1x16xf32> to vector<16xf32>
        %parallel_loop3A_534 = arith.constant 5 : i32
        %parallel_loop3A_535 = arith.index_cast %parallel_loop3A_534 : i32 to index
        %parallel_loop3A_536 = arith.index_cast %parallel_loop3A_443 : i32 to index
        %parallel_loop3A_537 = tpu.vector_load %arg11[%parallel_loop3A_535, %parallel_loop3A_536] {strides = array<i32>} : memref<16x768xf32, #tpu.memory_space<vmem>>, vector<1x16xf32>,
        %parallel_loop3A_538 = vector.shape_cast %parallel_loop3A_537 : vector<1x16xf32> to vector<16xf32>
        %parallel_loop3A_539 = arith.addf %parallel_loop3A_533, %parallel_loop3A_538 : vector<16xf32>
        %parallel_loop3A_540 = arith.constant 5 : i32
        %parallel_loop3A_541 = arith.index_cast %parallel_loop3A_540 : i32 to index
        %parallel_loop3A_542 = arith.index_cast %parallel_loop3A_443 : i32 to index
        %parallel_loop3A_543 = tpu.vector_load %arg10[%parallel_loop3A_541, %parallel_loop3A_542] {strides = array<i32>} : memref<16x768xf32, #tpu.memory_space<vmem>>, vector<1x16xf32>,
        %parallel_loop3A_544 = vector.shape_cast %parallel_loop3A_543 : vector<1x16xf32> to vector<16xf32>
        %parallel_loop3A_545 = vector.shape_cast %parallel_loop3A_539 : vector<16xf32> to vector<1x16xf32>
        tpu.vector_store %arg10[%parallel_loop3A_541, %parallel_loop3A_542], %parallel_loop3A_545 {strides = array<i32>} : memref<16x768xf32, #tpu.memory_space<vmem>>, vector<1x16xf32>,
        %parallel_loop3A_546 = arith.constant 6 : i32
        %parallel_loop3A_547 = arith.index_cast %parallel_loop3A_546 : i32 to index
        %parallel_loop3A_548 = arith.index_cast %parallel_loop3A_443 : i32 to index
        %parallel_loop3A_549 = tpu.vector_load %arg6[%parallel_loop3A_547, %parallel_loop3A_548] {strides = array<i32>} : memref<16x768xf32, #tpu.memory_space<vmem>>, vector<1x16xf32>,
        %parallel_loop3A_550 = vector.shape_cast %parallel_loop3A_549 : vector<1x16xf32> to vector<16xf32>
        %parallel_loop3A_551 = arith.constant 6 : i32
        %parallel_loop3A_552 = arith.index_cast %parallel_loop3A_551 : i32 to index
        %parallel_loop3A_553 = arith.index_cast %parallel_loop3A_443 : i32 to index
        %parallel_loop3A_554 = tpu.vector_load %arg11[%parallel_loop3A_552, %parallel_loop3A_553] {strides = array<i32>} : memref<16x768xf32, #tpu.memory_space<vmem>>, vector<1x16xf32>,
        %parallel_loop3A_555 = vector.shape_cast %parallel_loop3A_554 : vector<1x16xf32> to vector<16xf32>
        %parallel_loop3A_556 = arith.addf %parallel_loop3A_550, %parallel_loop3A_555 : vector<16xf32>
        %parallel_loop3A_557 = arith.constant 6 : i32
        %parallel_loop3A_558 = arith.index_cast %parallel_loop3A_557 : i32 to index
        %parallel_loop3A_559 = arith.index_cast %parallel_loop3A_443 : i32 to index
        %parallel_loop3A_560 = tpu.vector_load %arg10[%parallel_loop3A_558, %parallel_loop3A_559] {strides = array<i32>} : memref<16x768xf32, #tpu.memory_space<vmem>>, vector<1x16xf32>,
        %parallel_loop3A_561 = vector.shape_cast %parallel_loop3A_560 : vector<1x16xf32> to vector<16xf32>
        %parallel_loop3A_562 = vector.shape_cast %parallel_loop3A_556 : vector<16xf32> to vector<1x16xf32>
        tpu.vector_store %arg10[%parallel_loop3A_558, %parallel_loop3A_559], %parallel_loop3A_562 {strides = array<i32>} : memref<16x768xf32, #tpu.memory_space<vmem>>, vector<1x16xf32>,
        %parallel_loop3A_563 = arith.constant 7 : i32
        %parallel_loop3A_564 = arith.index_cast %parallel_loop3A_563 : i32 to index
        %parallel_loop3A_565 = arith.index_cast %parallel_loop3A_443 : i32 to index
        %parallel_loop3A_566 = tpu.vector_load %arg6[%parallel_loop3A_564, %parallel_loop3A_565] {strides = array<i32>} : memref<16x768xf32, #tpu.memory_space<vmem>>, vector<1x16xf32>,
        %parallel_loop3A_567 = vector.shape_cast %parallel_loop3A_566 : vector<1x16xf32> to vector<16xf32>
        %parallel_loop3A_568 = arith.constant 7 : i32
        %parallel_loop3A_569 = arith.index_cast %parallel_loop3A_568 : i32 to index
        %parallel_loop3A_570 = arith.index_cast %parallel_loop3A_443 : i32 to index
        %parallel_loop3A_571 = tpu.vector_load %arg11[%parallel_loop3A_569, %parallel_loop3A_570] {strides = array<i32>} : memref<16x768xf32, #tpu.memory_space<vmem>>, vector<1x16xf32>,
        %parallel_loop3A_572 = vector.shape_cast %parallel_loop3A_571 : vector<1x16xf32> to vector<16xf32>
        %parallel_loop3A_573 = arith.addf %parallel_loop3A_567, %parallel_loop3A_572 : vector<16xf32>
        %parallel_loop3A_574 = arith.constant 7 : i32
        %parallel_loop3A_575 = arith.index_cast %parallel_loop3A_574 : i32 to index
        %parallel_loop3A_576 = arith.index_cast %parallel_loop3A_443 : i32 to index
        %parallel_loop3A_577 = tpu.vector_load %arg10[%parallel_loop3A_575, %parallel_loop3A_576] {strides = array<i32>} : memref<16x768xf32, #tpu.memory_space<vmem>>, vector<1x16xf32>,
        %parallel_loop3A_578 = vector.shape_cast %parallel_loop3A_577 : vector<1x16xf32> to vector<16xf32>
        %parallel_loop3A_579 = vector.shape_cast %parallel_loop3A_573 : vector<16xf32> to vector<1x16xf32>
        tpu.vector_store %arg10[%parallel_loop3A_575, %parallel_loop3A_576], %parallel_loop3A_579 {strides = array<i32>} : memref<16x768xf32, #tpu.memory_space<vmem>>, vector<1x16xf32>,
        %parallel_loop3A_580 = arith.constant 8 : i32
        %parallel_loop3A_581 = arith.index_cast %parallel_loop3A_580 : i32 to index
        %parallel_loop3A_582 = arith.index_cast %parallel_loop3A_443 : i32 to index
        %parallel_loop3A_583 = tpu.vector_load %arg6[%parallel_loop3A_581, %parallel_loop3A_582] {strides = array<i32>} : memref<16x768xf32, #tpu.memory_space<vmem>>, vector<1x16xf32>,
        %parallel_loop3A_584 = vector.shape_cast %parallel_loop3A_583 : vector<1x16xf32> to vector<16xf32>
        %parallel_loop3A_585 = arith.constant 8 : i32
        %parallel_loop3A_586 = arith.index_cast %parallel_loop3A_585 : i32 to index
        %parallel_loop3A_587 = arith.index_cast %parallel_loop3A_443 : i32 to index
        %parallel_loop3A_588 = tpu.vector_load %arg11[%parallel_loop3A_586, %parallel_loop3A_587] {strides = array<i32>} : memref<16x768xf32, #tpu.memory_space<vmem>>, vector<1x16xf32>,
        %parallel_loop3A_589 = vector.shape_cast %parallel_loop3A_588 : vector<1x16xf32> to vector<16xf32>
        %parallel_loop3A_590 = arith.addf %parallel_loop3A_584, %parallel_loop3A_589 : vector<16xf32>
        %parallel_loop3A_591 = arith.constant 8 : i32
        %parallel_loop3A_592 = arith.index_cast %parallel_loop3A_591 : i32 to index
        %parallel_loop3A_593 = arith.index_cast %parallel_loop3A_443 : i32 to index
        %parallel_loop3A_594 = tpu.vector_load %arg10[%parallel_loop3A_592, %parallel_loop3A_593] {strides = array<i32>} : memref<16x768xf32, #tpu.memory_space<vmem>>, vector<1x16xf32>,
        %parallel_loop3A_595 = vector.shape_cast %parallel_loop3A_594 : vector<1x16xf32> to vector<16xf32>
        %parallel_loop3A_596 = vector.shape_cast %parallel_loop3A_590 : vector<16xf32> to vector<1x16xf32>
        tpu.vector_store %arg10[%parallel_loop3A_592, %parallel_loop3A_593], %parallel_loop3A_596 {strides = array<i32>} : memref<16x768xf32, #tpu.memory_space<vmem>>, vector<1x16xf32>,
        %parallel_loop3A_597 = arith.constant 9 : i32
        %parallel_loop3A_598 = arith.index_cast %parallel_loop3A_597 : i32 to index
        %parallel_loop3A_599 = arith.index_cast %parallel_loop3A_443 : i32 to index
        %parallel_loop3A_600 = tpu.vector_load %arg6[%parallel_loop3A_598, %parallel_loop3A_599] {strides = array<i32>} : memref<16x768xf32, #tpu.memory_space<vmem>>, vector<1x16xf32>,
        %parallel_loop3A_601 = vector.shape_cast %parallel_loop3A_600 : vector<1x16xf32> to vector<16xf32>
        %parallel_loop3A_602 = arith.constant 9 : i32
        %parallel_loop3A_603 = arith.index_cast %parallel_loop3A_602 : i32 to index
        %parallel_loop3A_604 = arith.index_cast %parallel_loop3A_443 : i32 to index
        %parallel_loop3A_605 = tpu.vector_load %arg11[%parallel_loop3A_603, %parallel_loop3A_604] {strides = array<i32>} : memref<16x768xf32, #tpu.memory_space<vmem>>, vector<1x16xf32>,
        %parallel_loop3A_606 = vector.shape_cast %parallel_loop3A_605 : vector<1x16xf32> to vector<16xf32>
        %parallel_loop3A_607 = arith.addf %parallel_loop3A_601, %parallel_loop3A_606 : vector<16xf32>
        %parallel_loop3A_608 = arith.constant 9 : i32
        %parallel_loop3A_609 = arith.index_cast %parallel_loop3A_608 : i32 to index
        %parallel_loop3A_610 = arith.index_cast %parallel_loop3A_443 : i32 to index
        %parallel_loop3A_611 = tpu.vector_load %arg10[%parallel_loop3A_609, %parallel_loop3A_610] {strides = array<i32>} : memref<16x768xf32, #tpu.memory_space<vmem>>, vector<1x16xf32>,
        %parallel_loop3A_612 = vector.shape_cast %parallel_loop3A_611 : vector<1x16xf32> to vector<16xf32>
        %parallel_loop3A_613 = vector.shape_cast %parallel_loop3A_607 : vector<16xf32> to vector<1x16xf32>
        tpu.vector_store %arg10[%parallel_loop3A_609, %parallel_loop3A_610], %parallel_loop3A_613 {strides = array<i32>} : memref<16x768xf32, #tpu.memory_space<vmem>>, vector<1x16xf32>,
        %parallel_loop3A_614 = arith.constant 10 : i32
        %parallel_loop3A_615 = arith.index_cast %parallel_loop3A_614 : i32 to index
        %parallel_loop3A_616 = arith.index_cast %parallel_loop3A_443 : i32 to index
        %parallel_loop3A_617 = tpu.vector_load %arg6[%parallel_loop3A_615, %parallel_loop3A_616] {strides = array<i32>} : memref<16x768xf32, #tpu.memory_space<vmem>>, vector<1x16xf32>,
        %parallel_loop3A_618 = vector.shape_cast %parallel_loop3A_617 : vector<1x16xf32> to vector<16xf32>
        %parallel_loop3A_619 = arith.constant 10 : i32
        %parallel_loop3A_620 = arith.index_cast %parallel_loop3A_619 : i32 to index
        %parallel_loop3A_621 = arith.index_cast %parallel_loop3A_443 : i32 to index
        %parallel_loop3A_622 = tpu.vector_load %arg11[%parallel_loop3A_620, %parallel_loop3A_621] {strides = array<i32>} : memref<16x768xf32, #tpu.memory_space<vmem>>, vector<1x16xf32>,
        %parallel_loop3A_623 = vector.shape_cast %parallel_loop3A_622 : vector<1x16xf32> to vector<16xf32>
        %parallel_loop3A_624 = arith.addf %parallel_loop3A_618, %parallel_loop3A_623 : vector<16xf32>
        %parallel_loop3A_625 = arith.constant 10 : i32
        %parallel_loop3A_626 = arith.index_cast %parallel_loop3A_625 : i32 to index
        %parallel_loop3A_627 = arith.index_cast %parallel_loop3A_443 : i32 to index
        %parallel_loop3A_628 = tpu.vector_load %arg10[%parallel_loop3A_626, %parallel_loop3A_627] {strides = array<i32>} : memref<16x768xf32, #tpu.memory_space<vmem>>, vector<1x16xf32>,
        %parallel_loop3A_629 = vector.shape_cast %parallel_loop3A_628 : vector<1x16xf32> to vector<16xf32>
        %parallel_loop3A_630 = vector.shape_cast %parallel_loop3A_624 : vector<16xf32> to vector<1x16xf32>
        tpu.vector_store %arg10[%parallel_loop3A_626, %parallel_loop3A_627], %parallel_loop3A_630 {strides = array<i32>} : memref<16x768xf32, #tpu.memory_space<vmem>>, vector<1x16xf32>,
        %parallel_loop3A_631 = arith.constant 11 : i32
        %parallel_loop3A_632 = arith.index_cast %parallel_loop3A_631 : i32 to index
        %parallel_loop3A_633 = arith.index_cast %parallel_loop3A_443 : i32 to index
        %parallel_loop3A_634 = tpu.vector_load %arg6[%parallel_loop3A_632, %parallel_loop3A_633] {strides = array<i32>} : memref<16x768xf32, #tpu.memory_space<vmem>>, vector<1x16xf32>,
        %parallel_loop3A_635 = vector.shape_cast %parallel_loop3A_634 : vector<1x16xf32> to vector<16xf32>
        %parallel_loop3A_636 = arith.constant 11 : i32
        %parallel_loop3A_637 = arith.index_cast %parallel_loop3A_636 : i32 to index
        %parallel_loop3A_638 = arith.index_cast %parallel_loop3A_443 : i32 to index
        %parallel_loop3A_639 = tpu.vector_load %arg11[%parallel_loop3A_637, %parallel_loop3A_638] {strides = array<i32>} : memref<16x768xf32, #tpu.memory_space<vmem>>, vector<1x16xf32>,
        %parallel_loop3A_640 = vector.shape_cast %parallel_loop3A_639 : vector<1x16xf32> to vector<16xf32>
        %parallel_loop3A_641 = arith.addf %parallel_loop3A_635, %parallel_loop3A_640 : vector<16xf32>
        %parallel_loop3A_642 = arith.constant 11 : i32
        %parallel_loop3A_643 = arith.index_cast %parallel_loop3A_642 : i32 to index
        %parallel_loop3A_644 = arith.index_cast %parallel_loop3A_443 : i32 to index
        %parallel_loop3A_645 = tpu.vector_load %arg10[%parallel_loop3A_643, %parallel_loop3A_644] {strides = array<i32>} : memref<16x768xf32, #tpu.memory_space<vmem>>, vector<1x16xf32>,
        %parallel_loop3A_646 = vector.shape_cast %parallel_loop3A_645 : vector<1x16xf32> to vector<16xf32>
        %parallel_loop3A_647 = vector.shape_cast %parallel_loop3A_641 : vector<16xf32> to vector<1x16xf32>
        tpu.vector_store %arg10[%parallel_loop3A_643, %parallel_loop3A_644], %parallel_loop3A_647 {strides = array<i32>} : memref<16x768xf32, #tpu.memory_space<vmem>>, vector<1x16xf32>,
        %parallel_loop3A_648 = arith.constant 12 : i32
        %parallel_loop3A_649 = arith.index_cast %parallel_loop3A_648 : i32 to index
        %parallel_loop3A_650 = arith.index_cast %parallel_loop3A_443 : i32 to index
        %parallel_loop3A_651 = tpu.vector_load %arg6[%parallel_loop3A_649, %parallel_loop3A_650] {strides = array<i32>} : memref<16x768xf32, #tpu.memory_space<vmem>>, vector<1x16xf32>,
        %parallel_loop3A_652 = vector.shape_cast %parallel_loop3A_651 : vector<1x16xf32> to vector<16xf32>
        %parallel_loop3A_653 = arith.constant 12 : i32
        %parallel_loop3A_654 = arith.index_cast %parallel_loop3A_653 : i32 to index
        %parallel_loop3A_655 = arith.index_cast %parallel_loop3A_443 : i32 to index
        %parallel_loop3A_656 = tpu.vector_load %arg11[%parallel_loop3A_654, %parallel_loop3A_655] {strides = array<i32>} : memref<16x768xf32, #tpu.memory_space<vmem>>, vector<1x16xf32>,
        %parallel_loop3A_657 = vector.shape_cast %parallel_loop3A_656 : vector<1x16xf32> to vector<16xf32>
        %parallel_loop3A_658 = arith.addf %parallel_loop3A_652, %parallel_loop3A_657 : vector<16xf32>
        %parallel_loop3A_659 = arith.constant 12 : i32
        %parallel_loop3A_660 = arith.index_cast %parallel_loop3A_659 : i32 to index
        %parallel_loop3A_661 = arith.index_cast %parallel_loop3A_443 : i32 to index
        %parallel_loop3A_662 = tpu.vector_load %arg10[%parallel_loop3A_660, %parallel_loop3A_661] {strides = array<i32>} : memref<16x768xf32, #tpu.memory_space<vmem>>, vector<1x16xf32>,
        %parallel_loop3A_663 = vector.shape_cast %parallel_loop3A_662 : vector<1x16xf32> to vector<16xf32>
        %parallel_loop3A_664 = vector.shape_cast %parallel_loop3A_658 : vector<16xf32> to vector<1x16xf32>
        tpu.vector_store %arg10[%parallel_loop3A_660, %parallel_loop3A_661], %parallel_loop3A_664 {strides = array<i32>} : memref<16x768xf32, #tpu.memory_space<vmem>>, vector<1x16xf32>,
        %parallel_loop3A_665 = arith.constant 13 : i32
        %parallel_loop3A_666 = arith.index_cast %parallel_loop3A_665 : i32 to index
        %parallel_loop3A_667 = arith.index_cast %parallel_loop3A_443 : i32 to index
        %parallel_loop3A_668 = tpu.vector_load %arg6[%parallel_loop3A_666, %parallel_loop3A_667] {strides = array<i32>} : memref<16x768xf32, #tpu.memory_space<vmem>>, vector<1x16xf32>,
        %parallel_loop3A_669 = vector.shape_cast %parallel_loop3A_668 : vector<1x16xf32> to vector<16xf32>
        %parallel_loop3A_670 = arith.constant 13 : i32
        %parallel_loop3A_671 = arith.index_cast %parallel_loop3A_670 : i32 to index
        %parallel_loop3A_672 = arith.index_cast %parallel_loop3A_443 : i32 to index
        %parallel_loop3A_673 = tpu.vector_load %arg11[%parallel_loop3A_671, %parallel_loop3A_672] {strides = array<i32>} : memref<16x768xf32, #tpu.memory_space<vmem>>, vector<1x16xf32>,
        %parallel_loop3A_674 = vector.shape_cast %parallel_loop3A_673 : vector<1x16xf32> to vector<16xf32>
        %parallel_loop3A_675 = arith.addf %parallel_loop3A_669, %parallel_loop3A_674 : vector<16xf32>
        %parallel_loop3A_676 = arith.constant 13 : i32
        %parallel_loop3A_677 = arith.index_cast %parallel_loop3A_676 : i32 to index
        %parallel_loop3A_678 = arith.index_cast %parallel_loop3A_443 : i32 to index
        %parallel_loop3A_679 = tpu.vector_load %arg10[%parallel_loop3A_677, %parallel_loop3A_678] {strides = array<i32>} : memref<16x768xf32, #tpu.memory_space<vmem>>, vector<1x16xf32>,
        %parallel_loop3A_680 = vector.shape_cast %parallel_loop3A_679 : vector<1x16xf32> to vector<16xf32>
        %parallel_loop3A_681 = vector.shape_cast %parallel_loop3A_675 : vector<16xf32> to vector<1x16xf32>
        tpu.vector_store %arg10[%parallel_loop3A_677, %parallel_loop3A_678], %parallel_loop3A_681 {strides = array<i32>} : memref<16x768xf32, #tpu.memory_space<vmem>>, vector<1x16xf32>,
        %parallel_loop3A_682 = arith.constant 14 : i32
        %parallel_loop3A_683 = arith.index_cast %parallel_loop3A_682 : i32 to index
        %parallel_loop3A_684 = arith.index_cast %parallel_loop3A_443 : i32 to index
        %parallel_loop3A_685 = tpu.vector_load %arg6[%parallel_loop3A_683, %parallel_loop3A_684] {strides = array<i32>} : memref<16x768xf32, #tpu.memory_space<vmem>>, vector<1x16xf32>,
        %parallel_loop3A_686 = vector.shape_cast %parallel_loop3A_685 : vector<1x16xf32> to vector<16xf32>
        %parallel_loop3A_687 = arith.constant 14 : i32
        %parallel_loop3A_688 = arith.index_cast %parallel_loop3A_687 : i32 to index
        %parallel_loop3A_689 = arith.index_cast %parallel_loop3A_443 : i32 to index
        %parallel_loop3A_690 = tpu.vector_load %arg11[%parallel_loop3A_688, %parallel_loop3A_689] {strides = array<i32>} : memref<16x768xf32, #tpu.memory_space<vmem>>, vector<1x16xf32>,
        %parallel_loop3A_691 = vector.shape_cast %parallel_loop3A_690 : vector<1x16xf32> to vector<16xf32>
        %parallel_loop3A_692 = arith.addf %parallel_loop3A_686, %parallel_loop3A_691 : vector<16xf32>
        %parallel_loop3A_693 = arith.constant 14 : i32
        %parallel_loop3A_694 = arith.index_cast %parallel_loop3A_693 : i32 to index
        %parallel_loop3A_695 = arith.index_cast %parallel_loop3A_443 : i32 to index
        %parallel_loop3A_696 = tpu.vector_load %arg10[%parallel_loop3A_694, %parallel_loop3A_695] {strides = array<i32>} : memref<16x768xf32, #tpu.memory_space<vmem>>, vector<1x16xf32>,
        %parallel_loop3A_697 = vector.shape_cast %parallel_loop3A_696 : vector<1x16xf32> to vector<16xf32>
        %parallel_loop3A_698 = vector.shape_cast %parallel_loop3A_692 : vector<16xf32> to vector<1x16xf32>
        tpu.vector_store %arg10[%parallel_loop3A_694, %parallel_loop3A_695], %parallel_loop3A_698 {strides = array<i32>} : memref<16x768xf32, #tpu.memory_space<vmem>>, vector<1x16xf32>,
        %parallel_loop3A_699 = arith.constant 15 : i32
        %parallel_loop3A_700 = arith.index_cast %parallel_loop3A_699 : i32 to index
        %parallel_loop3A_701 = arith.index_cast %parallel_loop3A_443 : i32 to index
        %parallel_loop3A_702 = tpu.vector_load %arg6[%parallel_loop3A_700, %parallel_loop3A_701] {strides = array<i32>} : memref<16x768xf32, #tpu.memory_space<vmem>>, vector<1x16xf32>,
        %parallel_loop3A_703 = vector.shape_cast %parallel_loop3A_702 : vector<1x16xf32> to vector<16xf32>
        %parallel_loop3A_704 = arith.constant 15 : i32
        %parallel_loop3A_705 = arith.index_cast %parallel_loop3A_704 : i32 to index
        %parallel_loop3A_706 = arith.index_cast %parallel_loop3A_443 : i32 to index
        %parallel_loop3A_707 = tpu.vector_load %arg11[%parallel_loop3A_705, %parallel_loop3A_706] {strides = array<i32>} : memref<16x768xf32, #tpu.memory_space<vmem>>, vector<1x16xf32>,
        %parallel_loop3A_708 = vector.shape_cast %parallel_loop3A_707 : vector<1x16xf32> to vector<16xf32>
        %parallel_loop3A_709 = arith.addf %parallel_loop3A_703, %parallel_loop3A_708 : vector<16xf32>
        %parallel_loop3A_710 = arith.constant 15 : i32
        %parallel_loop3A_711 = arith.index_cast %parallel_loop3A_710 : i32 to index
        %parallel_loop3A_712 = arith.index_cast %parallel_loop3A_443 : i32 to index
        %parallel_loop3A_713 = tpu.vector_load %arg10[%parallel_loop3A_711, %parallel_loop3A_712] {strides = array<i32>} : memref<16x768xf32, #tpu.memory_space<vmem>>, vector<1x16xf32>,
        %parallel_loop3A_714 = vector.shape_cast %parallel_loop3A_713 : vector<1x16xf32> to vector<16xf32>
        %parallel_loop3A_715 = vector.shape_cast %parallel_loop3A_709 : vector<16xf32> to vector<1x16xf32>
        tpu.vector_store %arg10[%parallel_loop3A_711, %parallel_loop3A_712], %parallel_loop3A_715 {strides = array<i32>} : memref<16x768xf32, #tpu.memory_space<vmem>>, vector<1x16xf32>,
      } {sc.loop_unroll_factor = 1 : i64, sc.parallel_access}
      %add3A_170 = arith.constant 8192 : i32
      %add3A_171 = arith.addi %add3A_170, %mul3A_2 : i32
      %mul3A_172 = arith.constant 16 : i32
      %mul3A_173 = arith.muli %add3A_101, %mul3A_172 : i32
      %add3A_174 = arith.addi %add3A_171, %mul3A_173 : i32
      %min3A_175 = arith.constant 32752 : i32
      %min3A_176 = arith.minsi %add3A_174, %min3A_175 : i32
      %dma_start3A_177 = arith.constant 0 : i32
      %dma_start3A_178 = tpu.memref_slice %arg4[%min3A_176, %dma_start3A_177] : memref<32768x768xf32, #tpu.memory_space<hbm>> -> memref<16x768xf32, #tpu.memory_space<hbm>>
      %dma_start3A_179 = arith.constant 0 : i32
      %dma_start3A_180 = tpu.memref_slice %arg4[%min3A_176, %dma_start3A_179] : memref<32768x768xf32, #tpu.memory_space<hbm>> -> memref<16x768xf32, #tpu.memory_space<hbm>>
      tpu.enqueue_dma source(%arg10 : memref<16x768xf32, #tpu.memory_space<vmem>>) target(%dma_start3A_180 : memref<16x768xf32, #tpu.memory_space<hbm>>) target_semaphore(%arg18 : memref<!tpu.dma_semaphore, #tpu.memory_space<semaphore_mem>>)
      %add3A_181 = arith.constant 1 : i32
      %add3A_182 = arith.addi %add3A_101, %add3A_181 : i32
      %add3A_183 = arith.constant 0 : i32
      %add3A_184 = arith.addi %add3A_183, %mul3A_2 : i32
      %mul3A_185 = arith.constant 16 : i32
      %mul3A_186 = arith.muli %add3A_182, %mul3A_185 : i32
      %add3A_187 = arith.addi %add3A_184, %mul3A_186 : i32
      %min3A_188 = arith.constant 32752 : i32
      %min3A_189 = arith.minsi %add3A_187, %min3A_188 : i32
      %dma_start3A_190 = arith.constant 0 : i32
      %dma_start3A_191 = tpu.memref_slice %arg2[%min3A_189, %dma_start3A_190] : memref<32768x768xf32, #tpu.memory_space<hbm>> -> memref<16x768xf32, #tpu.memory_space<hbm>>
      %dma_start3A_192 = arith.constant 0 : i32
      %dma_start3A_193 = tpu.memref_slice %arg2[%min3A_189, %dma_start3A_192] : memref<32768x768xf32, #tpu.memory_space<hbm>> -> memref<16x768xf32, #tpu.memory_space<hbm>>
      tpu.enqueue_dma source(%dma_start3A_193 : memref<16x768xf32, #tpu.memory_space<hbm>>) target(%arg5 : memref<16x768xf32, #tpu.memory_space<vmem>>) target_semaphore(%arg13 : memref<!tpu.dma_semaphore, #tpu.memory_space<semaphore_mem>>)
      %dma_wait3A_194 = arith.constant 0 : i32
      %dma_wait3A_195 = arith.constant 0 : i32
      %dma_wait3A_196 = tpu.memref_slice %arg2[%dma_wait3A_194, %dma_wait3A_195] : memref<32768x768xf32, #tpu.memory_space<hbm>> -> memref<16x768xf32, #tpu.memory_space<hbm>>
      %dma_wait3A_197 = arith.constant 0 : i32
      %dma_wait3A_198 = arith.constant 0 : i32
      %dma_wait3A_199 = tpu.memref_slice %arg2[%dma_wait3A_197, %dma_wait3A_198] : memref<32768x768xf32, #tpu.memory_space<hbm>> -> memref<16x768xf32, #tpu.memory_space<hbm>>
      tpu.wait_dma2 semaphore(%arg15 : memref<!tpu.dma_semaphore, #tpu.memory_space<semaphore_mem>>) src(%dma_wait3A_199 : memref<16x768xf32, #tpu.memory_space<hbm>>) dst(%arg7 : memref<16x768xf32, #tpu.memory_space<vmem>>)
      %dma_wait3A_200 = arith.constant 0 : i32
      %dma_wait3A_201 = arith.constant 0 : i32
      %dma_wait3A_202 = tpu.memref_slice %arg4[%dma_wait3A_200, %dma_wait3A_201] : memref<32768x768xf32, #tpu.memory_space<hbm>> -> memref<16x768xf32, #tpu.memory_space<hbm>>
      %dma_wait3A_203 = arith.constant 0 : i32
      %dma_wait3A_204 = arith.constant 0 : i32
      %dma_wait3A_205 = tpu.memref_slice %arg4[%dma_wait3A_203, %dma_wait3A_204] : memref<32768x768xf32, #tpu.memory_space<hbm>> -> memref<16x768xf32, #tpu.memory_space<hbm>>
      tpu.wait_dma2 semaphore(%arg17 : memref<!tpu.dma_semaphore, #tpu.memory_space<semaphore_mem>>) src(%arg9 : memref<16x768xf32, #tpu.memory_space<vmem>>) dst(%dma_wait3A_205 : memref<16x768xf32, #tpu.memory_space<hbm>>)
      %parallel_loop3A_206 = arith.constant 0 : i32
      %parallel_loop3A_207 = arith.constant 768 : i32
      %parallel_loop3A_208 = arith.constant 16 : i32
      scf.for %parallel_loop3A_443 = %parallel_loop3A_206 to %parallel_loop3A_207 step %parallel_loop3A_208  : i32 {
        %parallel_loop3A_444 = arith.constant 0 : i32
        %parallel_loop3A_445 = arith.index_cast %parallel_loop3A_444 : i32 to index
        %parallel_loop3A_446 = arith.index_cast %parallel_loop3A_443 : i32 to index
        %parallel_loop3A_447 = tpu.vector_load %arg7[%parallel_loop3A_445, %parallel_loop3A_446] {strides = array<i32>} : memref<16x768xf32, #tpu.memory_space<vmem>>, vector<1x16xf32>,
        %parallel_loop3A_448 = vector.shape_cast %parallel_loop3A_447 : vector<1x16xf32> to vector<16xf32>
        %parallel_loop3A_449 = arith.constant 0 : i32
        %parallel_loop3A_450 = arith.index_cast %parallel_loop3A_449 : i32 to index
        %parallel_loop3A_451 = arith.index_cast %parallel_loop3A_443 : i32 to index
        %parallel_loop3A_452 = tpu.vector_load %arg11[%parallel_loop3A_450, %parallel_loop3A_451] {strides = array<i32>} : memref<16x768xf32, #tpu.memory_space<vmem>>, vector<1x16xf32>,
        %parallel_loop3A_453 = vector.shape_cast %parallel_loop3A_452 : vector<1x16xf32> to vector<16xf32>
        %parallel_loop3A_454 = arith.addf %parallel_loop3A_448, %parallel_loop3A_453 : vector<16xf32>
        %parallel_loop3A_455 = arith.constant 0 : i32
        %parallel_loop3A_456 = arith.index_cast %parallel_loop3A_455 : i32 to index
        %parallel_loop3A_457 = arith.index_cast %parallel_loop3A_443 : i32 to index
        %parallel_loop3A_458 = tpu.vector_load %arg9[%parallel_loop3A_456, %parallel_loop3A_457] {strides = array<i32>} : memref<16x768xf32, #tpu.memory_space<vmem>>, vector<1x16xf32>,
        %parallel_loop3A_459 = vector.shape_cast %parallel_loop3A_458 : vector<1x16xf32> to vector<16xf32>
        %parallel_loop3A_460 = vector.shape_cast %parallel_loop3A_454 : vector<16xf32> to vector<1x16xf32>
        tpu.vector_store %arg9[%parallel_loop3A_456, %parallel_loop3A_457], %parallel_loop3A_460 {strides = array<i32>} : memref<16x768xf32, #tpu.memory_space<vmem>>, vector<1x16xf32>,
        %parallel_loop3A_461 = arith.constant 1 : i32
        %parallel_loop3A_462 = arith.index_cast %parallel_loop3A_461 : i32 to index
        %parallel_loop3A_463 = arith.index_cast %parallel_loop3A_443 : i32 to index
        %parallel_loop3A_464 = tpu.vector_load %arg7[%parallel_loop3A_462, %parallel_loop3A_463] {strides = array<i32>} : memref<16x768xf32, #tpu.memory_space<vmem>>, vector<1x16xf32>,
        %parallel_loop3A_465 = vector.shape_cast %parallel_loop3A_464 : vector<1x16xf32> to vector<16xf32>
        %parallel_loop3A_466 = arith.constant 1 : i32
        %parallel_loop3A_467 = arith.index_cast %parallel_loop3A_466 : i32 to index
        %parallel_loop3A_468 = arith.index_cast %parallel_loop3A_443 : i32 to index
        %parallel_loop3A_469 = tpu.vector_load %arg11[%parallel_loop3A_467, %parallel_loop3A_468] {strides = array<i32>} : memref<16x768xf32, #tpu.memory_space<vmem>>, vector<1x16xf32>,
        %parallel_loop3A_470 = vector.shape_cast %parallel_loop3A_469 : vector<1x16xf32> to vector<16xf32>
        %parallel_loop3A_471 = arith.addf %parallel_loop3A_465, %parallel_loop3A_470 : vector<16xf32>
        %parallel_loop3A_472 = arith.constant 1 : i32
        %parallel_loop3A_473 = arith.index_cast %parallel_loop3A_472 : i32 to index
        %parallel_loop3A_474 = arith.index_cast %parallel_loop3A_443 : i32 to index
        %parallel_loop3A_475 = tpu.vector_load %arg9[%parallel_loop3A_473, %parallel_loop3A_474] {strides = array<i32>} : memref<16x768xf32, #tpu.memory_space<vmem>>, vector<1x16xf32>,
        %parallel_loop3A_476 = vector.shape_cast %parallel_loop3A_475 : vector<1x16xf32> to vector<16xf32>
        %parallel_loop3A_477 = vector.shape_cast %parallel_loop3A_471 : vector<16xf32> to vector<1x16xf32>
        tpu.vector_store %arg9[%parallel_loop3A_473, %parallel_loop3A_474], %parallel_loop3A_477 {strides = array<i32>} : memref<16x768xf32, #tpu.memory_space<vmem>>, vector<1x16xf32>,
        %parallel_loop3A_478 = arith.constant 2 : i32
        %parallel_loop3A_479 = arith.index_cast %parallel_loop3A_478 : i32 to index
        %parallel_loop3A_480 = arith.index_cast %parallel_loop3A_443 : i32 to index
        %parallel_loop3A_481 = tpu.vector_load %arg7[%parallel_loop3A_479, %parallel_loop3A_480] {strides = array<i32>} : memref<16x768xf32, #tpu.memory_space<vmem>>, vector<1x16xf32>,
        %parallel_loop3A_482 = vector.shape_cast %parallel_loop3A_481 : vector<1x16xf32> to vector<16xf32>
        %parallel_loop3A_483 = arith.constant 2 : i32
        %parallel_loop3A_484 = arith.index_cast %parallel_loop3A_483 : i32 to index
        %parallel_loop3A_485 = arith.index_cast %parallel_loop3A_443 : i32 to index
        %parallel_loop3A_486 = tpu.vector_load %arg11[%parallel_loop3A_484, %parallel_loop3A_485] {strides = array<i32>} : memref<16x768xf32, #tpu.memory_space<vmem>>, vector<1x16xf32>,
        %parallel_loop3A_487 = vector.shape_cast %parallel_loop3A_486 : vector<1x16xf32> to vector<16xf32>
        %parallel_loop3A_488 = arith.addf %parallel_loop3A_482, %parallel_loop3A_487 : vector<16xf32>
        %parallel_loop3A_489 = arith.constant 2 : i32
        %parallel_loop3A_490 = arith.index_cast %parallel_loop3A_489 : i32 to index
        %parallel_loop3A_491 = arith.index_cast %parallel_loop3A_443 : i32 to index
        %parallel_loop3A_492 = tpu.vector_load %arg9[%parallel_loop3A_490, %parallel_loop3A_491] {strides = array<i32>} : memref<16x768xf32, #tpu.memory_space<vmem>>, vector<1x16xf32>,
        %parallel_loop3A_493 = vector.shape_cast %parallel_loop3A_492 : vector<1x16xf32> to vector<16xf32>
        %parallel_loop3A_494 = vector.shape_cast %parallel_loop3A_488 : vector<16xf32> to vector<1x16xf32>
        tpu.vector_store %arg9[%parallel_loop3A_490, %parallel_loop3A_491], %parallel_loop3A_494 {strides = array<i32>} : memref<16x768xf32, #tpu.memory_space<vmem>>, vector<1x16xf32>,
        %parallel_loop3A_495 = arith.constant 3 : i32
        %parallel_loop3A_496 = arith.index_cast %parallel_loop3A_495 : i32 to index
        %parallel_loop3A_497 = arith.index_cast %parallel_loop3A_443 : i32 to index
        %parallel_loop3A_498 = tpu.vector_load %arg7[%parallel_loop3A_496, %parallel_loop3A_497] {strides = array<i32>} : memref<16x768xf32, #tpu.memory_space<vmem>>, vector<1x16xf32>,
        %parallel_loop3A_499 = vector.shape_cast %parallel_loop3A_498 : vector<1x16xf32> to vector<16xf32>
        %parallel_loop3A_500 = arith.constant 3 : i32
        %parallel_loop3A_501 = arith.index_cast %parallel_loop3A_500 : i32 to index
        %parallel_loop3A_502 = arith.index_cast %parallel_loop3A_443 : i32 to index
        %parallel_loop3A_503 = tpu.vector_load %arg11[%parallel_loop3A_501, %parallel_loop3A_502] {strides = array<i32>} : memref<16x768xf32, #tpu.memory_space<vmem>>, vector<1x16xf32>,
        %parallel_loop3A_504 = vector.shape_cast %parallel_loop3A_503 : vector<1x16xf32> to vector<16xf32>
        %parallel_loop3A_505 = arith.addf %parallel_loop3A_499, %parallel_loop3A_504 : vector<16xf32>
        %parallel_loop3A_506 = arith.constant 3 : i32
        %parallel_loop3A_507 = arith.index_cast %parallel_loop3A_506 : i32 to index
        %parallel_loop3A_508 = arith.index_cast %parallel_loop3A_443 : i32 to index
        %parallel_loop3A_509 = tpu.vector_load %arg9[%parallel_loop3A_507, %parallel_loop3A_508] {strides = array<i32>} : memref<16x768xf32, #tpu.memory_space<vmem>>, vector<1x16xf32>,
        %parallel_loop3A_510 = vector.shape_cast %parallel_loop3A_509 : vector<1x16xf32> to vector<16xf32>
        %parallel_loop3A_511 = vector.shape_cast %parallel_loop3A_505 : vector<16xf32> to vector<1x16xf32>
        tpu.vector_store %arg9[%parallel_loop3A_507, %parallel_loop3A_508], %parallel_loop3A_511 {strides = array<i32>} : memref<16x768xf32, #tpu.memory_space<vmem>>, vector<1x16xf32>,
        %parallel_loop3A_512 = arith.constant 4 : i32
        %parallel_loop3A_513 = arith.index_cast %parallel_loop3A_512 : i32 to index
        %parallel_loop3A_514 = arith.index_cast %parallel_loop3A_443 : i32 to index
        %parallel_loop3A_515 = tpu.vector_load %arg7[%parallel_loop3A_513, %parallel_loop3A_514] {strides = array<i32>} : memref<16x768xf32, #tpu.memory_space<vmem>>, vector<1x16xf32>,
        %parallel_loop3A_516 = vector.shape_cast %parallel_loop3A_515 : vector<1x16xf32> to vector<16xf32>
        %parallel_loop3A_517 = arith.constant 4 : i32
        %parallel_loop3A_518 = arith.index_cast %parallel_loop3A_517 : i32 to index
        %parallel_loop3A_519 = arith.index_cast %parallel_loop3A_443 : i32 to index
        %parallel_loop3A_520 = tpu.vector_load %arg11[%parallel_loop3A_518, %parallel_loop3A_519] {strides = array<i32>} : memref<16x768xf32, #tpu.memory_space<vmem>>, vector<1x16xf32>,
        %parallel_loop3A_521 = vector.shape_cast %parallel_loop3A_520 : vector<1x16xf32> to vector<16xf32>
        %parallel_loop3A_522 = arith.addf %parallel_loop3A_516, %parallel_loop3A_521 : vector<16xf32>
        %parallel_loop3A_523 = arith.constant 4 : i32
        %parallel_loop3A_524 = arith.index_cast %parallel_loop3A_523 : i32 to index
        %parallel_loop3A_525 = arith.index_cast %parallel_loop3A_443 : i32 to index
        %parallel_loop3A_526 = tpu.vector_load %arg9[%parallel_loop3A_524, %parallel_loop3A_525] {strides = array<i32>} : memref<16x768xf32, #tpu.memory_space<vmem>>, vector<1x16xf32>,
        %parallel_loop3A_527 = vector.shape_cast %parallel_loop3A_526 : vector<1x16xf32> to vector<16xf32>
        %parallel_loop3A_528 = vector.shape_cast %parallel_loop3A_522 : vector<16xf32> to vector<1x16xf32>
        tpu.vector_store %arg9[%parallel_loop3A_524, %parallel_loop3A_525], %parallel_loop3A_528 {strides = array<i32>} : memref<16x768xf32, #tpu.memory_space<vmem>>, vector<1x16xf32>,
        %parallel_loop3A_529 = arith.constant 5 : i32
        %parallel_loop3A_530 = arith.index_cast %parallel_loop3A_529 : i32 to index
        %parallel_loop3A_531 = arith.index_cast %parallel_loop3A_443 : i32 to index
        %parallel_loop3A_532 = tpu.vector_load %arg7[%parallel_loop3A_530, %parallel_loop3A_531] {strides = array<i32>} : memref<16x768xf32, #tpu.memory_space<vmem>>, vector<1x16xf32>,
        %parallel_loop3A_533 = vector.shape_cast %parallel_loop3A_532 : vector<1x16xf32> to vector<16xf32>
        %parallel_loop3A_534 = arith.constant 5 : i32
        %parallel_loop3A_535 = arith.index_cast %parallel_loop3A_534 : i32 to index
        %parallel_loop3A_536 = arith.index_cast %parallel_loop3A_443 : i32 to index
        %parallel_loop3A_537 = tpu.vector_load %arg11[%parallel_loop3A_535, %parallel_loop3A_536] {strides = array<i32>} : memref<16x768xf32, #tpu.memory_space<vmem>>, vector<1x16xf32>,
        %parallel_loop3A_538 = vector.shape_cast %parallel_loop3A_537 : vector<1x16xf32> to vector<16xf32>
        %parallel_loop3A_539 = arith.addf %parallel_loop3A_533, %parallel_loop3A_538 : vector<16xf32>
        %parallel_loop3A_540 = arith.constant 5 : i32
        %parallel_loop3A_541 = arith.index_cast %parallel_loop3A_540 : i32 to index
        %parallel_loop3A_542 = arith.index_cast %parallel_loop3A_443 : i32 to index
        %parallel_loop3A_543 = tpu.vector_load %arg9[%parallel_loop3A_541, %parallel_loop3A_542] {strides = array<i32>} : memref<16x768xf32, #tpu.memory_space<vmem>>, vector<1x16xf32>,
        %parallel_loop3A_544 = vector.shape_cast %parallel_loop3A_543 : vector<1x16xf32> to vector<16xf32>
        %parallel_loop3A_545 = vector.shape_cast %parallel_loop3A_539 : vector<16xf32> to vector<1x16xf32>
        tpu.vector_store %arg9[%parallel_loop3A_541, %parallel_loop3A_542], %parallel_loop3A_545 {strides = array<i32>} : memref<16x768xf32, #tpu.memory_space<vmem>>, vector<1x16xf32>,
        %parallel_loop3A_546 = arith.constant 6 : i32
        %parallel_loop3A_547 = arith.index_cast %parallel_loop3A_546 : i32 to index
        %parallel_loop3A_548 = arith.index_cast %parallel_loop3A_443 : i32 to index
        %parallel_loop3A_549 = tpu.vector_load %arg7[%parallel_loop3A_547, %parallel_loop3A_548] {strides = array<i32>} : memref<16x768xf32, #tpu.memory_space<vmem>>, vector<1x16xf32>,
        %parallel_loop3A_550 = vector.shape_cast %parallel_loop3A_549 : vector<1x16xf32> to vector<16xf32>
        %parallel_loop3A_551 = arith.constant 6 : i32
        %parallel_loop3A_552 = arith.index_cast %parallel_loop3A_551 : i32 to index
        %parallel_loop3A_553 = arith.index_cast %parallel_loop3A_443 : i32 to index
        %parallel_loop3A_554 = tpu.vector_load %arg11[%parallel_loop3A_552, %parallel_loop3A_553] {strides = array<i32>} : memref<16x768xf32, #tpu.memory_space<vmem>>, vector<1x16xf32>,
        %parallel_loop3A_555 = vector.shape_cast %parallel_loop3A_554 : vector<1x16xf32> to vector<16xf32>
        %parallel_loop3A_556 = arith.addf %parallel_loop3A_550, %parallel_loop3A_555 : vector<16xf32>
        %parallel_loop3A_557 = arith.constant 6 : i32
        %parallel_loop3A_558 = arith.index_cast %parallel_loop3A_557 : i32 to index
        %parallel_loop3A_559 = arith.index_cast %parallel_loop3A_443 : i32 to index
        %parallel_loop3A_560 = tpu.vector_load %arg9[%parallel_loop3A_558, %parallel_loop3A_559] {strides = array<i32>} : memref<16x768xf32, #tpu.memory_space<vmem>>, vector<1x16xf32>,
        %parallel_loop3A_561 = vector.shape_cast %parallel_loop3A_560 : vector<1x16xf32> to vector<16xf32>
        %parallel_loop3A_562 = vector.shape_cast %parallel_loop3A_556 : vector<16xf32> to vector<1x16xf32>
        tpu.vector_store %arg9[%parallel_loop3A_558, %parallel_loop3A_559], %parallel_loop3A_562 {strides = array<i32>} : memref<16x768xf32, #tpu.memory_space<vmem>>, vector<1x16xf32>,
        %parallel_loop3A_563 = arith.constant 7 : i32
        %parallel_loop3A_564 = arith.index_cast %parallel_loop3A_563 : i32 to index
        %parallel_loop3A_565 = arith.index_cast %parallel_loop3A_443 : i32 to index
        %parallel_loop3A_566 = tpu.vector_load %arg7[%parallel_loop3A_564, %parallel_loop3A_565] {strides = array<i32>} : memref<16x768xf32, #tpu.memory_space<vmem>>, vector<1x16xf32>,
        %parallel_loop3A_567 = vector.shape_cast %parallel_loop3A_566 : vector<1x16xf32> to vector<16xf32>
        %parallel_loop3A_568 = arith.constant 7 : i32
        %parallel_loop3A_569 = arith.index_cast %parallel_loop3A_568 : i32 to index
        %parallel_loop3A_570 = arith.index_cast %parallel_loop3A_443 : i32 to index
        %parallel_loop3A_571 = tpu.vector_load %arg11[%parallel_loop3A_569, %parallel_loop3A_570] {strides = array<i32>} : memref<16x768xf32, #tpu.memory_space<vmem>>, vector<1x16xf32>,
        %parallel_loop3A_572 = vector.shape_cast %parallel_loop3A_571 : vector<1x16xf32> to vector<16xf32>
        %parallel_loop3A_573 = arith.addf %parallel_loop3A_567, %parallel_loop3A_572 : vector<16xf32>
        %parallel_loop3A_574 = arith.constant 7 : i32
        %parallel_loop3A_575 = arith.index_cast %parallel_loop3A_574 : i32 to index
        %parallel_loop3A_576 = arith.index_cast %parallel_loop3A_443 : i32 to index
        %parallel_loop3A_577 = tpu.vector_load %arg9[%parallel_loop3A_575, %parallel_loop3A_576] {strides = array<i32>} : memref<16x768xf32, #tpu.memory_space<vmem>>, vector<1x16xf32>,
        %parallel_loop3A_578 = vector.shape_cast %parallel_loop3A_577 : vector<1x16xf32> to vector<16xf32>
        %parallel_loop3A_579 = vector.shape_cast %parallel_loop3A_573 : vector<16xf32> to vector<1x16xf32>
        tpu.vector_store %arg9[%parallel_loop3A_575, %parallel_loop3A_576], %parallel_loop3A_579 {strides = array<i32>} : memref<16x768xf32, #tpu.memory_space<vmem>>, vector<1x16xf32>,
        %parallel_loop3A_580 = arith.constant 8 : i32
        %parallel_loop3A_581 = arith.index_cast %parallel_loop3A_580 : i32 to index
        %parallel_loop3A_582 = arith.index_cast %parallel_loop3A_443 : i32 to index
        %parallel_loop3A_583 = tpu.vector_load %arg7[%parallel_loop3A_581, %parallel_loop3A_582] {strides = array<i32>} : memref<16x768xf32, #tpu.memory_space<vmem>>, vector<1x16xf32>,
        %parallel_loop3A_584 = vector.shape_cast %parallel_loop3A_583 : vector<1x16xf32> to vector<16xf32>
        %parallel_loop3A_585 = arith.constant 8 : i32
        %parallel_loop3A_586 = arith.index_cast %parallel_loop3A_585 : i32 to index
        %parallel_loop3A_587 = arith.index_cast %parallel_loop3A_443 : i32 to index
        %parallel_loop3A_588 = tpu.vector_load %arg11[%parallel_loop3A_586, %parallel_loop3A_587] {strides = array<i32>} : memref<16x768xf32, #tpu.memory_space<vmem>>, vector<1x16xf32>,
        %parallel_loop3A_589 = vector.shape_cast %parallel_loop3A_588 : vector<1x16xf32> to vector<16xf32>
        %parallel_loop3A_590 = arith.addf %parallel_loop3A_584, %parallel_loop3A_589 : vector<16xf32>
        %parallel_loop3A_591 = arith.constant 8 : i32
        %parallel_loop3A_592 = arith.index_cast %parallel_loop3A_591 : i32 to index
        %parallel_loop3A_593 = arith.index_cast %parallel_loop3A_443 : i32 to index
        %parallel_loop3A_594 = tpu.vector_load %arg9[%parallel_loop3A_592, %parallel_loop3A_593] {strides = array<i32>} : memref<16x768xf32, #tpu.memory_space<vmem>>, vector<1x16xf32>,
        %parallel_loop3A_595 = vector.shape_cast %parallel_loop3A_594 : vector<1x16xf32> to vector<16xf32>
        %parallel_loop3A_596 = vector.shape_cast %parallel_loop3A_590 : vector<16xf32> to vector<1x16xf32>
        tpu.vector_store %arg9[%parallel_loop3A_592, %parallel_loop3A_593], %parallel_loop3A_596 {strides = array<i32>} : memref<16x768xf32, #tpu.memory_space<vmem>>, vector<1x16xf32>,
        %parallel_loop3A_597 = arith.constant 9 : i32
        %parallel_loop3A_598 = arith.index_cast %parallel_loop3A_597 : i32 to index
        %parallel_loop3A_599 = arith.index_cast %parallel_loop3A_443 : i32 to index
        %parallel_loop3A_600 = tpu.vector_load %arg7[%parallel_loop3A_598, %parallel_loop3A_599] {strides = array<i32>} : memref<16x768xf32, #tpu.memory_space<vmem>>, vector<1x16xf32>,
        %parallel_loop3A_601 = vector.shape_cast %parallel_loop3A_600 : vector<1x16xf32> to vector<16xf32>
        %parallel_loop3A_602 = arith.constant 9 : i32
        %parallel_loop3A_603 = arith.index_cast %parallel_loop3A_602 : i32 to index
        %parallel_loop3A_604 = arith.index_cast %parallel_loop3A_443 : i32 to index
        %parallel_loop3A_605 = tpu.vector_load %arg11[%parallel_loop3A_603, %parallel_loop3A_604] {strides = array<i32>} : memref<16x768xf32, #tpu.memory_space<vmem>>, vector<1x16xf32>,
        %parallel_loop3A_606 = vector.shape_cast %parallel_loop3A_605 : vector<1x16xf32> to vector<16xf32>
        %parallel_loop3A_607 = arith.addf %parallel_loop3A_601, %parallel_loop3A_606 : vector<16xf32>
        %parallel_loop3A_608 = arith.constant 9 : i32
        %parallel_loop3A_609 = arith.index_cast %parallel_loop3A_608 : i32 to index
        %parallel_loop3A_610 = arith.index_cast %parallel_loop3A_443 : i32 to index
        %parallel_loop3A_611 = tpu.vector_load %arg9[%parallel_loop3A_609, %parallel_loop3A_610] {strides = array<i32>} : memref<16x768xf32, #tpu.memory_space<vmem>>, vector<1x16xf32>,
        %parallel_loop3A_612 = vector.shape_cast %parallel_loop3A_611 : vector<1x16xf32> to vector<16xf32>
        %parallel_loop3A_613 = vector.shape_cast %parallel_loop3A_607 : vector<16xf32> to vector<1x16xf32>
        tpu.vector_store %arg9[%parallel_loop3A_609, %parallel_loop3A_610], %parallel_loop3A_613 {strides = array<i32>} : memref<16x768xf32, #tpu.memory_space<vmem>>, vector<1x16xf32>,
        %parallel_loop3A_614 = arith.constant 10 : i32
        %parallel_loop3A_615 = arith.index_cast %parallel_loop3A_614 : i32 to index
        %parallel_loop3A_616 = arith.index_cast %parallel_loop3A_443 : i32 to index
        %parallel_loop3A_617 = tpu.vector_load %arg7[%parallel_loop3A_615, %parallel_loop3A_616] {strides = array<i32>} : memref<16x768xf32, #tpu.memory_space<vmem>>, vector<1x16xf32>,
        %parallel_loop3A_618 = vector.shape_cast %parallel_loop3A_617 : vector<1x16xf32> to vector<16xf32>
        %parallel_loop3A_619 = arith.constant 10 : i32
        %parallel_loop3A_620 = arith.index_cast %parallel_loop3A_619 : i32 to index
        %parallel_loop3A_621 = arith.index_cast %parallel_loop3A_443 : i32 to index
        %parallel_loop3A_622 = tpu.vector_load %arg11[%parallel_loop3A_620, %parallel_loop3A_621] {strides = array<i32>} : memref<16x768xf32, #tpu.memory_space<vmem>>, vector<1x16xf32>,
        %parallel_loop3A_623 = vector.shape_cast %parallel_loop3A_622 : vector<1x16xf32> to vector<16xf32>
        %parallel_loop3A_624 = arith.addf %parallel_loop3A_618, %parallel_loop3A_623 : vector<16xf32>
        %parallel_loop3A_625 = arith.constant 10 : i32
        %parallel_loop3A_626 = arith.index_cast %parallel_loop3A_625 : i32 to index
        %parallel_loop3A_627 = arith.index_cast %parallel_loop3A_443 : i32 to index
        %parallel_loop3A_628 = tpu.vector_load %arg9[%parallel_loop3A_626, %parallel_loop3A_627] {strides = array<i32>} : memref<16x768xf32, #tpu.memory_space<vmem>>, vector<1x16xf32>,
        %parallel_loop3A_629 = vector.shape_cast %parallel_loop3A_628 : vector<1x16xf32> to vector<16xf32>
        %parallel_loop3A_630 = vector.shape_cast %parallel_loop3A_624 : vector<16xf32> to vector<1x16xf32>
        tpu.vector_store %arg9[%parallel_loop3A_626, %parallel_loop3A_627], %parallel_loop3A_630 {strides = array<i32>} : memref<16x768xf32, #tpu.memory_space<vmem>>, vector<1x16xf32>,
        %parallel_loop3A_631 = arith.constant 11 : i32
        %parallel_loop3A_632 = arith.index_cast %parallel_loop3A_631 : i32 to index
        %parallel_loop3A_633 = arith.index_cast %parallel_loop3A_443 : i32 to index
        %parallel_loop3A_634 = tpu.vector_load %arg7[%parallel_loop3A_632, %parallel_loop3A_633] {strides = array<i32>} : memref<16x768xf32, #tpu.memory_space<vmem>>, vector<1x16xf32>,
        %parallel_loop3A_635 = vector.shape_cast %parallel_loop3A_634 : vector<1x16xf32> to vector<16xf32>
        %parallel_loop3A_636 = arith.constant 11 : i32
        %parallel_loop3A_637 = arith.index_cast %parallel_loop3A_636 : i32 to index
        %parallel_loop3A_638 = arith.index_cast %parallel_loop3A_443 : i32 to index
        %parallel_loop3A_639 = tpu.vector_load %arg11[%parallel_loop3A_637, %parallel_loop3A_638] {strides = array<i32>} : memref<16x768xf32, #tpu.memory_space<vmem>>, vector<1x16xf32>,
        %parallel_loop3A_640 = vector.shape_cast %parallel_loop3A_639 : vector<1x16xf32> to vector<16xf32>
        %parallel_loop3A_641 = arith.addf %parallel_loop3A_635, %parallel_loop3A_640 : vector<16xf32>
        %parallel_loop3A_642 = arith.constant 11 : i32
        %parallel_loop3A_643 = arith.index_cast %parallel_loop3A_642 : i32 to index
        %parallel_loop3A_644 = arith.index_cast %parallel_loop3A_443 : i32 to index
        %parallel_loop3A_645 = tpu.vector_load %arg9[%parallel_loop3A_643, %parallel_loop3A_644] {strides = array<i32>} : memref<16x768xf32, #tpu.memory_space<vmem>>, vector<1x16xf32>,
        %parallel_loop3A_646 = vector.shape_cast %parallel_loop3A_645 : vector<1x16xf32> to vector<16xf32>
        %parallel_loop3A_647 = vector.shape_cast %parallel_loop3A_641 : vector<16xf32> to vector<1x16xf32>
        tpu.vector_store %arg9[%parallel_loop3A_643, %parallel_loop3A_644], %parallel_loop3A_647 {strides = array<i32>} : memref<16x768xf32, #tpu.memory_space<vmem>>, vector<1x16xf32>,
        %parallel_loop3A_648 = arith.constant 12 : i32
        %parallel_loop3A_649 = arith.index_cast %parallel_loop3A_648 : i32 to index
        %parallel_loop3A_650 = arith.index_cast %parallel_loop3A_443 : i32 to index
        %parallel_loop3A_651 = tpu.vector_load %arg7[%parallel_loop3A_649, %parallel_loop3A_650] {strides = array<i32>} : memref<16x768xf32, #tpu.memory_space<vmem>>, vector<1x16xf32>,
        %parallel_loop3A_652 = vector.shape_cast %parallel_loop3A_651 : vector<1x16xf32> to vector<16xf32>
        %parallel_loop3A_653 = arith.constant 12 : i32
        %parallel_loop3A_654 = arith.index_cast %parallel_loop3A_653 : i32 to index
        %parallel_loop3A_655 = arith.index_cast %parallel_loop3A_443 : i32 to index
        %parallel_loop3A_656 = tpu.vector_load %arg11[%parallel_loop3A_654, %parallel_loop3A_655] {strides = array<i32>} : memref<16x768xf32, #tpu.memory_space<vmem>>, vector<1x16xf32>,
        %parallel_loop3A_657 = vector.shape_cast %parallel_loop3A_656 : vector<1x16xf32> to vector<16xf32>
        %parallel_loop3A_658 = arith.addf %parallel_loop3A_652, %parallel_loop3A_657 : vector<16xf32>
        %parallel_loop3A_659 = arith.constant 12 : i32
        %parallel_loop3A_660 = arith.index_cast %parallel_loop3A_659 : i32 to index
        %parallel_loop3A_661 = arith.index_cast %parallel_loop3A_443 : i32 to index
        %parallel_loop3A_662 = tpu.vector_load %arg9[%parallel_loop3A_660, %parallel_loop3A_661] {strides = array<i32>} : memref<16x768xf32, #tpu.memory_space<vmem>>, vector<1x16xf32>,
        %parallel_loop3A_663 = vector.shape_cast %parallel_loop3A_662 : vector<1x16xf32> to vector<16xf32>
        %parallel_loop3A_664 = vector.shape_cast %parallel_loop3A_658 : vector<16xf32> to vector<1x16xf32>
        tpu.vector_store %arg9[%parallel_loop3A_660, %parallel_loop3A_661], %parallel_loop3A_664 {strides = array<i32>} : memref<16x768xf32, #tpu.memory_space<vmem>>, vector<1x16xf32>,
        %parallel_loop3A_665 = arith.constant 13 : i32
        %parallel_loop3A_666 = arith.index_cast %parallel_loop3A_665 : i32 to index
        %parallel_loop3A_667 = arith.index_cast %parallel_loop3A_443 : i32 to index
        %parallel_loop3A_668 = tpu.vector_load %arg7[%parallel_loop3A_666, %parallel_loop3A_667] {strides = array<i32>} : memref<16x768xf32, #tpu.memory_space<vmem>>, vector<1x16xf32>,
        %parallel_loop3A_669 = vector.shape_cast %parallel_loop3A_668 : vector<1x16xf32> to vector<16xf32>
        %parallel_loop3A_670 = arith.constant 13 : i32
        %parallel_loop3A_671 = arith.index_cast %parallel_loop3A_670 : i32 to index
        %parallel_loop3A_672 = arith.index_cast %parallel_loop3A_443 : i32 to index
        %parallel_loop3A_673 = tpu.vector_load %arg11[%parallel_loop3A_671, %parallel_loop3A_672] {strides = array<i32>} : memref<16x768xf32, #tpu.memory_space<vmem>>, vector<1x16xf32>,
        %parallel_loop3A_674 = vector.shape_cast %parallel_loop3A_673 : vector<1x16xf32> to vector<16xf32>
        %parallel_loop3A_675 = arith.addf %parallel_loop3A_669, %parallel_loop3A_674 : vector<16xf32>
        %parallel_loop3A_676 = arith.constant 13 : i32
        %parallel_loop3A_677 = arith.index_cast %parallel_loop3A_676 : i32 to index
        %parallel_loop3A_678 = arith.index_cast %parallel_loop3A_443 : i32 to index
        %parallel_loop3A_679 = tpu.vector_load %arg9[%parallel_loop3A_677, %parallel_loop3A_678] {strides = array<i32>} : memref<16x768xf32, #tpu.memory_space<vmem>>, vector<1x16xf32>,
        %parallel_loop3A_680 = vector.shape_cast %parallel_loop3A_679 : vector<1x16xf32> to vector<16xf32>
        %parallel_loop3A_681 = vector.shape_cast %parallel_loop3A_675 : vector<16xf32> to vector<1x16xf32>
        tpu.vector_store %arg9[%parallel_loop3A_677, %parallel_loop3A_678], %parallel_loop3A_681 {strides = array<i32>} : memref<16x768xf32, #tpu.memory_space<vmem>>, vector<1x16xf32>,
        %parallel_loop3A_682 = arith.constant 14 : i32
        %parallel_loop3A_683 = arith.index_cast %parallel_loop3A_682 : i32 to index
        %parallel_loop3A_684 = arith.index_cast %parallel_loop3A_443 : i32 to index
        %parallel_loop3A_685 = tpu.vector_load %arg7[%parallel_loop3A_683, %parallel_loop3A_684] {strides = array<i32>} : memref<16x768xf32, #tpu.memory_space<vmem>>, vector<1x16xf32>,
        %parallel_loop3A_686 = vector.shape_cast %parallel_loop3A_685 : vector<1x16xf32> to vector<16xf32>
        %parallel_loop3A_687 = arith.constant 14 : i32
        %parallel_loop3A_688 = arith.index_cast %parallel_loop3A_687 : i32 to index
        %parallel_loop3A_689 = arith.index_cast %parallel_loop3A_443 : i32 to index
        %parallel_loop3A_690 = tpu.vector_load %arg11[%parallel_loop3A_688, %parallel_loop3A_689] {strides = array<i32>} : memref<16x768xf32, #tpu.memory_space<vmem>>, vector<1x16xf32>,
        %parallel_loop3A_691 = vector.shape_cast %parallel_loop3A_690 : vector<1x16xf32> to vector<16xf32>
        %parallel_loop3A_692 = arith.addf %parallel_loop3A_686, %parallel_loop3A_691 : vector<16xf32>
        %parallel_loop3A_693 = arith.constant 14 : i32
        %parallel_loop3A_694 = arith.index_cast %parallel_loop3A_693 : i32 to index
        %parallel_loop3A_695 = arith.index_cast %parallel_loop3A_443 : i32 to index
        %parallel_loop3A_696 = tpu.vector_load %arg9[%parallel_loop3A_694, %parallel_loop3A_695] {strides = array<i32>} : memref<16x768xf32, #tpu.memory_space<vmem>>, vector<1x16xf32>,
        %parallel_loop3A_697 = vector.shape_cast %parallel_loop3A_696 : vector<1x16xf32> to vector<16xf32>
        %parallel_loop3A_698 = vector.shape_cast %parallel_loop3A_692 : vector<16xf32> to vector<1x16xf32>
        tpu.vector_store %arg9[%parallel_loop3A_694, %parallel_loop3A_695], %parallel_loop3A_698 {strides = array<i32>} : memref<16x768xf32, #tpu.memory_space<vmem>>, vector<1x16xf32>,
        %parallel_loop3A_699 = arith.constant 15 : i32
        %parallel_loop3A_700 = arith.index_cast %parallel_loop3A_699 : i32 to index
        %parallel_loop3A_701 = arith.index_cast %parallel_loop3A_443 : i32 to index
        %parallel_loop3A_702 = tpu.vector_load %arg7[%parallel_loop3A_700, %parallel_loop3A_701] {strides = array<i32>} : memref<16x768xf32, #tpu.memory_space<vmem>>, vector<1x16xf32>,
        %parallel_loop3A_703 = vector.shape_cast %parallel_loop3A_702 : vector<1x16xf32> to vector<16xf32>
        %parallel_loop3A_704 = arith.constant 15 : i32
        %parallel_loop3A_705 = arith.index_cast %parallel_loop3A_704 : i32 to index
        %parallel_loop3A_706 = arith.index_cast %parallel_loop3A_443 : i32 to index
        %parallel_loop3A_707 = tpu.vector_load %arg11[%parallel_loop3A_705, %parallel_loop3A_706] {strides = array<i32>} : memref<16x768xf32, #tpu.memory_space<vmem>>, vector<1x16xf32>,
        %parallel_loop3A_708 = vector.shape_cast %parallel_loop3A_707 : vector<1x16xf32> to vector<16xf32>
        %parallel_loop3A_709 = arith.addf %parallel_loop3A_703, %parallel_loop3A_708 : vector<16xf32>
        %parallel_loop3A_710 = arith.constant 15 : i32
        %parallel_loop3A_711 = arith.index_cast %parallel_loop3A_710 : i32 to index
        %parallel_loop3A_712 = arith.index_cast %parallel_loop3A_443 : i32 to index
        %parallel_loop3A_713 = tpu.vector_load %arg9[%parallel_loop3A_711, %parallel_loop3A_712] {strides = array<i32>} : memref<16x768xf32, #tpu.memory_space<vmem>>, vector<1x16xf32>,
        %parallel_loop3A_714 = vector.shape_cast %parallel_loop3A_713 : vector<1x16xf32> to vector<16xf32>
        %parallel_loop3A_715 = vector.shape_cast %parallel_loop3A_709 : vector<16xf32> to vector<1x16xf32>
        tpu.vector_store %arg9[%parallel_loop3A_711, %parallel_loop3A_712], %parallel_loop3A_715 {strides = array<i32>} : memref<16x768xf32, #tpu.memory_space<vmem>>, vector<1x16xf32>,
      } {sc.loop_unroll_factor = 1 : i64, sc.parallel_access}
      %add3A_209 = arith.constant 16384 : i32
      %add3A_210 = arith.addi %add3A_209, %mul3A_2 : i32
      %mul3A_211 = arith.constant 16 : i32
      %mul3A_212 = arith.muli %add3A_101, %mul3A_211 : i32
      %add3A_213 = arith.addi %add3A_210, %mul3A_212 : i32
      %min3A_214 = arith.constant 32752 : i32
      %min3A_215 = arith.minsi %add3A_213, %min3A_214 : i32
      %dma_start3A_216 = arith.constant 0 : i32
      %dma_start3A_217 = tpu.memref_slice %arg4[%min3A_215, %dma_start3A_216] : memref<32768x768xf32, #tpu.memory_space<hbm>> -> memref<16x768xf32, #tpu.memory_space<hbm>>
      %dma_start3A_218 = arith.constant 0 : i32
      %dma_start3A_219 = tpu.memref_slice %arg4[%min3A_215, %dma_start3A_218] : memref<32768x768xf32, #tpu.memory_space<hbm>> -> memref<16x768xf32, #tpu.memory_space<hbm>>
      tpu.enqueue_dma source(%arg9 : memref<16x768xf32, #tpu.memory_space<vmem>>) target(%dma_start3A_219 : memref<16x768xf32, #tpu.memory_space<hbm>>) target_semaphore(%arg17 : memref<!tpu.dma_semaphore, #tpu.memory_space<semaphore_mem>>)
      %add3A_220 = arith.constant 1 : i32
      %add3A_221 = arith.addi %add3A_101, %add3A_220 : i32
      %add3A_222 = arith.constant 8192 : i32
      %add3A_223 = arith.addi %add3A_222, %mul3A_2 : i32
      %mul3A_224 = arith.constant 16 : i32
      %mul3A_225 = arith.muli %add3A_221, %mul3A_224 : i32
      %add3A_226 = arith.addi %add3A_223, %mul3A_225 : i32
      %min3A_227 = arith.constant 32752 : i32
      %min3A_228 = arith.minsi %add3A_226, %min3A_227 : i32
      %dma_start3A_229 = arith.constant 0 : i32
      %dma_start3A_230 = tpu.memref_slice %arg2[%min3A_228, %dma_start3A_229] : memref<32768x768xf32, #tpu.memory_space<hbm>> -> memref<16x768xf32, #tpu.memory_space<hbm>>
      %dma_start3A_231 = arith.constant 0 : i32
      %dma_start3A_232 = tpu.memref_slice %arg2[%min3A_228, %dma_start3A_231] : memref<32768x768xf32, #tpu.memory_space<hbm>> -> memref<16x768xf32, #tpu.memory_space<hbm>>
      tpu.enqueue_dma source(%dma_start3A_232 : memref<16x768xf32, #tpu.memory_space<hbm>>) target(%arg6 : memref<16x768xf32, #tpu.memory_space<vmem>>) target_semaphore(%arg14 : memref<!tpu.dma_semaphore, #tpu.memory_space<semaphore_mem>>)
      %dma_wait3A_233 = arith.constant 0 : i32
      %dma_wait3A_234 = arith.constant 0 : i32
      %dma_wait3A_235 = tpu.memref_slice %arg2[%dma_wait3A_233, %dma_wait3A_234] : memref<32768x768xf32, #tpu.memory_space<hbm>> -> memref<16x768xf32, #tpu.memory_space<hbm>>
      %dma_wait3A_236 = arith.constant 0 : i32
      %dma_wait3A_237 = arith.constant 0 : i32
      %dma_wait3A_238 = tpu.memref_slice %arg2[%dma_wait3A_236, %dma_wait3A_237] : memref<32768x768xf32, #tpu.memory_space<hbm>> -> memref<16x768xf32, #tpu.memory_space<hbm>>
      tpu.wait_dma2 semaphore(%arg16 : memref<!tpu.dma_semaphore, #tpu.memory_space<semaphore_mem>>) src(%dma_wait3A_238 : memref<16x768xf32, #tpu.memory_space<hbm>>) dst(%arg8 : memref<16x768xf32, #tpu.memory_space<vmem>>)
      %dma_wait3A_239 = arith.constant 0 : i32
      %dma_wait3A_240 = arith.constant 0 : i32
      %dma_wait3A_241 = tpu.memref_slice %arg4[%dma_wait3A_239, %dma_wait3A_240] : memref<32768x768xf32, #tpu.memory_space<hbm>> -> memref<16x768xf32, #tpu.memory_space<hbm>>
      %dma_wait3A_242 = arith.constant 0 : i32
      %dma_wait3A_243 = arith.constant 0 : i32
      %dma_wait3A_244 = tpu.memref_slice %arg4[%dma_wait3A_242, %dma_wait3A_243] : memref<32768x768xf32, #tpu.memory_space<hbm>> -> memref<16x768xf32, #tpu.memory_space<hbm>>
      tpu.wait_dma2 semaphore(%arg18 : memref<!tpu.dma_semaphore, #tpu.memory_space<semaphore_mem>>) src(%arg10 : memref<16x768xf32, #tpu.memory_space<vmem>>) dst(%dma_wait3A_244 : memref<16x768xf32, #tpu.memory_space<hbm>>)
      %parallel_loop3A_245 = arith.constant 0 : i32
      %parallel_loop3A_246 = arith.constant 768 : i32
      %parallel_loop3A_247 = arith.constant 16 : i32
      scf.for %parallel_loop3A_443 = %parallel_loop3A_245 to %parallel_loop3A_246 step %parallel_loop3A_247  : i32 {
        %parallel_loop3A_444 = arith.constant 0 : i32
        %parallel_loop3A_445 = arith.index_cast %parallel_loop3A_444 : i32 to index
        %parallel_loop3A_446 = arith.index_cast %parallel_loop3A_443 : i32 to index
        %parallel_loop3A_447 = tpu.vector_load %arg8[%parallel_loop3A_445, %parallel_loop3A_446] {strides = array<i32>} : memref<16x768xf32, #tpu.memory_space<vmem>>, vector<1x16xf32>,
        %parallel_loop3A_448 = vector.shape_cast %parallel_loop3A_447 : vector<1x16xf32> to vector<16xf32>
        %parallel_loop3A_449 = arith.constant 0 : i32
        %parallel_loop3A_450 = arith.index_cast %parallel_loop3A_449 : i32 to index
        %parallel_loop3A_451 = arith.index_cast %parallel_loop3A_443 : i32 to index
        %parallel_loop3A_452 = tpu.vector_load %arg11[%parallel_loop3A_450, %parallel_loop3A_451] {strides = array<i32>} : memref<16x768xf32, #tpu.memory_space<vmem>>, vector<1x16xf32>,
        %parallel_loop3A_453 = vector.shape_cast %parallel_loop3A_452 : vector<1x16xf32> to vector<16xf32>
        %parallel_loop3A_454 = arith.addf %parallel_loop3A_448, %parallel_loop3A_453 : vector<16xf32>
        %parallel_loop3A_455 = arith.constant 0 : i32
        %parallel_loop3A_456 = arith.index_cast %parallel_loop3A_455 : i32 to index
        %parallel_loop3A_457 = arith.index_cast %parallel_loop3A_443 : i32 to index
        %parallel_loop3A_458 = tpu.vector_load %arg10[%parallel_loop3A_456, %parallel_loop3A_457] {strides = array<i32>} : memref<16x768xf32, #tpu.memory_space<vmem>>, vector<1x16xf32>,
        %parallel_loop3A_459 = vector.shape_cast %parallel_loop3A_458 : vector<1x16xf32> to vector<16xf32>
        %parallel_loop3A_460 = vector.shape_cast %parallel_loop3A_454 : vector<16xf32> to vector<1x16xf32>
        tpu.vector_store %arg10[%parallel_loop3A_456, %parallel_loop3A_457], %parallel_loop3A_460 {strides = array<i32>} : memref<16x768xf32, #tpu.memory_space<vmem>>, vector<1x16xf32>,
        %parallel_loop3A_461 = arith.constant 1 : i32
        %parallel_loop3A_462 = arith.index_cast %parallel_loop3A_461 : i32 to index
        %parallel_loop3A_463 = arith.index_cast %parallel_loop3A_443 : i32 to index
        %parallel_loop3A_464 = tpu.vector_load %arg8[%parallel_loop3A_462, %parallel_loop3A_463] {strides = array<i32>} : memref<16x768xf32, #tpu.memory_space<vmem>>, vector<1x16xf32>,
        %parallel_loop3A_465 = vector.shape_cast %parallel_loop3A_464 : vector<1x16xf32> to vector<16xf32>
        %parallel_loop3A_466 = arith.constant 1 : i32
        %parallel_loop3A_467 = arith.index_cast %parallel_loop3A_466 : i32 to index
        %parallel_loop3A_468 = arith.index_cast %parallel_loop3A_443 : i32 to index
        %parallel_loop3A_469 = tpu.vector_load %arg11[%parallel_loop3A_467, %parallel_loop3A_468] {strides = array<i32>} : memref<16x768xf32, #tpu.memory_space<vmem>>, vector<1x16xf32>,
        %parallel_loop3A_470 = vector.shape_cast %parallel_loop3A_469 : vector<1x16xf32> to vector<16xf32>
        %parallel_loop3A_471 = arith.addf %parallel_loop3A_465, %parallel_loop3A_470 : vector<16xf32>
        %parallel_loop3A_472 = arith.constant 1 : i32
        %parallel_loop3A_473 = arith.index_cast %parallel_loop3A_472 : i32 to index
        %parallel_loop3A_474 = arith.index_cast %parallel_loop3A_443 : i32 to index
        %parallel_loop3A_475 = tpu.vector_load %arg10[%parallel_loop3A_473, %parallel_loop3A_474] {strides = array<i32>} : memref<16x768xf32, #tpu.memory_space<vmem>>, vector<1x16xf32>,
        %parallel_loop3A_476 = vector.shape_cast %parallel_loop3A_475 : vector<1x16xf32> to vector<16xf32>
        %parallel_loop3A_477 = vector.shape_cast %parallel_loop3A_471 : vector<16xf32> to vector<1x16xf32>
        tpu.vector_store %arg10[%parallel_loop3A_473, %parallel_loop3A_474], %parallel_loop3A_477 {strides = array<i32>} : memref<16x768xf32, #tpu.memory_space<vmem>>, vector<1x16xf32>,
        %parallel_loop3A_478 = arith.constant 2 : i32
        %parallel_loop3A_479 = arith.index_cast %parallel_loop3A_478 : i32 to index
        %parallel_loop3A_480 = arith.index_cast %parallel_loop3A_443 : i32 to index
        %parallel_loop3A_481 = tpu.vector_load %arg8[%parallel_loop3A_479, %parallel_loop3A_480] {strides = array<i32>} : memref<16x768xf32, #tpu.memory_space<vmem>>, vector<1x16xf32>,
        %parallel_loop3A_482 = vector.shape_cast %parallel_loop3A_481 : vector<1x16xf32> to vector<16xf32>
        %parallel_loop3A_483 = arith.constant 2 : i32
        %parallel_loop3A_484 = arith.index_cast %parallel_loop3A_483 : i32 to index
        %parallel_loop3A_485 = arith.index_cast %parallel_loop3A_443 : i32 to index
        %parallel_loop3A_486 = tpu.vector_load %arg11[%parallel_loop3A_484, %parallel_loop3A_485] {strides = array<i32>} : memref<16x768xf32, #tpu.memory_space<vmem>>, vector<1x16xf32>,
        %parallel_loop3A_487 = vector.shape_cast %parallel_loop3A_486 : vector<1x16xf32> to vector<16xf32>
        %parallel_loop3A_488 = arith.addf %parallel_loop3A_482, %parallel_loop3A_487 : vector<16xf32>
        %parallel_loop3A_489 = arith.constant 2 : i32
        %parallel_loop3A_490 = arith.index_cast %parallel_loop3A_489 : i32 to index
        %parallel_loop3A_491 = arith.index_cast %parallel_loop3A_443 : i32 to index
        %parallel_loop3A_492 = tpu.vector_load %arg10[%parallel_loop3A_490, %parallel_loop3A_491] {strides = array<i32>} : memref<16x768xf32, #tpu.memory_space<vmem>>, vector<1x16xf32>,
        %parallel_loop3A_493 = vector.shape_cast %parallel_loop3A_492 : vector<1x16xf32> to vector<16xf32>
        %parallel_loop3A_494 = vector.shape_cast %parallel_loop3A_488 : vector<16xf32> to vector<1x16xf32>
        tpu.vector_store %arg10[%parallel_loop3A_490, %parallel_loop3A_491], %parallel_loop3A_494 {strides = array<i32>} : memref<16x768xf32, #tpu.memory_space<vmem>>, vector<1x16xf32>,
        %parallel_loop3A_495 = arith.constant 3 : i32
        %parallel_loop3A_496 = arith.index_cast %parallel_loop3A_495 : i32 to index
        %parallel_loop3A_497 = arith.index_cast %parallel_loop3A_443 : i32 to index
        %parallel_loop3A_498 = tpu.vector_load %arg8[%parallel_loop3A_496, %parallel_loop3A_497] {strides = array<i32>} : memref<16x768xf32, #tpu.memory_space<vmem>>, vector<1x16xf32>,
        %parallel_loop3A_499 = vector.shape_cast %parallel_loop3A_498 : vector<1x16xf32> to vector<16xf32>
        %parallel_loop3A_500 = arith.constant 3 : i32
        %parallel_loop3A_501 = arith.index_cast %parallel_loop3A_500 : i32 to index
        %parallel_loop3A_502 = arith.index_cast %parallel_loop3A_443 : i32 to index
        %parallel_loop3A_503 = tpu.vector_load %arg11[%parallel_loop3A_501, %parallel_loop3A_502] {strides = array<i32>} : memref<16x768xf32, #tpu.memory_space<vmem>>, vector<1x16xf32>,
        %parallel_loop3A_504 = vector.shape_cast %parallel_loop3A_503 : vector<1x16xf32> to vector<16xf32>
        %parallel_loop3A_505 = arith.addf %parallel_loop3A_499, %parallel_loop3A_504 : vector<16xf32>
        %parallel_loop3A_506 = arith.constant 3 : i32
        %parallel_loop3A_507 = arith.index_cast %parallel_loop3A_506 : i32 to index
        %parallel_loop3A_508 = arith.index_cast %parallel_loop3A_443 : i32 to index
        %parallel_loop3A_509 = tpu.vector_load %arg10[%parallel_loop3A_507, %parallel_loop3A_508] {strides = array<i32>} : memref<16x768xf32, #tpu.memory_space<vmem>>, vector<1x16xf32>,
        %parallel_loop3A_510 = vector.shape_cast %parallel_loop3A_509 : vector<1x16xf32> to vector<16xf32>
        %parallel_loop3A_511 = vector.shape_cast %parallel_loop3A_505 : vector<16xf32> to vector<1x16xf32>
        tpu.vector_store %arg10[%parallel_loop3A_507, %parallel_loop3A_508], %parallel_loop3A_511 {strides = array<i32>} : memref<16x768xf32, #tpu.memory_space<vmem>>, vector<1x16xf32>,
        %parallel_loop3A_512 = arith.constant 4 : i32
        %parallel_loop3A_513 = arith.index_cast %parallel_loop3A_512 : i32 to index
        %parallel_loop3A_514 = arith.index_cast %parallel_loop3A_443 : i32 to index
        %parallel_loop3A_515 = tpu.vector_load %arg8[%parallel_loop3A_513, %parallel_loop3A_514] {strides = array<i32>} : memref<16x768xf32, #tpu.memory_space<vmem>>, vector<1x16xf32>,
        %parallel_loop3A_516 = vector.shape_cast %parallel_loop3A_515 : vector<1x16xf32> to vector<16xf32>
        %parallel_loop3A_517 = arith.constant 4 : i32
        %parallel_loop3A_518 = arith.index_cast %parallel_loop3A_517 : i32 to index
        %parallel_loop3A_519 = arith.index_cast %parallel_loop3A_443 : i32 to index
        %parallel_loop3A_520 = tpu.vector_load %arg11[%parallel_loop3A_518, %parallel_loop3A_519] {strides = array<i32>} : memref<16x768xf32, #tpu.memory_space<vmem>>, vector<1x16xf32>,
        %parallel_loop3A_521 = vector.shape_cast %parallel_loop3A_520 : vector<1x16xf32> to vector<16xf32>
        %parallel_loop3A_522 = arith.addf %parallel_loop3A_516, %parallel_loop3A_521 : vector<16xf32>
        %parallel_loop3A_523 = arith.constant 4 : i32
        %parallel_loop3A_524 = arith.index_cast %parallel_loop3A_523 : i32 to index
        %parallel_loop3A_525 = arith.index_cast %parallel_loop3A_443 : i32 to index
        %parallel_loop3A_526 = tpu.vector_load %arg10[%parallel_loop3A_524, %parallel_loop3A_525] {strides = array<i32>} : memref<16x768xf32, #tpu.memory_space<vmem>>, vector<1x16xf32>,
        %parallel_loop3A_527 = vector.shape_cast %parallel_loop3A_526 : vector<1x16xf32> to vector<16xf32>
        %parallel_loop3A_528 = vector.shape_cast %parallel_loop3A_522 : vector<16xf32> to vector<1x16xf32>
        tpu.vector_store %arg10[%parallel_loop3A_524, %parallel_loop3A_525], %parallel_loop3A_528 {strides = array<i32>} : memref<16x768xf32, #tpu.memory_space<vmem>>, vector<1x16xf32>,
        %parallel_loop3A_529 = arith.constant 5 : i32
        %parallel_loop3A_530 = arith.index_cast %parallel_loop3A_529 : i32 to index
        %parallel_loop3A_531 = arith.index_cast %parallel_loop3A_443 : i32 to index
        %parallel_loop3A_532 = tpu.vector_load %arg8[%parallel_loop3A_530, %parallel_loop3A_531] {strides = array<i32>} : memref<16x768xf32, #tpu.memory_space<vmem>>, vector<1x16xf32>,
        %parallel_loop3A_533 = vector.shape_cast %parallel_loop3A_532 : vector<1x16xf32> to vector<16xf32>
        %parallel_loop3A_534 = arith.constant 5 : i32
        %parallel_loop3A_535 = arith.index_cast %parallel_loop3A_534 : i32 to index
        %parallel_loop3A_536 = arith.index_cast %parallel_loop3A_443 : i32 to index
        %parallel_loop3A_537 = tpu.vector_load %arg11[%parallel_loop3A_535, %parallel_loop3A_536] {strides = array<i32>} : memref<16x768xf32, #tpu.memory_space<vmem>>, vector<1x16xf32>,
        %parallel_loop3A_538 = vector.shape_cast %parallel_loop3A_537 : vector<1x16xf32> to vector<16xf32>
        %parallel_loop3A_539 = arith.addf %parallel_loop3A_533, %parallel_loop3A_538 : vector<16xf32>
        %parallel_loop3A_540 = arith.constant 5 : i32
        %parallel_loop3A_541 = arith.index_cast %parallel_loop3A_540 : i32 to index
        %parallel_loop3A_542 = arith.index_cast %parallel_loop3A_443 : i32 to index
        %parallel_loop3A_543 = tpu.vector_load %arg10[%parallel_loop3A_541, %parallel_loop3A_542] {strides = array<i32>} : memref<16x768xf32, #tpu.memory_space<vmem>>, vector<1x16xf32>,
        %parallel_loop3A_544 = vector.shape_cast %parallel_loop3A_543 : vector<1x16xf32> to vector<16xf32>
        %parallel_loop3A_545 = vector.shape_cast %parallel_loop3A_539 : vector<16xf32> to vector<1x16xf32>
        tpu.vector_store %arg10[%parallel_loop3A_541, %parallel_loop3A_542], %parallel_loop3A_545 {strides = array<i32>} : memref<16x768xf32, #tpu.memory_space<vmem>>, vector<1x16xf32>,
        %parallel_loop3A_546 = arith.constant 6 : i32
        %parallel_loop3A_547 = arith.index_cast %parallel_loop3A_546 : i32 to index
        %parallel_loop3A_548 = arith.index_cast %parallel_loop3A_443 : i32 to index
        %parallel_loop3A_549 = tpu.vector_load %arg8[%parallel_loop3A_547, %parallel_loop3A_548] {strides = array<i32>} : memref<16x768xf32, #tpu.memory_space<vmem>>, vector<1x16xf32>,
        %parallel_loop3A_550 = vector.shape_cast %parallel_loop3A_549 : vector<1x16xf32> to vector<16xf32>
        %parallel_loop3A_551 = arith.constant 6 : i32
        %parallel_loop3A_552 = arith.index_cast %parallel_loop3A_551 : i32 to index
        %parallel_loop3A_553 = arith.index_cast %parallel_loop3A_443 : i32 to index
        %parallel_loop3A_554 = tpu.vector_load %arg11[%parallel_loop3A_552, %parallel_loop3A_553] {strides = array<i32>} : memref<16x768xf32, #tpu.memory_space<vmem>>, vector<1x16xf32>,
        %parallel_loop3A_555 = vector.shape_cast %parallel_loop3A_554 : vector<1x16xf32> to vector<16xf32>
        %parallel_loop3A_556 = arith.addf %parallel_loop3A_550, %parallel_loop3A_555 : vector<16xf32>
        %parallel_loop3A_557 = arith.constant 6 : i32
        %parallel_loop3A_558 = arith.index_cast %parallel_loop3A_557 : i32 to index
        %parallel_loop3A_559 = arith.index_cast %parallel_loop3A_443 : i32 to index
        %parallel_loop3A_560 = tpu.vector_load %arg10[%parallel_loop3A_558, %parallel_loop3A_559] {strides = array<i32>} : memref<16x768xf32, #tpu.memory_space<vmem>>, vector<1x16xf32>,
        %parallel_loop3A_561 = vector.shape_cast %parallel_loop3A_560 : vector<1x16xf32> to vector<16xf32>
        %parallel_loop3A_562 = vector.shape_cast %parallel_loop3A_556 : vector<16xf32> to vector<1x16xf32>
        tpu.vector_store %arg10[%parallel_loop3A_558, %parallel_loop3A_559], %parallel_loop3A_562 {strides = array<i32>} : memref<16x768xf32, #tpu.memory_space<vmem>>, vector<1x16xf32>,
        %parallel_loop3A_563 = arith.constant 7 : i32
        %parallel_loop3A_564 = arith.index_cast %parallel_loop3A_563 : i32 to index
        %parallel_loop3A_565 = arith.index_cast %parallel_loop3A_443 : i32 to index
        %parallel_loop3A_566 = tpu.vector_load %arg8[%parallel_loop3A_564, %parallel_loop3A_565] {strides = array<i32>} : memref<16x768xf32, #tpu.memory_space<vmem>>, vector<1x16xf32>,
        %parallel_loop3A_567 = vector.shape_cast %parallel_loop3A_566 : vector<1x16xf32> to vector<16xf32>
        %parallel_loop3A_568 = arith.constant 7 : i32
        %parallel_loop3A_569 = arith.index_cast %parallel_loop3A_568 : i32 to index
        %parallel_loop3A_570 = arith.index_cast %parallel_loop3A_443 : i32 to index
        %parallel_loop3A_571 = tpu.vector_load %arg11[%parallel_loop3A_569, %parallel_loop3A_570] {strides = array<i32>} : memref<16x768xf32, #tpu.memory_space<vmem>>, vector<1x16xf32>,
        %parallel_loop3A_572 = vector.shape_cast %parallel_loop3A_571 : vector<1x16xf32> to vector<16xf32>
        %parallel_loop3A_573 = arith.addf %parallel_loop3A_567, %parallel_loop3A_572 : vector<16xf32>
        %parallel_loop3A_574 = arith.constant 7 : i32
        %parallel_loop3A_575 = arith.index_cast %parallel_loop3A_574 : i32 to index
        %parallel_loop3A_576 = arith.index_cast %parallel_loop3A_443 : i32 to index
        %parallel_loop3A_577 = tpu.vector_load %arg10[%parallel_loop3A_575, %parallel_loop3A_576] {strides = array<i32>} : memref<16x768xf32, #tpu.memory_space<vmem>>, vector<1x16xf32>,
        %parallel_loop3A_578 = vector.shape_cast %parallel_loop3A_577 : vector<1x16xf32> to vector<16xf32>
        %parallel_loop3A_579 = vector.shape_cast %parallel_loop3A_573 : vector<16xf32> to vector<1x16xf32>
        tpu.vector_store %arg10[%parallel_loop3A_575, %parallel_loop3A_576], %parallel_loop3A_579 {strides = array<i32>} : memref<16x768xf32, #tpu.memory_space<vmem>>, vector<1x16xf32>,
        %parallel_loop3A_580 = arith.constant 8 : i32
        %parallel_loop3A_581 = arith.index_cast %parallel_loop3A_580 : i32 to index
        %parallel_loop3A_582 = arith.index_cast %parallel_loop3A_443 : i32 to index
        %parallel_loop3A_583 = tpu.vector_load %arg8[%parallel_loop3A_581, %parallel_loop3A_582] {strides = array<i32>} : memref<16x768xf32, #tpu.memory_space<vmem>>, vector<1x16xf32>,
        %parallel_loop3A_584 = vector.shape_cast %parallel_loop3A_583 : vector<1x16xf32> to vector<16xf32>
        %parallel_loop3A_585 = arith.constant 8 : i32
        %parallel_loop3A_586 = arith.index_cast %parallel_loop3A_585 : i32 to index
        %parallel_loop3A_587 = arith.index_cast %parallel_loop3A_443 : i32 to index
        %parallel_loop3A_588 = tpu.vector_load %arg11[%parallel_loop3A_586, %parallel_loop3A_587] {strides = array<i32>} : memref<16x768xf32, #tpu.memory_space<vmem>>, vector<1x16xf32>,
        %parallel_loop3A_589 = vector.shape_cast %parallel_loop3A_588 : vector<1x16xf32> to vector<16xf32>
        %parallel_loop3A_590 = arith.addf %parallel_loop3A_584, %parallel_loop3A_589 : vector<16xf32>
        %parallel_loop3A_591 = arith.constant 8 : i32
        %parallel_loop3A_592 = arith.index_cast %parallel_loop3A_591 : i32 to index
        %parallel_loop3A_593 = arith.index_cast %parallel_loop3A_443 : i32 to index
        %parallel_loop3A_594 = tpu.vector_load %arg10[%parallel_loop3A_592, %parallel_loop3A_593] {strides = array<i32>} : memref<16x768xf32, #tpu.memory_space<vmem>>, vector<1x16xf32>,
        %parallel_loop3A_595 = vector.shape_cast %parallel_loop3A_594 : vector<1x16xf32> to vector<16xf32>
        %parallel_loop3A_596 = vector.shape_cast %parallel_loop3A_590 : vector<16xf32> to vector<1x16xf32>
        tpu.vector_store %arg10[%parallel_loop3A_592, %parallel_loop3A_593], %parallel_loop3A_596 {strides = array<i32>} : memref<16x768xf32, #tpu.memory_space<vmem>>, vector<1x16xf32>,
        %parallel_loop3A_597 = arith.constant 9 : i32
        %parallel_loop3A_598 = arith.index_cast %parallel_loop3A_597 : i32 to index
        %parallel_loop3A_599 = arith.index_cast %parallel_loop3A_443 : i32 to index
        %parallel_loop3A_600 = tpu.vector_load %arg8[%parallel_loop3A_598, %parallel_loop3A_599] {strides = array<i32>} : memref<16x768xf32, #tpu.memory_space<vmem>>, vector<1x16xf32>,
        %parallel_loop3A_601 = vector.shape_cast %parallel_loop3A_600 : vector<1x16xf32> to vector<16xf32>
        %parallel_loop3A_602 = arith.constant 9 : i32
        %parallel_loop3A_603 = arith.index_cast %parallel_loop3A_602 : i32 to index
        %parallel_loop3A_604 = arith.index_cast %parallel_loop3A_443 : i32 to index
        %parallel_loop3A_605 = tpu.vector_load %arg11[%parallel_loop3A_603, %parallel_loop3A_604] {strides = array<i32>} : memref<16x768xf32, #tpu.memory_space<vmem>>, vector<1x16xf32>,
        %parallel_loop3A_606 = vector.shape_cast %parallel_loop3A_605 : vector<1x16xf32> to vector<16xf32>
        %parallel_loop3A_607 = arith.addf %parallel_loop3A_601, %parallel_loop3A_606 : vector<16xf32>
        %parallel_loop3A_608 = arith.constant 9 : i32
        %parallel_loop3A_609 = arith.index_cast %parallel_loop3A_608 : i32 to index
        %parallel_loop3A_610 = arith.index_cast %parallel_loop3A_443 : i32 to index
        %parallel_loop3A_611 = tpu.vector_load %arg10[%parallel_loop3A_609, %parallel_loop3A_610] {strides = array<i32>} : memref<16x768xf32, #tpu.memory_space<vmem>>, vector<1x16xf32>,
        %parallel_loop3A_612 = vector.shape_cast %parallel_loop3A_611 : vector<1x16xf32> to vector<16xf32>
        %parallel_loop3A_613 = vector.shape_cast %parallel_loop3A_607 : vector<16xf32> to vector<1x16xf32>
        tpu.vector_store %arg10[%parallel_loop3A_609, %parallel_loop3A_610], %parallel_loop3A_613 {strides = array<i32>} : memref<16x768xf32, #tpu.memory_space<vmem>>, vector<1x16xf32>,
        %parallel_loop3A_614 = arith.constant 10 : i32
        %parallel_loop3A_615 = arith.index_cast %parallel_loop3A_614 : i32 to index
        %parallel_loop3A_616 = arith.index_cast %parallel_loop3A_443 : i32 to index
        %parallel_loop3A_617 = tpu.vector_load %arg8[%parallel_loop3A_615, %parallel_loop3A_616] {strides = array<i32>} : memref<16x768xf32, #tpu.memory_space<vmem>>, vector<1x16xf32>,
        %parallel_loop3A_618 = vector.shape_cast %parallel_loop3A_617 : vector<1x16xf32> to vector<16xf32>
        %parallel_loop3A_619 = arith.constant 10 : i32
        %parallel_loop3A_620 = arith.index_cast %parallel_loop3A_619 : i32 to index
        %parallel_loop3A_621 = arith.index_cast %parallel_loop3A_443 : i32 to index
        %parallel_loop3A_622 = tpu.vector_load %arg11[%parallel_loop3A_620, %parallel_loop3A_621] {strides = array<i32>} : memref<16x768xf32, #tpu.memory_space<vmem>>, vector<1x16xf32>,
        %parallel_loop3A_623 = vector.shape_cast %parallel_loop3A_622 : vector<1x16xf32> to vector<16xf32>
        %parallel_loop3A_624 = arith.addf %parallel_loop3A_618, %parallel_loop3A_623 : vector<16xf32>
        %parallel_loop3A_625 = arith.constant 10 : i32
        %parallel_loop3A_626 = arith.index_cast %parallel_loop3A_625 : i32 to index
        %parallel_loop3A_627 = arith.index_cast %parallel_loop3A_443 : i32 to index
        %parallel_loop3A_628 = tpu.vector_load %arg10[%parallel_loop3A_626, %parallel_loop3A_627] {strides = array<i32>} : memref<16x768xf32, #tpu.memory_space<vmem>>, vector<1x16xf32>,
        %parallel_loop3A_629 = vector.shape_cast %parallel_loop3A_628 : vector<1x16xf32> to vector<16xf32>
        %parallel_loop3A_630 = vector.shape_cast %parallel_loop3A_624 : vector<16xf32> to vector<1x16xf32>
        tpu.vector_store %arg10[%parallel_loop3A_626, %parallel_loop3A_627], %parallel_loop3A_630 {strides = array<i32>} : memref<16x768xf32, #tpu.memory_space<vmem>>, vector<1x16xf32>,
        %parallel_loop3A_631 = arith.constant 11 : i32
        %parallel_loop3A_632 = arith.index_cast %parallel_loop3A_631 : i32 to index
        %parallel_loop3A_633 = arith.index_cast %parallel_loop3A_443 : i32 to index
        %parallel_loop3A_634 = tpu.vector_load %arg8[%parallel_loop3A_632, %parallel_loop3A_633] {strides = array<i32>} : memref<16x768xf32, #tpu.memory_space<vmem>>, vector<1x16xf32>,
        %parallel_loop3A_635 = vector.shape_cast %parallel_loop3A_634 : vector<1x16xf32> to vector<16xf32>
        %parallel_loop3A_636 = arith.constant 11 : i32
        %parallel_loop3A_637 = arith.index_cast %parallel_loop3A_636 : i32 to index
        %parallel_loop3A_638 = arith.index_cast %parallel_loop3A_443 : i32 to index
        %parallel_loop3A_639 = tpu.vector_load %arg11[%parallel_loop3A_637, %parallel_loop3A_638] {strides = array<i32>} : memref<16x768xf32, #tpu.memory_space<vmem>>, vector<1x16xf32>,
        %parallel_loop3A_640 = vector.shape_cast %parallel_loop3A_639 : vector<1x16xf32> to vector<16xf32>
        %parallel_loop3A_641 = arith.addf %parallel_loop3A_635, %parallel_loop3A_640 : vector<16xf32>
        %parallel_loop3A_642 = arith.constant 11 : i32
        %parallel_loop3A_643 = arith.index_cast %parallel_loop3A_642 : i32 to index
        %parallel_loop3A_644 = arith.index_cast %parallel_loop3A_443 : i32 to index
        %parallel_loop3A_645 = tpu.vector_load %arg10[%parallel_loop3A_643, %parallel_loop3A_644] {strides = array<i32>} : memref<16x768xf32, #tpu.memory_space<vmem>>, vector<1x16xf32>,
        %parallel_loop3A_646 = vector.shape_cast %parallel_loop3A_645 : vector<1x16xf32> to vector<16xf32>
        %parallel_loop3A_647 = vector.shape_cast %parallel_loop3A_641 : vector<16xf32> to vector<1x16xf32>
        tpu.vector_store %arg10[%parallel_loop3A_643, %parallel_loop3A_644], %parallel_loop3A_647 {strides = array<i32>} : memref<16x768xf32, #tpu.memory_space<vmem>>, vector<1x16xf32>,
        %parallel_loop3A_648 = arith.constant 12 : i32
        %parallel_loop3A_649 = arith.index_cast %parallel_loop3A_648 : i32 to index
        %parallel_loop3A_650 = arith.index_cast %parallel_loop3A_443 : i32 to index
        %parallel_loop3A_651 = tpu.vector_load %arg8[%parallel_loop3A_649, %parallel_loop3A_650] {strides = array<i32>} : memref<16x768xf32, #tpu.memory_space<vmem>>, vector<1x16xf32>,
        %parallel_loop3A_652 = vector.shape_cast %parallel_loop3A_651 : vector<1x16xf32> to vector<16xf32>
        %parallel_loop3A_653 = arith.constant 12 : i32
        %parallel_loop3A_654 = arith.index_cast %parallel_loop3A_653 : i32 to index
        %parallel_loop3A_655 = arith.index_cast %parallel_loop3A_443 : i32 to index
        %parallel_loop3A_656 = tpu.vector_load %arg11[%parallel_loop3A_654, %parallel_loop3A_655] {strides = array<i32>} : memref<16x768xf32, #tpu.memory_space<vmem>>, vector<1x16xf32>,
        %parallel_loop3A_657 = vector.shape_cast %parallel_loop3A_656 : vector<1x16xf32> to vector<16xf32>
        %parallel_loop3A_658 = arith.addf %parallel_loop3A_652, %parallel_loop3A_657 : vector<16xf32>
        %parallel_loop3A_659 = arith.constant 12 : i32
        %parallel_loop3A_660 = arith.index_cast %parallel_loop3A_659 : i32 to index
        %parallel_loop3A_661 = arith.index_cast %parallel_loop3A_443 : i32 to index
        %parallel_loop3A_662 = tpu.vector_load %arg10[%parallel_loop3A_660, %parallel_loop3A_661] {strides = array<i32>} : memref<16x768xf32, #tpu.memory_space<vmem>>, vector<1x16xf32>,
        %parallel_loop3A_663 = vector.shape_cast %parallel_loop3A_662 : vector<1x16xf32> to vector<16xf32>
        %parallel_loop3A_664 = vector.shape_cast %parallel_loop3A_658 : vector<16xf32> to vector<1x16xf32>
        tpu.vector_store %arg10[%parallel_loop3A_660, %parallel_loop3A_661], %parallel_loop3A_664 {strides = array<i32>} : memref<16x768xf32, #tpu.memory_space<vmem>>, vector<1x16xf32>,
        %parallel_loop3A_665 = arith.constant 13 : i32
        %parallel_loop3A_666 = arith.index_cast %parallel_loop3A_665 : i32 to index
        %parallel_loop3A_667 = arith.index_cast %parallel_loop3A_443 : i32 to index
        %parallel_loop3A_668 = tpu.vector_load %arg8[%parallel_loop3A_666, %parallel_loop3A_667] {strides = array<i32>} : memref<16x768xf32, #tpu.memory_space<vmem>>, vector<1x16xf32>,
        %parallel_loop3A_669 = vector.shape_cast %parallel_loop3A_668 : vector<1x16xf32> to vector<16xf32>
        %parallel_loop3A_670 = arith.constant 13 : i32
        %parallel_loop3A_671 = arith.index_cast %parallel_loop3A_670 : i32 to index
        %parallel_loop3A_672 = arith.index_cast %parallel_loop3A_443 : i32 to index
        %parallel_loop3A_673 = tpu.vector_load %arg11[%parallel_loop3A_671, %parallel_loop3A_672] {strides = array<i32>} : memref<16x768xf32, #tpu.memory_space<vmem>>, vector<1x16xf32>,
        %parallel_loop3A_674 = vector.shape_cast %parallel_loop3A_673 : vector<1x16xf32> to vector<16xf32>
        %parallel_loop3A_675 = arith.addf %parallel_loop3A_669, %parallel_loop3A_674 : vector<16xf32>
        %parallel_loop3A_676 = arith.constant 13 : i32
        %parallel_loop3A_677 = arith.index_cast %parallel_loop3A_676 : i32 to index
        %parallel_loop3A_678 = arith.index_cast %parallel_loop3A_443 : i32 to index
        %parallel_loop3A_679 = tpu.vector_load %arg10[%parallel_loop3A_677, %parallel_loop3A_678] {strides = array<i32>} : memref<16x768xf32, #tpu.memory_space<vmem>>, vector<1x16xf32>,
        %parallel_loop3A_680 = vector.shape_cast %parallel_loop3A_679 : vector<1x16xf32> to vector<16xf32>
        %parallel_loop3A_681 = vector.shape_cast %parallel_loop3A_675 : vector<16xf32> to vector<1x16xf32>
        tpu.vector_store %arg10[%parallel_loop3A_677, %parallel_loop3A_678], %parallel_loop3A_681 {strides = array<i32>} : memref<16x768xf32, #tpu.memory_space<vmem>>, vector<1x16xf32>,
        %parallel_loop3A_682 = arith.constant 14 : i32
        %parallel_loop3A_683 = arith.index_cast %parallel_loop3A_682 : i32 to index
        %parallel_loop3A_684 = arith.index_cast %parallel_loop3A_443 : i32 to index
        %parallel_loop3A_685 = tpu.vector_load %arg8[%parallel_loop3A_683, %parallel_loop3A_684] {strides = array<i32>} : memref<16x768xf32, #tpu.memory_space<vmem>>, vector<1x16xf32>,
        %parallel_loop3A_686 = vector.shape_cast %parallel_loop3A_685 : vector<1x16xf32> to vector<16xf32>
        %parallel_loop3A_687 = arith.constant 14 : i32
        %parallel_loop3A_688 = arith.index_cast %parallel_loop3A_687 : i32 to index
        %parallel_loop3A_689 = arith.index_cast %parallel_loop3A_443 : i32 to index
        %parallel_loop3A_690 = tpu.vector_load %arg11[%parallel_loop3A_688, %parallel_loop3A_689] {strides = array<i32>} : memref<16x768xf32, #tpu.memory_space<vmem>>, vector<1x16xf32>,
        %parallel_loop3A_691 = vector.shape_cast %parallel_loop3A_690 : vector<1x16xf32> to vector<16xf32>
        %parallel_loop3A_692 = arith.addf %parallel_loop3A_686, %parallel_loop3A_691 : vector<16xf32>
        %parallel_loop3A_693 = arith.constant 14 : i32
        %parallel_loop3A_694 = arith.index_cast %parallel_loop3A_693 : i32 to index
        %parallel_loop3A_695 = arith.index_cast %parallel_loop3A_443 : i32 to index
        %parallel_loop3A_696 = tpu.vector_load %arg10[%parallel_loop3A_694, %parallel_loop3A_695] {strides = array<i32>} : memref<16x768xf32, #tpu.memory_space<vmem>>, vector<1x16xf32>,
        %parallel_loop3A_697 = vector.shape_cast %parallel_loop3A_696 : vector<1x16xf32> to vector<16xf32>
        %parallel_loop3A_698 = vector.shape_cast %parallel_loop3A_692 : vector<16xf32> to vector<1x16xf32>
        tpu.vector_store %arg10[%parallel_loop3A_694, %parallel_loop3A_695], %parallel_loop3A_698 {strides = array<i32>} : memref<16x768xf32, #tpu.memory_space<vmem>>, vector<1x16xf32>,
        %parallel_loop3A_699 = arith.constant 15 : i32
        %parallel_loop3A_700 = arith.index_cast %parallel_loop3A_699 : i32 to index
        %parallel_loop3A_701 = arith.index_cast %parallel_loop3A_443 : i32 to index
        %parallel_loop3A_702 = tpu.vector_load %arg8[%parallel_loop3A_700, %parallel_loop3A_701] {strides = array<i32>} : memref<16x768xf32, #tpu.memory_space<vmem>>, vector<1x16xf32>,
        %parallel_loop3A_703 = vector.shape_cast %parallel_loop3A_702 : vector<1x16xf32> to vector<16xf32>
        %parallel_loop3A_704 = arith.constant 15 : i32
        %parallel_loop3A_705 = arith.index_cast %parallel_loop3A_704 : i32 to index
        %parallel_loop3A_706 = arith.index_cast %parallel_loop3A_443 : i32 to index
        %parallel_loop3A_707 = tpu.vector_load %arg11[%parallel_loop3A_705, %parallel_loop3A_706] {strides = array<i32>} : memref<16x768xf32, #tpu.memory_space<vmem>>, vector<1x16xf32>,
        %parallel_loop3A_708 = vector.shape_cast %parallel_loop3A_707 : vector<1x16xf32> to vector<16xf32>
        %parallel_loop3A_709 = arith.addf %parallel_loop3A_703, %parallel_loop3A_708 : vector<16xf32>
        %parallel_loop3A_710 = arith.constant 15 : i32
        %parallel_loop3A_711 = arith.index_cast %parallel_loop3A_710 : i32 to index
        %parallel_loop3A_712 = arith.index_cast %parallel_loop3A_443 : i32 to index
        %parallel_loop3A_713 = tpu.vector_load %arg10[%parallel_loop3A_711, %parallel_loop3A_712] {strides = array<i32>} : memref<16x768xf32, #tpu.memory_space<vmem>>, vector<1x16xf32>,
        %parallel_loop3A_714 = vector.shape_cast %parallel_loop3A_713 : vector<1x16xf32> to vector<16xf32>
        %parallel_loop3A_715 = vector.shape_cast %parallel_loop3A_709 : vector<16xf32> to vector<1x16xf32>
        tpu.vector_store %arg10[%parallel_loop3A_711, %parallel_loop3A_712], %parallel_loop3A_715 {strides = array<i32>} : memref<16x768xf32, #tpu.memory_space<vmem>>, vector<1x16xf32>,
      } {sc.loop_unroll_factor = 1 : i64, sc.parallel_access}
      %add3A_248 = arith.constant 24576 : i32
      %add3A_249 = arith.addi %add3A_248, %mul3A_2 : i32
      %mul3A_250 = arith.constant 16 : i32
      %mul3A_251 = arith.muli %add3A_101, %mul3A_250 : i32
      %add3A_252 = arith.addi %add3A_249, %mul3A_251 : i32
      %min3A_253 = arith.constant 32752 : i32
      %min3A_254 = arith.minsi %add3A_252, %min3A_253 : i32
      %dma_start3A_255 = arith.constant 0 : i32
      %dma_start3A_256 = tpu.memref_slice %arg4[%min3A_254, %dma_start3A_255] : memref<32768x768xf32, #tpu.memory_space<hbm>> -> memref<16x768xf32, #tpu.memory_space<hbm>>
      %dma_start3A_257 = arith.constant 0 : i32
      %dma_start3A_258 = tpu.memref_slice %arg4[%min3A_254, %dma_start3A_257] : memref<32768x768xf32, #tpu.memory_space<hbm>> -> memref<16x768xf32, #tpu.memory_space<hbm>>
      tpu.enqueue_dma source(%arg10 : memref<16x768xf32, #tpu.memory_space<vmem>>) target(%dma_start3A_258 : memref<16x768xf32, #tpu.memory_space<hbm>>) target_semaphore(%arg18 : memref<!tpu.dma_semaphore, #tpu.memory_space<semaphore_mem>>)
      %add3A_259 = arith.constant 2 : i32
      %add3A_260 = arith.addi %add3A_101, %add3A_259 : i32
      %mul3A_261 = arith.constant 16 : i32
      %mul3A_262 = arith.muli %add3A_260, %mul3A_261 : i32
      %add3A_263 = arith.addi %mul3A_2, %mul3A_262 : i32
      %min3A_264 = arith.constant 8176 : i32
      %min3A_265 = arith.minsi %add3A_263, %min3A_264 : i32
      %dma_start3A_266 = arith.constant 0 : i32
      %dma_start3A_267 = tpu.memref_slice %arg3[%min3A_265, %dma_start3A_266] : memref<8192x768xf32, #tpu.memory_space<hbm>> -> memref<16x768xf32, #tpu.memory_space<hbm>>
      %dma_start3A_268 = arith.constant 0 : i32
      %dma_start3A_269 = tpu.memref_slice %arg3[%min3A_265, %dma_start3A_268] : memref<8192x768xf32, #tpu.memory_space<hbm>> -> memref<16x768xf32, #tpu.memory_space<hbm>>
      tpu.enqueue_dma source(%dma_start3A_269 : memref<16x768xf32, #tpu.memory_space<hbm>>) target(%arg11 : memref<16x768xf32, #tpu.memory_space<vmem>>) target_semaphore(%arg19 : memref<!tpu.dma_semaphore, #tpu.memory_space<semaphore_mem>>)
      %mul3A_270 = arith.constant 2 : i32
      %mul3A_271 = arith.muli %mul3A_270, %scan3A_97 : i32
      %add3A_272 = arith.constant 1 : i32
      %add3A_273 = arith.addi %mul3A_271, %add3A_272 : i32
      %dma_wait3A_274 = arith.constant 0 : i32
      %dma_wait3A_275 = arith.constant 0 : i32
      %dma_wait3A_276 = tpu.memref_slice %arg3[%dma_wait3A_274, %dma_wait3A_275] : memref<8192x768xf32, #tpu.memory_space<hbm>> -> memref<16x768xf32, #tpu.memory_space<hbm>>
      %dma_wait3A_277 = arith.constant 0 : i32
      %dma_wait3A_278 = arith.constant 0 : i32
      %dma_wait3A_279 = tpu.memref_slice %arg3[%dma_wait3A_277, %dma_wait3A_278] : memref<8192x768xf32, #tpu.memory_space<hbm>> -> memref<16x768xf32, #tpu.memory_space<hbm>>
      tpu.wait_dma2 semaphore(%arg20 : memref<!tpu.dma_semaphore, #tpu.memory_space<semaphore_mem>>) src(%dma_wait3A_279 : memref<16x768xf32, #tpu.memory_space<hbm>>) dst(%arg12 : memref<16x768xf32, #tpu.memory_space<vmem>>)
      %add3A_280 = arith.constant 16384 : i32
      %add3A_281 = arith.addi %add3A_280, %mul3A_2 : i32
      %mul3A_282 = arith.constant 16 : i32
      %mul3A_283 = arith.muli %add3A_273, %mul3A_282 : i32
      %add3A_284 = arith.addi %add3A_281, %mul3A_283 : i32
      %min3A_285 = arith.constant 32752 : i32
      %min3A_286 = arith.minsi %add3A_284, %min3A_285 : i32
      %dma_start3A_287 = arith.constant 0 : i32
      %dma_start3A_288 = tpu.memref_slice %arg2[%min3A_286, %dma_start3A_287] : memref<32768x768xf32, #tpu.memory_space<hbm>> -> memref<16x768xf32, #tpu.memory_space<hbm>>
      %dma_start3A_289 = arith.constant 0 : i32
      %dma_start3A_290 = tpu.memref_slice %arg2[%min3A_286, %dma_start3A_289] : memref<32768x768xf32, #tpu.memory_space<hbm>> -> memref<16x768xf32, #tpu.memory_space<hbm>>
      tpu.enqueue_dma source(%dma_start3A_290 : memref<16x768xf32, #tpu.memory_space<hbm>>) target(%arg7 : memref<16x768xf32, #tpu.memory_space<vmem>>) target_semaphore(%arg15 : memref<!tpu.dma_semaphore, #tpu.memory_space<semaphore_mem>>)
      %dma_wait3A_291 = arith.constant 0 : i32
      %dma_wait3A_292 = arith.constant 0 : i32
      %dma_wait3A_293 = tpu.memref_slice %arg2[%dma_wait3A_291, %dma_wait3A_292] : memref<32768x768xf32, #tpu.memory_space<hbm>> -> memref<16x768xf32, #tpu.memory_space<hbm>>
      %dma_wait3A_294 = arith.constant 0 : i32
      %dma_wait3A_295 = arith.constant 0 : i32
      %dma_wait3A_296 = tpu.memref_slice %arg2[%dma_wait3A_294, %dma_wait3A_295] : memref<32768x768xf32, #tpu.memory_space<hbm>> -> memref<16x768xf32, #tpu.memory_space<hbm>>
      tpu.wait_dma2 semaphore(%arg13 : memref<!tpu.dma_semaphore, #tpu.memory_space<semaphore_mem>>) src(%dma_wait3A_296 : memref<16x768xf32, #tpu.memory_space<hbm>>) dst(%arg5 : memref<16x768xf32, #tpu.memory_space<vmem>>)
      %dma_wait3A_297 = arith.constant 0 : i32
      %dma_wait3A_298 = arith.constant 0 : i32
      %dma_wait3A_299 = tpu.memref_slice %arg4[%dma_wait3A_297, %dma_wait3A_298] : memref<32768x768xf32, #tpu.memory_space<hbm>> -> memref<16x768xf32, #tpu.memory_space<hbm>>
      %dma_wait3A_300 = arith.constant 0 : i32
      %dma_wait3A_301 = arith.constant 0 : i32
      %dma_wait3A_302 = tpu.memref_slice %arg4[%dma_wait3A_300, %dma_wait3A_301] : memref<32768x768xf32, #tpu.memory_space<hbm>> -> memref<16x768xf32, #tpu.memory_space<hbm>>
      tpu.wait_dma2 semaphore(%arg17 : memref<!tpu.dma_semaphore, #tpu.memory_space<semaphore_mem>>) src(%arg9 : memref<16x768xf32, #tpu.memory_space<vmem>>) dst(%dma_wait3A_302 : memref<16x768xf32, #tpu.memory_space<hbm>>)
      %parallel_loop3A_303 = arith.constant 0 : i32
      %parallel_loop3A_304 = arith.constant 768 : i32
      %parallel_loop3A_305 = arith.constant 16 : i32
      scf.for %parallel_loop3A_443 = %parallel_loop3A_303 to %parallel_loop3A_304 step %parallel_loop3A_305  : i32 {
        %parallel_loop3A_444 = arith.constant 0 : i32
        %parallel_loop3A_445 = arith.index_cast %parallel_loop3A_444 : i32 to index
        %parallel_loop3A_446 = arith.index_cast %parallel_loop3A_443 : i32 to index
        %parallel_loop3A_447 = tpu.vector_load %arg5[%parallel_loop3A_445, %parallel_loop3A_446] {strides = array<i32>} : memref<16x768xf32, #tpu.memory_space<vmem>>, vector<1x16xf32>,
        %parallel_loop3A_448 = vector.shape_cast %parallel_loop3A_447 : vector<1x16xf32> to vector<16xf32>
        %parallel_loop3A_449 = arith.constant 0 : i32
        %parallel_loop3A_450 = arith.index_cast %parallel_loop3A_449 : i32 to index
        %parallel_loop3A_451 = arith.index_cast %parallel_loop3A_443 : i32 to index
        %parallel_loop3A_452 = tpu.vector_load %arg12[%parallel_loop3A_450, %parallel_loop3A_451] {strides = array<i32>} : memref<16x768xf32, #tpu.memory_space<vmem>>, vector<1x16xf32>,
        %parallel_loop3A_453 = vector.shape_cast %parallel_loop3A_452 : vector<1x16xf32> to vector<16xf32>
        %parallel_loop3A_454 = arith.addf %parallel_loop3A_448, %parallel_loop3A_453 : vector<16xf32>
        %parallel_loop3A_455 = arith.constant 0 : i32
        %parallel_loop3A_456 = arith.index_cast %parallel_loop3A_455 : i32 to index
        %parallel_loop3A_457 = arith.index_cast %parallel_loop3A_443 : i32 to index
        %parallel_loop3A_458 = tpu.vector_load %arg9[%parallel_loop3A_456, %parallel_loop3A_457] {strides = array<i32>} : memref<16x768xf32, #tpu.memory_space<vmem>>, vector<1x16xf32>,
        %parallel_loop3A_459 = vector.shape_cast %parallel_loop3A_458 : vector<1x16xf32> to vector<16xf32>
        %parallel_loop3A_460 = vector.shape_cast %parallel_loop3A_454 : vector<16xf32> to vector<1x16xf32>
        tpu.vector_store %arg9[%parallel_loop3A_456, %parallel_loop3A_457], %parallel_loop3A_460 {strides = array<i32>} : memref<16x768xf32, #tpu.memory_space<vmem>>, vector<1x16xf32>,
        %parallel_loop3A_461 = arith.constant 1 : i32
        %parallel_loop3A_462 = arith.index_cast %parallel_loop3A_461 : i32 to index
        %parallel_loop3A_463 = arith.index_cast %parallel_loop3A_443 : i32 to index
        %parallel_loop3A_464 = tpu.vector_load %arg5[%parallel_loop3A_462, %parallel_loop3A_463] {strides = array<i32>} : memref<16x768xf32, #tpu.memory_space<vmem>>, vector<1x16xf32>,
        %parallel_loop3A_465 = vector.shape_cast %parallel_loop3A_464 : vector<1x16xf32> to vector<16xf32>
        %parallel_loop3A_466 = arith.constant 1 : i32
        %parallel_loop3A_467 = arith.index_cast %parallel_loop3A_466 : i32 to index
        %parallel_loop3A_468 = arith.index_cast %parallel_loop3A_443 : i32 to index
        %parallel_loop3A_469 = tpu.vector_load %arg12[%parallel_loop3A_467, %parallel_loop3A_468] {strides = array<i32>} : memref<16x768xf32, #tpu.memory_space<vmem>>, vector<1x16xf32>,
        %parallel_loop3A_470 = vector.shape_cast %parallel_loop3A_469 : vector<1x16xf32> to vector<16xf32>
        %parallel_loop3A_471 = arith.addf %parallel_loop3A_465, %parallel_loop3A_470 : vector<16xf32>
        %parallel_loop3A_472 = arith.constant 1 : i32
        %parallel_loop3A_473 = arith.index_cast %parallel_loop3A_472 : i32 to index
        %parallel_loop3A_474 = arith.index_cast %parallel_loop3A_443 : i32 to index
        %parallel_loop3A_475 = tpu.vector_load %arg9[%parallel_loop3A_473, %parallel_loop3A_474] {strides = array<i32>} : memref<16x768xf32, #tpu.memory_space<vmem>>, vector<1x16xf32>,
        %parallel_loop3A_476 = vector.shape_cast %parallel_loop3A_475 : vector<1x16xf32> to vector<16xf32>
        %parallel_loop3A_477 = vector.shape_cast %parallel_loop3A_471 : vector<16xf32> to vector<1x16xf32>
        tpu.vector_store %arg9[%parallel_loop3A_473, %parallel_loop3A_474], %parallel_loop3A_477 {strides = array<i32>} : memref<16x768xf32, #tpu.memory_space<vmem>>, vector<1x16xf32>,
        %parallel_loop3A_478 = arith.constant 2 : i32
        %parallel_loop3A_479 = arith.index_cast %parallel_loop3A_478 : i32 to index
        %parallel_loop3A_480 = arith.index_cast %parallel_loop3A_443 : i32 to index
        %parallel_loop3A_481 = tpu.vector_load %arg5[%parallel_loop3A_479, %parallel_loop3A_480] {strides = array<i32>} : memref<16x768xf32, #tpu.memory_space<vmem>>, vector<1x16xf32>,
        %parallel_loop3A_482 = vector.shape_cast %parallel_loop3A_481 : vector<1x16xf32> to vector<16xf32>
        %parallel_loop3A_483 = arith.constant 2 : i32
        %parallel_loop3A_484 = arith.index_cast %parallel_loop3A_483 : i32 to index
        %parallel_loop3A_485 = arith.index_cast %parallel_loop3A_443 : i32 to index
        %parallel_loop3A_486 = tpu.vector_load %arg12[%parallel_loop3A_484, %parallel_loop3A_485] {strides = array<i32>} : memref<16x768xf32, #tpu.memory_space<vmem>>, vector<1x16xf32>,
        %parallel_loop3A_487 = vector.shape_cast %parallel_loop3A_486 : vector<1x16xf32> to vector<16xf32>
        %parallel_loop3A_488 = arith.addf %parallel_loop3A_482, %parallel_loop3A_487 : vector<16xf32>
        %parallel_loop3A_489 = arith.constant 2 : i32
        %parallel_loop3A_490 = arith.index_cast %parallel_loop3A_489 : i32 to index
        %parallel_loop3A_491 = arith.index_cast %parallel_loop3A_443 : i32 to index
        %parallel_loop3A_492 = tpu.vector_load %arg9[%parallel_loop3A_490, %parallel_loop3A_491] {strides = array<i32>} : memref<16x768xf32, #tpu.memory_space<vmem>>, vector<1x16xf32>,
        %parallel_loop3A_493 = vector.shape_cast %parallel_loop3A_492 : vector<1x16xf32> to vector<16xf32>
        %parallel_loop3A_494 = vector.shape_cast %parallel_loop3A_488 : vector<16xf32> to vector<1x16xf32>
        tpu.vector_store %arg9[%parallel_loop3A_490, %parallel_loop3A_491], %parallel_loop3A_494 {strides = array<i32>} : memref<16x768xf32, #tpu.memory_space<vmem>>, vector<1x16xf32>,
        %parallel_loop3A_495 = arith.constant 3 : i32
        %parallel_loop3A_496 = arith.index_cast %parallel_loop3A_495 : i32 to index
        %parallel_loop3A_497 = arith.index_cast %parallel_loop3A_443 : i32 to index
        %parallel_loop3A_498 = tpu.vector_load %arg5[%parallel_loop3A_496, %parallel_loop3A_497] {strides = array<i32>} : memref<16x768xf32, #tpu.memory_space<vmem>>, vector<1x16xf32>,
        %parallel_loop3A_499 = vector.shape_cast %parallel_loop3A_498 : vector<1x16xf32> to vector<16xf32>
        %parallel_loop3A_500 = arith.constant 3 : i32
        %parallel_loop3A_501 = arith.index_cast %parallel_loop3A_500 : i32 to index
        %parallel_loop3A_502 = arith.index_cast %parallel_loop3A_443 : i32 to index
        %parallel_loop3A_503 = tpu.vector_load %arg12[%parallel_loop3A_501, %parallel_loop3A_502] {strides = array<i32>} : memref<16x768xf32, #tpu.memory_space<vmem>>, vector<1x16xf32>,
        %parallel_loop3A_504 = vector.shape_cast %parallel_loop3A_503 : vector<1x16xf32> to vector<16xf32>
        %parallel_loop3A_505 = arith.addf %parallel_loop3A_499, %parallel_loop3A_504 : vector<16xf32>
        %parallel_loop3A_506 = arith.constant 3 : i32
        %parallel_loop3A_507 = arith.index_cast %parallel_loop3A_506 : i32 to index
        %parallel_loop3A_508 = arith.index_cast %parallel_loop3A_443 : i32 to index
        %parallel_loop3A_509 = tpu.vector_load %arg9[%parallel_loop3A_507, %parallel_loop3A_508] {strides = array<i32>} : memref<16x768xf32, #tpu.memory_space<vmem>>, vector<1x16xf32>,
        %parallel_loop3A_510 = vector.shape_cast %parallel_loop3A_509 : vector<1x16xf32> to vector<16xf32>
        %parallel_loop3A_511 = vector.shape_cast %parallel_loop3A_505 : vector<16xf32> to vector<1x16xf32>
        tpu.vector_store %arg9[%parallel_loop3A_507, %parallel_loop3A_508], %parallel_loop3A_511 {strides = array<i32>} : memref<16x768xf32, #tpu.memory_space<vmem>>, vector<1x16xf32>,
        %parallel_loop3A_512 = arith.constant 4 : i32
        %parallel_loop3A_513 = arith.index_cast %parallel_loop3A_512 : i32 to index
        %parallel_loop3A_514 = arith.index_cast %parallel_loop3A_443 : i32 to index
        %parallel_loop3A_515 = tpu.vector_load %arg5[%parallel_loop3A_513, %parallel_loop3A_514] {strides = array<i32>} : memref<16x768xf32, #tpu.memory_space<vmem>>, vector<1x16xf32>,
        %parallel_loop3A_516 = vector.shape_cast %parallel_loop3A_515 : vector<1x16xf32> to vector<16xf32>
        %parallel_loop3A_517 = arith.constant 4 : i32
        %parallel_loop3A_518 = arith.index_cast %parallel_loop3A_517 : i32 to index
        %parallel_loop3A_519 = arith.index_cast %parallel_loop3A_443 : i32 to index
        %parallel_loop3A_520 = tpu.vector_load %arg12[%parallel_loop3A_518, %parallel_loop3A_519] {strides = array<i32>} : memref<16x768xf32, #tpu.memory_space<vmem>>, vector<1x16xf32>,
        %parallel_loop3A_521 = vector.shape_cast %parallel_loop3A_520 : vector<1x16xf32> to vector<16xf32>
        %parallel_loop3A_522 = arith.addf %parallel_loop3A_516, %parallel_loop3A_521 : vector<16xf32>
        %parallel_loop3A_523 = arith.constant 4 : i32
        %parallel_loop3A_524 = arith.index_cast %parallel_loop3A_523 : i32 to index
        %parallel_loop3A_525 = arith.index_cast %parallel_loop3A_443 : i32 to index
        %parallel_loop3A_526 = tpu.vector_load %arg9[%parallel_loop3A_524, %parallel_loop3A_525] {strides = array<i32>} : memref<16x768xf32, #tpu.memory_space<vmem>>, vector<1x16xf32>,
        %parallel_loop3A_527 = vector.shape_cast %parallel_loop3A_526 : vector<1x16xf32> to vector<16xf32>
        %parallel_loop3A_528 = vector.shape_cast %parallel_loop3A_522 : vector<16xf32> to vector<1x16xf32>
        tpu.vector_store %arg9[%parallel_loop3A_524, %parallel_loop3A_525], %parallel_loop3A_528 {strides = array<i32>} : memref<16x768xf32, #tpu.memory_space<vmem>>, vector<1x16xf32>,
        %parallel_loop3A_529 = arith.constant 5 : i32
        %parallel_loop3A_530 = arith.index_cast %parallel_loop3A_529 : i32 to index
        %parallel_loop3A_531 = arith.index_cast %parallel_loop3A_443 : i32 to index
        %parallel_loop3A_532 = tpu.vector_load %arg5[%parallel_loop3A_530, %parallel_loop3A_531] {strides = array<i32>} : memref<16x768xf32, #tpu.memory_space<vmem>>, vector<1x16xf32>,
        %parallel_loop3A_533 = vector.shape_cast %parallel_loop3A_532 : vector<1x16xf32> to vector<16xf32>
        %parallel_loop3A_534 = arith.constant 5 : i32
        %parallel_loop3A_535 = arith.index_cast %parallel_loop3A_534 : i32 to index
        %parallel_loop3A_536 = arith.index_cast %parallel_loop3A_443 : i32 to index
        %parallel_loop3A_537 = tpu.vector_load %arg12[%parallel_loop3A_535, %parallel_loop3A_536] {strides = array<i32>} : memref<16x768xf32, #tpu.memory_space<vmem>>, vector<1x16xf32>,
        %parallel_loop3A_538 = vector.shape_cast %parallel_loop3A_537 : vector<1x16xf32> to vector<16xf32>
        %parallel_loop3A_539 = arith.addf %parallel_loop3A_533, %parallel_loop3A_538 : vector<16xf32>
        %parallel_loop3A_540 = arith.constant 5 : i32
        %parallel_loop3A_541 = arith.index_cast %parallel_loop3A_540 : i32 to index
        %parallel_loop3A_542 = arith.index_cast %parallel_loop3A_443 : i32 to index
        %parallel_loop3A_543 = tpu.vector_load %arg9[%parallel_loop3A_541, %parallel_loop3A_542] {strides = array<i32>} : memref<16x768xf32, #tpu.memory_space<vmem>>, vector<1x16xf32>,
        %parallel_loop3A_544 = vector.shape_cast %parallel_loop3A_543 : vector<1x16xf32> to vector<16xf32>
        %parallel_loop3A_545 = vector.shape_cast %parallel_loop3A_539 : vector<16xf32> to vector<1x16xf32>
        tpu.vector_store %arg9[%parallel_loop3A_541, %parallel_loop3A_542], %parallel_loop3A_545 {strides = array<i32>} : memref<16x768xf32, #tpu.memory_space<vmem>>, vector<1x16xf32>,
        %parallel_loop3A_546 = arith.constant 6 : i32
        %parallel_loop3A_547 = arith.index_cast %parallel_loop3A_546 : i32 to index
        %parallel_loop3A_548 = arith.index_cast %parallel_loop3A_443 : i32 to index
        %parallel_loop3A_549 = tpu.vector_load %arg5[%parallel_loop3A_547, %parallel_loop3A_548] {strides = array<i32>} : memref<16x768xf32, #tpu.memory_space<vmem>>, vector<1x16xf32>,
        %parallel_loop3A_550 = vector.shape_cast %parallel_loop3A_549 : vector<1x16xf32> to vector<16xf32>
        %parallel_loop3A_551 = arith.constant 6 : i32
        %parallel_loop3A_552 = arith.index_cast %parallel_loop3A_551 : i32 to index
        %parallel_loop3A_553 = arith.index_cast %parallel_loop3A_443 : i32 to index
        %parallel_loop3A_554 = tpu.vector_load %arg12[%parallel_loop3A_552, %parallel_loop3A_553] {strides = array<i32>} : memref<16x768xf32, #tpu.memory_space<vmem>>, vector<1x16xf32>,
        %parallel_loop3A_555 = vector.shape_cast %parallel_loop3A_554 : vector<1x16xf32> to vector<16xf32>
        %parallel_loop3A_556 = arith.addf %parallel_loop3A_550, %parallel_loop3A_555 : vector<16xf32>
        %parallel_loop3A_557 = arith.constant 6 : i32
        %parallel_loop3A_558 = arith.index_cast %parallel_loop3A_557 : i32 to index
        %parallel_loop3A_559 = arith.index_cast %parallel_loop3A_443 : i32 to index
        %parallel_loop3A_560 = tpu.vector_load %arg9[%parallel_loop3A_558, %parallel_loop3A_559] {strides = array<i32>} : memref<16x768xf32, #tpu.memory_space<vmem>>, vector<1x16xf32>,
        %parallel_loop3A_561 = vector.shape_cast %parallel_loop3A_560 : vector<1x16xf32> to vector<16xf32>
        %parallel_loop3A_562 = vector.shape_cast %parallel_loop3A_556 : vector<16xf32> to vector<1x16xf32>
        tpu.vector_store %arg9[%parallel_loop3A_558, %parallel_loop3A_559], %parallel_loop3A_562 {strides = array<i32>} : memref<16x768xf32, #tpu.memory_space<vmem>>, vector<1x16xf32>,
        %parallel_loop3A_563 = arith.constant 7 : i32
        %parallel_loop3A_564 = arith.index_cast %parallel_loop3A_563 : i32 to index
        %parallel_loop3A_565 = arith.index_cast %parallel_loop3A_443 : i32 to index
        %parallel_loop3A_566 = tpu.vector_load %arg5[%parallel_loop3A_564, %parallel_loop3A_565] {strides = array<i32>} : memref<16x768xf32, #tpu.memory_space<vmem>>, vector<1x16xf32>,
        %parallel_loop3A_567 = vector.shape_cast %parallel_loop3A_566 : vector<1x16xf32> to vector<16xf32>
        %parallel_loop3A_568 = arith.constant 7 : i32
        %parallel_loop3A_569 = arith.index_cast %parallel_loop3A_568 : i32 to index
        %parallel_loop3A_570 = arith.index_cast %parallel_loop3A_443 : i32 to index
        %parallel_loop3A_571 = tpu.vector_load %arg12[%parallel_loop3A_569, %parallel_loop3A_570] {strides = array<i32>} : memref<16x768xf32, #tpu.memory_space<vmem>>, vector<1x16xf32>,
        %parallel_loop3A_572 = vector.shape_cast %parallel_loop3A_571 : vector<1x16xf32> to vector<16xf32>
        %parallel_loop3A_573 = arith.addf %parallel_loop3A_567, %parallel_loop3A_572 : vector<16xf32>
        %parallel_loop3A_574 = arith.constant 7 : i32
        %parallel_loop3A_575 = arith.index_cast %parallel_loop3A_574 : i32 to index
        %parallel_loop3A_576 = arith.index_cast %parallel_loop3A_443 : i32 to index
        %parallel_loop3A_577 = tpu.vector_load %arg9[%parallel_loop3A_575, %parallel_loop3A_576] {strides = array<i32>} : memref<16x768xf32, #tpu.memory_space<vmem>>, vector<1x16xf32>,
        %parallel_loop3A_578 = vector.shape_cast %parallel_loop3A_577 : vector<1x16xf32> to vector<16xf32>
        %parallel_loop3A_579 = vector.shape_cast %parallel_loop3A_573 : vector<16xf32> to vector<1x16xf32>
        tpu.vector_store %arg9[%parallel_loop3A_575, %parallel_loop3A_576], %parallel_loop3A_579 {strides = array<i32>} : memref<16x768xf32, #tpu.memory_space<vmem>>, vector<1x16xf32>,
        %parallel_loop3A_580 = arith.constant 8 : i32
        %parallel_loop3A_581 = arith.index_cast %parallel_loop3A_580 : i32 to index
        %parallel_loop3A_582 = arith.index_cast %parallel_loop3A_443 : i32 to index
        %parallel_loop3A_583 = tpu.vector_load %arg5[%parallel_loop3A_581, %parallel_loop3A_582] {strides = array<i32>} : memref<16x768xf32, #tpu.memory_space<vmem>>, vector<1x16xf32>,
        %parallel_loop3A_584 = vector.shape_cast %parallel_loop3A_583 : vector<1x16xf32> to vector<16xf32>
        %parallel_loop3A_585 = arith.constant 8 : i32
        %parallel_loop3A_586 = arith.index_cast %parallel_loop3A_585 : i32 to index
        %parallel_loop3A_587 = arith.index_cast %parallel_loop3A_443 : i32 to index
        %parallel_loop3A_588 = tpu.vector_load %arg12[%parallel_loop3A_586, %parallel_loop3A_587] {strides = array<i32>} : memref<16x768xf32, #tpu.memory_space<vmem>>, vector<1x16xf32>,
        %parallel_loop3A_589 = vector.shape_cast %parallel_loop3A_588 : vector<1x16xf32> to vector<16xf32>
        %parallel_loop3A_590 = arith.addf %parallel_loop3A_584, %parallel_loop3A_589 : vector<16xf32>
        %parallel_loop3A_591 = arith.constant 8 : i32
        %parallel_loop3A_592 = arith.index_cast %parallel_loop3A_591 : i32 to index
        %parallel_loop3A_593 = arith.index_cast %parallel_loop3A_443 : i32 to index
        %parallel_loop3A_594 = tpu.vector_load %arg9[%parallel_loop3A_592, %parallel_loop3A_593] {strides = array<i32>} : memref<16x768xf32, #tpu.memory_space<vmem>>, vector<1x16xf32>,
        %parallel_loop3A_595 = vector.shape_cast %parallel_loop3A_594 : vector<1x16xf32> to vector<16xf32>
        %parallel_loop3A_596 = vector.shape_cast %parallel_loop3A_590 : vector<16xf32> to vector<1x16xf32>
        tpu.vector_store %arg9[%parallel_loop3A_592, %parallel_loop3A_593], %parallel_loop3A_596 {strides = array<i32>} : memref<16x768xf32, #tpu.memory_space<vmem>>, vector<1x16xf32>,
        %parallel_loop3A_597 = arith.constant 9 : i32
        %parallel_loop3A_598 = arith.index_cast %parallel_loop3A_597 : i32 to index
        %parallel_loop3A_599 = arith.index_cast %parallel_loop3A_443 : i32 to index
        %parallel_loop3A_600 = tpu.vector_load %arg5[%parallel_loop3A_598, %parallel_loop3A_599] {strides = array<i32>} : memref<16x768xf32, #tpu.memory_space<vmem>>, vector<1x16xf32>,
        %parallel_loop3A_601 = vector.shape_cast %parallel_loop3A_600 : vector<1x16xf32> to vector<16xf32>
        %parallel_loop3A_602 = arith.constant 9 : i32
        %parallel_loop3A_603 = arith.index_cast %parallel_loop3A_602 : i32 to index
        %parallel_loop3A_604 = arith.index_cast %parallel_loop3A_443 : i32 to index
        %parallel_loop3A_605 = tpu.vector_load %arg12[%parallel_loop3A_603, %parallel_loop3A_604] {strides = array<i32>} : memref<16x768xf32, #tpu.memory_space<vmem>>, vector<1x16xf32>,
        %parallel_loop3A_606 = vector.shape_cast %parallel_loop3A_605 : vector<1x16xf32> to vector<16xf32>
        %parallel_loop3A_607 = arith.addf %parallel_loop3A_601, %parallel_loop3A_606 : vector<16xf32>
        %parallel_loop3A_608 = arith.constant 9 : i32
        %parallel_loop3A_609 = arith.index_cast %parallel_loop3A_608 : i32 to index
        %parallel_loop3A_610 = arith.index_cast %parallel_loop3A_443 : i32 to index
        %parallel_loop3A_611 = tpu.vector_load %arg9[%parallel_loop3A_609, %parallel_loop3A_610] {strides = array<i32>} : memref<16x768xf32, #tpu.memory_space<vmem>>, vector<1x16xf32>,
        %parallel_loop3A_612 = vector.shape_cast %parallel_loop3A_611 : vector<1x16xf32> to vector<16xf32>
        %parallel_loop3A_613 = vector.shape_cast %parallel_loop3A_607 : vector<16xf32> to vector<1x16xf32>
        tpu.vector_store %arg9[%parallel_loop3A_609, %parallel_loop3A_610], %parallel_loop3A_613 {strides = array<i32>} : memref<16x768xf32, #tpu.memory_space<vmem>>, vector<1x16xf32>,
        %parallel_loop3A_614 = arith.constant 10 : i32
        %parallel_loop3A_615 = arith.index_cast %parallel_loop3A_614 : i32 to index
        %parallel_loop3A_616 = arith.index_cast %parallel_loop3A_443 : i32 to index
        %parallel_loop3A_617 = tpu.vector_load %arg5[%parallel_loop3A_615, %parallel_loop3A_616] {strides = array<i32>} : memref<16x768xf32, #tpu.memory_space<vmem>>, vector<1x16xf32>,
        %parallel_loop3A_618 = vector.shape_cast %parallel_loop3A_617 : vector<1x16xf32> to vector<16xf32>
        %parallel_loop3A_619 = arith.constant 10 : i32
        %parallel_loop3A_620 = arith.index_cast %parallel_loop3A_619 : i32 to index
        %parallel_loop3A_621 = arith.index_cast %parallel_loop3A_443 : i32 to index
        %parallel_loop3A_622 = tpu.vector_load %arg12[%parallel_loop3A_620, %parallel_loop3A_621] {strides = array<i32>} : memref<16x768xf32, #tpu.memory_space<vmem>>, vector<1x16xf32>,
        %parallel_loop3A_623 = vector.shape_cast %parallel_loop3A_622 : vector<1x16xf32> to vector<16xf32>
        %parallel_loop3A_624 = arith.addf %parallel_loop3A_618, %parallel_loop3A_623 : vector<16xf32>
        %parallel_loop3A_625 = arith.constant 10 : i32
        %parallel_loop3A_626 = arith.index_cast %parallel_loop3A_625 : i32 to index
        %parallel_loop3A_627 = arith.index_cast %parallel_loop3A_443 : i32 to index
        %parallel_loop3A_628 = tpu.vector_load %arg9[%parallel_loop3A_626, %parallel_loop3A_627] {strides = array<i32>} : memref<16x768xf32, #tpu.memory_space<vmem>>, vector<1x16xf32>,
        %parallel_loop3A_629 = vector.shape_cast %parallel_loop3A_628 : vector<1x16xf32> to vector<16xf32>
        %parallel_loop3A_630 = vector.shape_cast %parallel_loop3A_624 : vector<16xf32> to vector<1x16xf32>
        tpu.vector_store %arg9[%parallel_loop3A_626, %parallel_loop3A_627], %parallel_loop3A_630 {strides = array<i32>} : memref<16x768xf32, #tpu.memory_space<vmem>>, vector<1x16xf32>,
        %parallel_loop3A_631 = arith.constant 11 : i32
        %parallel_loop3A_632 = arith.index_cast %parallel_loop3A_631 : i32 to index
        %parallel_loop3A_633 = arith.index_cast %parallel_loop3A_443 : i32 to index
        %parallel_loop3A_634 = tpu.vector_load %arg5[%parallel_loop3A_632, %parallel_loop3A_633] {strides = array<i32>} : memref<16x768xf32, #tpu.memory_space<vmem>>, vector<1x16xf32>,
        %parallel_loop3A_635 = vector.shape_cast %parallel_loop3A_634 : vector<1x16xf32> to vector<16xf32>
        %parallel_loop3A_636 = arith.constant 11 : i32
        %parallel_loop3A_637 = arith.index_cast %parallel_loop3A_636 : i32 to index
        %parallel_loop3A_638 = arith.index_cast %parallel_loop3A_443 : i32 to index
        %parallel_loop3A_639 = tpu.vector_load %arg12[%parallel_loop3A_637, %parallel_loop3A_638] {strides = array<i32>} : memref<16x768xf32, #tpu.memory_space<vmem>>, vector<1x16xf32>,
        %parallel_loop3A_640 = vector.shape_cast %parallel_loop3A_639 : vector<1x16xf32> to vector<16xf32>
        %parallel_loop3A_641 = arith.addf %parallel_loop3A_635, %parallel_loop3A_640 : vector<16xf32>
        %parallel_loop3A_642 = arith.constant 11 : i32
        %parallel_loop3A_643 = arith.index_cast %parallel_loop3A_642 : i32 to index
        %parallel_loop3A_644 = arith.index_cast %parallel_loop3A_443 : i32 to index
        %parallel_loop3A_645 = tpu.vector_load %arg9[%parallel_loop3A_643, %parallel_loop3A_644] {strides = array<i32>} : memref<16x768xf32, #tpu.memory_space<vmem>>, vector<1x16xf32>,
        %parallel_loop3A_646 = vector.shape_cast %parallel_loop3A_645 : vector<1x16xf32> to vector<16xf32>
        %parallel_loop3A_647 = vector.shape_cast %parallel_loop3A_641 : vector<16xf32> to vector<1x16xf32>
        tpu.vector_store %arg9[%parallel_loop3A_643, %parallel_loop3A_644], %parallel_loop3A_647 {strides = array<i32>} : memref<16x768xf32, #tpu.memory_space<vmem>>, vector<1x16xf32>,
        %parallel_loop3A_648 = arith.constant 12 : i32
        %parallel_loop3A_649 = arith.index_cast %parallel_loop3A_648 : i32 to index
        %parallel_loop3A_650 = arith.index_cast %parallel_loop3A_443 : i32 to index
        %parallel_loop3A_651 = tpu.vector_load %arg5[%parallel_loop3A_649, %parallel_loop3A_650] {strides = array<i32>} : memref<16x768xf32, #tpu.memory_space<vmem>>, vector<1x16xf32>,
        %parallel_loop3A_652 = vector.shape_cast %parallel_loop3A_651 : vector<1x16xf32> to vector<16xf32>
        %parallel_loop3A_653 = arith.constant 12 : i32
        %parallel_loop3A_654 = arith.index_cast %parallel_loop3A_653 : i32 to index
        %parallel_loop3A_655 = arith.index_cast %parallel_loop3A_443 : i32 to index
        %parallel_loop3A_656 = tpu.vector_load %arg12[%parallel_loop3A_654, %parallel_loop3A_655] {strides = array<i32>} : memref<16x768xf32, #tpu.memory_space<vmem>>, vector<1x16xf32>,
        %parallel_loop3A_657 = vector.shape_cast %parallel_loop3A_656 : vector<1x16xf32> to vector<16xf32>
        %parallel_loop3A_658 = arith.addf %parallel_loop3A_652, %parallel_loop3A_657 : vector<16xf32>
        %parallel_loop3A_659 = arith.constant 12 : i32
        %parallel_loop3A_660 = arith.index_cast %parallel_loop3A_659 : i32 to index
        %parallel_loop3A_661 = arith.index_cast %parallel_loop3A_443 : i32 to index
        %parallel_loop3A_662 = tpu.vector_load %arg9[%parallel_loop3A_660, %parallel_loop3A_661] {strides = array<i32>} : memref<16x768xf32, #tpu.memory_space<vmem>>, vector<1x16xf32>,
        %parallel_loop3A_663 = vector.shape_cast %parallel_loop3A_662 : vector<1x16xf32> to vector<16xf32>
        %parallel_loop3A_664 = vector.shape_cast %parallel_loop3A_658 : vector<16xf32> to vector<1x16xf32>
        tpu.vector_store %arg9[%parallel_loop3A_660, %parallel_loop3A_661], %parallel_loop3A_664 {strides = array<i32>} : memref<16x768xf32, #tpu.memory_space<vmem>>, vector<1x16xf32>,
        %parallel_loop3A_665 = arith.constant 13 : i32
        %parallel_loop3A_666 = arith.index_cast %parallel_loop3A_665 : i32 to index
        %parallel_loop3A_667 = arith.index_cast %parallel_loop3A_443 : i32 to index
        %parallel_loop3A_668 = tpu.vector_load %arg5[%parallel_loop3A_666, %parallel_loop3A_667] {strides = array<i32>} : memref<16x768xf32, #tpu.memory_space<vmem>>, vector<1x16xf32>,
        %parallel_loop3A_669 = vector.shape_cast %parallel_loop3A_668 : vector<1x16xf32> to vector<16xf32>
        %parallel_loop3A_670 = arith.constant 13 : i32
        %parallel_loop3A_671 = arith.index_cast %parallel_loop3A_670 : i32 to index
        %parallel_loop3A_672 = arith.index_cast %parallel_loop3A_443 : i32 to index
        %parallel_loop3A_673 = tpu.vector_load %arg12[%parallel_loop3A_671, %parallel_loop3A_672] {strides = array<i32>} : memref<16x768xf32, #tpu.memory_space<vmem>>, vector<1x16xf32>,
        %parallel_loop3A_674 = vector.shape_cast %parallel_loop3A_673 : vector<1x16xf32> to vector<16xf32>
        %parallel_loop3A_675 = arith.addf %parallel_loop3A_669, %parallel_loop3A_674 : vector<16xf32>
        %parallel_loop3A_676 = arith.constant 13 : i32
        %parallel_loop3A_677 = arith.index_cast %parallel_loop3A_676 : i32 to index
        %parallel_loop3A_678 = arith.index_cast %parallel_loop3A_443 : i32 to index
        %parallel_loop3A_679 = tpu.vector_load %arg9[%parallel_loop3A_677, %parallel_loop3A_678] {strides = array<i32>} : memref<16x768xf32, #tpu.memory_space<vmem>>, vector<1x16xf32>,
        %parallel_loop3A_680 = vector.shape_cast %parallel_loop3A_679 : vector<1x16xf32> to vector<16xf32>
        %parallel_loop3A_681 = vector.shape_cast %parallel_loop3A_675 : vector<16xf32> to vector<1x16xf32>
        tpu.vector_store %arg9[%parallel_loop3A_677, %parallel_loop3A_678], %parallel_loop3A_681 {strides = array<i32>} : memref<16x768xf32, #tpu.memory_space<vmem>>, vector<1x16xf32>,
        %parallel_loop3A_682 = arith.constant 14 : i32
        %parallel_loop3A_683 = arith.index_cast %parallel_loop3A_682 : i32 to index
        %parallel_loop3A_684 = arith.index_cast %parallel_loop3A_443 : i32 to index
        %parallel_loop3A_685 = tpu.vector_load %arg5[%parallel_loop3A_683, %parallel_loop3A_684] {strides = array<i32>} : memref<16x768xf32, #tpu.memory_space<vmem>>, vector<1x16xf32>,
        %parallel_loop3A_686 = vector.shape_cast %parallel_loop3A_685 : vector<1x16xf32> to vector<16xf32>
        %parallel_loop3A_687 = arith.constant 14 : i32
        %parallel_loop3A_688 = arith.index_cast %parallel_loop3A_687 : i32 to index
        %parallel_loop3A_689 = arith.index_cast %parallel_loop3A_443 : i32 to index
        %parallel_loop3A_690 = tpu.vector_load %arg12[%parallel_loop3A_688, %parallel_loop3A_689] {strides = array<i32>} : memref<16x768xf32, #tpu.memory_space<vmem>>, vector<1x16xf32>,
        %parallel_loop3A_691 = vector.shape_cast %parallel_loop3A_690 : vector<1x16xf32> to vector<16xf32>
        %parallel_loop3A_692 = arith.addf %parallel_loop3A_686, %parallel_loop3A_691 : vector<16xf32>
        %parallel_loop3A_693 = arith.constant 14 : i32
        %parallel_loop3A_694 = arith.index_cast %parallel_loop3A_693 : i32 to index
        %parallel_loop3A_695 = arith.index_cast %parallel_loop3A_443 : i32 to index
        %parallel_loop3A_696 = tpu.vector_load %arg9[%parallel_loop3A_694, %parallel_loop3A_695] {strides = array<i32>} : memref<16x768xf32, #tpu.memory_space<vmem>>, vector<1x16xf32>,
        %parallel_loop3A_697 = vector.shape_cast %parallel_loop3A_696 : vector<1x16xf32> to vector<16xf32>
        %parallel_loop3A_698 = vector.shape_cast %parallel_loop3A_692 : vector<16xf32> to vector<1x16xf32>
        tpu.vector_store %arg9[%parallel_loop3A_694, %parallel_loop3A_695], %parallel_loop3A_698 {strides = array<i32>} : memref<16x768xf32, #tpu.memory_space<vmem>>, vector<1x16xf32>,
        %parallel_loop3A_699 = arith.constant 15 : i32
        %parallel_loop3A_700 = arith.index_cast %parallel_loop3A_699 : i32 to index
        %parallel_loop3A_701 = arith.index_cast %parallel_loop3A_443 : i32 to index
        %parallel_loop3A_702 = tpu.vector_load %arg5[%parallel_loop3A_700, %parallel_loop3A_701] {strides = array<i32>} : memref<16x768xf32, #tpu.memory_space<vmem>>, vector<1x16xf32>,
        %parallel_loop3A_703 = vector.shape_cast %parallel_loop3A_702 : vector<1x16xf32> to vector<16xf32>
        %parallel_loop3A_704 = arith.constant 15 : i32
        %parallel_loop3A_705 = arith.index_cast %parallel_loop3A_704 : i32 to index
        %parallel_loop3A_706 = arith.index_cast %parallel_loop3A_443 : i32 to index
        %parallel_loop3A_707 = tpu.vector_load %arg12[%parallel_loop3A_705, %parallel_loop3A_706] {strides = array<i32>} : memref<16x768xf32, #tpu.memory_space<vmem>>, vector<1x16xf32>,
        %parallel_loop3A_708 = vector.shape_cast %parallel_loop3A_707 : vector<1x16xf32> to vector<16xf32>
        %parallel_loop3A_709 = arith.addf %parallel_loop3A_703, %parallel_loop3A_708 : vector<16xf32>
        %parallel_loop3A_710 = arith.constant 15 : i32
        %parallel_loop3A_711 = arith.index_cast %parallel_loop3A_710 : i32 to index
        %parallel_loop3A_712 = arith.index_cast %parallel_loop3A_443 : i32 to index
        %parallel_loop3A_713 = tpu.vector_load %arg9[%parallel_loop3A_711, %parallel_loop3A_712] {strides = array<i32>} : memref<16x768xf32, #tpu.memory_space<vmem>>, vector<1x16xf32>,
        %parallel_loop3A_714 = vector.shape_cast %parallel_loop3A_713 : vector<1x16xf32> to vector<16xf32>
        %parallel_loop3A_715 = vector.shape_cast %parallel_loop3A_709 : vector<16xf32> to vector<1x16xf32>
        tpu.vector_store %arg9[%parallel_loop3A_711, %parallel_loop3A_712], %parallel_loop3A_715 {strides = array<i32>} : memref<16x768xf32, #tpu.memory_space<vmem>>, vector<1x16xf32>,
      } {sc.loop_unroll_factor = 1 : i64, sc.parallel_access}
      %add3A_306 = arith.constant 0 : i32
      %add3A_307 = arith.addi %add3A_306, %mul3A_2 : i32
      %mul3A_308 = arith.constant 16 : i32
      %mul3A_309 = arith.muli %add3A_273, %mul3A_308 : i32
      %add3A_310 = arith.addi %add3A_307, %mul3A_309 : i32
      %min3A_311 = arith.constant 32752 : i32
      %min3A_312 = arith.minsi %add3A_310, %min3A_311 : i32
      %dma_start3A_313 = arith.constant 0 : i32
      %dma_start3A_314 = tpu.memref_slice %arg4[%min3A_312, %dma_start3A_313] : memref<32768x768xf32, #tpu.memory_space<hbm>> -> memref<16x768xf32, #tpu.memory_space<hbm>>
      %dma_start3A_315 = arith.constant 0 : i32
      %dma_start3A_316 = tpu.memref_slice %arg4[%min3A_312, %dma_start3A_315] : memref<32768x768xf32, #tpu.memory_space<hbm>> -> memref<16x768xf32, #tpu.memory_space<hbm>>
      tpu.enqueue_dma source(%arg9 : memref<16x768xf32, #tpu.memory_space<vmem>>) target(%dma_start3A_316 : memref<16x768xf32, #tpu.memory_space<hbm>>) target_semaphore(%arg17 : memref<!tpu.dma_semaphore, #tpu.memory_space<semaphore_mem>>)
      %add3A_317 = arith.constant 24576 : i32
      %add3A_318 = arith.addi %add3A_317, %mul3A_2 : i32
      %mul3A_319 = arith.constant 16 : i32
      %mul3A_320 = arith.muli %add3A_273, %mul3A_319 : i32
      %add3A_321 = arith.addi %add3A_318, %mul3A_320 : i32
      %min3A_322 = arith.constant 32752 : i32
      %min3A_323 = arith.minsi %add3A_321, %min3A_322 : i32
      %dma_start3A_324 = arith.constant 0 : i32
      %dma_start3A_325 = tpu.memref_slice %arg2[%min3A_323, %dma_start3A_324] : memref<32768x768xf32, #tpu.memory_space<hbm>> -> memref<16x768xf32, #tpu.memory_space<hbm>>
      %dma_start3A_326 = arith.constant 0 : i32
      %dma_start3A_327 = tpu.memref_slice %arg2[%min3A_323, %dma_start3A_326] : memref<32768x768xf32, #tpu.memory_space<hbm>> -> memref<16x768xf32, #tpu.memory_space<hbm>>
      tpu.enqueue_dma source(%dma_start3A_327 : memref<16x768xf32, #tpu.memory_space<hbm>>) target(%arg8 : memref<16x768xf32, #tpu.memory_space<vmem>>) target_semaphore(%arg16 : memref<!tpu.dma_semaphore, #tpu.memory_space<semaphore_mem>>)
      %dma_wait3A_328 = arith.constant 0 : i32
      %dma_wait3A_329 = arith.constant 0 : i32
      %dma_wait3A_330 = tpu.memref_slice %arg2[%dma_wait3A_328, %dma_wait3A_329] : memref<32768x768xf32, #tpu.memory_space<hbm>> -> memref<16x768xf32, #tpu.memory_space<hbm>>
      %dma_wait3A_331 = arith.constant 0 : i32
      %dma_wait3A_332 = arith.constant 0 : i32
      %dma_wait3A_333 = tpu.memref_slice %arg2[%dma_wait3A_331, %dma_wait3A_332] : memref<32768x768xf32, #tpu.memory_space<hbm>> -> memref<16x768xf32, #tpu.memory_space<hbm>>
      tpu.wait_dma2 semaphore(%arg14 : memref<!tpu.dma_semaphore, #tpu.memory_space<semaphore_mem>>) src(%dma_wait3A_333 : memref<16x768xf32, #tpu.memory_space<hbm>>) dst(%arg6 : memref<16x768xf32, #tpu.memory_space<vmem>>)
      %dma_wait3A_334 = arith.constant 0 : i32
      %dma_wait3A_335 = arith.constant 0 : i32
      %dma_wait3A_336 = tpu.memref_slice %arg4[%dma_wait3A_334, %dma_wait3A_335] : memref<32768x768xf32, #tpu.memory_space<hbm>> -> memref<16x768xf32, #tpu.memory_space<hbm>>
      %dma_wait3A_337 = arith.constant 0 : i32
      %dma_wait3A_338 = arith.constant 0 : i32
      %dma_wait3A_339 = tpu.memref_slice %arg4[%dma_wait3A_337, %dma_wait3A_338] : memref<32768x768xf32, #tpu.memory_space<hbm>> -> memref<16x768xf32, #tpu.memory_space<hbm>>
      tpu.wait_dma2 semaphore(%arg18 : memref<!tpu.dma_semaphore, #tpu.memory_space<semaphore_mem>>) src(%arg10 : memref<16x768xf32, #tpu.memory_space<vmem>>) dst(%dma_wait3A_339 : memref<16x768xf32, #tpu.memory_space<hbm>>)
      %parallel_loop3A_340 = arith.constant 0 : i32
      %parallel_loop3A_341 = arith.constant 768 : i32
      %parallel_loop3A_342 = arith.constant 16 : i32
      scf.for %parallel_loop3A_443 = %parallel_loop3A_340 to %parallel_loop3A_341 step %parallel_loop3A_342  : i32 {
        %parallel_loop3A_444 = arith.constant 0 : i32
        %parallel_loop3A_445 = arith.index_cast %parallel_loop3A_444 : i32 to index
        %parallel_loop3A_446 = arith.index_cast %parallel_loop3A_443 : i32 to index
        %parallel_loop3A_447 = tpu.vector_load %arg6[%parallel_loop3A_445, %parallel_loop3A_446] {strides = array<i32>} : memref<16x768xf32, #tpu.memory_space<vmem>>, vector<1x16xf32>,
        %parallel_loop3A_448 = vector.shape_cast %parallel_loop3A_447 : vector<1x16xf32> to vector<16xf32>
        %parallel_loop3A_449 = arith.constant 0 : i32
        %parallel_loop3A_450 = arith.index_cast %parallel_loop3A_449 : i32 to index
        %parallel_loop3A_451 = arith.index_cast %parallel_loop3A_443 : i32 to index
        %parallel_loop3A_452 = tpu.vector_load %arg12[%parallel_loop3A_450, %parallel_loop3A_451] {strides = array<i32>} : memref<16x768xf32, #tpu.memory_space<vmem>>, vector<1x16xf32>,
        %parallel_loop3A_453 = vector.shape_cast %parallel_loop3A_452 : vector<1x16xf32> to vector<16xf32>
        %parallel_loop3A_454 = arith.addf %parallel_loop3A_448, %parallel_loop3A_453 : vector<16xf32>
        %parallel_loop3A_455 = arith.constant 0 : i32
        %parallel_loop3A_456 = arith.index_cast %parallel_loop3A_455 : i32 to index
        %parallel_loop3A_457 = arith.index_cast %parallel_loop3A_443 : i32 to index
        %parallel_loop3A_458 = tpu.vector_load %arg10[%parallel_loop3A_456, %parallel_loop3A_457] {strides = array<i32>} : memref<16x768xf32, #tpu.memory_space<vmem>>, vector<1x16xf32>,
        %parallel_loop3A_459 = vector.shape_cast %parallel_loop3A_458 : vector<1x16xf32> to vector<16xf32>
        %parallel_loop3A_460 = vector.shape_cast %parallel_loop3A_454 : vector<16xf32> to vector<1x16xf32>
        tpu.vector_store %arg10[%parallel_loop3A_456, %parallel_loop3A_457], %parallel_loop3A_460 {strides = array<i32>} : memref<16x768xf32, #tpu.memory_space<vmem>>, vector<1x16xf32>,
        %parallel_loop3A_461 = arith.constant 1 : i32
        %parallel_loop3A_462 = arith.index_cast %parallel_loop3A_461 : i32 to index
        %parallel_loop3A_463 = arith.index_cast %parallel_loop3A_443 : i32 to index
        %parallel_loop3A_464 = tpu.vector_load %arg6[%parallel_loop3A_462, %parallel_loop3A_463] {strides = array<i32>} : memref<16x768xf32, #tpu.memory_space<vmem>>, vector<1x16xf32>,
        %parallel_loop3A_465 = vector.shape_cast %parallel_loop3A_464 : vector<1x16xf32> to vector<16xf32>
        %parallel_loop3A_466 = arith.constant 1 : i32
        %parallel_loop3A_467 = arith.index_cast %parallel_loop3A_466 : i32 to index
        %parallel_loop3A_468 = arith.index_cast %parallel_loop3A_443 : i32 to index
        %parallel_loop3A_469 = tpu.vector_load %arg12[%parallel_loop3A_467, %parallel_loop3A_468] {strides = array<i32>} : memref<16x768xf32, #tpu.memory_space<vmem>>, vector<1x16xf32>,
        %parallel_loop3A_470 = vector.shape_cast %parallel_loop3A_469 : vector<1x16xf32> to vector<16xf32>
        %parallel_loop3A_471 = arith.addf %parallel_loop3A_465, %parallel_loop3A_470 : vector<16xf32>
        %parallel_loop3A_472 = arith.constant 1 : i32
        %parallel_loop3A_473 = arith.index_cast %parallel_loop3A_472 : i32 to index
        %parallel_loop3A_474 = arith.index_cast %parallel_loop3A_443 : i32 to index
        %parallel_loop3A_475 = tpu.vector_load %arg10[%parallel_loop3A_473, %parallel_loop3A_474] {strides = array<i32>} : memref<16x768xf32, #tpu.memory_space<vmem>>, vector<1x16xf32>,
        %parallel_loop3A_476 = vector.shape_cast %parallel_loop3A_475 : vector<1x16xf32> to vector<16xf32>
        %parallel_loop3A_477 = vector.shape_cast %parallel_loop3A_471 : vector<16xf32> to vector<1x16xf32>
        tpu.vector_store %arg10[%parallel_loop3A_473, %parallel_loop3A_474], %parallel_loop3A_477 {strides = array<i32>} : memref<16x768xf32, #tpu.memory_space<vmem>>, vector<1x16xf32>,
        %parallel_loop3A_478 = arith.constant 2 : i32
        %parallel_loop3A_479 = arith.index_cast %parallel_loop3A_478 : i32 to index
        %parallel_loop3A_480 = arith.index_cast %parallel_loop3A_443 : i32 to index
        %parallel_loop3A_481 = tpu.vector_load %arg6[%parallel_loop3A_479, %parallel_loop3A_480] {strides = array<i32>} : memref<16x768xf32, #tpu.memory_space<vmem>>, vector<1x16xf32>,
        %parallel_loop3A_482 = vector.shape_cast %parallel_loop3A_481 : vector<1x16xf32> to vector<16xf32>
        %parallel_loop3A_483 = arith.constant 2 : i32
        %parallel_loop3A_484 = arith.index_cast %parallel_loop3A_483 : i32 to index
        %parallel_loop3A_485 = arith.index_cast %parallel_loop3A_443 : i32 to index
        %parallel_loop3A_486 = tpu.vector_load %arg12[%parallel_loop3A_484, %parallel_loop3A_485] {strides = array<i32>} : memref<16x768xf32, #tpu.memory_space<vmem>>, vector<1x16xf32>,
        %parallel_loop3A_487 = vector.shape_cast %parallel_loop3A_486 : vector<1x16xf32> to vector<16xf32>
        %parallel_loop3A_488 = arith.addf %parallel_loop3A_482, %parallel_loop3A_487 : vector<16xf32>
        %parallel_loop3A_489 = arith.constant 2 : i32
        %parallel_loop3A_490 = arith.index_cast %parallel_loop3A_489 : i32 to index
        %parallel_loop3A_491 = arith.index_cast %parallel_loop3A_443 : i32 to index
        %parallel_loop3A_492 = tpu.vector_load %arg10[%parallel_loop3A_490, %parallel_loop3A_491] {strides = array<i32>} : memref<16x768xf32, #tpu.memory_space<vmem>>, vector<1x16xf32>,
        %parallel_loop3A_493 = vector.shape_cast %parallel_loop3A_492 : vector<1x16xf32> to vector<16xf32>
        %parallel_loop3A_494 = vector.shape_cast %parallel_loop3A_488 : vector<16xf32> to vector<1x16xf32>
        tpu.vector_store %arg10[%parallel_loop3A_490, %parallel_loop3A_491], %parallel_loop3A_494 {strides = array<i32>} : memref<16x768xf32, #tpu.memory_space<vmem>>, vector<1x16xf32>,
        %parallel_loop3A_495 = arith.constant 3 : i32
        %parallel_loop3A_496 = arith.index_cast %parallel_loop3A_495 : i32 to index
        %parallel_loop3A_497 = arith.index_cast %parallel_loop3A_443 : i32 to index
        %parallel_loop3A_498 = tpu.vector_load %arg6[%parallel_loop3A_496, %parallel_loop3A_497] {strides = array<i32>} : memref<16x768xf32, #tpu.memory_space<vmem>>, vector<1x16xf32>,
        %parallel_loop3A_499 = vector.shape_cast %parallel_loop3A_498 : vector<1x16xf32> to vector<16xf32>
        %parallel_loop3A_500 = arith.constant 3 : i32
        %parallel_loop3A_501 = arith.index_cast %parallel_loop3A_500 : i32 to index
        %parallel_loop3A_502 = arith.index_cast %parallel_loop3A_443 : i32 to index
        %parallel_loop3A_503 = tpu.vector_load %arg12[%parallel_loop3A_501, %parallel_loop3A_502] {strides = array<i32>} : memref<16x768xf32, #tpu.memory_space<vmem>>, vector<1x16xf32>,
        %parallel_loop3A_504 = vector.shape_cast %parallel_loop3A_503 : vector<1x16xf32> to vector<16xf32>
        %parallel_loop3A_505 = arith.addf %parallel_loop3A_499, %parallel_loop3A_504 : vector<16xf32>
        %parallel_loop3A_506 = arith.constant 3 : i32
        %parallel_loop3A_507 = arith.index_cast %parallel_loop3A_506 : i32 to index
        %parallel_loop3A_508 = arith.index_cast %parallel_loop3A_443 : i32 to index
        %parallel_loop3A_509 = tpu.vector_load %arg10[%parallel_loop3A_507, %parallel_loop3A_508] {strides = array<i32>} : memref<16x768xf32, #tpu.memory_space<vmem>>, vector<1x16xf32>,
        %parallel_loop3A_510 = vector.shape_cast %parallel_loop3A_509 : vector<1x16xf32> to vector<16xf32>
        %parallel_loop3A_511 = vector.shape_cast %parallel_loop3A_505 : vector<16xf32> to vector<1x16xf32>
        tpu.vector_store %arg10[%parallel_loop3A_507, %parallel_loop3A_508], %parallel_loop3A_511 {strides = array<i32>} : memref<16x768xf32, #tpu.memory_space<vmem>>, vector<1x16xf32>,
        %parallel_loop3A_512 = arith.constant 4 : i32
        %parallel_loop3A_513 = arith.index_cast %parallel_loop3A_512 : i32 to index
        %parallel_loop3A_514 = arith.index_cast %parallel_loop3A_443 : i32 to index
        %parallel_loop3A_515 = tpu.vector_load %arg6[%parallel_loop3A_513, %parallel_loop3A_514] {strides = array<i32>} : memref<16x768xf32, #tpu.memory_space<vmem>>, vector<1x16xf32>,
        %parallel_loop3A_516 = vector.shape_cast %parallel_loop3A_515 : vector<1x16xf32> to vector<16xf32>
        %parallel_loop3A_517 = arith.constant 4 : i32
        %parallel_loop3A_518 = arith.index_cast %parallel_loop3A_517 : i32 to index
        %parallel_loop3A_519 = arith.index_cast %parallel_loop3A_443 : i32 to index
        %parallel_loop3A_520 = tpu.vector_load %arg12[%parallel_loop3A_518, %parallel_loop3A_519] {strides = array<i32>} : memref<16x768xf32, #tpu.memory_space<vmem>>, vector<1x16xf32>,
        %parallel_loop3A_521 = vector.shape_cast %parallel_loop3A_520 : vector<1x16xf32> to vector<16xf32>
        %parallel_loop3A_522 = arith.addf %parallel_loop3A_516, %parallel_loop3A_521 : vector<16xf32>
        %parallel_loop3A_523 = arith.constant 4 : i32
        %parallel_loop3A_524 = arith.index_cast %parallel_loop3A_523 : i32 to index
        %parallel_loop3A_525 = arith.index_cast %parallel_loop3A_443 : i32 to index
        %parallel_loop3A_526 = tpu.vector_load %arg10[%parallel_loop3A_524, %parallel_loop3A_525] {strides = array<i32>} : memref<16x768xf32, #tpu.memory_space<vmem>>, vector<1x16xf32>,
        %parallel_loop3A_527 = vector.shape_cast %parallel_loop3A_526 : vector<1x16xf32> to vector<16xf32>
        %parallel_loop3A_528 = vector.shape_cast %parallel_loop3A_522 : vector<16xf32> to vector<1x16xf32>
        tpu.vector_store %arg10[%parallel_loop3A_524, %parallel_loop3A_525], %parallel_loop3A_528 {strides = array<i32>} : memref<16x768xf32, #tpu.memory_space<vmem>>, vector<1x16xf32>,
        %parallel_loop3A_529 = arith.constant 5 : i32
        %parallel_loop3A_530 = arith.index_cast %parallel_loop3A_529 : i32 to index
        %parallel_loop3A_531 = arith.index_cast %parallel_loop3A_443 : i32 to index
        %parallel_loop3A_532 = tpu.vector_load %arg6[%parallel_loop3A_530, %parallel_loop3A_531] {strides = array<i32>} : memref<16x768xf32, #tpu.memory_space<vmem>>, vector<1x16xf32>,
        %parallel_loop3A_533 = vector.shape_cast %parallel_loop3A_532 : vector<1x16xf32> to vector<16xf32>
        %parallel_loop3A_534 = arith.constant 5 : i32
        %parallel_loop3A_535 = arith.index_cast %parallel_loop3A_534 : i32 to index
        %parallel_loop3A_536 = arith.index_cast %parallel_loop3A_443 : i32 to index
        %parallel_loop3A_537 = tpu.vector_load %arg12[%parallel_loop3A_535, %parallel_loop3A_536] {strides = array<i32>} : memref<16x768xf32, #tpu.memory_space<vmem>>, vector<1x16xf32>,
        %parallel_loop3A_538 = vector.shape_cast %parallel_loop3A_537 : vector<1x16xf32> to vector<16xf32>
        %parallel_loop3A_539 = arith.addf %parallel_loop3A_533, %parallel_loop3A_538 : vector<16xf32>
        %parallel_loop3A_540 = arith.constant 5 : i32
        %parallel_loop3A_541 = arith.index_cast %parallel_loop3A_540 : i32 to index
        %parallel_loop3A_542 = arith.index_cast %parallel_loop3A_443 : i32 to index
        %parallel_loop3A_543 = tpu.vector_load %arg10[%parallel_loop3A_541, %parallel_loop3A_542] {strides = array<i32>} : memref<16x768xf32, #tpu.memory_space<vmem>>, vector<1x16xf32>,
        %parallel_loop3A_544 = vector.shape_cast %parallel_loop3A_543 : vector<1x16xf32> to vector<16xf32>
        %parallel_loop3A_545 = vector.shape_cast %parallel_loop3A_539 : vector<16xf32> to vector<1x16xf32>
        tpu.vector_store %arg10[%parallel_loop3A_541, %parallel_loop3A_542], %parallel_loop3A_545 {strides = array<i32>} : memref<16x768xf32, #tpu.memory_space<vmem>>, vector<1x16xf32>,
        %parallel_loop3A_546 = arith.constant 6 : i32
        %parallel_loop3A_547 = arith.index_cast %parallel_loop3A_546 : i32 to index
        %parallel_loop3A_548 = arith.index_cast %parallel_loop3A_443 : i32 to index
        %parallel_loop3A_549 = tpu.vector_load %arg6[%parallel_loop3A_547, %parallel_loop3A_548] {strides = array<i32>} : memref<16x768xf32, #tpu.memory_space<vmem>>, vector<1x16xf32>,
        %parallel_loop3A_550 = vector.shape_cast %parallel_loop3A_549 : vector<1x16xf32> to vector<16xf32>
        %parallel_loop3A_551 = arith.constant 6 : i32
        %parallel_loop3A_552 = arith.index_cast %parallel_loop3A_551 : i32 to index
        %parallel_loop3A_553 = arith.index_cast %parallel_loop3A_443 : i32 to index
        %parallel_loop3A_554 = tpu.vector_load %arg12[%parallel_loop3A_552, %parallel_loop3A_553] {strides = array<i32>} : memref<16x768xf32, #tpu.memory_space<vmem>>, vector<1x16xf32>,
        %parallel_loop3A_555 = vector.shape_cast %parallel_loop3A_554 : vector<1x16xf32> to vector<16xf32>
        %parallel_loop3A_556 = arith.addf %parallel_loop3A_550, %parallel_loop3A_555 : vector<16xf32>
        %parallel_loop3A_557 = arith.constant 6 : i32
        %parallel_loop3A_558 = arith.index_cast %parallel_loop3A_557 : i32 to index
        %parallel_loop3A_559 = arith.index_cast %parallel_loop3A_443 : i32 to index
        %parallel_loop3A_560 = tpu.vector_load %arg10[%parallel_loop3A_558, %parallel_loop3A_559] {strides = array<i32>} : memref<16x768xf32, #tpu.memory_space<vmem>>, vector<1x16xf32>,
        %parallel_loop3A_561 = vector.shape_cast %parallel_loop3A_560 : vector<1x16xf32> to vector<16xf32>
        %parallel_loop3A_562 = vector.shape_cast %parallel_loop3A_556 : vector<16xf32> to vector<1x16xf32>
        tpu.vector_store %arg10[%parallel_loop3A_558, %parallel_loop3A_559], %parallel_loop3A_562 {strides = array<i32>} : memref<16x768xf32, #tpu.memory_space<vmem>>, vector<1x16xf32>,
        %parallel_loop3A_563 = arith.constant 7 : i32
        %parallel_loop3A_564 = arith.index_cast %parallel_loop3A_563 : i32 to index
        %parallel_loop3A_565 = arith.index_cast %parallel_loop3A_443 : i32 to index
        %parallel_loop3A_566 = tpu.vector_load %arg6[%parallel_loop3A_564, %parallel_loop3A_565] {strides = array<i32>} : memref<16x768xf32, #tpu.memory_space<vmem>>, vector<1x16xf32>,
        %parallel_loop3A_567 = vector.shape_cast %parallel_loop3A_566 : vector<1x16xf32> to vector<16xf32>
        %parallel_loop3A_568 = arith.constant 7 : i32
        %parallel_loop3A_569 = arith.index_cast %parallel_loop3A_568 : i32 to index
        %parallel_loop3A_570 = arith.index_cast %parallel_loop3A_443 : i32 to index
        %parallel_loop3A_571 = tpu.vector_load %arg12[%parallel_loop3A_569, %parallel_loop3A_570] {strides = array<i32>} : memref<16x768xf32, #tpu.memory_space<vmem>>, vector<1x16xf32>,
        %parallel_loop3A_572 = vector.shape_cast %parallel_loop3A_571 : vector<1x16xf32> to vector<16xf32>
        %parallel_loop3A_573 = arith.addf %parallel_loop3A_567, %parallel_loop3A_572 : vector<16xf32>
        %parallel_loop3A_574 = arith.constant 7 : i32
        %parallel_loop3A_575 = arith.index_cast %parallel_loop3A_574 : i32 to index
        %parallel_loop3A_576 = arith.index_cast %parallel_loop3A_443 : i32 to index
        %parallel_loop3A_577 = tpu.vector_load %arg10[%parallel_loop3A_575, %parallel_loop3A_576] {strides = array<i32>} : memref<16x768xf32, #tpu.memory_space<vmem>>, vector<1x16xf32>,
        %parallel_loop3A_578 = vector.shape_cast %parallel_loop3A_577 : vector<1x16xf32> to vector<16xf32>
        %parallel_loop3A_579 = vector.shape_cast %parallel_loop3A_573 : vector<16xf32> to vector<1x16xf32>
        tpu.vector_store %arg10[%parallel_loop3A_575, %parallel_loop3A_576], %parallel_loop3A_579 {strides = array<i32>} : memref<16x768xf32, #tpu.memory_space<vmem>>, vector<1x16xf32>,
        %parallel_loop3A_580 = arith.constant 8 : i32
        %parallel_loop3A_581 = arith.index_cast %parallel_loop3A_580 : i32 to index
        %parallel_loop3A_582 = arith.index_cast %parallel_loop3A_443 : i32 to index
        %parallel_loop3A_583 = tpu.vector_load %arg6[%parallel_loop3A_581, %parallel_loop3A_582] {strides = array<i32>} : memref<16x768xf32, #tpu.memory_space<vmem>>, vector<1x16xf32>,
        %parallel_loop3A_584 = vector.shape_cast %parallel_loop3A_583 : vector<1x16xf32> to vector<16xf32>
        %parallel_loop3A_585 = arith.constant 8 : i32
        %parallel_loop3A_586 = arith.index_cast %parallel_loop3A_585 : i32 to index
        %parallel_loop3A_587 = arith.index_cast %parallel_loop3A_443 : i32 to index
        %parallel_loop3A_588 = tpu.vector_load %arg12[%parallel_loop3A_586, %parallel_loop3A_587] {strides = array<i32>} : memref<16x768xf32, #tpu.memory_space<vmem>>, vector<1x16xf32>,
        %parallel_loop3A_589 = vector.shape_cast %parallel_loop3A_588 : vector<1x16xf32> to vector<16xf32>
        %parallel_loop3A_590 = arith.addf %parallel_loop3A_584, %parallel_loop3A_589 : vector<16xf32>
        %parallel_loop3A_591 = arith.constant 8 : i32
        %parallel_loop3A_592 = arith.index_cast %parallel_loop3A_591 : i32 to index
        %parallel_loop3A_593 = arith.index_cast %parallel_loop3A_443 : i32 to index
        %parallel_loop3A_594 = tpu.vector_load %arg10[%parallel_loop3A_592, %parallel_loop3A_593] {strides = array<i32>} : memref<16x768xf32, #tpu.memory_space<vmem>>, vector<1x16xf32>,
        %parallel_loop3A_595 = vector.shape_cast %parallel_loop3A_594 : vector<1x16xf32> to vector<16xf32>
        %parallel_loop3A_596 = vector.shape_cast %parallel_loop3A_590 : vector<16xf32> to vector<1x16xf32>
        tpu.vector_store %arg10[%parallel_loop3A_592, %parallel_loop3A_593], %parallel_loop3A_596 {strides = array<i32>} : memref<16x768xf32, #tpu.memory_space<vmem>>, vector<1x16xf32>,
        %parallel_loop3A_597 = arith.constant 9 : i32
        %parallel_loop3A_598 = arith.index_cast %parallel_loop3A_597 : i32 to index
        %parallel_loop3A_599 = arith.index_cast %parallel_loop3A_443 : i32 to index
        %parallel_loop3A_600 = tpu.vector_load %arg6[%parallel_loop3A_598, %parallel_loop3A_599] {strides = array<i32>} : memref<16x768xf32, #tpu.memory_space<vmem>>, vector<1x16xf32>,
        %parallel_loop3A_601 = vector.shape_cast %parallel_loop3A_600 : vector<1x16xf32> to vector<16xf32>
        %parallel_loop3A_602 = arith.constant 9 : i32
        %parallel_loop3A_603 = arith.index_cast %parallel_loop3A_602 : i32 to index
        %parallel_loop3A_604 = arith.index_cast %parallel_loop3A_443 : i32 to index
        %parallel_loop3A_605 = tpu.vector_load %arg12[%parallel_loop3A_603, %parallel_loop3A_604] {strides = array<i32>} : memref<16x768xf32, #tpu.memory_space<vmem>>, vector<1x16xf32>,
        %parallel_loop3A_606 = vector.shape_cast %parallel_loop3A_605 : vector<1x16xf32> to vector<16xf32>
        %parallel_loop3A_607 = arith.addf %parallel_loop3A_601, %parallel_loop3A_606 : vector<16xf32>
        %parallel_loop3A_608 = arith.constant 9 : i32
        %parallel_loop3A_609 = arith.index_cast %parallel_loop3A_608 : i32 to index
        %parallel_loop3A_610 = arith.index_cast %parallel_loop3A_443 : i32 to index
        %parallel_loop3A_611 = tpu.vector_load %arg10[%parallel_loop3A_609, %parallel_loop3A_610] {strides = array<i32>} : memref<16x768xf32, #tpu.memory_space<vmem>>, vector<1x16xf32>,
        %parallel_loop3A_612 = vector.shape_cast %parallel_loop3A_611 : vector<1x16xf32> to vector<16xf32>
        %parallel_loop3A_613 = vector.shape_cast %parallel_loop3A_607 : vector<16xf32> to vector<1x16xf32>
        tpu.vector_store %arg10[%parallel_loop3A_609, %parallel_loop3A_610], %parallel_loop3A_613 {strides = array<i32>} : memref<16x768xf32, #tpu.memory_space<vmem>>, vector<1x16xf32>,
        %parallel_loop3A_614 = arith.constant 10 : i32
        %parallel_loop3A_615 = arith.index_cast %parallel_loop3A_614 : i32 to index
        %parallel_loop3A_616 = arith.index_cast %parallel_loop3A_443 : i32 to index
        %parallel_loop3A_617 = tpu.vector_load %arg6[%parallel_loop3A_615, %parallel_loop3A_616] {strides = array<i32>} : memref<16x768xf32, #tpu.memory_space<vmem>>, vector<1x16xf32>,
        %parallel_loop3A_618 = vector.shape_cast %parallel_loop3A_617 : vector<1x16xf32> to vector<16xf32>
        %parallel_loop3A_619 = arith.constant 10 : i32
        %parallel_loop3A_620 = arith.index_cast %parallel_loop3A_619 : i32 to index
        %parallel_loop3A_621 = arith.index_cast %parallel_loop3A_443 : i32 to index
        %parallel_loop3A_622 = tpu.vector_load %arg12[%parallel_loop3A_620, %parallel_loop3A_621] {strides = array<i32>} : memref<16x768xf32, #tpu.memory_space<vmem>>, vector<1x16xf32>,
        %parallel_loop3A_623 = vector.shape_cast %parallel_loop3A_622 : vector<1x16xf32> to vector<16xf32>
        %parallel_loop3A_624 = arith.addf %parallel_loop3A_618, %parallel_loop3A_623 : vector<16xf32>
        %parallel_loop3A_625 = arith.constant 10 : i32
        %parallel_loop3A_626 = arith.index_cast %parallel_loop3A_625 : i32 to index
        %parallel_loop3A_627 = arith.index_cast %parallel_loop3A_443 : i32 to index
        %parallel_loop3A_628 = tpu.vector_load %arg10[%parallel_loop3A_626, %parallel_loop3A_627] {strides = array<i32>} : memref<16x768xf32, #tpu.memory_space<vmem>>, vector<1x16xf32>,
        %parallel_loop3A_629 = vector.shape_cast %parallel_loop3A_628 : vector<1x16xf32> to vector<16xf32>
        %parallel_loop3A_630 = vector.shape_cast %parallel_loop3A_624 : vector<16xf32> to vector<1x16xf32>
        tpu.vector_store %arg10[%parallel_loop3A_626, %parallel_loop3A_627], %parallel_loop3A_630 {strides = array<i32>} : memref<16x768xf32, #tpu.memory_space<vmem>>, vector<1x16xf32>,
        %parallel_loop3A_631 = arith.constant 11 : i32
        %parallel_loop3A_632 = arith.index_cast %parallel_loop3A_631 : i32 to index
        %parallel_loop3A_633 = arith.index_cast %parallel_loop3A_443 : i32 to index
        %parallel_loop3A_634 = tpu.vector_load %arg6[%parallel_loop3A_632, %parallel_loop3A_633] {strides = array<i32>} : memref<16x768xf32, #tpu.memory_space<vmem>>, vector<1x16xf32>,
        %parallel_loop3A_635 = vector.shape_cast %parallel_loop3A_634 : vector<1x16xf32> to vector<16xf32>
        %parallel_loop3A_636 = arith.constant 11 : i32
        %parallel_loop3A_637 = arith.index_cast %parallel_loop3A_636 : i32 to index
        %parallel_loop3A_638 = arith.index_cast %parallel_loop3A_443 : i32 to index
        %parallel_loop3A_639 = tpu.vector_load %arg12[%parallel_loop3A_637, %parallel_loop3A_638] {strides = array<i32>} : memref<16x768xf32, #tpu.memory_space<vmem>>, vector<1x16xf32>,
        %parallel_loop3A_640 = vector.shape_cast %parallel_loop3A_639 : vector<1x16xf32> to vector<16xf32>
        %parallel_loop3A_641 = arith.addf %parallel_loop3A_635, %parallel_loop3A_640 : vector<16xf32>
        %parallel_loop3A_642 = arith.constant 11 : i32
        %parallel_loop3A_643 = arith.index_cast %parallel_loop3A_642 : i32 to index
        %parallel_loop3A_644 = arith.index_cast %parallel_loop3A_443 : i32 to index
        %parallel_loop3A_645 = tpu.vector_load %arg10[%parallel_loop3A_643, %parallel_loop3A_644] {strides = array<i32>} : memref<16x768xf32, #tpu.memory_space<vmem>>, vector<1x16xf32>,
        %parallel_loop3A_646 = vector.shape_cast %parallel_loop3A_645 : vector<1x16xf32> to vector<16xf32>
        %parallel_loop3A_647 = vector.shape_cast %parallel_loop3A_641 : vector<16xf32> to vector<1x16xf32>
        tpu.vector_store %arg10[%parallel_loop3A_643, %parallel_loop3A_644], %parallel_loop3A_647 {strides = array<i32>} : memref<16x768xf32, #tpu.memory_space<vmem>>, vector<1x16xf32>,
        %parallel_loop3A_648 = arith.constant 12 : i32
        %parallel_loop3A_649 = arith.index_cast %parallel_loop3A_648 : i32 to index
        %parallel_loop3A_650 = arith.index_cast %parallel_loop3A_443 : i32 to index
        %parallel_loop3A_651 = tpu.vector_load %arg6[%parallel_loop3A_649, %parallel_loop3A_650] {strides = array<i32>} : memref<16x768xf32, #tpu.memory_space<vmem>>, vector<1x16xf32>,
        %parallel_loop3A_652 = vector.shape_cast %parallel_loop3A_651 : vector<1x16xf32> to vector<16xf32>
        %parallel_loop3A_653 = arith.constant 12 : i32
        %parallel_loop3A_654 = arith.index_cast %parallel_loop3A_653 : i32 to index
        %parallel_loop3A_655 = arith.index_cast %parallel_loop3A_443 : i32 to index
        %parallel_loop3A_656 = tpu.vector_load %arg12[%parallel_loop3A_654, %parallel_loop3A_655] {strides = array<i32>} : memref<16x768xf32, #tpu.memory_space<vmem>>, vector<1x16xf32>,
        %parallel_loop3A_657 = vector.shape_cast %parallel_loop3A_656 : vector<1x16xf32> to vector<16xf32>
        %parallel_loop3A_658 = arith.addf %parallel_loop3A_652, %parallel_loop3A_657 : vector<16xf32>
        %parallel_loop3A_659 = arith.constant 12 : i32
        %parallel_loop3A_660 = arith.index_cast %parallel_loop3A_659 : i32 to index
        %parallel_loop3A_661 = arith.index_cast %parallel_loop3A_443 : i32 to index
        %parallel_loop3A_662 = tpu.vector_load %arg10[%parallel_loop3A_660, %parallel_loop3A_661] {strides = array<i32>} : memref<16x768xf32, #tpu.memory_space<vmem>>, vector<1x16xf32>,
        %parallel_loop3A_663 = vector.shape_cast %parallel_loop3A_662 : vector<1x16xf32> to vector<16xf32>
        %parallel_loop3A_664 = vector.shape_cast %parallel_loop3A_658 : vector<16xf32> to vector<1x16xf32>
        tpu.vector_store %arg10[%parallel_loop3A_660, %parallel_loop3A_661], %parallel_loop3A_664 {strides = array<i32>} : memref<16x768xf32, #tpu.memory_space<vmem>>, vector<1x16xf32>,
        %parallel_loop3A_665 = arith.constant 13 : i32
        %parallel_loop3A_666 = arith.index_cast %parallel_loop3A_665 : i32 to index
        %parallel_loop3A_667 = arith.index_cast %parallel_loop3A_443 : i32 to index
        %parallel_loop3A_668 = tpu.vector_load %arg6[%parallel_loop3A_666, %parallel_loop3A_667] {strides = array<i32>} : memref<16x768xf32, #tpu.memory_space<vmem>>, vector<1x16xf32>,
        %parallel_loop3A_669 = vector.shape_cast %parallel_loop3A_668 : vector<1x16xf32> to vector<16xf32>
        %parallel_loop3A_670 = arith.constant 13 : i32
        %parallel_loop3A_671 = arith.index_cast %parallel_loop3A_670 : i32 to index
        %parallel_loop3A_672 = arith.index_cast %parallel_loop3A_443 : i32 to index
        %parallel_loop3A_673 = tpu.vector_load %arg12[%parallel_loop3A_671, %parallel_loop3A_672] {strides = array<i32>} : memref<16x768xf32, #tpu.memory_space<vmem>>, vector<1x16xf32>,
        %parallel_loop3A_674 = vector.shape_cast %parallel_loop3A_673 : vector<1x16xf32> to vector<16xf32>
        %parallel_loop3A_675 = arith.addf %parallel_loop3A_669, %parallel_loop3A_674 : vector<16xf32>
        %parallel_loop3A_676 = arith.constant 13 : i32
        %parallel_loop3A_677 = arith.index_cast %parallel_loop3A_676 : i32 to index
        %parallel_loop3A_678 = arith.index_cast %parallel_loop3A_443 : i32 to index
        %parallel_loop3A_679 = tpu.vector_load %arg10[%parallel_loop3A_677, %parallel_loop3A_678] {strides = array<i32>} : memref<16x768xf32, #tpu.memory_space<vmem>>, vector<1x16xf32>,
        %parallel_loop3A_680 = vector.shape_cast %parallel_loop3A_679 : vector<1x16xf32> to vector<16xf32>
        %parallel_loop3A_681 = vector.shape_cast %parallel_loop3A_675 : vector<16xf32> to vector<1x16xf32>
        tpu.vector_store %arg10[%parallel_loop3A_677, %parallel_loop3A_678], %parallel_loop3A_681 {strides = array<i32>} : memref<16x768xf32, #tpu.memory_space<vmem>>, vector<1x16xf32>,
        %parallel_loop3A_682 = arith.constant 14 : i32
        %parallel_loop3A_683 = arith.index_cast %parallel_loop3A_682 : i32 to index
        %parallel_loop3A_684 = arith.index_cast %parallel_loop3A_443 : i32 to index
        %parallel_loop3A_685 = tpu.vector_load %arg6[%parallel_loop3A_683, %parallel_loop3A_684] {strides = array<i32>} : memref<16x768xf32, #tpu.memory_space<vmem>>, vector<1x16xf32>,
        %parallel_loop3A_686 = vector.shape_cast %parallel_loop3A_685 : vector<1x16xf32> to vector<16xf32>
        %parallel_loop3A_687 = arith.constant 14 : i32
        %parallel_loop3A_688 = arith.index_cast %parallel_loop3A_687 : i32 to index
        %parallel_loop3A_689 = arith.index_cast %parallel_loop3A_443 : i32 to index
        %parallel_loop3A_690 = tpu.vector_load %arg12[%parallel_loop3A_688, %parallel_loop3A_689] {strides = array<i32>} : memref<16x768xf32, #tpu.memory_space<vmem>>, vector<1x16xf32>,
        %parallel_loop3A_691 = vector.shape_cast %parallel_loop3A_690 : vector<1x16xf32> to vector<16xf32>
        %parallel_loop3A_692 = arith.addf %parallel_loop3A_686, %parallel_loop3A_691 : vector<16xf32>
        %parallel_loop3A_693 = arith.constant 14 : i32
        %parallel_loop3A_694 = arith.index_cast %parallel_loop3A_693 : i32 to index
        %parallel_loop3A_695 = arith.index_cast %parallel_loop3A_443 : i32 to index
        %parallel_loop3A_696 = tpu.vector_load %arg10[%parallel_loop3A_694, %parallel_loop3A_695] {strides = array<i32>} : memref<16x768xf32, #tpu.memory_space<vmem>>, vector<1x16xf32>,
        %parallel_loop3A_697 = vector.shape_cast %parallel_loop3A_696 : vector<1x16xf32> to vector<16xf32>
        %parallel_loop3A_698 = vector.shape_cast %parallel_loop3A_692 : vector<16xf32> to vector<1x16xf32>
        tpu.vector_store %arg10[%parallel_loop3A_694, %parallel_loop3A_695], %parallel_loop3A_698 {strides = array<i32>} : memref<16x768xf32, #tpu.memory_space<vmem>>, vector<1x16xf32>,
        %parallel_loop3A_699 = arith.constant 15 : i32
        %parallel_loop3A_700 = arith.index_cast %parallel_loop3A_699 : i32 to index
        %parallel_loop3A_701 = arith.index_cast %parallel_loop3A_443 : i32 to index
        %parallel_loop3A_702 = tpu.vector_load %arg6[%parallel_loop3A_700, %parallel_loop3A_701] {strides = array<i32>} : memref<16x768xf32, #tpu.memory_space<vmem>>, vector<1x16xf32>,
        %parallel_loop3A_703 = vector.shape_cast %parallel_loop3A_702 : vector<1x16xf32> to vector<16xf32>
        %parallel_loop3A_704 = arith.constant 15 : i32
        %parallel_loop3A_705 = arith.index_cast %parallel_loop3A_704 : i32 to index
        %parallel_loop3A_706 = arith.index_cast %parallel_loop3A_443 : i32 to index
        %parallel_loop3A_707 = tpu.vector_load %arg12[%parallel_loop3A_705, %parallel_loop3A_706] {strides = array<i32>} : memref<16x768xf32, #tpu.memory_space<vmem>>, vector<1x16xf32>,
        %parallel_loop3A_708 = vector.shape_cast %parallel_loop3A_707 : vector<1x16xf32> to vector<16xf32>
        %parallel_loop3A_709 = arith.addf %parallel_loop3A_703, %parallel_loop3A_708 : vector<16xf32>
        %parallel_loop3A_710 = arith.constant 15 : i32
        %parallel_loop3A_711 = arith.index_cast %parallel_loop3A_710 : i32 to index
        %parallel_loop3A_712 = arith.index_cast %parallel_loop3A_443 : i32 to index
        %parallel_loop3A_713 = tpu.vector_load %arg10[%parallel_loop3A_711, %parallel_loop3A_712] {strides = array<i32>} : memref<16x768xf32, #tpu.memory_space<vmem>>, vector<1x16xf32>,
        %parallel_loop3A_714 = vector.shape_cast %parallel_loop3A_713 : vector<1x16xf32> to vector<16xf32>
        %parallel_loop3A_715 = vector.shape_cast %parallel_loop3A_709 : vector<16xf32> to vector<1x16xf32>
        tpu.vector_store %arg10[%parallel_loop3A_711, %parallel_loop3A_712], %parallel_loop3A_715 {strides = array<i32>} : memref<16x768xf32, #tpu.memory_space<vmem>>, vector<1x16xf32>,
      } {sc.loop_unroll_factor = 1 : i64, sc.parallel_access}
      %add3A_343 = arith.constant 8192 : i32
      %add3A_344 = arith.addi %add3A_343, %mul3A_2 : i32
      %mul3A_345 = arith.constant 16 : i32
      %mul3A_346 = arith.muli %add3A_273, %mul3A_345 : i32
      %add3A_347 = arith.addi %add3A_344, %mul3A_346 : i32
      %min3A_348 = arith.constant 32752 : i32
      %min3A_349 = arith.minsi %add3A_347, %min3A_348 : i32
      %dma_start3A_350 = arith.constant 0 : i32
      %dma_start3A_351 = tpu.memref_slice %arg4[%min3A_349, %dma_start3A_350] : memref<32768x768xf32, #tpu.memory_space<hbm>> -> memref<16x768xf32, #tpu.memory_space<hbm>>
      %dma_start3A_352 = arith.constant 0 : i32
      %dma_start3A_353 = tpu.memref_slice %arg4[%min3A_349, %dma_start3A_352] : memref<32768x768xf32, #tpu.memory_space<hbm>> -> memref<16x768xf32, #tpu.memory_space<hbm>>
      tpu.enqueue_dma source(%arg10 : memref<16x768xf32, #tpu.memory_space<vmem>>) target(%dma_start3A_353 : memref<16x768xf32, #tpu.memory_space<hbm>>) target_semaphore(%arg18 : memref<!tpu.dma_semaphore, #tpu.memory_space<semaphore_mem>>)
      %add3A_354 = arith.constant 1 : i32
      %add3A_355 = arith.addi %add3A_273, %add3A_354 : i32
      %add3A_356 = arith.constant 0 : i32
      %add3A_357 = arith.addi %add3A_356, %mul3A_2 : i32
      %mul3A_358 = arith.constant 16 : i32
      %mul3A_359 = arith.muli %add3A_355, %mul3A_358 : i32
      %add3A_360 = arith.addi %add3A_357, %mul3A_359 : i32
      %min3A_361 = arith.constant 32752 : i32
      %min3A_362 = arith.minsi %add3A_360, %min3A_361 : i32
      %dma_start3A_363 = arith.constant 0 : i32
      %dma_start3A_364 = tpu.memref_slice %arg2[%min3A_362, %dma_start3A_363] : memref<32768x768xf32, #tpu.memory_space<hbm>> -> memref<16x768xf32, #tpu.memory_space<hbm>>
      %dma_start3A_365 = arith.constant 0 : i32
      %dma_start3A_366 = tpu.memref_slice %arg2[%min3A_362, %dma_start3A_365] : memref<32768x768xf32, #tpu.memory_space<hbm>> -> memref<16x768xf32, #tpu.memory_space<hbm>>
      tpu.enqueue_dma source(%dma_start3A_366 : memref<16x768xf32, #tpu.memory_space<hbm>>) target(%arg5 : memref<16x768xf32, #tpu.memory_space<vmem>>) target_semaphore(%arg13 : memref<!tpu.dma_semaphore, #tpu.memory_space<semaphore_mem>>)
      %dma_wait3A_367 = arith.constant 0 : i32
      %dma_wait3A_368 = arith.constant 0 : i32
      %dma_wait3A_369 = tpu.memref_slice %arg2[%dma_wait3A_367, %dma_wait3A_368] : memref<32768x768xf32, #tpu.memory_space<hbm>> -> memref<16x768xf32, #tpu.memory_space<hbm>>
      %dma_wait3A_370 = arith.constant 0 : i32
      %dma_wait3A_371 = arith.constant 0 : i32
      %dma_wait3A_372 = tpu.memref_slice %arg2[%dma_wait3A_370, %dma_wait3A_371] : memref<32768x768xf32, #tpu.memory_space<hbm>> -> memref<16x768xf32, #tpu.memory_space<hbm>>
      tpu.wait_dma2 semaphore(%arg15 : memref<!tpu.dma_semaphore, #tpu.memory_space<semaphore_mem>>) src(%dma_wait3A_372 : memref<16x768xf32, #tpu.memory_space<hbm>>) dst(%arg7 : memref<16x768xf32, #tpu.memory_space<vmem>>)
      %dma_wait3A_373 = arith.constant 0 : i32
      %dma_wait3A_374 = arith.constant 0 : i32
      %dma_wait3A_375 = tpu.memref_slice %arg4[%dma_wait3A_373, %dma_wait3A_374] : memref<32768x768xf32, #tpu.memory_space<hbm>> -> memref<16x768xf32, #tpu.memory_space<hbm>>
      %dma_wait3A_376 = arith.constant 0 : i32
      %dma_wait3A_377 = arith.constant 0 : i32
      %dma_wait3A_378 = tpu.memref_slice %arg4[%dma_wait3A_376, %dma_wait3A_377] : memref<32768x768xf32, #tpu.memory_space<hbm>> -> memref<16x768xf32, #tpu.memory_space<hbm>>
      tpu.wait_dma2 semaphore(%arg17 : memref<!tpu.dma_semaphore, #tpu.memory_space<semaphore_mem>>) src(%arg9 : memref<16x768xf32, #tpu.memory_space<vmem>>) dst(%dma_wait3A_378 : memref<16x768xf32, #tpu.memory_space<hbm>>)
      %parallel_loop3A_379 = arith.constant 0 : i32
      %parallel_loop3A_380 = arith.constant 768 : i32
      %parallel_loop3A_381 = arith.constant 16 : i32
      scf.for %parallel_loop3A_443 = %parallel_loop3A_379 to %parallel_loop3A_380 step %parallel_loop3A_381  : i32 {
        %parallel_loop3A_444 = arith.constant 0 : i32
        %parallel_loop3A_445 = arith.index_cast %parallel_loop3A_444 : i32 to index
        %parallel_loop3A_446 = arith.index_cast %parallel_loop3A_443 : i32 to index
        %parallel_loop3A_447 = tpu.vector_load %arg7[%parallel_loop3A_445, %parallel_loop3A_446] {strides = array<i32>} : memref<16x768xf32, #tpu.memory_space<vmem>>, vector<1x16xf32>,
        %parallel_loop3A_448 = vector.shape_cast %parallel_loop3A_447 : vector<1x16xf32> to vector<16xf32>
        %parallel_loop3A_449 = arith.constant 0 : i32
        %parallel_loop3A_450 = arith.index_cast %parallel_loop3A_449 : i32 to index
        %parallel_loop3A_451 = arith.index_cast %parallel_loop3A_443 : i32 to index
        %parallel_loop3A_452 = tpu.vector_load %arg12[%parallel_loop3A_450, %parallel_loop3A_451] {strides = array<i32>} : memref<16x768xf32, #tpu.memory_space<vmem>>, vector<1x16xf32>,
        %parallel_loop3A_453 = vector.shape_cast %parallel_loop3A_452 : vector<1x16xf32> to vector<16xf32>
        %parallel_loop3A_454 = arith.addf %parallel_loop3A_448, %parallel_loop3A_453 : vector<16xf32>
        %parallel_loop3A_455 = arith.constant 0 : i32
        %parallel_loop3A_456 = arith.index_cast %parallel_loop3A_455 : i32 to index
        %parallel_loop3A_457 = arith.index_cast %parallel_loop3A_443 : i32 to index
        %parallel_loop3A_458 = tpu.vector_load %arg9[%parallel_loop3A_456, %parallel_loop3A_457] {strides = array<i32>} : memref<16x768xf32, #tpu.memory_space<vmem>>, vector<1x16xf32>,
        %parallel_loop3A_459 = vector.shape_cast %parallel_loop3A_458 : vector<1x16xf32> to vector<16xf32>
        %parallel_loop3A_460 = vector.shape_cast %parallel_loop3A_454 : vector<16xf32> to vector<1x16xf32>
        tpu.vector_store %arg9[%parallel_loop3A_456, %parallel_loop3A_457], %parallel_loop3A_460 {strides = array<i32>} : memref<16x768xf32, #tpu.memory_space<vmem>>, vector<1x16xf32>,
        %parallel_loop3A_461 = arith.constant 1 : i32
        %parallel_loop3A_462 = arith.index_cast %parallel_loop3A_461 : i32 to index
        %parallel_loop3A_463 = arith.index_cast %parallel_loop3A_443 : i32 to index
        %parallel_loop3A_464 = tpu.vector_load %arg7[%parallel_loop3A_462, %parallel_loop3A_463] {strides = array<i32>} : memref<16x768xf32, #tpu.memory_space<vmem>>, vector<1x16xf32>,
        %parallel_loop3A_465 = vector.shape_cast %parallel_loop3A_464 : vector<1x16xf32> to vector<16xf32>
        %parallel_loop3A_466 = arith.constant 1 : i32
        %parallel_loop3A_467 = arith.index_cast %parallel_loop3A_466 : i32 to index
        %parallel_loop3A_468 = arith.index_cast %parallel_loop3A_443 : i32 to index
        %parallel_loop3A_469 = tpu.vector_load %arg12[%parallel_loop3A_467, %parallel_loop3A_468] {strides = array<i32>} : memref<16x768xf32, #tpu.memory_space<vmem>>, vector<1x16xf32>,
        %parallel_loop3A_470 = vector.shape_cast %parallel_loop3A_469 : vector<1x16xf32> to vector<16xf32>
        %parallel_loop3A_471 = arith.addf %parallel_loop3A_465, %parallel_loop3A_470 : vector<16xf32>
        %parallel_loop3A_472 = arith.constant 1 : i32
        %parallel_loop3A_473 = arith.index_cast %parallel_loop3A_472 : i32 to index
        %parallel_loop3A_474 = arith.index_cast %parallel_loop3A_443 : i32 to index
        %parallel_loop3A_475 = tpu.vector_load %arg9[%parallel_loop3A_473, %parallel_loop3A_474] {strides = array<i32>} : memref<16x768xf32, #tpu.memory_space<vmem>>, vector<1x16xf32>,
        %parallel_loop3A_476 = vector.shape_cast %parallel_loop3A_475 : vector<1x16xf32> to vector<16xf32>
        %parallel_loop3A_477 = vector.shape_cast %parallel_loop3A_471 : vector<16xf32> to vector<1x16xf32>
        tpu.vector_store %arg9[%parallel_loop3A_473, %parallel_loop3A_474], %parallel_loop3A_477 {strides = array<i32>} : memref<16x768xf32, #tpu.memory_space<vmem>>, vector<1x16xf32>,
        %parallel_loop3A_478 = arith.constant 2 : i32
        %parallel_loop3A_479 = arith.index_cast %parallel_loop3A_478 : i32 to index
        %parallel_loop3A_480 = arith.index_cast %parallel_loop3A_443 : i32 to index
        %parallel_loop3A_481 = tpu.vector_load %arg7[%parallel_loop3A_479, %parallel_loop3A_480] {strides = array<i32>} : memref<16x768xf32, #tpu.memory_space<vmem>>, vector<1x16xf32>,
        %parallel_loop3A_482 = vector.shape_cast %parallel_loop3A_481 : vector<1x16xf32> to vector<16xf32>
        %parallel_loop3A_483 = arith.constant 2 : i32
        %parallel_loop3A_484 = arith.index_cast %parallel_loop3A_483 : i32 to index
        %parallel_loop3A_485 = arith.index_cast %parallel_loop3A_443 : i32 to index
        %parallel_loop3A_486 = tpu.vector_load %arg12[%parallel_loop3A_484, %parallel_loop3A_485] {strides = array<i32>} : memref<16x768xf32, #tpu.memory_space<vmem>>, vector<1x16xf32>,
        %parallel_loop3A_487 = vector.shape_cast %parallel_loop3A_486 : vector<1x16xf32> to vector<16xf32>
        %parallel_loop3A_488 = arith.addf %parallel_loop3A_482, %parallel_loop3A_487 : vector<16xf32>
        %parallel_loop3A_489 = arith.constant 2 : i32
        %parallel_loop3A_490 = arith.index_cast %parallel_loop3A_489 : i32 to index
        %parallel_loop3A_491 = arith.index_cast %parallel_loop3A_443 : i32 to index
        %parallel_loop3A_492 = tpu.vector_load %arg9[%parallel_loop3A_490, %parallel_loop3A_491] {strides = array<i32>} : memref<16x768xf32, #tpu.memory_space<vmem>>, vector<1x16xf32>,
        %parallel_loop3A_493 = vector.shape_cast %parallel_loop3A_492 : vector<1x16xf32> to vector<16xf32>
        %parallel_loop3A_494 = vector.shape_cast %parallel_loop3A_488 : vector<16xf32> to vector<1x16xf32>
        tpu.vector_store %arg9[%parallel_loop3A_490, %parallel_loop3A_491], %parallel_loop3A_494 {strides = array<i32>} : memref<16x768xf32, #tpu.memory_space<vmem>>, vector<1x16xf32>,
        %parallel_loop3A_495 = arith.constant 3 : i32
        %parallel_loop3A_496 = arith.index_cast %parallel_loop3A_495 : i32 to index
        %parallel_loop3A_497 = arith.index_cast %parallel_loop3A_443 : i32 to index
        %parallel_loop3A_498 = tpu.vector_load %arg7[%parallel_loop3A_496, %parallel_loop3A_497] {strides = array<i32>} : memref<16x768xf32, #tpu.memory_space<vmem>>, vector<1x16xf32>,
        %parallel_loop3A_499 = vector.shape_cast %parallel_loop3A_498 : vector<1x16xf32> to vector<16xf32>
        %parallel_loop3A_500 = arith.constant 3 : i32
        %parallel_loop3A_501 = arith.index_cast %parallel_loop3A_500 : i32 to index
        %parallel_loop3A_502 = arith.index_cast %parallel_loop3A_443 : i32 to index
        %parallel_loop3A_503 = tpu.vector_load %arg12[%parallel_loop3A_501, %parallel_loop3A_502] {strides = array<i32>} : memref<16x768xf32, #tpu.memory_space<vmem>>, vector<1x16xf32>,
        %parallel_loop3A_504 = vector.shape_cast %parallel_loop3A_503 : vector<1x16xf32> to vector<16xf32>
        %parallel_loop3A_505 = arith.addf %parallel_loop3A_499, %parallel_loop3A_504 : vector<16xf32>
        %parallel_loop3A_506 = arith.constant 3 : i32
        %parallel_loop3A_507 = arith.index_cast %parallel_loop3A_506 : i32 to index
        %parallel_loop3A_508 = arith.index_cast %parallel_loop3A_443 : i32 to index
        %parallel_loop3A_509 = tpu.vector_load %arg9[%parallel_loop3A_507, %parallel_loop3A_508] {strides = array<i32>} : memref<16x768xf32, #tpu.memory_space<vmem>>, vector<1x16xf32>,
        %parallel_loop3A_510 = vector.shape_cast %parallel_loop3A_509 : vector<1x16xf32> to vector<16xf32>
        %parallel_loop3A_511 = vector.shape_cast %parallel_loop3A_505 : vector<16xf32> to vector<1x16xf32>
        tpu.vector_store %arg9[%parallel_loop3A_507, %parallel_loop3A_508], %parallel_loop3A_511 {strides = array<i32>} : memref<16x768xf32, #tpu.memory_space<vmem>>, vector<1x16xf32>,
        %parallel_loop3A_512 = arith.constant 4 : i32
        %parallel_loop3A_513 = arith.index_cast %parallel_loop3A_512 : i32 to index
        %parallel_loop3A_514 = arith.index_cast %parallel_loop3A_443 : i32 to index
        %parallel_loop3A_515 = tpu.vector_load %arg7[%parallel_loop3A_513, %parallel_loop3A_514] {strides = array<i32>} : memref<16x768xf32, #tpu.memory_space<vmem>>, vector<1x16xf32>,
        %parallel_loop3A_516 = vector.shape_cast %parallel_loop3A_515 : vector<1x16xf32> to vector<16xf32>
        %parallel_loop3A_517 = arith.constant 4 : i32
        %parallel_loop3A_518 = arith.index_cast %parallel_loop3A_517 : i32 to index
        %parallel_loop3A_519 = arith.index_cast %parallel_loop3A_443 : i32 to index
        %parallel_loop3A_520 = tpu.vector_load %arg12[%parallel_loop3A_518, %parallel_loop3A_519] {strides = array<i32>} : memref<16x768xf32, #tpu.memory_space<vmem>>, vector<1x16xf32>,
        %parallel_loop3A_521 = vector.shape_cast %parallel_loop3A_520 : vector<1x16xf32> to vector<16xf32>
        %parallel_loop3A_522 = arith.addf %parallel_loop3A_516, %parallel_loop3A_521 : vector<16xf32>
        %parallel_loop3A_523 = arith.constant 4 : i32
        %parallel_loop3A_524 = arith.index_cast %parallel_loop3A_523 : i32 to index
        %parallel_loop3A_525 = arith.index_cast %parallel_loop3A_443 : i32 to index
        %parallel_loop3A_526 = tpu.vector_load %arg9[%parallel_loop3A_524, %parallel_loop3A_525] {strides = array<i32>} : memref<16x768xf32, #tpu.memory_space<vmem>>, vector<1x16xf32>,
        %parallel_loop3A_527 = vector.shape_cast %parallel_loop3A_526 : vector<1x16xf32> to vector<16xf32>
        %parallel_loop3A_528 = vector.shape_cast %parallel_loop3A_522 : vector<16xf32> to vector<1x16xf32>
        tpu.vector_store %arg9[%parallel_loop3A_524, %parallel_loop3A_525], %parallel_loop3A_528 {strides = array<i32>} : memref<16x768xf32, #tpu.memory_space<vmem>>, vector<1x16xf32>,
        %parallel_loop3A_529 = arith.constant 5 : i32
        %parallel_loop3A_530 = arith.index_cast %parallel_loop3A_529 : i32 to index
        %parallel_loop3A_531 = arith.index_cast %parallel_loop3A_443 : i32 to index
        %parallel_loop3A_532 = tpu.vector_load %arg7[%parallel_loop3A_530, %parallel_loop3A_531] {strides = array<i32>} : memref<16x768xf32, #tpu.memory_space<vmem>>, vector<1x16xf32>,
        %parallel_loop3A_533 = vector.shape_cast %parallel_loop3A_532 : vector<1x16xf32> to vector<16xf32>
        %parallel_loop3A_534 = arith.constant 5 : i32
        %parallel_loop3A_535 = arith.index_cast %parallel_loop3A_534 : i32 to index
        %parallel_loop3A_536 = arith.index_cast %parallel_loop3A_443 : i32 to index
        %parallel_loop3A_537 = tpu.vector_load %arg12[%parallel_loop3A_535, %parallel_loop3A_536] {strides = array<i32>} : memref<16x768xf32, #tpu.memory_space<vmem>>, vector<1x16xf32>,
        %parallel_loop3A_538 = vector.shape_cast %parallel_loop3A_537 : vector<1x16xf32> to vector<16xf32>
        %parallel_loop3A_539 = arith.addf %parallel_loop3A_533, %parallel_loop3A_538 : vector<16xf32>
        %parallel_loop3A_540 = arith.constant 5 : i32
        %parallel_loop3A_541 = arith.index_cast %parallel_loop3A_540 : i32 to index
        %parallel_loop3A_542 = arith.index_cast %parallel_loop3A_443 : i32 to index
        %parallel_loop3A_543 = tpu.vector_load %arg9[%parallel_loop3A_541, %parallel_loop3A_542] {strides = array<i32>} : memref<16x768xf32, #tpu.memory_space<vmem>>, vector<1x16xf32>,
        %parallel_loop3A_544 = vector.shape_cast %parallel_loop3A_543 : vector<1x16xf32> to vector<16xf32>
        %parallel_loop3A_545 = vector.shape_cast %parallel_loop3A_539 : vector<16xf32> to vector<1x16xf32>
        tpu.vector_store %arg9[%parallel_loop3A_541, %parallel_loop3A_542], %parallel_loop3A_545 {strides = array<i32>} : memref<16x768xf32, #tpu.memory_space<vmem>>, vector<1x16xf32>,
        %parallel_loop3A_546 = arith.constant 6 : i32
        %parallel_loop3A_547 = arith.index_cast %parallel_loop3A_546 : i32 to index
        %parallel_loop3A_548 = arith.index_cast %parallel_loop3A_443 : i32 to index
        %parallel_loop3A_549 = tpu.vector_load %arg7[%parallel_loop3A_547, %parallel_loop3A_548] {strides = array<i32>} : memref<16x768xf32, #tpu.memory_space<vmem>>, vector<1x16xf32>,
        %parallel_loop3A_550 = vector.shape_cast %parallel_loop3A_549 : vector<1x16xf32> to vector<16xf32>
        %parallel_loop3A_551 = arith.constant 6 : i32
        %parallel_loop3A_552 = arith.index_cast %parallel_loop3A_551 : i32 to index
        %parallel_loop3A_553 = arith.index_cast %parallel_loop3A_443 : i32 to index
        %parallel_loop3A_554 = tpu.vector_load %arg12[%parallel_loop3A_552, %parallel_loop3A_553] {strides = array<i32>} : memref<16x768xf32, #tpu.memory_space<vmem>>, vector<1x16xf32>,
        %parallel_loop3A_555 = vector.shape_cast %parallel_loop3A_554 : vector<1x16xf32> to vector<16xf32>
        %parallel_loop3A_556 = arith.addf %parallel_loop3A_550, %parallel_loop3A_555 : vector<16xf32>
        %parallel_loop3A_557 = arith.constant 6 : i32
        %parallel_loop3A_558 = arith.index_cast %parallel_loop3A_557 : i32 to index
        %parallel_loop3A_559 = arith.index_cast %parallel_loop3A_443 : i32 to index
        %parallel_loop3A_560 = tpu.vector_load %arg9[%parallel_loop3A_558, %parallel_loop3A_559] {strides = array<i32>} : memref<16x768xf32, #tpu.memory_space<vmem>>, vector<1x16xf32>,
        %parallel_loop3A_561 = vector.shape_cast %parallel_loop3A_560 : vector<1x16xf32> to vector<16xf32>
        %parallel_loop3A_562 = vector.shape_cast %parallel_loop3A_556 : vector<16xf32> to vector<1x16xf32>
        tpu.vector_store %arg9[%parallel_loop3A_558, %parallel_loop3A_559], %parallel_loop3A_562 {strides = array<i32>} : memref<16x768xf32, #tpu.memory_space<vmem>>, vector<1x16xf32>,
        %parallel_loop3A_563 = arith.constant 7 : i32
        %parallel_loop3A_564 = arith.index_cast %parallel_loop3A_563 : i32 to index
        %parallel_loop3A_565 = arith.index_cast %parallel_loop3A_443 : i32 to index
        %parallel_loop3A_566 = tpu.vector_load %arg7[%parallel_loop3A_564, %parallel_loop3A_565] {strides = array<i32>} : memref<16x768xf32, #tpu.memory_space<vmem>>, vector<1x16xf32>,
        %parallel_loop3A_567 = vector.shape_cast %parallel_loop3A_566 : vector<1x16xf32> to vector<16xf32>
        %parallel_loop3A_568 = arith.constant 7 : i32
        %parallel_loop3A_569 = arith.index_cast %parallel_loop3A_568 : i32 to index
        %parallel_loop3A_570 = arith.index_cast %parallel_loop3A_443 : i32 to index
        %parallel_loop3A_571 = tpu.vector_load %arg12[%parallel_loop3A_569, %parallel_loop3A_570] {strides = array<i32>} : memref<16x768xf32, #tpu.memory_space<vmem>>, vector<1x16xf32>,
        %parallel_loop3A_572 = vector.shape_cast %parallel_loop3A_571 : vector<1x16xf32> to vector<16xf32>
        %parallel_loop3A_573 = arith.addf %parallel_loop3A_567, %parallel_loop3A_572 : vector<16xf32>
        %parallel_loop3A_574 = arith.constant 7 : i32
        %parallel_loop3A_575 = arith.index_cast %parallel_loop3A_574 : i32 to index
        %parallel_loop3A_576 = arith.index_cast %parallel_loop3A_443 : i32 to index
        %parallel_loop3A_577 = tpu.vector_load %arg9[%parallel_loop3A_575, %parallel_loop3A_576] {strides = array<i32>} : memref<16x768xf32, #tpu.memory_space<vmem>>, vector<1x16xf32>,
        %parallel_loop3A_578 = vector.shape_cast %parallel_loop3A_577 : vector<1x16xf32> to vector<16xf32>
        %parallel_loop3A_579 = vector.shape_cast %parallel_loop3A_573 : vector<16xf32> to vector<1x16xf32>
        tpu.vector_store %arg9[%parallel_loop3A_575, %parallel_loop3A_576], %parallel_loop3A_579 {strides = array<i32>} : memref<16x768xf32, #tpu.memory_space<vmem>>, vector<1x16xf32>,
        %parallel_loop3A_580 = arith.constant 8 : i32
        %parallel_loop3A_581 = arith.index_cast %parallel_loop3A_580 : i32 to index
        %parallel_loop3A_582 = arith.index_cast %parallel_loop3A_443 : i32 to index
        %parallel_loop3A_583 = tpu.vector_load %arg7[%parallel_loop3A_581, %parallel_loop3A_582] {strides = array<i32>} : memref<16x768xf32, #tpu.memory_space<vmem>>, vector<1x16xf32>,
        %parallel_loop3A_584 = vector.shape_cast %parallel_loop3A_583 : vector<1x16xf32> to vector<16xf32>
        %parallel_loop3A_585 = arith.constant 8 : i32
        %parallel_loop3A_586 = arith.index_cast %parallel_loop3A_585 : i32 to index
        %parallel_loop3A_587 = arith.index_cast %parallel_loop3A_443 : i32 to index
        %parallel_loop3A_588 = tpu.vector_load %arg12[%parallel_loop3A_586, %parallel_loop3A_587] {strides = array<i32>} : memref<16x768xf32, #tpu.memory_space<vmem>>, vector<1x16xf32>,
        %parallel_loop3A_589 = vector.shape_cast %parallel_loop3A_588 : vector<1x16xf32> to vector<16xf32>
        %parallel_loop3A_590 = arith.addf %parallel_loop3A_584, %parallel_loop3A_589 : vector<16xf32>
        %parallel_loop3A_591 = arith.constant 8 : i32
        %parallel_loop3A_592 = arith.index_cast %parallel_loop3A_591 : i32 to index
        %parallel_loop3A_593 = arith.index_cast %parallel_loop3A_443 : i32 to index
        %parallel_loop3A_594 = tpu.vector_load %arg9[%parallel_loop3A_592, %parallel_loop3A_593] {strides = array<i32>} : memref<16x768xf32, #tpu.memory_space<vmem>>, vector<1x16xf32>,
        %parallel_loop3A_595 = vector.shape_cast %parallel_loop3A_594 : vector<1x16xf32> to vector<16xf32>
        %parallel_loop3A_596 = vector.shape_cast %parallel_loop3A_590 : vector<16xf32> to vector<1x16xf32>
        tpu.vector_store %arg9[%parallel_loop3A_592, %parallel_loop3A_593], %parallel_loop3A_596 {strides = array<i32>} : memref<16x768xf32, #tpu.memory_space<vmem>>, vector<1x16xf32>,
        %parallel_loop3A_597 = arith.constant 9 : i32
        %parallel_loop3A_598 = arith.index_cast %parallel_loop3A_597 : i32 to index
        %parallel_loop3A_599 = arith.index_cast %parallel_loop3A_443 : i32 to index
        %parallel_loop3A_600 = tpu.vector_load %arg7[%parallel_loop3A_598, %parallel_loop3A_599] {strides = array<i32>} : memref<16x768xf32, #tpu.memory_space<vmem>>, vector<1x16xf32>,
        %parallel_loop3A_601 = vector.shape_cast %parallel_loop3A_600 : vector<1x16xf32> to vector<16xf32>
        %parallel_loop3A_602 = arith.constant 9 : i32
        %parallel_loop3A_603 = arith.index_cast %parallel_loop3A_602 : i32 to index
        %parallel_loop3A_604 = arith.index_cast %parallel_loop3A_443 : i32 to index
        %parallel_loop3A_605 = tpu.vector_load %arg12[%parallel_loop3A_603, %parallel_loop3A_604] {strides = array<i32>} : memref<16x768xf32, #tpu.memory_space<vmem>>, vector<1x16xf32>,
        %parallel_loop3A_606 = vector.shape_cast %parallel_loop3A_605 : vector<1x16xf32> to vector<16xf32>
        %parallel_loop3A_607 = arith.addf %parallel_loop3A_601, %parallel_loop3A_606 : vector<16xf32>
        %parallel_loop3A_608 = arith.constant 9 : i32
        %parallel_loop3A_609 = arith.index_cast %parallel_loop3A_608 : i32 to index
        %parallel_loop3A_610 = arith.index_cast %parallel_loop3A_443 : i32 to index
        %parallel_loop3A_611 = tpu.vector_load %arg9[%parallel_loop3A_609, %parallel_loop3A_610] {strides = array<i32>} : memref<16x768xf32, #tpu.memory_space<vmem>>, vector<1x16xf32>,
        %parallel_loop3A_612 = vector.shape_cast %parallel_loop3A_611 : vector<1x16xf32> to vector<16xf32>
        %parallel_loop3A_613 = vector.shape_cast %parallel_loop3A_607 : vector<16xf32> to vector<1x16xf32>
        tpu.vector_store %arg9[%parallel_loop3A_609, %parallel_loop3A_610], %parallel_loop3A_613 {strides = array<i32>} : memref<16x768xf32, #tpu.memory_space<vmem>>, vector<1x16xf32>,
        %parallel_loop3A_614 = arith.constant 10 : i32
        %parallel_loop3A_615 = arith.index_cast %parallel_loop3A_614 : i32 to index
        %parallel_loop3A_616 = arith.index_cast %parallel_loop3A_443 : i32 to index
        %parallel_loop3A_617 = tpu.vector_load %arg7[%parallel_loop3A_615, %parallel_loop3A_616] {strides = array<i32>} : memref<16x768xf32, #tpu.memory_space<vmem>>, vector<1x16xf32>,
        %parallel_loop3A_618 = vector.shape_cast %parallel_loop3A_617 : vector<1x16xf32> to vector<16xf32>
        %parallel_loop3A_619 = arith.constant 10 : i32
        %parallel_loop3A_620 = arith.index_cast %parallel_loop3A_619 : i32 to index
        %parallel_loop3A_621 = arith.index_cast %parallel_loop3A_443 : i32 to index
        %parallel_loop3A_622 = tpu.vector_load %arg12[%parallel_loop3A_620, %parallel_loop3A_621] {strides = array<i32>} : memref<16x768xf32, #tpu.memory_space<vmem>>, vector<1x16xf32>,
        %parallel_loop3A_623 = vector.shape_cast %parallel_loop3A_622 : vector<1x16xf32> to vector<16xf32>
        %parallel_loop3A_624 = arith.addf %parallel_loop3A_618, %parallel_loop3A_623 : vector<16xf32>
        %parallel_loop3A_625 = arith.constant 10 : i32
        %parallel_loop3A_626 = arith.index_cast %parallel_loop3A_625 : i32 to index
        %parallel_loop3A_627 = arith.index_cast %parallel_loop3A_443 : i32 to index
        %parallel_loop3A_628 = tpu.vector_load %arg9[%parallel_loop3A_626, %parallel_loop3A_627] {strides = array<i32>} : memref<16x768xf32, #tpu.memory_space<vmem>>, vector<1x16xf32>,
        %parallel_loop3A_629 = vector.shape_cast %parallel_loop3A_628 : vector<1x16xf32> to vector<16xf32>
        %parallel_loop3A_630 = vector.shape_cast %parallel_loop3A_624 : vector<16xf32> to vector<1x16xf32>
        tpu.vector_store %arg9[%parallel_loop3A_626, %parallel_loop3A_627], %parallel_loop3A_630 {strides = array<i32>} : memref<16x768xf32, #tpu.memory_space<vmem>>, vector<1x16xf32>,
        %parallel_loop3A_631 = arith.constant 11 : i32
        %parallel_loop3A_632 = arith.index_cast %parallel_loop3A_631 : i32 to index
        %parallel_loop3A_633 = arith.index_cast %parallel_loop3A_443 : i32 to index
        %parallel_loop3A_634 = tpu.vector_load %arg7[%parallel_loop3A_632, %parallel_loop3A_633] {strides = array<i32>} : memref<16x768xf32, #tpu.memory_space<vmem>>, vector<1x16xf32>,
        %parallel_loop3A_635 = vector.shape_cast %parallel_loop3A_634 : vector<1x16xf32> to vector<16xf32>
        %parallel_loop3A_636 = arith.constant 11 : i32
        %parallel_loop3A_637 = arith.index_cast %parallel_loop3A_636 : i32 to index
        %parallel_loop3A_638 = arith.index_cast %parallel_loop3A_443 : i32 to index
        %parallel_loop3A_639 = tpu.vector_load %arg12[%parallel_loop3A_637, %parallel_loop3A_638] {strides = array<i32>} : memref<16x768xf32, #tpu.memory_space<vmem>>, vector<1x16xf32>,
        %parallel_loop3A_640 = vector.shape_cast %parallel_loop3A_639 : vector<1x16xf32> to vector<16xf32>
        %parallel_loop3A_641 = arith.addf %parallel_loop3A_635, %parallel_loop3A_640 : vector<16xf32>
        %parallel_loop3A_642 = arith.constant 11 : i32
        %parallel_loop3A_643 = arith.index_cast %parallel_loop3A_642 : i32 to index
        %parallel_loop3A_644 = arith.index_cast %parallel_loop3A_443 : i32 to index
        %parallel_loop3A_645 = tpu.vector_load %arg9[%parallel_loop3A_643, %parallel_loop3A_644] {strides = array<i32>} : memref<16x768xf32, #tpu.memory_space<vmem>>, vector<1x16xf32>,
        %parallel_loop3A_646 = vector.shape_cast %parallel_loop3A_645 : vector<1x16xf32> to vector<16xf32>
        %parallel_loop3A_647 = vector.shape_cast %parallel_loop3A_641 : vector<16xf32> to vector<1x16xf32>
        tpu.vector_store %arg9[%parallel_loop3A_643, %parallel_loop3A_644], %parallel_loop3A_647 {strides = array<i32>} : memref<16x768xf32, #tpu.memory_space<vmem>>, vector<1x16xf32>,
        %parallel_loop3A_648 = arith.constant 12 : i32
        %parallel_loop3A_649 = arith.index_cast %parallel_loop3A_648 : i32 to index
        %parallel_loop3A_650 = arith.index_cast %parallel_loop3A_443 : i32 to index
        %parallel_loop3A_651 = tpu.vector_load %arg7[%parallel_loop3A_649, %parallel_loop3A_650] {strides = array<i32>} : memref<16x768xf32, #tpu.memory_space<vmem>>, vector<1x16xf32>,
        %parallel_loop3A_652 = vector.shape_cast %parallel_loop3A_651 : vector<1x16xf32> to vector<16xf32>
        %parallel_loop3A_653 = arith.constant 12 : i32
        %parallel_loop3A_654 = arith.index_cast %parallel_loop3A_653 : i32 to index
        %parallel_loop3A_655 = arith.index_cast %parallel_loop3A_443 : i32 to index
        %parallel_loop3A_656 = tpu.vector_load %arg12[%parallel_loop3A_654, %parallel_loop3A_655] {strides = array<i32>} : memref<16x768xf32, #tpu.memory_space<vmem>>, vector<1x16xf32>,
        %parallel_loop3A_657 = vector.shape_cast %parallel_loop3A_656 : vector<1x16xf32> to vector<16xf32>
        %parallel_loop3A_658 = arith.addf %parallel_loop3A_652, %parallel_loop3A_657 : vector<16xf32>
        %parallel_loop3A_659 = arith.constant 12 : i32
        %parallel_loop3A_660 = arith.index_cast %parallel_loop3A_659 : i32 to index
        %parallel_loop3A_661 = arith.index_cast %parallel_loop3A_443 : i32 to index
        %parallel_loop3A_662 = tpu.vector_load %arg9[%parallel_loop3A_660, %parallel_loop3A_661] {strides = array<i32>} : memref<16x768xf32, #tpu.memory_space<vmem>>, vector<1x16xf32>,
        %parallel_loop3A_663 = vector.shape_cast %parallel_loop3A_662 : vector<1x16xf32> to vector<16xf32>
        %parallel_loop3A_664 = vector.shape_cast %parallel_loop3A_658 : vector<16xf32> to vector<1x16xf32>
        tpu.vector_store %arg9[%parallel_loop3A_660, %parallel_loop3A_661], %parallel_loop3A_664 {strides = array<i32>} : memref<16x768xf32, #tpu.memory_space<vmem>>, vector<1x16xf32>,
        %parallel_loop3A_665 = arith.constant 13 : i32
        %parallel_loop3A_666 = arith.index_cast %parallel_loop3A_665 : i32 to index
        %parallel_loop3A_667 = arith.index_cast %parallel_loop3A_443 : i32 to index
        %parallel_loop3A_668 = tpu.vector_load %arg7[%parallel_loop3A_666, %parallel_loop3A_667] {strides = array<i32>} : memref<16x768xf32, #tpu.memory_space<vmem>>, vector<1x16xf32>,
        %parallel_loop3A_669 = vector.shape_cast %parallel_loop3A_668 : vector<1x16xf32> to vector<16xf32>
        %parallel_loop3A_670 = arith.constant 13 : i32
        %parallel_loop3A_671 = arith.index_cast %parallel_loop3A_670 : i32 to index
        %parallel_loop3A_672 = arith.index_cast %parallel_loop3A_443 : i32 to index
        %parallel_loop3A_673 = tpu.vector_load %arg12[%parallel_loop3A_671, %parallel_loop3A_672] {strides = array<i32>} : memref<16x768xf32, #tpu.memory_space<vmem>>, vector<1x16xf32>,
        %parallel_loop3A_674 = vector.shape_cast %parallel_loop3A_673 : vector<1x16xf32> to vector<16xf32>
        %parallel_loop3A_675 = arith.addf %parallel_loop3A_669, %parallel_loop3A_674 : vector<16xf32>
        %parallel_loop3A_676 = arith.constant 13 : i32
        %parallel_loop3A_677 = arith.index_cast %parallel_loop3A_676 : i32 to index
        %parallel_loop3A_678 = arith.index_cast %parallel_loop3A_443 : i32 to index
        %parallel_loop3A_679 = tpu.vector_load %arg9[%parallel_loop3A_677, %parallel_loop3A_678] {strides = array<i32>} : memref<16x768xf32, #tpu.memory_space<vmem>>, vector<1x16xf32>,
        %parallel_loop3A_680 = vector.shape_cast %parallel_loop3A_679 : vector<1x16xf32> to vector<16xf32>
        %parallel_loop3A_681 = vector.shape_cast %parallel_loop3A_675 : vector<16xf32> to vector<1x16xf32>
        tpu.vector_store %arg9[%parallel_loop3A_677, %parallel_loop3A_678], %parallel_loop3A_681 {strides = array<i32>} : memref<16x768xf32, #tpu.memory_space<vmem>>, vector<1x16xf32>,
        %parallel_loop3A_682 = arith.constant 14 : i32
        %parallel_loop3A_683 = arith.index_cast %parallel_loop3A_682 : i32 to index
        %parallel_loop3A_684 = arith.index_cast %parallel_loop3A_443 : i32 to index
        %parallel_loop3A_685 = tpu.vector_load %arg7[%parallel_loop3A_683, %parallel_loop3A_684] {strides = array<i32>} : memref<16x768xf32, #tpu.memory_space<vmem>>, vector<1x16xf32>,
        %parallel_loop3A_686 = vector.shape_cast %parallel_loop3A_685 : vector<1x16xf32> to vector<16xf32>
        %parallel_loop3A_687 = arith.constant 14 : i32
        %parallel_loop3A_688 = arith.index_cast %parallel_loop3A_687 : i32 to index
        %parallel_loop3A_689 = arith.index_cast %parallel_loop3A_443 : i32 to index
        %parallel_loop3A_690 = tpu.vector_load %arg12[%parallel_loop3A_688, %parallel_loop3A_689] {strides = array<i32>} : memref<16x768xf32, #tpu.memory_space<vmem>>, vector<1x16xf32>,
        %parallel_loop3A_691 = vector.shape_cast %parallel_loop3A_690 : vector<1x16xf32> to vector<16xf32>
        %parallel_loop3A_692 = arith.addf %parallel_loop3A_686, %parallel_loop3A_691 : vector<16xf32>
        %parallel_loop3A_693 = arith.constant 14 : i32
        %parallel_loop3A_694 = arith.index_cast %parallel_loop3A_693 : i32 to index
        %parallel_loop3A_695 = arith.index_cast %parallel_loop3A_443 : i32 to index
        %parallel_loop3A_696 = tpu.vector_load %arg9[%parallel_loop3A_694, %parallel_loop3A_695] {strides = array<i32>} : memref<16x768xf32, #tpu.memory_space<vmem>>, vector<1x16xf32>,
        %parallel_loop3A_697 = vector.shape_cast %parallel_loop3A_696 : vector<1x16xf32> to vector<16xf32>
        %parallel_loop3A_698 = vector.shape_cast %parallel_loop3A_692 : vector<16xf32> to vector<1x16xf32>
        tpu.vector_store %arg9[%parallel_loop3A_694, %parallel_loop3A_695], %parallel_loop3A_698 {strides = array<i32>} : memref<16x768xf32, #tpu.memory_space<vmem>>, vector<1x16xf32>,
        %parallel_loop3A_699 = arith.constant 15 : i32
        %parallel_loop3A_700 = arith.index_cast %parallel_loop3A_699 : i32 to index
        %parallel_loop3A_701 = arith.index_cast %parallel_loop3A_443 : i32 to index
        %parallel_loop3A_702 = tpu.vector_load %arg7[%parallel_loop3A_700, %parallel_loop3A_701] {strides = array<i32>} : memref<16x768xf32, #tpu.memory_space<vmem>>, vector<1x16xf32>,
        %parallel_loop3A_703 = vector.shape_cast %parallel_loop3A_702 : vector<1x16xf32> to vector<16xf32>
        %parallel_loop3A_704 = arith.constant 15 : i32
        %parallel_loop3A_705 = arith.index_cast %parallel_loop3A_704 : i32 to index
        %parallel_loop3A_706 = arith.index_cast %parallel_loop3A_443 : i32 to index
        %parallel_loop3A_707 = tpu.vector_load %arg12[%parallel_loop3A_705, %parallel_loop3A_706] {strides = array<i32>} : memref<16x768xf32, #tpu.memory_space<vmem>>, vector<1x16xf32>,
        %parallel_loop3A_708 = vector.shape_cast %parallel_loop3A_707 : vector<1x16xf32> to vector<16xf32>
        %parallel_loop3A_709 = arith.addf %parallel_loop3A_703, %parallel_loop3A_708 : vector<16xf32>
        %parallel_loop3A_710 = arith.constant 15 : i32
        %parallel_loop3A_711 = arith.index_cast %parallel_loop3A_710 : i32 to index
        %parallel_loop3A_712 = arith.index_cast %parallel_loop3A_443 : i32 to index
        %parallel_loop3A_713 = tpu.vector_load %arg9[%parallel_loop3A_711, %parallel_loop3A_712] {strides = array<i32>} : memref<16x768xf32, #tpu.memory_space<vmem>>, vector<1x16xf32>,
        %parallel_loop3A_714 = vector.shape_cast %parallel_loop3A_713 : vector<1x16xf32> to vector<16xf32>
        %parallel_loop3A_715 = vector.shape_cast %parallel_loop3A_709 : vector<16xf32> to vector<1x16xf32>
        tpu.vector_store %arg9[%parallel_loop3A_711, %parallel_loop3A_712], %parallel_loop3A_715 {strides = array<i32>} : memref<16x768xf32, #tpu.memory_space<vmem>>, vector<1x16xf32>,
      } {sc.loop_unroll_factor = 1 : i64, sc.parallel_access}
      %add3A_382 = arith.constant 16384 : i32
      %add3A_383 = arith.addi %add3A_382, %mul3A_2 : i32
      %mul3A_384 = arith.constant 16 : i32
      %mul3A_385 = arith.muli %add3A_273, %mul3A_384 : i32
      %add3A_386 = arith.addi %add3A_383, %mul3A_385 : i32
      %min3A_387 = arith.constant 32752 : i32
      %min3A_388 = arith.minsi %add3A_386, %min3A_387 : i32
      %dma_start3A_389 = arith.constant 0 : i32
      %dma_start3A_390 = tpu.memref_slice %arg4[%min3A_388, %dma_start3A_389] : memref<32768x768xf32, #tpu.memory_space<hbm>> -> memref<16x768xf32, #tpu.memory_space<hbm>>
      %dma_start3A_391 = arith.constant 0 : i32
      %dma_start3A_392 = tpu.memref_slice %arg4[%min3A_388, %dma_start3A_391] : memref<32768x768xf32, #tpu.memory_space<hbm>> -> memref<16x768xf32, #tpu.memory_space<hbm>>
      tpu.enqueue_dma source(%arg9 : memref<16x768xf32, #tpu.memory_space<vmem>>) target(%dma_start3A_392 : memref<16x768xf32, #tpu.memory_space<hbm>>) target_semaphore(%arg17 : memref<!tpu.dma_semaphore, #tpu.memory_space<semaphore_mem>>)
      %add3A_393 = arith.constant 1 : i32
      %add3A_394 = arith.addi %add3A_273, %add3A_393 : i32
      %add3A_395 = arith.constant 8192 : i32
      %add3A_396 = arith.addi %add3A_395, %mul3A_2 : i32
      %mul3A_397 = arith.constant 16 : i32
      %mul3A_398 = arith.muli %add3A_394, %mul3A_397 : i32
      %add3A_399 = arith.addi %add3A_396, %mul3A_398 : i32
      %min3A_400 = arith.constant 32752 : i32
      %min3A_401 = arith.minsi %add3A_399, %min3A_400 : i32
      %dma_start3A_402 = arith.constant 0 : i32
      %dma_start3A_403 = tpu.memref_slice %arg2[%min3A_401, %dma_start3A_402] : memref<32768x768xf32, #tpu.memory_space<hbm>> -> memref<16x768xf32, #tpu.memory_space<hbm>>
      %dma_start3A_404 = arith.constant 0 : i32
      %dma_start3A_405 = tpu.memref_slice %arg2[%min3A_401, %dma_start3A_404] : memref<32768x768xf32, #tpu.memory_space<hbm>> -> memref<16x768xf32, #tpu.memory_space<hbm>>
      tpu.enqueue_dma source(%dma_start3A_405 : memref<16x768xf32, #tpu.memory_space<hbm>>) target(%arg6 : memref<16x768xf32, #tpu.memory_space<vmem>>) target_semaphore(%arg14 : memref<!tpu.dma_semaphore, #tpu.memory_space<semaphore_mem>>)
      %dma_wait3A_406 = arith.constant 0 : i32
      %dma_wait3A_407 = arith.constant 0 : i32
      %dma_wait3A_408 = tpu.memref_slice %arg2[%dma_wait3A_406, %dma_wait3A_407] : memref<32768x768xf32, #tpu.memory_space<hbm>> -> memref<16x768xf32, #tpu.memory_space<hbm>>
      %dma_wait3A_409 = arith.constant 0 : i32
      %dma_wait3A_410 = arith.constant 0 : i32
      %dma_wait3A_411 = tpu.memref_slice %arg2[%dma_wait3A_409, %dma_wait3A_410] : memref<32768x768xf32, #tpu.memory_space<hbm>> -> memref<16x768xf32, #tpu.memory_space<hbm>>
      tpu.wait_dma2 semaphore(%arg16 : memref<!tpu.dma_semaphore, #tpu.memory_space<semaphore_mem>>) src(%dma_wait3A_411 : memref<16x768xf32, #tpu.memory_space<hbm>>) dst(%arg8 : memref<16x768xf32, #tpu.memory_space<vmem>>)
      %dma_wait3A_412 = arith.constant 0 : i32
      %dma_wait3A_413 = arith.constant 0 : i32
      %dma_wait3A_414 = tpu.memref_slice %arg4[%dma_wait3A_412, %dma_wait3A_413] : memref<32768x768xf32, #tpu.memory_space<hbm>> -> memref<16x768xf32, #tpu.memory_space<hbm>>
      %dma_wait3A_415 = arith.constant 0 : i32
      %dma_wait3A_416 = arith.constant 0 : i32
      %dma_wait3A_417 = tpu.memref_slice %arg4[%dma_wait3A_415, %dma_wait3A_416] : memref<32768x768xf32, #tpu.memory_space<hbm>> -> memref<16x768xf32, #tpu.memory_space<hbm>>
      tpu.wait_dma2 semaphore(%arg18 : memref<!tpu.dma_semaphore, #tpu.memory_space<semaphore_mem>>) src(%arg10 : memref<16x768xf32, #tpu.memory_space<vmem>>) dst(%dma_wait3A_417 : memref<16x768xf32, #tpu.memory_space<hbm>>)
      %parallel_loop3A_418 = arith.constant 0 : i32
      %parallel_loop3A_419 = arith.constant 768 : i32
      %parallel_loop3A_420 = arith.constant 16 : i32
      scf.for %parallel_loop3A_443 = %parallel_loop3A_418 to %parallel_loop3A_419 step %parallel_loop3A_420  : i32 {
        %parallel_loop3A_444 = arith.constant 0 : i32
        %parallel_loop3A_445 = arith.index_cast %parallel_loop3A_444 : i32 to index
        %parallel_loop3A_446 = arith.index_cast %parallel_loop3A_443 : i32 to index
        %parallel_loop3A_447 = tpu.vector_load %arg8[%parallel_loop3A_445, %parallel_loop3A_446] {strides = array<i32>} : memref<16x768xf32, #tpu.memory_space<vmem>>, vector<1x16xf32>,
        %parallel_loop3A_448 = vector.shape_cast %parallel_loop3A_447 : vector<1x16xf32> to vector<16xf32>
        %parallel_loop3A_449 = arith.constant 0 : i32
        %parallel_loop3A_450 = arith.index_cast %parallel_loop3A_449 : i32 to index
        %parallel_loop3A_451 = arith.index_cast %parallel_loop3A_443 : i32 to index
        %parallel_loop3A_452 = tpu.vector_load %arg12[%parallel_loop3A_450, %parallel_loop3A_451] {strides = array<i32>} : memref<16x768xf32, #tpu.memory_space<vmem>>, vector<1x16xf32>,
        %parallel_loop3A_453 = vector.shape_cast %parallel_loop3A_452 : vector<1x16xf32> to vector<16xf32>
        %parallel_loop3A_454 = arith.addf %parallel_loop3A_448, %parallel_loop3A_453 : vector<16xf32>
        %parallel_loop3A_455 = arith.constant 0 : i32
        %parallel_loop3A_456 = arith.index_cast %parallel_loop3A_455 : i32 to index
        %parallel_loop3A_457 = arith.index_cast %parallel_loop3A_443 : i32 to index
        %parallel_loop3A_458 = tpu.vector_load %arg10[%parallel_loop3A_456, %parallel_loop3A_457] {strides = array<i32>} : memref<16x768xf32, #tpu.memory_space<vmem>>, vector<1x16xf32>,
        %parallel_loop3A_459 = vector.shape_cast %parallel_loop3A_458 : vector<1x16xf32> to vector<16xf32>
        %parallel_loop3A_460 = vector.shape_cast %parallel_loop3A_454 : vector<16xf32> to vector<1x16xf32>
        tpu.vector_store %arg10[%parallel_loop3A_456, %parallel_loop3A_457], %parallel_loop3A_460 {strides = array<i32>} : memref<16x768xf32, #tpu.memory_space<vmem>>, vector<1x16xf32>,
        %parallel_loop3A_461 = arith.constant 1 : i32
        %parallel_loop3A_462 = arith.index_cast %parallel_loop3A_461 : i32 to index
        %parallel_loop3A_463 = arith.index_cast %parallel_loop3A_443 : i32 to index
        %parallel_loop3A_464 = tpu.vector_load %arg8[%parallel_loop3A_462, %parallel_loop3A_463] {strides = array<i32>} : memref<16x768xf32, #tpu.memory_space<vmem>>, vector<1x16xf32>,
        %parallel_loop3A_465 = vector.shape_cast %parallel_loop3A_464 : vector<1x16xf32> to vector<16xf32>
        %parallel_loop3A_466 = arith.constant 1 : i32
        %parallel_loop3A_467 = arith.index_cast %parallel_loop3A_466 : i32 to index
        %parallel_loop3A_468 = arith.index_cast %parallel_loop3A_443 : i32 to index
        %parallel_loop3A_469 = tpu.vector_load %arg12[%parallel_loop3A_467, %parallel_loop3A_468] {strides = array<i32>} : memref<16x768xf32, #tpu.memory_space<vmem>>, vector<1x16xf32>,
        %parallel_loop3A_470 = vector.shape_cast %parallel_loop3A_469 : vector<1x16xf32> to vector<16xf32>
        %parallel_loop3A_471 = arith.addf %parallel_loop3A_465, %parallel_loop3A_470 : vector<16xf32>
        %parallel_loop3A_472 = arith.constant 1 : i32
        %parallel_loop3A_473 = arith.index_cast %parallel_loop3A_472 : i32 to index
        %parallel_loop3A_474 = arith.index_cast %parallel_loop3A_443 : i32 to index
        %parallel_loop3A_475 = tpu.vector_load %arg10[%parallel_loop3A_473, %parallel_loop3A_474] {strides = array<i32>} : memref<16x768xf32, #tpu.memory_space<vmem>>, vector<1x16xf32>,
        %parallel_loop3A_476 = vector.shape_cast %parallel_loop3A_475 : vector<1x16xf32> to vector<16xf32>
        %parallel_loop3A_477 = vector.shape_cast %parallel_loop3A_471 : vector<16xf32> to vector<1x16xf32>
        tpu.vector_store %arg10[%parallel_loop3A_473, %parallel_loop3A_474], %parallel_loop3A_477 {strides = array<i32>} : memref<16x768xf32, #tpu.memory_space<vmem>>, vector<1x16xf32>,
        %parallel_loop3A_478 = arith.constant 2 : i32
        %parallel_loop3A_479 = arith.index_cast %parallel_loop3A_478 : i32 to index
        %parallel_loop3A_480 = arith.index_cast %parallel_loop3A_443 : i32 to index
        %parallel_loop3A_481 = tpu.vector_load %arg8[%parallel_loop3A_479, %parallel_loop3A_480] {strides = array<i32>} : memref<16x768xf32, #tpu.memory_space<vmem>>, vector<1x16xf32>,
        %parallel_loop3A_482 = vector.shape_cast %parallel_loop3A_481 : vector<1x16xf32> to vector<16xf32>
        %parallel_loop3A_483 = arith.constant 2 : i32
        %parallel_loop3A_484 = arith.index_cast %parallel_loop3A_483 : i32 to index
        %parallel_loop3A_485 = arith.index_cast %parallel_loop3A_443 : i32 to index
        %parallel_loop3A_486 = tpu.vector_load %arg12[%parallel_loop3A_484, %parallel_loop3A_485] {strides = array<i32>} : memref<16x768xf32, #tpu.memory_space<vmem>>, vector<1x16xf32>,
        %parallel_loop3A_487 = vector.shape_cast %parallel_loop3A_486 : vector<1x16xf32> to vector<16xf32>
        %parallel_loop3A_488 = arith.addf %parallel_loop3A_482, %parallel_loop3A_487 : vector<16xf32>
        %parallel_loop3A_489 = arith.constant 2 : i32
        %parallel_loop3A_490 = arith.index_cast %parallel_loop3A_489 : i32 to index
        %parallel_loop3A_491 = arith.index_cast %parallel_loop3A_443 : i32 to index
        %parallel_loop3A_492 = tpu.vector_load %arg10[%parallel_loop3A_490, %parallel_loop3A_491] {strides = array<i32>} : memref<16x768xf32, #tpu.memory_space<vmem>>, vector<1x16xf32>,
        %parallel_loop3A_493 = vector.shape_cast %parallel_loop3A_492 : vector<1x16xf32> to vector<16xf32>
        %parallel_loop3A_494 = vector.shape_cast %parallel_loop3A_488 : vector<16xf32> to vector<1x16xf32>
        tpu.vector_store %arg10[%parallel_loop3A_490, %parallel_loop3A_491], %parallel_loop3A_494 {strides = array<i32>} : memref<16x768xf32, #tpu.memory_space<vmem>>, vector<1x16xf32>,
        %parallel_loop3A_495 = arith.constant 3 : i32
        %parallel_loop3A_496 = arith.index_cast %parallel_loop3A_495 : i32 to index
        %parallel_loop3A_497 = arith.index_cast %parallel_loop3A_443 : i32 to index
        %parallel_loop3A_498 = tpu.vector_load %arg8[%parallel_loop3A_496, %parallel_loop3A_497] {strides = array<i32>} : memref<16x768xf32, #tpu.memory_space<vmem>>, vector<1x16xf32>,
        %parallel_loop3A_499 = vector.shape_cast %parallel_loop3A_498 : vector<1x16xf32> to vector<16xf32>
        %parallel_loop3A_500 = arith.constant 3 : i32
        %parallel_loop3A_501 = arith.index_cast %parallel_loop3A_500 : i32 to index
        %parallel_loop3A_502 = arith.index_cast %parallel_loop3A_443 : i32 to index
        %parallel_loop3A_503 = tpu.vector_load %arg12[%parallel_loop3A_501, %parallel_loop3A_502] {strides = array<i32>} : memref<16x768xf32, #tpu.memory_space<vmem>>, vector<1x16xf32>,
        %parallel_loop3A_504 = vector.shape_cast %parallel_loop3A_503 : vector<1x16xf32> to vector<16xf32>
        %parallel_loop3A_505 = arith.addf %parallel_loop3A_499, %parallel_loop3A_504 : vector<16xf32>
        %parallel_loop3A_506 = arith.constant 3 : i32
        %parallel_loop3A_507 = arith.index_cast %parallel_loop3A_506 : i32 to index
        %parallel_loop3A_508 = arith.index_cast %parallel_loop3A_443 : i32 to index
        %parallel_loop3A_509 = tpu.vector_load %arg10[%parallel_loop3A_507, %parallel_loop3A_508] {strides = array<i32>} : memref<16x768xf32, #tpu.memory_space<vmem>>, vector<1x16xf32>,
        %parallel_loop3A_510 = vector.shape_cast %parallel_loop3A_509 : vector<1x16xf32> to vector<16xf32>
        %parallel_loop3A_511 = vector.shape_cast %parallel_loop3A_505 : vector<16xf32> to vector<1x16xf32>
        tpu.vector_store %arg10[%parallel_loop3A_507, %parallel_loop3A_508], %parallel_loop3A_511 {strides = array<i32>} : memref<16x768xf32, #tpu.memory_space<vmem>>, vector<1x16xf32>,
        %parallel_loop3A_512 = arith.constant 4 : i32
        %parallel_loop3A_513 = arith.index_cast %parallel_loop3A_512 : i32 to index
        %parallel_loop3A_514 = arith.index_cast %parallel_loop3A_443 : i32 to index
        %parallel_loop3A_515 = tpu.vector_load %arg8[%parallel_loop3A_513, %parallel_loop3A_514] {strides = array<i32>} : memref<16x768xf32, #tpu.memory_space<vmem>>, vector<1x16xf32>,
        %parallel_loop3A_516 = vector.shape_cast %parallel_loop3A_515 : vector<1x16xf32> to vector<16xf32>
        %parallel_loop3A_517 = arith.constant 4 : i32
        %parallel_loop3A_518 = arith.index_cast %parallel_loop3A_517 : i32 to index
        %parallel_loop3A_519 = arith.index_cast %parallel_loop3A_443 : i32 to index
        %parallel_loop3A_520 = tpu.vector_load %arg12[%parallel_loop3A_518, %parallel_loop3A_519] {strides = array<i32>} : memref<16x768xf32, #tpu.memory_space<vmem>>, vector<1x16xf32>,
        %parallel_loop3A_521 = vector.shape_cast %parallel_loop3A_520 : vector<1x16xf32> to vector<16xf32>
        %parallel_loop3A_522 = arith.addf %parallel_loop3A_516, %parallel_loop3A_521 : vector<16xf32>
        %parallel_loop3A_523 = arith.constant 4 : i32
        %parallel_loop3A_524 = arith.index_cast %parallel_loop3A_523 : i32 to index
        %parallel_loop3A_525 = arith.index_cast %parallel_loop3A_443 : i32 to index
        %parallel_loop3A_526 = tpu.vector_load %arg10[%parallel_loop3A_524, %parallel_loop3A_525] {strides = array<i32>} : memref<16x768xf32, #tpu.memory_space<vmem>>, vector<1x16xf32>,
        %parallel_loop3A_527 = vector.shape_cast %parallel_loop3A_526 : vector<1x16xf32> to vector<16xf32>
        %parallel_loop3A_528 = vector.shape_cast %parallel_loop3A_522 : vector<16xf32> to vector<1x16xf32>
        tpu.vector_store %arg10[%parallel_loop3A_524, %parallel_loop3A_525], %parallel_loop3A_528 {strides = array<i32>} : memref<16x768xf32, #tpu.memory_space<vmem>>, vector<1x16xf32>,
        %parallel_loop3A_529 = arith.constant 5 : i32
        %parallel_loop3A_530 = arith.index_cast %parallel_loop3A_529 : i32 to index
        %parallel_loop3A_531 = arith.index_cast %parallel_loop3A_443 : i32 to index
        %parallel_loop3A_532 = tpu.vector_load %arg8[%parallel_loop3A_530, %parallel_loop3A_531] {strides = array<i32>} : memref<16x768xf32, #tpu.memory_space<vmem>>, vector<1x16xf32>,
        %parallel_loop3A_533 = vector.shape_cast %parallel_loop3A_532 : vector<1x16xf32> to vector<16xf32>
        %parallel_loop3A_534 = arith.constant 5 : i32
        %parallel_loop3A_535 = arith.index_cast %parallel_loop3A_534 : i32 to index
        %parallel_loop3A_536 = arith.index_cast %parallel_loop3A_443 : i32 to index
        %parallel_loop3A_537 = tpu.vector_load %arg12[%parallel_loop3A_535, %parallel_loop3A_536] {strides = array<i32>} : memref<16x768xf32, #tpu.memory_space<vmem>>, vector<1x16xf32>,
        %parallel_loop3A_538 = vector.shape_cast %parallel_loop3A_537 : vector<1x16xf32> to vector<16xf32>
        %parallel_loop3A_539 = arith.addf %parallel_loop3A_533, %parallel_loop3A_538 : vector<16xf32>
        %parallel_loop3A_540 = arith.constant 5 : i32
        %parallel_loop3A_541 = arith.index_cast %parallel_loop3A_540 : i32 to index
        %parallel_loop3A_542 = arith.index_cast %parallel_loop3A_443 : i32 to index
        %parallel_loop3A_543 = tpu.vector_load %arg10[%parallel_loop3A_541, %parallel_loop3A_542] {strides = array<i32>} : memref<16x768xf32, #tpu.memory_space<vmem>>, vector<1x16xf32>,
        %parallel_loop3A_544 = vector.shape_cast %parallel_loop3A_543 : vector<1x16xf32> to vector<16xf32>
        %parallel_loop3A_545 = vector.shape_cast %parallel_loop3A_539 : vector<16xf32> to vector<1x16xf32>
        tpu.vector_store %arg10[%parallel_loop3A_541, %parallel_loop3A_542], %parallel_loop3A_545 {strides = array<i32>} : memref<16x768xf32, #tpu.memory_space<vmem>>, vector<1x16xf32>,
        %parallel_loop3A_546 = arith.constant 6 : i32
        %parallel_loop3A_547 = arith.index_cast %parallel_loop3A_546 : i32 to index
        %parallel_loop3A_548 = arith.index_cast %parallel_loop3A_443 : i32 to index
        %parallel_loop3A_549 = tpu.vector_load %arg8[%parallel_loop3A_547, %parallel_loop3A_548] {strides = array<i32>} : memref<16x768xf32, #tpu.memory_space<vmem>>, vector<1x16xf32>,
        %parallel_loop3A_550 = vector.shape_cast %parallel_loop3A_549 : vector<1x16xf32> to vector<16xf32>
        %parallel_loop3A_551 = arith.constant 6 : i32
        %parallel_loop3A_552 = arith.index_cast %parallel_loop3A_551 : i32 to index
        %parallel_loop3A_553 = arith.index_cast %parallel_loop3A_443 : i32 to index
        %parallel_loop3A_554 = tpu.vector_load %arg12[%parallel_loop3A_552, %parallel_loop3A_553] {strides = array<i32>} : memref<16x768xf32, #tpu.memory_space<vmem>>, vector<1x16xf32>,
        %parallel_loop3A_555 = vector.shape_cast %parallel_loop3A_554 : vector<1x16xf32> to vector<16xf32>
        %parallel_loop3A_556 = arith.addf %parallel_loop3A_550, %parallel_loop3A_555 : vector<16xf32>
        %parallel_loop3A_557 = arith.constant 6 : i32
        %parallel_loop3A_558 = arith.index_cast %parallel_loop3A_557 : i32 to index
        %parallel_loop3A_559 = arith.index_cast %parallel_loop3A_443 : i32 to index
        %parallel_loop3A_560 = tpu.vector_load %arg10[%parallel_loop3A_558, %parallel_loop3A_559] {strides = array<i32>} : memref<16x768xf32, #tpu.memory_space<vmem>>, vector<1x16xf32>,
        %parallel_loop3A_561 = vector.shape_cast %parallel_loop3A_560 : vector<1x16xf32> to vector<16xf32>
        %parallel_loop3A_562 = vector.shape_cast %parallel_loop3A_556 : vector<16xf32> to vector<1x16xf32>
        tpu.vector_store %arg10[%parallel_loop3A_558, %parallel_loop3A_559], %parallel_loop3A_562 {strides = array<i32>} : memref<16x768xf32, #tpu.memory_space<vmem>>, vector<1x16xf32>,
        %parallel_loop3A_563 = arith.constant 7 : i32
        %parallel_loop3A_564 = arith.index_cast %parallel_loop3A_563 : i32 to index
        %parallel_loop3A_565 = arith.index_cast %parallel_loop3A_443 : i32 to index
        %parallel_loop3A_566 = tpu.vector_load %arg8[%parallel_loop3A_564, %parallel_loop3A_565] {strides = array<i32>} : memref<16x768xf32, #tpu.memory_space<vmem>>, vector<1x16xf32>,
        %parallel_loop3A_567 = vector.shape_cast %parallel_loop3A_566 : vector<1x16xf32> to vector<16xf32>
        %parallel_loop3A_568 = arith.constant 7 : i32
        %parallel_loop3A_569 = arith.index_cast %parallel_loop3A_568 : i32 to index
        %parallel_loop3A_570 = arith.index_cast %parallel_loop3A_443 : i32 to index
        %parallel_loop3A_571 = tpu.vector_load %arg12[%parallel_loop3A_569, %parallel_loop3A_570] {strides = array<i32>} : memref<16x768xf32, #tpu.memory_space<vmem>>, vector<1x16xf32>,
        %parallel_loop3A_572 = vector.shape_cast %parallel_loop3A_571 : vector<1x16xf32> to vector<16xf32>
        %parallel_loop3A_573 = arith.addf %parallel_loop3A_567, %parallel_loop3A_572 : vector<16xf32>
        %parallel_loop3A_574 = arith.constant 7 : i32
        %parallel_loop3A_575 = arith.index_cast %parallel_loop3A_574 : i32 to index
        %parallel_loop3A_576 = arith.index_cast %parallel_loop3A_443 : i32 to index
        %parallel_loop3A_577 = tpu.vector_load %arg10[%parallel_loop3A_575, %parallel_loop3A_576] {strides = array<i32>} : memref<16x768xf32, #tpu.memory_space<vmem>>, vector<1x16xf32>,
        %parallel_loop3A_578 = vector.shape_cast %parallel_loop3A_577 : vector<1x16xf32> to vector<16xf32>
        %parallel_loop3A_579 = vector.shape_cast %parallel_loop3A_573 : vector<16xf32> to vector<1x16xf32>
        tpu.vector_store %arg10[%parallel_loop3A_575, %parallel_loop3A_576], %parallel_loop3A_579 {strides = array<i32>} : memref<16x768xf32, #tpu.memory_space<vmem>>, vector<1x16xf32>,
        %parallel_loop3A_580 = arith.constant 8 : i32
        %parallel_loop3A_581 = arith.index_cast %parallel_loop3A_580 : i32 to index
        %parallel_loop3A_582 = arith.index_cast %parallel_loop3A_443 : i32 to index
        %parallel_loop3A_583 = tpu.vector_load %arg8[%parallel_loop3A_581, %parallel_loop3A_582] {strides = array<i32>} : memref<16x768xf32, #tpu.memory_space<vmem>>, vector<1x16xf32>,
        %parallel_loop3A_584 = vector.shape_cast %parallel_loop3A_583 : vector<1x16xf32> to vector<16xf32>
        %parallel_loop3A_585 = arith.constant 8 : i32
        %parallel_loop3A_586 = arith.index_cast %parallel_loop3A_585 : i32 to index
        %parallel_loop3A_587 = arith.index_cast %parallel_loop3A_443 : i32 to index
        %parallel_loop3A_588 = tpu.vector_load %arg12[%parallel_loop3A_586, %parallel_loop3A_587] {strides = array<i32>} : memref<16x768xf32, #tpu.memory_space<vmem>>, vector<1x16xf32>,
        %parallel_loop3A_589 = vector.shape_cast %parallel_loop3A_588 : vector<1x16xf32> to vector<16xf32>
        %parallel_loop3A_590 = arith.addf %parallel_loop3A_584, %parallel_loop3A_589 : vector<16xf32>
        %parallel_loop3A_591 = arith.constant 8 : i32
        %parallel_loop3A_592 = arith.index_cast %parallel_loop3A_591 : i32 to index
        %parallel_loop3A_593 = arith.index_cast %parallel_loop3A_443 : i32 to index
        %parallel_loop3A_594 = tpu.vector_load %arg10[%parallel_loop3A_592, %parallel_loop3A_593] {strides = array<i32>} : memref<16x768xf32, #tpu.memory_space<vmem>>, vector<1x16xf32>,
        %parallel_loop3A_595 = vector.shape_cast %parallel_loop3A_594 : vector<1x16xf32> to vector<16xf32>
        %parallel_loop3A_596 = vector.shape_cast %parallel_loop3A_590 : vector<16xf32> to vector<1x16xf32>
        tpu.vector_store %arg10[%parallel_loop3A_592, %parallel_loop3A_593], %parallel_loop3A_596 {strides = array<i32>} : memref<16x768xf32, #tpu.memory_space<vmem>>, vector<1x16xf32>,
        %parallel_loop3A_597 = arith.constant 9 : i32
        %parallel_loop3A_598 = arith.index_cast %parallel_loop3A_597 : i32 to index
        %parallel_loop3A_599 = arith.index_cast %parallel_loop3A_443 : i32 to index
        %parallel_loop3A_600 = tpu.vector_load %arg8[%parallel_loop3A_598, %parallel_loop3A_599] {strides = array<i32>} : memref<16x768xf32, #tpu.memory_space<vmem>>, vector<1x16xf32>,
        %parallel_loop3A_601 = vector.shape_cast %parallel_loop3A_600 : vector<1x16xf32> to vector<16xf32>
        %parallel_loop3A_602 = arith.constant 9 : i32
        %parallel_loop3A_603 = arith.index_cast %parallel_loop3A_602 : i32 to index
        %parallel_loop3A_604 = arith.index_cast %parallel_loop3A_443 : i32 to index
        %parallel_loop3A_605 = tpu.vector_load %arg12[%parallel_loop3A_603, %parallel_loop3A_604] {strides = array<i32>} : memref<16x768xf32, #tpu.memory_space<vmem>>, vector<1x16xf32>,
        %parallel_loop3A_606 = vector.shape_cast %parallel_loop3A_605 : vector<1x16xf32> to vector<16xf32>
        %parallel_loop3A_607 = arith.addf %parallel_loop3A_601, %parallel_loop3A_606 : vector<16xf32>
        %parallel_loop3A_608 = arith.constant 9 : i32
        %parallel_loop3A_609 = arith.index_cast %parallel_loop3A_608 : i32 to index
        %parallel_loop3A_610 = arith.index_cast %parallel_loop3A_443 : i32 to index
        %parallel_loop3A_611 = tpu.vector_load %arg10[%parallel_loop3A_609, %parallel_loop3A_610] {strides = array<i32>} : memref<16x768xf32, #tpu.memory_space<vmem>>, vector<1x16xf32>,
        %parallel_loop3A_612 = vector.shape_cast %parallel_loop3A_611 : vector<1x16xf32> to vector<16xf32>
        %parallel_loop3A_613 = vector.shape_cast %parallel_loop3A_607 : vector<16xf32> to vector<1x16xf32>
        tpu.vector_store %arg10[%parallel_loop3A_609, %parallel_loop3A_610], %parallel_loop3A_613 {strides = array<i32>} : memref<16x768xf32, #tpu.memory_space<vmem>>, vector<1x16xf32>,
        %parallel_loop3A_614 = arith.constant 10 : i32
        %parallel_loop3A_615 = arith.index_cast %parallel_loop3A_614 : i32 to index
        %parallel_loop3A_616 = arith.index_cast %parallel_loop3A_443 : i32 to index
        %parallel_loop3A_617 = tpu.vector_load %arg8[%parallel_loop3A_615, %parallel_loop3A_616] {strides = array<i32>} : memref<16x768xf32, #tpu.memory_space<vmem>>, vector<1x16xf32>,
        %parallel_loop3A_618 = vector.shape_cast %parallel_loop3A_617 : vector<1x16xf32> to vector<16xf32>
        %parallel_loop3A_619 = arith.constant 10 : i32
        %parallel_loop3A_620 = arith.index_cast %parallel_loop3A_619 : i32 to index
        %parallel_loop3A_621 = arith.index_cast %parallel_loop3A_443 : i32 to index
        %parallel_loop3A_622 = tpu.vector_load %arg12[%parallel_loop3A_620, %parallel_loop3A_621] {strides = array<i32>} : memref<16x768xf32, #tpu.memory_space<vmem>>, vector<1x16xf32>,
        %parallel_loop3A_623 = vector.shape_cast %parallel_loop3A_622 : vector<1x16xf32> to vector<16xf32>
        %parallel_loop3A_624 = arith.addf %parallel_loop3A_618, %parallel_loop3A_623 : vector<16xf32>
        %parallel_loop3A_625 = arith.constant 10 : i32
        %parallel_loop3A_626 = arith.index_cast %parallel_loop3A_625 : i32 to index
        %parallel_loop3A_627 = arith.index_cast %parallel_loop3A_443 : i32 to index
        %parallel_loop3A_628 = tpu.vector_load %arg10[%parallel_loop3A_626, %parallel_loop3A_627] {strides = array<i32>} : memref<16x768xf32, #tpu.memory_space<vmem>>, vector<1x16xf32>,
        %parallel_loop3A_629 = vector.shape_cast %parallel_loop3A_628 : vector<1x16xf32> to vector<16xf32>
        %parallel_loop3A_630 = vector.shape_cast %parallel_loop3A_624 : vector<16xf32> to vector<1x16xf32>
        tpu.vector_store %arg10[%parallel_loop3A_626, %parallel_loop3A_627], %parallel_loop3A_630 {strides = array<i32>} : memref<16x768xf32, #tpu.memory_space<vmem>>, vector<1x16xf32>,
        %parallel_loop3A_631 = arith.constant 11 : i32
        %parallel_loop3A_632 = arith.index_cast %parallel_loop3A_631 : i32 to index
        %parallel_loop3A_633 = arith.index_cast %parallel_loop3A_443 : i32 to index
        %parallel_loop3A_634 = tpu.vector_load %arg8[%parallel_loop3A_632, %parallel_loop3A_633] {strides = array<i32>} : memref<16x768xf32, #tpu.memory_space<vmem>>, vector<1x16xf32>,
        %parallel_loop3A_635 = vector.shape_cast %parallel_loop3A_634 : vector<1x16xf32> to vector<16xf32>
        %parallel_loop3A_636 = arith.constant 11 : i32
        %parallel_loop3A_637 = arith.index_cast %parallel_loop3A_636 : i32 to index
        %parallel_loop3A_638 = arith.index_cast %parallel_loop3A_443 : i32 to index
        %parallel_loop3A_639 = tpu.vector_load %arg12[%parallel_loop3A_637, %parallel_loop3A_638] {strides = array<i32>} : memref<16x768xf32, #tpu.memory_space<vmem>>, vector<1x16xf32>,
        %parallel_loop3A_640 = vector.shape_cast %parallel_loop3A_639 : vector<1x16xf32> to vector<16xf32>
        %parallel_loop3A_641 = arith.addf %parallel_loop3A_635, %parallel_loop3A_640 : vector<16xf32>
        %parallel_loop3A_642 = arith.constant 11 : i32
        %parallel_loop3A_643 = arith.index_cast %parallel_loop3A_642 : i32 to index
        %parallel_loop3A_644 = arith.index_cast %parallel_loop3A_443 : i32 to index
        %parallel_loop3A_645 = tpu.vector_load %arg10[%parallel_loop3A_643, %parallel_loop3A_644] {strides = array<i32>} : memref<16x768xf32, #tpu.memory_space<vmem>>, vector<1x16xf32>,
        %parallel_loop3A_646 = vector.shape_cast %parallel_loop3A_645 : vector<1x16xf32> to vector<16xf32>
        %parallel_loop3A_647 = vector.shape_cast %parallel_loop3A_641 : vector<16xf32> to vector<1x16xf32>
        tpu.vector_store %arg10[%parallel_loop3A_643, %parallel_loop3A_644], %parallel_loop3A_647 {strides = array<i32>} : memref<16x768xf32, #tpu.memory_space<vmem>>, vector<1x16xf32>,
        %parallel_loop3A_648 = arith.constant 12 : i32
        %parallel_loop3A_649 = arith.index_cast %parallel_loop3A_648 : i32 to index
        %parallel_loop3A_650 = arith.index_cast %parallel_loop3A_443 : i32 to index
        %parallel_loop3A_651 = tpu.vector_load %arg8[%parallel_loop3A_649, %parallel_loop3A_650] {strides = array<i32>} : memref<16x768xf32, #tpu.memory_space<vmem>>, vector<1x16xf32>,
        %parallel_loop3A_652 = vector.shape_cast %parallel_loop3A_651 : vector<1x16xf32> to vector<16xf32>
        %parallel_loop3A_653 = arith.constant 12 : i32
        %parallel_loop3A_654 = arith.index_cast %parallel_loop3A_653 : i32 to index
        %parallel_loop3A_655 = arith.index_cast %parallel_loop3A_443 : i32 to index
        %parallel_loop3A_656 = tpu.vector_load %arg12[%parallel_loop3A_654, %parallel_loop3A_655] {strides = array<i32>} : memref<16x768xf32, #tpu.memory_space<vmem>>, vector<1x16xf32>,
        %parallel_loop3A_657 = vector.shape_cast %parallel_loop3A_656 : vector<1x16xf32> to vector<16xf32>
        %parallel_loop3A_658 = arith.addf %parallel_loop3A_652, %parallel_loop3A_657 : vector<16xf32>
        %parallel_loop3A_659 = arith.constant 12 : i32
        %parallel_loop3A_660 = arith.index_cast %parallel_loop3A_659 : i32 to index
        %parallel_loop3A_661 = arith.index_cast %parallel_loop3A_443 : i32 to index
        %parallel_loop3A_662 = tpu.vector_load %arg10[%parallel_loop3A_660, %parallel_loop3A_661] {strides = array<i32>} : memref<16x768xf32, #tpu.memory_space<vmem>>, vector<1x16xf32>,
        %parallel_loop3A_663 = vector.shape_cast %parallel_loop3A_662 : vector<1x16xf32> to vector<16xf32>
        %parallel_loop3A_664 = vector.shape_cast %parallel_loop3A_658 : vector<16xf32> to vector<1x16xf32>
        tpu.vector_store %arg10[%parallel_loop3A_660, %parallel_loop3A_661], %parallel_loop3A_664 {strides = array<i32>} : memref<16x768xf32, #tpu.memory_space<vmem>>, vector<1x16xf32>,
        %parallel_loop3A_665 = arith.constant 13 : i32
        %parallel_loop3A_666 = arith.index_cast %parallel_loop3A_665 : i32 to index
        %parallel_loop3A_667 = arith.index_cast %parallel_loop3A_443 : i32 to index
        %parallel_loop3A_668 = tpu.vector_load %arg8[%parallel_loop3A_666, %parallel_loop3A_667] {strides = array<i32>} : memref<16x768xf32, #tpu.memory_space<vmem>>, vector<1x16xf32>,
        %parallel_loop3A_669 = vector.shape_cast %parallel_loop3A_668 : vector<1x16xf32> to vector<16xf32>
        %parallel_loop3A_670 = arith.constant 13 : i32
        %parallel_loop3A_671 = arith.index_cast %parallel_loop3A_670 : i32 to index
        %parallel_loop3A_672 = arith.index_cast %parallel_loop3A_443 : i32 to index
        %parallel_loop3A_673 = tpu.vector_load %arg12[%parallel_loop3A_671, %parallel_loop3A_672] {strides = array<i32>} : memref<16x768xf32, #tpu.memory_space<vmem>>, vector<1x16xf32>,
        %parallel_loop3A_674 = vector.shape_cast %parallel_loop3A_673 : vector<1x16xf32> to vector<16xf32>
        %parallel_loop3A_675 = arith.addf %parallel_loop3A_669, %parallel_loop3A_674 : vector<16xf32>
        %parallel_loop3A_676 = arith.constant 13 : i32
        %parallel_loop3A_677 = arith.index_cast %parallel_loop3A_676 : i32 to index
        %parallel_loop3A_678 = arith.index_cast %parallel_loop3A_443 : i32 to index
        %parallel_loop3A_679 = tpu.vector_load %arg10[%parallel_loop3A_677, %parallel_loop3A_678] {strides = array<i32>} : memref<16x768xf32, #tpu.memory_space<vmem>>, vector<1x16xf32>,
        %parallel_loop3A_680 = vector.shape_cast %parallel_loop3A_679 : vector<1x16xf32> to vector<16xf32>
        %parallel_loop3A_681 = vector.shape_cast %parallel_loop3A_675 : vector<16xf32> to vector<1x16xf32>
        tpu.vector_store %arg10[%parallel_loop3A_677, %parallel_loop3A_678], %parallel_loop3A_681 {strides = array<i32>} : memref<16x768xf32, #tpu.memory_space<vmem>>, vector<1x16xf32>,
        %parallel_loop3A_682 = arith.constant 14 : i32
        %parallel_loop3A_683 = arith.index_cast %parallel_loop3A_682 : i32 to index
        %parallel_loop3A_684 = arith.index_cast %parallel_loop3A_443 : i32 to index
        %parallel_loop3A_685 = tpu.vector_load %arg8[%parallel_loop3A_683, %parallel_loop3A_684] {strides = array<i32>} : memref<16x768xf32, #tpu.memory_space<vmem>>, vector<1x16xf32>,
        %parallel_loop3A_686 = vector.shape_cast %parallel_loop3A_685 : vector<1x16xf32> to vector<16xf32>
        %parallel_loop3A_687 = arith.constant 14 : i32
        %parallel_loop3A_688 = arith.index_cast %parallel_loop3A_687 : i32 to index
        %parallel_loop3A_689 = arith.index_cast %parallel_loop3A_443 : i32 to index
        %parallel_loop3A_690 = tpu.vector_load %arg12[%parallel_loop3A_688, %parallel_loop3A_689] {strides = array<i32>} : memref<16x768xf32, #tpu.memory_space<vmem>>, vector<1x16xf32>,
        %parallel_loop3A_691 = vector.shape_cast %parallel_loop3A_690 : vector<1x16xf32> to vector<16xf32>
        %parallel_loop3A_692 = arith.addf %parallel_loop3A_686, %parallel_loop3A_691 : vector<16xf32>
        %parallel_loop3A_693 = arith.constant 14 : i32
        %parallel_loop3A_694 = arith.index_cast %parallel_loop3A_693 : i32 to index
        %parallel_loop3A_695 = arith.index_cast %parallel_loop3A_443 : i32 to index
        %parallel_loop3A_696 = tpu.vector_load %arg10[%parallel_loop3A_694, %parallel_loop3A_695] {strides = array<i32>} : memref<16x768xf32, #tpu.memory_space<vmem>>, vector<1x16xf32>,
        %parallel_loop3A_697 = vector.shape_cast %parallel_loop3A_696 : vector<1x16xf32> to vector<16xf32>
        %parallel_loop3A_698 = vector.shape_cast %parallel_loop3A_692 : vector<16xf32> to vector<1x16xf32>
        tpu.vector_store %arg10[%parallel_loop3A_694, %parallel_loop3A_695], %parallel_loop3A_698 {strides = array<i32>} : memref<16x768xf32, #tpu.memory_space<vmem>>, vector<1x16xf32>,
        %parallel_loop3A_699 = arith.constant 15 : i32
        %parallel_loop3A_700 = arith.index_cast %parallel_loop3A_699 : i32 to index
        %parallel_loop3A_701 = arith.index_cast %parallel_loop3A_443 : i32 to index
        %parallel_loop3A_702 = tpu.vector_load %arg8[%parallel_loop3A_700, %parallel_loop3A_701] {strides = array<i32>} : memref<16x768xf32, #tpu.memory_space<vmem>>, vector<1x16xf32>,
        %parallel_loop3A_703 = vector.shape_cast %parallel_loop3A_702 : vector<1x16xf32> to vector<16xf32>
        %parallel_loop3A_704 = arith.constant 15 : i32
        %parallel_loop3A_705 = arith.index_cast %parallel_loop3A_704 : i32 to index
        %parallel_loop3A_706 = arith.index_cast %parallel_loop3A_443 : i32 to index
        %parallel_loop3A_707 = tpu.vector_load %arg12[%parallel_loop3A_705, %parallel_loop3A_706] {strides = array<i32>} : memref<16x768xf32, #tpu.memory_space<vmem>>, vector<1x16xf32>,
        %parallel_loop3A_708 = vector.shape_cast %parallel_loop3A_707 : vector<1x16xf32> to vector<16xf32>
        %parallel_loop3A_709 = arith.addf %parallel_loop3A_703, %parallel_loop3A_708 : vector<16xf32>
        %parallel_loop3A_710 = arith.constant 15 : i32
        %parallel_loop3A_711 = arith.index_cast %parallel_loop3A_710 : i32 to index
        %parallel_loop3A_712 = arith.index_cast %parallel_loop3A_443 : i32 to index
        %parallel_loop3A_713 = tpu.vector_load %arg10[%parallel_loop3A_711, %parallel_loop3A_712] {strides = array<i32>} : memref<16x768xf32, #tpu.memory_space<vmem>>, vector<1x16xf32>,
        %parallel_loop3A_714 = vector.shape_cast %parallel_loop3A_713 : vector<1x16xf32> to vector<16xf32>
        %parallel_loop3A_715 = vector.shape_cast %parallel_loop3A_709 : vector<16xf32> to vector<1x16xf32>
        tpu.vector_store %arg10[%parallel_loop3A_711, %parallel_loop3A_712], %parallel_loop3A_715 {strides = array<i32>} : memref<16x768xf32, #tpu.memory_space<vmem>>, vector<1x16xf32>,
      } {sc.loop_unroll_factor = 1 : i64, sc.parallel_access}
      %add3A_421 = arith.constant 24576 : i32
      %add3A_422 = arith.addi %add3A_421, %mul3A_2 : i32
      %mul3A_423 = arith.constant 16 : i32
      %mul3A_424 = arith.muli %add3A_273, %mul3A_423 : i32
      %add3A_425 = arith.addi %add3A_422, %mul3A_424 : i32
      %min3A_426 = arith.constant 32752 : i32
      %min3A_427 = arith.minsi %add3A_425, %min3A_426 : i32
      %dma_start3A_428 = arith.constant 0 : i32
      %dma_start3A_429 = tpu.memref_slice %arg4[%min3A_427, %dma_start3A_428] : memref<32768x768xf32, #tpu.memory_space<hbm>> -> memref<16x768xf32, #tpu.memory_space<hbm>>
      %dma_start3A_430 = arith.constant 0 : i32
      %dma_start3A_431 = tpu.memref_slice %arg4[%min3A_427, %dma_start3A_430] : memref<32768x768xf32, #tpu.memory_space<hbm>> -> memref<16x768xf32, #tpu.memory_space<hbm>>
      tpu.enqueue_dma source(%arg10 : memref<16x768xf32, #tpu.memory_space<vmem>>) target(%dma_start3A_431 : memref<16x768xf32, #tpu.memory_space<hbm>>) target_semaphore(%arg18 : memref<!tpu.dma_semaphore, #tpu.memory_space<semaphore_mem>>)
      %add3A_432 = arith.constant 2 : i32
      %add3A_433 = arith.addi %add3A_273, %add3A_432 : i32
      %mul3A_434 = arith.constant 16 : i32
      %mul3A_435 = arith.muli %add3A_433, %mul3A_434 : i32
      %add3A_436 = arith.addi %mul3A_2, %mul3A_435 : i32
      %min3A_437 = arith.constant 8176 : i32
      %min3A_438 = arith.minsi %add3A_436, %min3A_437 : i32
      %dma_start3A_439 = arith.constant 0 : i32
      %dma_start3A_440 = tpu.memref_slice %arg3[%min3A_438, %dma_start3A_439] : memref<8192x768xf32, #tpu.memory_space<hbm>> -> memref<16x768xf32, #tpu.memory_space<hbm>>
      %dma_start3A_441 = arith.constant 0 : i32
      %dma_start3A_442 = tpu.memref_slice %arg3[%min3A_438, %dma_start3A_441] : memref<8192x768xf32, #tpu.memory_space<hbm>> -> memref<16x768xf32, #tpu.memory_space<hbm>>
      tpu.enqueue_dma source(%dma_start3A_442 : memref<16x768xf32, #tpu.memory_space<hbm>>) target(%arg12 : memref<16x768xf32, #tpu.memory_space<vmem>>) target_semaphore(%arg20 : memref<!tpu.dma_semaphore, #tpu.memory_space<semaphore_mem>>)
    }
    %scan3A_61 = arith.constant 8 : i32
    %dma_wait3A = arith.constant 0 : i32
    %dma_wait3A_62 = arith.constant 0 : i32
    %dma_wait3A_63 = tpu.memref_slice %arg2[%dma_wait3A, %dma_wait3A_62] : memref<32768x768xf32, #tpu.memory_space<hbm>> -> memref<16x768xf32, #tpu.memory_space<hbm>>
    %dma_wait3A_64 = arith.constant 0 : i32
    %dma_wait3A_65 = arith.constant 0 : i32
    %dma_wait3A_66 = tpu.memref_slice %arg2[%dma_wait3A_64, %dma_wait3A_65] : memref<32768x768xf32, #tpu.memory_space<hbm>> -> memref<16x768xf32, #tpu.memory_space<hbm>>
    tpu.wait_dma2 semaphore(%arg13 : memref<!tpu.dma_semaphore, #tpu.memory_space<semaphore_mem>>) src(%dma_wait3A_66 : memref<16x768xf32, #tpu.memory_space<hbm>>) dst(%arg5 : memref<16x768xf32, #tpu.memory_space<vmem>>)
    %dma_wait3A_67 = arith.constant 0 : i32
    %dma_wait3A_68 = arith.constant 0 : i32
    %dma_wait3A_69 = tpu.memref_slice %arg2[%dma_wait3A_67, %dma_wait3A_68] : memref<32768x768xf32, #tpu.memory_space<hbm>> -> memref<16x768xf32, #tpu.memory_space<hbm>>
    %dma_wait3A_70 = arith.constant 0 : i32
    %dma_wait3A_71 = arith.constant 0 : i32
    %dma_wait3A_72 = tpu.memref_slice %arg2[%dma_wait3A_70, %dma_wait3A_71] : memref<32768x768xf32, #tpu.memory_space<hbm>> -> memref<16x768xf32, #tpu.memory_space<hbm>>
    tpu.wait_dma2 semaphore(%arg14 : memref<!tpu.dma_semaphore, #tpu.memory_space<semaphore_mem>>) src(%dma_wait3A_72 : memref<16x768xf32, #tpu.memory_space<hbm>>) dst(%arg6 : memref<16x768xf32, #tpu.memory_space<vmem>>)
    %dma_wait3A_73 = arith.constant 0 : i32
    %dma_wait3A_74 = arith.constant 0 : i32
    %dma_wait3A_75 = tpu.memref_slice %arg3[%dma_wait3A_73, %dma_wait3A_74] : memref<8192x768xf32, #tpu.memory_space<hbm>> -> memref<16x768xf32, #tpu.memory_space<hbm>>
    %dma_wait3A_76 = arith.constant 0 : i32
    %dma_wait3A_77 = arith.constant 0 : i32
    %dma_wait3A_78 = tpu.memref_slice %arg3[%dma_wait3A_76, %dma_wait3A_77] : memref<8192x768xf32, #tpu.memory_space<hbm>> -> memref<16x768xf32, #tpu.memory_space<hbm>>
    tpu.wait_dma2 semaphore(%arg19 : memref<!tpu.dma_semaphore, #tpu.memory_space<semaphore_mem>>) src(%dma_wait3A_78 : memref<16x768xf32, #tpu.memory_space<hbm>>) dst(%arg11 : memref<16x768xf32, #tpu.memory_space<vmem>>)
    %dma_wait3A_79 = arith.constant 0 : i32
    %dma_wait3A_80 = arith.constant 0 : i32
    %dma_wait3A_81 = tpu.memref_slice %arg3[%dma_wait3A_79, %dma_wait3A_80] : memref<8192x768xf32, #tpu.memory_space<hbm>> -> memref<16x768xf32, #tpu.memory_space<hbm>>
    %dma_wait3A_82 = arith.constant 0 : i32
    %dma_wait3A_83 = arith.constant 0 : i32
    %dma_wait3A_84 = tpu.memref_slice %arg3[%dma_wait3A_82, %dma_wait3A_83] : memref<8192x768xf32, #tpu.memory_space<hbm>> -> memref<16x768xf32, #tpu.memory_space<hbm>>
    tpu.wait_dma2 semaphore(%arg20 : memref<!tpu.dma_semaphore, #tpu.memory_space<semaphore_mem>>) src(%dma_wait3A_84 : memref<16x768xf32, #tpu.memory_space<hbm>>) dst(%arg12 : memref<16x768xf32, #tpu.memory_space<vmem>>)
    %dma_wait3A_85 = arith.constant 0 : i32
    %dma_wait3A_86 = arith.constant 0 : i32
    %dma_wait3A_87 = tpu.memref_slice %arg4[%dma_wait3A_85, %dma_wait3A_86] : memref<32768x768xf32, #tpu.memory_space<hbm>> -> memref<16x768xf32, #tpu.memory_space<hbm>>
    %dma_wait3A_88 = arith.constant 0 : i32
    %dma_wait3A_89 = arith.constant 0 : i32
    %dma_wait3A_90 = tpu.memref_slice %arg4[%dma_wait3A_88, %dma_wait3A_89] : memref<32768x768xf32, #tpu.memory_space<hbm>> -> memref<16x768xf32, #tpu.memory_space<hbm>>
    tpu.wait_dma2 semaphore(%arg17 : memref<!tpu.dma_semaphore, #tpu.memory_space<semaphore_mem>>) src(%arg9 : memref<16x768xf32, #tpu.memory_space<vmem>>) dst(%dma_wait3A_90 : memref<16x768xf32, #tpu.memory_space<hbm>>)
    %dma_wait3A_91 = arith.constant 0 : i32
    %dma_wait3A_92 = arith.constant 0 : i32
    %dma_wait3A_93 = tpu.memref_slice %arg4[%dma_wait3A_91, %dma_wait3A_92] : memref<32768x768xf32, #tpu.memory_space<hbm>> -> memref<16x768xf32, #tpu.memory_space<hbm>>
    %dma_wait3A_94 = arith.constant 0 : i32
    %dma_wait3A_95 = arith.constant 0 : i32
    %dma_wait3A_96 = tpu.memref_slice %arg4[%dma_wait3A_94, %dma_wait3A_95] : memref<32768x768xf32, #tpu.memory_space<hbm>> -> memref<16x768xf32, #tpu.memory_space<hbm>>
    tpu.wait_dma2 semaphore(%arg18 : memref<!tpu.dma_semaphore, #tpu.memory_space<semaphore_mem>>) src(%arg10 : memref<16x768xf32, #tpu.memory_space<vmem>>) dst(%dma_wait3A_96 : memref<16x768xf32, #tpu.memory_space<hbm>>)
    return
  }
}

</mosaic_0001>

<sc_bundles>
// kernel: kernel.3.cloned.1.call-start
scs
__scs_entry_jumppad:
0x0: {  	(pc) =	sbr.rel $0x88, $3  }
0x1: {  	(tag) =	ssettag $0x0;
	lr =	simm.s32 $0x1  }
0x2: {  	[smem:$0x3F9F] =	sst lr;
	_ =	strace $0xD0000000  }
0x3: {  	_ = 	snop  }
0x4: {  	_ = 	snop  }
0x5: {  	_ = 	snop  }
0x6: {  	_ = 	snop  }
0x7: {  	_ = 	snop  }
__scs_overlays_trampoline_lowered:
0x8: {  	[smem:$0x3FAE] =	sst s0  }
0x9: {  	[smem:$0x3FAF] =	sst s1  }
0xa: {  	[smem:$0x3FB0] =	sst s2  }
0xb: {  	[smem:$0x3FB1] =	sst s3  }
0xc: {  	[smem:$0x3FB2] =	sst s4  }
0xd: {  	[smem:$0x3FB3] =	sst s5  }
0xe: {  	[smem:$0x3FB4] =	sst s6  }
0xf: {  	[smem:$0x3FB5] =	sst s7  }
0x10: {  	[smem:$0x3FB6] =	sst s8  }
0x11: {  	[smem:$0x3FB7] =	sst s9;
	s0 =	simm.s32 @!p0 $0x0  }
0x12: {  	s1 =	sld [smem:$0x3F9D];
	s0 =	simm.s32 @p0 $0x1  }
0x13: {  	[smem:$0x3FB8] =	sst s0;
	s0 =	simm.s32 @!p1 $0x0  }
0x14: {  	s2 =	sld [smem:$0x3F9C];
	s0 =	simm.s32 @p1 $0x1  }
0x15: {  	[smem:$0x3FB9] =	sst s0;
	s0 =	simm.s32 @!p2 $0x0  }
0x16: {  	s3 =	sld [smem:$0x3FDB];
	s0 =	simm.s32 @p2 $0x1  }
0x17: {  	s4 =	simm.s32 $0x1BF5;
	[smem:$0x3FBB] =	sst s0  }
0x18: {  	s0 =	sld [smem:$0x3F9E];
	_ =	swait.ge [sflag:s4], $0x0  }
0x19: {  	s7 =	sld [smem:$0x3F9F]  }
0x1a: {  	s8 =	sadd.s32 $0xFFFFE003, lr  }
0x1b: {  	s9 =	sadd.s32 $0xFFFFFEF7, lr;
	s5 =	simm.s32 $0xFFFFFFFF;
	p2 =	slt.u32 s8, $0xFFFFF086  }
0x1c: {  	p1 =	slt.u32 s9, $0xF7A;
	s5 =	simm.s32 @!p2 $0x0  }
0x1d: {  	s5 =	simm.s32 @p1 $0x1;
	p0 =	seq.s32 s7, s2  }
0x1e: {  	s7 =	smul.u32 @!p0 $0xF7A, s2;
	p2 =	seq.s32 @!p0 s5, $0x0  }
0x1f: {  	s9 =	smul.u32 $0xF7A, s1;
	s8 =	simm.s32 @!p0 $0x1BF5;
	p2 =	por !p2, p0  }
0x20: {  	[sflag:s8] =	ssyncset.s32 @!p0 $0xFFFFF086;
	s6 =	sadd.s32 @!p0 s3, s7;
	s7 =	simm.s32 @!p0 $0x108  }
0x21: {  	s3 =	sadd.s32 s3, s9;
	s6 =	sadd.s32 @!p0 $0x88, s6;
	s7 =	simm.s32 @p2 $0x1082  }
0x22: {  	[simem:s7], [sflag:s8] =	dma.local @!p0 [hbm:s6], $0xF7A  }
0x23: {  	s9 =	sor.u32 $0xD0000000, s2;
	s6 =	simm.s32 $0x108;
	_ =	swait.ge @!p0 [sflag:s8], $0x0  }
0x24: {  	s3 =	sadd.s32 $0x88, s3;
	s6 =	simm.s32 @!p1 $0x1082;
	[sflag:s4] =	ssyncset.s32 $0xFFFFF086  }
0x25: {  	[simem:s6], [sflag:s4] =	dma.local [hbm:s3], $0xF7A  }
0x26: {  	[smem:$0x3F9F] =	sst s1;
	(tag) =	ssettag s2;
	_ =	strace s9  }
0x27: {  	s1 =	sld [smem:$0x3FAF]  }
0x28: {  	s2 =	sld [smem:$0x3FB0]  }
0x29: {  	s4 =	sld [smem:$0x3FB2]  }
0x2a: {  	p0 =	seq.s32 s5, $0x0;
	s5 =	sld [smem:$0x3FB3]  }
0x2b: {  	s6 =	sld [smem:$0x3FB4]  }
0x2c: {  	s7 =	sld [smem:$0x3FB5]  }
0x2d: {  	s3 =	simm.s32 $0x108;
	s8 =	sld [smem:$0x3FB6]  }
0x2e: {  	s3 =	simm.s32 @!p0 $0x1082;
	s9 =	sld [smem:$0x3FB7]  }
0x2f: {  	lr =	sadd.s32 s0, s3;
	s0 =	sld [smem:$0x3FAE]  }
0x30: {  	s3 =	sld [smem:$0x3FB1]  }
0x31: {  	[smem:$0x3FBA] =	sst s10  }
0x32: {  	s10 =	sld [smem:$0x3FB8];
	_ =	sdelay $0x3  }
0x33: {  	p0 =	seq.s32 s10, $0x1;
	s10 =	sld [smem:$0x3FBA];
	_ =	sdelay $0x3  }
0x34: {  	[smem:$0x3FBA] =	sst s10  }
0x35: {  	s10 =	sld [smem:$0x3FB9];
	_ =	sdelay $0x3  }
0x36: {  	p1 =	seq.s32 s10, $0x1;
	s10 =	sld [smem:$0x3FBA];
	_ =	sdelay $0x3  }
0x37: {  	[smem:$0x3FBA] =	sst s10  }
0x38: {  	s10 =	sld [smem:$0x3FBB]  }
0x39: {  	_ = 	snop;
	(pc) =	sbr.ind lr, $3  }
0x3a: {  	_ = 	snop  }
0x3b: {  	_ = 	snop  }
0x3c: {  	p2 =	seq.s32 s10, $0x1;
	s10 =	sld [smem:$0x3FBA]  }
0x3d: {  	_ =	shalt  }
0x3e: {  	_ =	shalt  }
0x3f: {  	_ =	shalt  }
0x40: {  	_ =	shalt  }
0x41: {  	_ =	shalt  }
0x42: {  	_ =	shalt  }
0x43: {  	_ =	shalt  }
0x44: {  	_ =	shalt  }
0x45: {  	_ =	shalt  }
0x46: {  	_ =	shalt  }
0x47: {  	_ =	shalt  }
0x48: {  	_ =	shalt  }
0x49: {  	_ =	shalt  }
0x4a: {  	_ =	shalt  }
0x4b: {  	_ =	shalt  }
0x4c: {  	_ =	shalt  }
0x4d: {  	_ =	shalt  }
0x4e: {  	_ =	shalt  }
0x4f: {  	_ =	shalt  }
0x50: {  	_ =	shalt  }
0x51: {  	_ =	shalt  }
0x52: {  	_ =	shalt  }
0x53: {  	_ =	shalt  }
0x54: {  	_ =	shalt  }
0x55: {  	_ =	shalt  }
0x56: {  	_ =	shalt  }
0x57: {  	_ =	shalt  }
0x58: {  	_ =	shalt  }
0x59: {  	_ =	shalt  }
0x5a: {  	_ =	shalt  }
0x5b: {  	_ =	shalt  }
0x5c: {  	_ =	shalt  }
0x5d: {  	_ =	shalt  }
0x5e: {  	_ =	shalt  }
0x5f: {  	_ =	shalt  }
0x60: {  	_ =	shalt  }
0x61: {  	_ =	shalt  }
0x62: {  	_ =	shalt  }
0x63: {  	_ =	shalt  }
0x64: {  	_ =	shalt  }
0x65: {  	_ =	shalt  }
0x66: {  	_ =	shalt  }
0x67: {  	_ =	shalt  }
0x68: {  	_ =	shalt  }
0x69: {  	_ =	shalt  }
0x6a: {  	_ =	shalt  }
0x6b: {  	_ =	shalt  }
0x6c: {  	_ =	shalt  }
0x6d: {  	_ =	shalt  }
0x6e: {  	_ =	shalt  }
0x6f: {  	_ =	shalt  }
0x70: {  	_ =	shalt  }
0x71: {  	_ =	shalt  }
0x72: {  	_ =	shalt  }
0x73: {  	_ =	shalt  }
0x74: {  	_ =	shalt  }
0x75: {  	_ =	shalt  }
0x76: {  	_ =	shalt  }
0x77: {  	_ =	shalt  }
0x78: {  	_ =	shalt  }
0x79: {  	_ =	shalt  }
0x7a: {  	_ =	shalt  }
0x7b: {  	_ =	shalt  }
0x7c: {  	_ =	shalt  }
0x7d: {  	_ =	shalt  }
0x7e: {  	_ =	shalt  }
0x7f: {  	_ =	shalt  }
0x80: {  	_ =	shalt  }
0x81: {  	_ =	shalt  }
0x82: {  	_ =	shalt  }
0x83: {  	_ =	shalt  }
0x84: {  	_ =	shalt  }
0x85: {  	_ =	shalt  }
0x86: {  	_ =	shalt  }
0x87: {  	_ =	shalt  }
.Lfunc_end0:
.L_simem_size_0:
called_computation_lowered:
.L_overlay_start_0:
0x88: {  	s2 =	sld [smem:$0x3FD9]  }
0x89: {  	s3 =	sld [smem:$0x3FFE];
	_ =	sdelay $0x1  }
0x8a: {  	s1 =	srdreg.scid  }
0x8b: {  	s0 =	sand.u32 $0x1, s1  }
0x8c: {  	s18 =	sshll.u32 s0, $0xA;
	s2 =	sadd.s32 s3, s2  }
0x8d: {  	s2 =	sadd.s32 s2, s18  }
0x8e: {  	[smem:$0x3FC6] =	sst s2  }
0x8f: {  	_ = 	snop  }
0x90: {  	s2 =	sld [smem:$0x3FC9]  }
0x91: {  	s19 =	sld [smem:$0x3FC8]  }
0x92: {  	s4 =	sld [smem:$0x3FD0];
	(tm) =	ssettm $0x1  }
0x93: {  	s5 =	sld [smem:$0x3FFB];
	_ =	sdelay $0x3  }
0x94: {  	_ =	strace s5  }
0x95: {  	s5 =	sld [smem:$0x3FFC];
	_ =	sdelay $0x3  }
0x96: {  	_ =	strace s5  }
0x97: {  	s5 =	sld [smem:$0x3FFD];
	_ =	sdelay $0x3  }
0x98: {  	_ =	strace s5  }
0x99: {  	_ =	strace $0x8FFFFFFF  }
0x9a: {  	s20 =	sld [smem:$0x3FDB];
	_ =	sdelay $0x1  }
0x9b: {  	s6 =	simm.s32 $_scs_section_size  }
0x9c: {  	s7 =	simm.s32 $_size__tile_overlayer_lowered;
	s8 =	simm.s32 $_tile_overlayer_lowered  }
0x9d: {  	s23 =	simm.s32 $0x1BFF;
	s22 =	sshll.u32 s8, $0x1;
	s5 =	sadd.s32 s6, s20  }
0x9e: {  	s9 =	simm.s32 $0x0;
	s21 =	sshll.u32 s7, $0x1;
	s7 =	sadd.s32 s22, s5  }
0x9f: {  	[timem:s9], [sflag:s23] =	dma.local [hbm:s7], s21  }
0xa0: {  	_ =	swait.ge [sflag:s23], s21  }
0xa1: {  	s6 =	ssub.s32 $0x0, s21;
	[sflag:s23] =	ssyncset.done $0x0  }
0xa2: {  	[sflag:s23] =	ssyncadd.s32 s6;
	_ =	sdelay $0x1  }
0xa3: {  	s24 =	simm.s32 $0x1B8B  }
0xa4: {  	_ =	swait.ge [sflag:s24], $0x1  }
0xa5: {  	[sflag:s24] =	ssyncset.done $0x0  }
0xa6: {  	s25 =	simm.s32 $0x1B8E;
	[sflag:s24] =	ssyncadd.s32 $0xFFFFFFFF  }
0xa7: {  	s26 =	simm.s32 $execute0_lowered;
	[smem:$0x3FD2] =	sst s25  }
0xa8: {  	s6 =	sshll.u32 s26, $0x1;
	_ =	strace $0x80000046;
	[dreg:$0x1] =	wrdreg $0xFFFFFFFF  }
0xa9: {  	s28 =	simm.s32 $_size_execute0_lowered;
	s5 =	sadd.s32 s5, s6;
	[dreg:$0x0] =	wrdreg $0x0  }
0xaa: {  	s6 =	sshll.u32 s28, $0x1;
	[dreg:$0x2] =	wrdreg s5  }
0xab: {  	[dreg:$0x3] =	wrdreg s6  }
0xac: {  	[dreg:$0x4] =	wrdreg $0xC0  }
0xad: {  	_ =	task [dreg:s9], $0x5FFFF  }
0xae: {  	[dreg:$0x1] =	wrdreg $0xFFFFFFFF  }
0xaf: {  	[dreg:$0x0] =	wrdreg $0x60  }
0xb0: {  	[dreg:$0x2] =	wrdreg s2  }
0xb1: {  	[dreg:$0x3] =	wrdreg s19  }
0xb2: {  	[dreg:$0x4] =	wrdreg s4  }
0xb3: {  	[dreg:$0x5] =	wrdreg $0x9  }
0xb4: {  	_ =	task.clear_ibuf [dreg:s9], $0x6FFFF;
	_ =	strace $0x90000046  }
0xb5: {  	s29 =	simm.s32 $0x9;
	_ =	strace $0x80000048  }
0xb6: {  	_ =	swait.ge [sflag:s29], $0x1  }
0xb7: {  	[sflag:s29] =	ssyncadd.s32 $0xFFFFFFFF  }
0xb8: {  	_ =	strace $0x90000048  }
0xb9: {  	_ =	sfence  }
0xba: {  	s30 =	sld [smem:$0x0];
	_ =	sdelay $0x2  }
0xbb: {  	s31 =	sshll.u32 s1, $0xD;
	s1 =	sshrl.u32 s1, $0x2  }
0xbc: {  	s3 =	sand.u32 $0x4000, s31;
	s1 =	sadd.s32 s1, s30  }
0xbd: {  	s0 =	sor.u32 s3, s0;
	s1 =	sshll.u32 s1, $0x11  }
0xbe: {  	s0 =	sor.u32 s1, s0  }
0xbf: {  	s0 =	sadd.s32 $0x8F2B, s0  }
0xc0: {  	[sflag:s0] =	ssyncadd.remote.s32 $0x1  }
0xc1: {  	_ =	sfence.sel $0xFFFF  }
0xc2: {  	[dreg:$0x0] =	wrdreg $0xFFFFFFFF;
	(pc) =	sbr.abs _section_cstart, $3  }
0xc3: {  	[dreg:$0x1] =	wrdreg $0xFFFFFFFF  }
0xc4: {  	_ =	task.clear_ibuf [dreg:s9], $0x2FFFF;
	_ =	strace $0x9FFFFFFF  }
0xc5: {  	(tm) =	ssettm $0x7FFFFFFF  }
tec
execute0_lowered:
.L_overlay_start_1:
0x0: {  	(tag) =	ssettag $0x1  }
0x1: {  	s1 =	rddreg [dreg:$0x0]  }
0x2: {  	s0 =	srdreg.scid;
	s20 =	rddreg [dreg:$0x1]  }
0x3: {  	s2 =	stileid.u32;
	s4 =	rddreg [dreg:$0x2]  }
0x4: {  	s21 =	simm.s32 $0x0;
	s28 =	simm.s32 $0x3000;
	s29 =	simm.s32 $0x2  }
0x5: {  	s30 =	simm.s32 $0x6;
	s31 =	simm.s32 $0x3;
	s0 =	sand.u32 $0x1, s0  }
0x6: {  	s2 =	sshll.u32 s2, $0x9;
	[smem:$0x7FF] =	sst s21;
	s3 =	sshll.u32 s0, $0x8  }
0x7: {  	s21 =	simm.s32 $0xC000;
	s0 =	ssub.s32 $0x2, s0;
	s5 =	sor.u32 s3, s2  }
0x8: {  	_ =	strace $0x80000047;
	s8 =	sshrl.u32 s0, $0x1;
	s2 =	sshrl.u32 s5, $0x3  }
0x9: {  	s7 =	sor.u32 $0x2000, s5;
	s0 =	ssub.s32 s0, s8;
	s14 =	sor.u32 $0x4000, s5  }
0xa: {  	s15 =	sor.u32 $0x6000, s5;
	s26 =	sor.u32 $0x30, s5;
	s2 =	smul.u32 $0x300, s2  }
0xb: {  	s22 =	sshrl.u32 s7, $0x3;
	[dreg:$0xa] =	wrdreg s26;
	s0 =	smax.u32 s0, $0x1  }
0xc: {  	s26 =	simm.s32 $0x5;
	[dreg:$0xb] =	wrdreg s0;
	s6 =	sadd.s32 s20, s2  }
0xd: {  	s3 =	smul.u32 $0x300, s22;
	s23 =	sadd.s32 s1, s2;
	[dreg:$0x4] =	wrdreg s6  }
0xe: {  	s22 =	simm.s32 $0xF000;
	s2 =	sadd.s32 s4, s2;
	[dreg:$0x6] =	wrdreg s23  }
0xf: {  	s0 =	simm.s32 $0x8;
	s6 =	sadd.s32 $0x600, s6;
	[dreg:$0x8] =	wrdreg s2  }
0x10: {  	s24 =	sadd.s32 s1, s3;
	s25 =	sadd.s32 s4, s3;
	[dreg:$0x5] =	wrdreg s6  }
0x11: {  	s23 =	simm.s32 $0x7;
	s2 =	simm.s32 $0x4;
	[dreg:$0x7] =	wrdreg s24  }
0x12: {  	[dreg:$0x9] =	wrdreg s25;
	s25 =	simm.s32 $0x1;
	s6 =	simm.s32 $0x0  }
.LBB2_1:
0x13: {  	[dreg:$0xc] =	wrdreg s6  }
0x14: {  	s3 =	simm.s32 $0x0;
	s12 =	rddreg [dreg:$0x4];
	s8 =	simm.s32 $0x12000  }
0x15: {  	[tilespmem:s8], [sflag:$0x7] =	stream.linear.gather [hbm4b:s12+s3], $0x3000, $0x38;
	[tilespmem:$0x18000] =	vst v63  }
0x16: {  	s13 =	rddreg [dreg:$0x5];
	s16 =	simm.s32 $0x15000  }
0x17: {  	[tilespmem:s16], [sflag:$0x8] =	stream.linear.gather [hbm4b:s13+s3], $0x3000, $0x38;
	[tilespmem:$0x18000] =	vst v63  }
0x18: {  	s17 =	rddreg [dreg:$0x6]  }
0x19: {  	[tilespmem:s3], [sflag:$0x1] =	stream.linear.gather [hbm4b:s17+s3], $0x3000, $0x38;
	[tilespmem:$0x18000] =	vst v63  }
0x1a: {  	s18 =	rddreg [dreg:$0x7]  }
0x1b: {  	[tilespmem:s28], [sflag:$0x2] =	stream.linear.gather [hbm4b:s18+s3], $0x3000, $0x38;
	[tilespmem:$0x18000] =	vst v63  }
0x1c: {  	s19 =	rddreg [dreg:$0x8]  }
0x1d: {  	[hbm4b:s19+s3] =	stream.linear.scatter [tilespmem:s21], [sflag:$0x5], $0x3000, $0x38;
	[tilespmem:$0x18000] =	vst v63  }
0x1e: {  	s24 =	rddreg [dreg:$0x9];
	s10 =	simm.s32 $0x0  }
0x1f: {  	[hbm4b:s24+s3] =	stream.linear.scatter [tilespmem:s22], [sflag:$0x6], $0x3000, $0x38;
	[tilespmem:$0x18000] =	vst v63  }
.LBB2_2:
0x20: {  	s11 =	sshll.u32 s10, $0x5  }
0x21: {  	s3 =	sor.u32 s14, s11  }
0x22: {  	s3 =	sshrl.u32 s3, $0x3  }
0x23: {  	_ =	swait.ge [sflag:s23], $0x3000;
	s13 =	smul.u32 $0x300, s3  }
0x24: {  	s9 =	simm.s32 $0x0;
	[sflag:s23] =	ssyncset.done $0x0  }
0x25: {  	s6 =	simm.s32 $0x6000;
	[sflag:s23] =	ssyncadd.s32 $0xFFFFD000;
	s3 =	sadd.s32 s1, s13  }
0x26: {  	[tilespmem:s6], [sflag:$0x3] =	stream.linear.gather [hbm4b:s3+s9], $0x3000, $0x38;
	[tilespmem:$0x18000] =	vst v63  }
0x27: {  	_ =	swait.ge [sflag:s25], $0x3000  }
0x28: {  	[sflag:s25] =	ssyncset.done $0x0  }
0x29: {  	[sflag:s25] =	ssyncadd.s32 $0xFFFFD000  }
0x2a: {  	s18 =	simm.s32 $0x0;
	_ =	swait.ge [sflag:s26], $0x3000  }
0x2b: {  	s8 =	sand.u32 $0x70, s18;
	s12 =	sand.u32 $0x1C00, s9;
	[sflag:s26] =	ssyncset.done $0x0  }
0x2c: {  	s8 =	sor.u32 s8, s12;
	[sflag:s26] =	ssyncadd.s32 $0xFFFFD000  }
0x2d: {  	v0 =	vld [tilespmem:s8+$0x0]  }
0x2e: {  	v1 =	vld [tilespmem:s8+$0x12000]  }
0x2f: {  	v2 =	vld [tilespmem:s8+$0x80]  }
0x30: {  	v3 =	vld [tilespmem:s8+$0x12080]  }
0x31: {  	v4 =	vld [tilespmem:s8+$0x100]  }
0x32: {  	v5 =	vld [tilespmem:s8+$0x12100]  }
0x33: {  	v6 =	vld [tilespmem:s8+$0x180]  }
0x34: {  	v7 =	vld [tilespmem:s8+$0x12180]  }
0x35: {  	v8 =	vld [tilespmem:s8+$0x200]  }
0x36: {  	v9 =	vld [tilespmem:s8+$0x12200]  }
0x37: {  	v10 =	vld [tilespmem:s8+$0x280]  }
0x38: {  	v11 =	vld [tilespmem:s8+$0x12280]  }
0x39: {  	v0 =	vadd.f32 v1, v0;
	v1 =	vld [tilespmem:s8+$0x300]  }
0x3a: {  	v2 =	vadd.f32 v3, v2;
	v3 =	vld [tilespmem:s8+$0x12300]  }
0x3b: {  	[tilespmem:s8+$0xC000] =	vst v0;
	v0 =	vadd.f32 v5, v4  }
0x3c: {  	[tilespmem:s8+$0xC080] =	vst v2;
	v2 =	vadd.f32 v7, v6  }
0x3d: {  	[tilespmem:s8+$0xC100] =	vst v0;
	v0 =	vadd.f32 v9, v8  }
0x3e: {  	[tilespmem:s8+$0xC180] =	vst v2;
	v2 =	vadd.f32 v11, v10  }
0x3f: {  	[tilespmem:s8+$0xC200] =	vst v0;
	v0 =	vadd.f32 v3, v1  }
0x40: {  	s3 =	sor.u32 s9, s18;
	[tilespmem:s8+$0xC280] =	vst v2  }
0x41: {  	s9 =	sor.u32 $0x380, s3;
	[tilespmem:s8+$0xC300] =	vst v0  }
0x42: {  	v0 =	vld [tilespmem:s9+$0x0]  }
0x43: {  	v1 =	vld [tilespmem:s9+$0x12000];
	_ =	sdelay $0x4  }
0x44: {  	v0 =	vadd.f32 v1, v0;
	_ =	sdelay $0x1  }
0x45: {  	s12 =	simm.s32 $0x80;
	s3 =	simm.s32 $0x10;
	[tilespmem:s9+$0xC000] =	vst v0  }
0x46: {  	s16 =	sand.u32 $0x1C00, s12;
	s19 =	sand.u32 $0x70, s3;
	v0 =	vld [tilespmem:s8+$0x1B80]  }
0x47: {  	s9 =	sor.u32 s19, s16;
	v1 =	vld [tilespmem:s8+$0x13B80]  }
0x48: {  	v2 =	vld [tilespmem:s9+$0x0]  }
0x49: {  	v3 =	vld [tilespmem:s9+$0x12000]  }
0x4a: {  	v4 =	vld [tilespmem:s9+$0x80]  }
0x4b: {  	v5 =	vld [tilespmem:s9+$0x12080]  }
0x4c: {  	v6 =	vld [tilespmem:s9+$0x100]  }
0x4d: {  	v7 =	vld [tilespmem:s9+$0x12100]  }
0x4e: {  	v8 =	vld [tilespmem:s9+$0x180]  }
0x4f: {  	v61 =	vld [tilespmem:s9+$0x12180]  }
0x50: {  	v62 =	vld [tilespmem:s9+$0x200]  }
0x51: {  	v63 =	vld [tilespmem:s9+$0x12200]  }
0x52: {  	v12 =	vld [tilespmem:s9+$0x280]  }
0x53: {  	v0 =	vadd.f32 v1, v0;
	v1 =	vld [tilespmem:s9+$0x12280]  }
0x54: {  	v13 =	vld [tilespmem:s9+$0x300]  }
0x55: {  	[tilespmem:s8+$0xDB80] =	vst v0;
	v0 =	vadd.f32 v3, v2;
	v2 =	vld [tilespmem:s9+$0x12300]  }
0x56: {  	v3 =	vadd.f32 v5, v4;
	v4 =	vld [tilespmem:s8+$0x1800]  }
0x57: {  	v5 =	vld [tilespmem:s8+$0x13800];
	[tilespmem:s9+$0xC000] =	vst v0;
	v0 =	vadd.f32 v7, v6  }
0x58: {  	[tilespmem:s9+$0xC080] =	vst v3;
	v1 =	vadd.f32 v1, v12  }
0x59: {  	v6 =	vld [tilespmem:s8+$0x1880];
	[tilespmem:s9+$0xC100] =	vst v0;
	v0 =	vadd.f32 v63, v62  }
0x5a: {  	v3 =	vadd.f32 v61, v8;
	v7 =	vld [tilespmem:s8+$0x13880];
	[tilespmem:s9+$0xC280] =	vst v1  }
0x5b: {  	v1 =	vld [tilespmem:s8+$0x13900];
	[tilespmem:s9+$0xC200] =	vst v0;
	v0 =	vadd.f32 v2, v13  }
0x5c: {  	s24 =	sor.u32 s12, s3;
	[tilespmem:s9+$0xC180] =	vst v3;
	v3 =	vadd.f32 v5, v4;
	v5 =	vld [tilespmem:s8+$0x1980]  }
0x5d: {  	s16 =	sor.u32 $0x380, s24;
	v2 =	vld [tilespmem:s8+$0x1900];
	[tilespmem:s9+$0xC300] =	vst v0  }
0x5e: {  	v8 =	vld [tilespmem:s16+$0x0]  }
0x5f: {  	v0 =	vadd.f32 v7, v6;
	v6 =	vld [tilespmem:s16+$0x12000]  }
0x60: {  	v7 =	vld [tilespmem:s8+$0x13980]  }
0x61: {  	v4 =	vld [tilespmem:s8+$0x13A00]  }
0x62: {  	[tilespmem:s8+$0xD880] =	vst v0;
	v0 =	vadd.f32 v1, v2;
	v2 =	vld [tilespmem:s8+$0x1A00]  }
0x63: {  	[tilespmem:s8+$0xD800] =	vst v3;
	v3 =	vld [tilespmem:s8+$0x13A80]  }
0x64: {  	[tilespmem:s8+$0xD900] =	vst v0;
	v0 =	vld [tilespmem:s8+$0x1A80];
	v6 =	vadd.f32 v6, v8  }
0x65: {  	v1 =	vld [tilespmem:s8+$0x1B00];
	v5 =	vadd.f32 v7, v5  }
.LBB2_3:
0x66: {  	s3 =	sadd.s32 $0x10, s3;
	[tilespmem:s16+$0xC000] =	vst v6;
	s12 =	sadd.s32 $0x80, s12;
	v6 =	vld [tilespmem:s8+$0x13B00]  }
0x67: {  	s16 =	sand.u32 $0x70, s3;
	s17 =	sand.u32 $0x1C00, s12;
	p0 =	slt.u32 s3, $0x2F0;
	v7 =	vld [tilespmem:s9+$0x1B80];
	[tilespmem:s8+$0xD980] =	vst v5;
	v2 =	vadd.f32 v4, v2  }
0x68: {  	s16 =	sor.u32 s16, s17;
	v4 =	vld [tilespmem:s9+$0x13B80]  }
0x69: {  	v5 =	vld [tilespmem:s16+$0x0];
	[tilespmem:s8+$0xDA00] =	vst v2;
	v0 =	vadd.f32 v3, v0  }
0x6a: {  	v2 =	vld [tilespmem:s16+$0x12000]  }
0x6b: {  	v3 =	vld [tilespmem:s16+$0x80];
	[tilespmem:s8+$0xDA80] =	vst v0;
	v0 =	vadd.f32 v6, v1  }
0x6c: {  	v1 =	vld [tilespmem:s16+$0x12080]  }
0x6d: {  	v6 =	vld [tilespmem:s16+$0x100];
	v4 =	vadd.f32 v4, v7;
	[tilespmem:s8+$0xDB00] =	vst v0;
	s8 =	smov.u32 s9;
	s9 =	smov.u32 s16  }
0x6e: {  	v0 =	vld [tilespmem:s9+$0x12100]  }
0x6f: {  	v7 =	vld [tilespmem:s9+$0x180];
	[tilespmem:s8+$0xDB80] =	vst v4  }
0x70: {  	v4 =	vld [tilespmem:s9+$0x12180]  }
0x71: {  	v8 =	vld [tilespmem:s9+$0x200]  }
0x72: {  	v9 =	vld [tilespmem:s9+$0x12200]  }
0x73: {  	v10 =	vld [tilespmem:s9+$0x280]  }
0x74: {  	v11 =	vld [tilespmem:s9+$0x12280]  }
0x75: {  	v2 =	vadd.f32 v2, v5;
	v5 =	vld [tilespmem:s9+$0x300]  }
0x76: {  	v1 =	vadd.f32 v1, v3;
	v3 =	vld [tilespmem:s9+$0x12300]  }
0x77: {  	v0 =	vadd.f32 v0, v6;
	[tilespmem:s9+$0xC000] =	vst v2;
	v2 =	vld [tilespmem:s8+$0x1800]  }
0x78: {  	[tilespmem:s9+$0xC080] =	vst v1;
	v1 =	vadd.f32 v4, v7;
	v4 =	vld [tilespmem:s8+$0x13800]  }
0x79: {  	[tilespmem:s9+$0xC100] =	vst v0;
	v0 =	vadd.f32 v9, v8;
	v6 =	vld [tilespmem:s8+$0x1880]  }
0x7a: {  	[tilespmem:s9+$0xC180] =	vst v1;
	v1 =	vadd.f32 v11, v10;
	v7 =	vld [tilespmem:s8+$0x13880]  }
0x7b: {  	[tilespmem:s9+$0xC200] =	vst v0;
	v0 =	vadd.f32 v3, v5;
	v3 =	vld [tilespmem:s8+$0x1900]  }
0x7c: {  	s16 =	sor.u32 s12, s3;
	[tilespmem:s9+$0xC280] =	vst v1;
	v1 =	vld [tilespmem:s8+$0x13900]  }
0x7d: {  	s16 =	sor.u32 $0x380, s16;
	[tilespmem:s9+$0xC300] =	vst v0;
	v0 =	vadd.f32 v4, v2;
	v5 =	vld [tilespmem:s8+$0x1980]  }
0x7e: {  	v8 =	vld [tilespmem:s16+$0x0]  }
0x7f: {  	v9 =	vld [tilespmem:s16+$0x12000];
	[tilespmem:s8+$0xD800] =	vst v0;
	v0 =	vadd.f32 v7, v6  }
0x80: {  	v7 =	vld [tilespmem:s8+$0x13980]  }
.Ltmp0:
0x81: {  	[tilespmem:s8+$0xD880] =	vst v0;
	v0 =	vadd.f32 v1, v3;
	v2 =	vld [tilespmem:s8+$0x1A00];
	(pc) =	sbr.rel @p0 .LBB2_3-.Ltmp0, $4  }
0x82: {  	v4 =	vld [tilespmem:s8+$0x13A00]  }
0x83: {  	[tilespmem:s8+$0xD900] =	vst v0;
	v0 =	vld [tilespmem:s8+$0x1A80]  }
0x84: {  	v6 =	vadd.f32 v9, v8;
	v3 =	vld [tilespmem:s8+$0x13A80]  }
0x85: {  	v5 =	vadd.f32 v7, v5;
	v1 =	vld [tilespmem:s8+$0x1B00]  }
0x86: {  	[tilespmem:s16+$0xC000] =	vst v6  }
0x87: {  	v6 =	vld [tilespmem:s9+$0x1B80]  }
0x88: {  	v7 =	vld [tilespmem:s9+$0x13B80];
	_ =	sdelay $0x3  }
0x89: {  	v56 =	vld [tilespmem:s8+$0x13B00]  }
0x8a: {  	v8 =	vld [tilespmem:s9+$0x1880];
	v6 =	vadd.f32 v7, v6  }
0x8b: {  	v7 =	vld [tilespmem:s9+$0x13800]  }
0x8c: {  	[tilespmem:s9+$0xDB80] =	vst v6;
	v6 =	vld [tilespmem:s9+$0x1800]  }
0x8d: {  	v9 =	vld [tilespmem:s9+$0x13880]  }
0x8e: {  	v10 =	vld [tilespmem:s9+$0x1900]  }
0x8f: {  	v11 =	vld [tilespmem:s9+$0x13900]  }
0x90: {  	v54 =	vld [tilespmem:s9+$0x1A00]  }
0x91: {  	v55 =	vld [tilespmem:s9+$0x13A00];
	v6 =	vadd.f32 v7, v6  }
0x92: {  	v12 =	vld [tilespmem:s9+$0x13A80]  }
0x93: {  	v2 =	vadd.f32 v4, v2;
	v4 =	vld [tilespmem:s9+$0x1B00];
	[tilespmem:s9+$0xD800] =	vst v6;
	v6 =	vadd.f32 v9, v8  }
0x94: {  	v7 =	vld [tilespmem:s9+$0x1980]  }
0x95: {  	v8 =	vld [tilespmem:s9+$0x13980];
	[tilespmem:s9+$0xD880] =	vst v6;
	v6 =	vadd.f32 v11, v10  }
0x96: {  	[tilespmem:s8+$0xD980] =	vst v5;
	v0 =	vadd.f32 v3, v0;
	v3 =	vld [tilespmem:s9+$0x13B00]  }
0x97: {  	v1 =	vadd.f32 v56, v1;
	[tilespmem:s9+$0xD900] =	vst v6;
	v6 =	vld [tilespmem:s9+$0x1A80]  }
0x98: {  	[tilespmem:s8+$0xDA00] =	vst v2  }
0x99: {  	[tilespmem:s8+$0xDB00] =	vst v1;
	v1 =	vadd.f32 v55, v54  }
0x9a: {  	s3 =	sor.u32 s5, s11;
	[tilespmem:s8+$0xDA80] =	vst v0;
	v0 =	vadd.f32 v8, v7  }
0x9b: {  	s3 =	sshrl.u32 s3, $0x3;
	[tilespmem:s9+$0xDA00] =	vst v1;
	v1 =	vadd.f32 v3, v4  }
0x9c: {  	s19 =	sor.u32 s15, s11;
	s3 =	smul.u32 $0x300, s3;
	[tilespmem:s9+$0xD980] =	vst v0;
	v0 =	vadd.f32 v12, v6  }
0x9d: {  	s8 =	sshrl.u32 s19, $0x3;
	[tilespmem:s9+$0xDB00] =	vst v1  }
0x9e: {  	s12 =	simm.s32 $0x0;
	s3 =	sadd.s32 s4, s3;
	[tilespmem:s9+$0xDA80] =	vst v0;
	s9 =	smul.u32 $0x300, s8  }
0x9f: {  	[hbm4b:s3+s12] =	stream.linear.scatter [tilespmem:s21], [sflag:$0x5], $0x3000, $0x38;
	[tilespmem:$0x18000] =	vst v63  }
0xa0: {  	s6 =	simm.s32 $0x9000;
	s24 =	sadd.s32 s1, s9  }
0xa1: {  	[tilespmem:s6], [sflag:$0x4] =	stream.linear.gather [hbm4b:s24+s12], $0x3000, $0x38;
	[tilespmem:$0x18000] =	vst v63  }
0xa2: {  	_ =	swait.ge [sflag:s29], $0x3000  }
0xa3: {  	[sflag:s29] =	ssyncset.done $0x0  }
0xa4: {  	[sflag:s29] =	ssyncadd.s32 $0xFFFFD000  }
0xa5: {  	s6 =	simm.s32 $0x0;
	_ =	swait.ge [sflag:s30], $0x3000  }
0xa6: {  	s18 =	sand.u32 $0x1C00, s12;
	s17 =	sand.u32 $0x70, s6;
	[sflag:s30] =	ssyncset.done $0x0  }
0xa7: {  	s8 =	sor.u32 s17, s18;
	[sflag:s30] =	ssyncadd.s32 $0xFFFFD000  }
0xa8: {  	v0 =	vld [tilespmem:s8+$0x3000]  }
0xa9: {  	v1 =	vld [tilespmem:s8+$0x12000]  }
0xaa: {  	v2 =	vld [tilespmem:s8+$0x3080]  }
0xab: {  	v3 =	vld [tilespmem:s8+$0x12080]  }
0xac: {  	v4 =	vld [tilespmem:s8+$0x3100]  }
0xad: {  	v5 =	vld [tilespmem:s8+$0x12100]  }
0xae: {  	v6 =	vld [tilespmem:s8+$0x3180]  }
0xaf: {  	v7 =	vld [tilespmem:s8+$0x12180]  }
0xb0: {  	v8 =	vld [tilespmem:s8+$0x3200]  }
0xb1: {  	v57 =	vld [tilespmem:s8+$0x12200]  }
0xb2: {  	v58 =	vld [tilespmem:s8+$0x3280]  }
0xb3: {  	v59 =	vld [tilespmem:s8+$0x12280]  }
0xb4: {  	v0 =	vadd.f32 v1, v0;
	v1 =	vld [tilespmem:s8+$0x3300]  }
0xb5: {  	v2 =	vadd.f32 v3, v2;
	v3 =	vld [tilespmem:s8+$0x12300]  }
0xb6: {  	[tilespmem:s8+$0xF000] =	vst v0;
	v0 =	vadd.f32 v5, v4  }
0xb7: {  	[tilespmem:s8+$0xF080] =	vst v2;
	v2 =	vadd.f32 v7, v6  }
0xb8: {  	[tilespmem:s8+$0xF100] =	vst v0;
	v0 =	vadd.f32 v57, v8  }
0xb9: {  	[tilespmem:s8+$0xF180] =	vst v2;
	v2 =	vadd.f32 v59, v58  }
0xba: {  	[tilespmem:s8+$0xF200] =	vst v0;
	v0 =	vadd.f32 v3, v1  }
0xbb: {  	s3 =	sor.u32 s12, s6;
	[tilespmem:s8+$0xF280] =	vst v2  }
0xbc: {  	s12 =	sor.u32 $0x380, s3;
	[tilespmem:s8+$0xF300] =	vst v0  }
0xbd: {  	v0 =	vld [tilespmem:s12+$0x3000]  }
0xbe: {  	v1 =	vld [tilespmem:s12+$0x12000];
	_ =	sdelay $0x4  }
0xbf: {  	v0 =	vadd.f32 v1, v0;
	_ =	sdelay $0x1  }
0xc0: {  	s3 =	simm.s32 $0x10;
	[tilespmem:s12+$0xF000] =	vst v0;
	s12 =	simm.s32 $0x80  }
0xc1: {  	s19 =	sand.u32 $0x70, s3;
	s17 =	sand.u32 $0x1C00, s12;
	v0 =	vld [tilespmem:s8+$0x4B80]  }
0xc2: {  	v1 =	vld [tilespmem:s8+$0x13B80];
	s17 =	sor.u32 s19, s17  }
0xc3: {  	v2 =	vld [tilespmem:s17+$0x3000]  }
0xc4: {  	v3 =	vld [tilespmem:s17+$0x12000]  }
0xc5: {  	v4 =	vld [tilespmem:s17+$0x3080]  }
0xc6: {  	v5 =	vld [tilespmem:s17+$0x12080]  }
0xc7: {  	v6 =	vld [tilespmem:s17+$0x3100]  }
0xc8: {  	v7 =	vld [tilespmem:s17+$0x12100]  }
0xc9: {  	v8 =	vld [tilespmem:s17+$0x3180]  }
0xca: {  	v60 =	vld [tilespmem:s17+$0x12180]  }
0xcb: {  	v61 =	vld [tilespmem:s17+$0x3200]  }
0xcc: {  	v62 =	vld [tilespmem:s17+$0x12200]  }
0xcd: {  	v63 =	vld [tilespmem:s17+$0x3280]  }
0xce: {  	v0 =	vadd.f32 v1, v0;
	v1 =	vld [tilespmem:s17+$0x12280]  }
0xcf: {  	v13 =	vld [tilespmem:s17+$0x3300]  }
0xd0: {  	[tilespmem:s8+$0x10B80] =	vst v0;
	v0 =	vadd.f32 v3, v2;
	v2 =	vld [tilespmem:s17+$0x12300]  }
0xd1: {  	v3 =	vadd.f32 v5, v4;
	v4 =	vld [tilespmem:s8+$0x4800]  }
0xd2: {  	v5 =	vld [tilespmem:s8+$0x13800];
	[tilespmem:s17+$0xF000] =	vst v0;
	v0 =	vadd.f32 v7, v6  }
0xd3: {  	[tilespmem:s17+$0xF080] =	vst v3;
	v1 =	vadd.f32 v1, v63  }
0xd4: {  	v6 =	vld [tilespmem:s8+$0x4880];
	[tilespmem:s17+$0xF100] =	vst v0;
	v0 =	vadd.f32 v62, v61  }
0xd5: {  	v3 =	vadd.f32 v60, v8;
	v7 =	vld [tilespmem:s8+$0x13880];
	[tilespmem:s17+$0xF280] =	vst v1  }
0xd6: {  	v1 =	vld [tilespmem:s8+$0x13900];
	[tilespmem:s17+$0xF200] =	vst v0;
	v0 =	vadd.f32 v2, v13  }
0xd7: {  	s24 =	sor.u32 s12, s3;
	[tilespmem:s17+$0xF180] =	vst v3;
	v3 =	vadd.f32 v5, v4;
	v5 =	vld [tilespmem:s8+$0x4980]  }
0xd8: {  	s16 =	sor.u32 $0x380, s24;
	v2 =	vld [tilespmem:s8+$0x4900];
	[tilespmem:s17+$0xF300] =	vst v0  }
0xd9: {  	v8 =	vld [tilespmem:s16+$0x3000]  }
0xda: {  	v0 =	vadd.f32 v7, v6;
	v6 =	vld [tilespmem:s16+$0x12000]  }
0xdb: {  	v7 =	vld [tilespmem:s8+$0x13980]  }
0xdc: {  	v4 =	vld [tilespmem:s8+$0x13A00]  }
0xdd: {  	[tilespmem:s8+$0x10880] =	vst v0;
	v0 =	vadd.f32 v1, v2;
	v2 =	vld [tilespmem:s8+$0x4A00]  }
0xde: {  	[tilespmem:s8+$0x10800] =	vst v3;
	v3 =	vld [tilespmem:s8+$0x13A80]  }
0xdf: {  	[tilespmem:s8+$0x10900] =	vst v0;
	v0 =	vld [tilespmem:s8+$0x4A80];
	v6 =	vadd.f32 v6, v8  }
0xe0: {  	v1 =	vld [tilespmem:s8+$0x4B00];
	v5 =	vadd.f32 v7, v5  }
.LBB2_5:
0xe1: {  	s3 =	sadd.s32 $0x10, s3;
	[tilespmem:s16+$0xF000] =	vst v6;
	s12 =	sadd.s32 $0x80, s12;
	v6 =	vld [tilespmem:s8+$0x13B00]  }
0xe2: {  	s16 =	sand.u32 $0x70, s3;
	s18 =	sand.u32 $0x1C00, s12;
	p0 =	slt.u32 s3, $0x2F0;
	v7 =	vld [tilespmem:s17+$0x4B80];
	[tilespmem:s8+$0x10980] =	vst v5;
	v2 =	vadd.f32 v4, v2  }
0xe3: {  	s16 =	sor.u32 s16, s18;
	v4 =	vld [tilespmem:s17+$0x13B80]  }
0xe4: {  	v5 =	vld [tilespmem:s16+$0x3000];
	[tilespmem:s8+$0x10A00] =	vst v2;
	v0 =	vadd.f32 v3, v0  }
0xe5: {  	v2 =	vld [tilespmem:s16+$0x12000]  }
0xe6: {  	v3 =	vld [tilespmem:s16+$0x3080];
	[tilespmem:s8+$0x10A80] =	vst v0;
	v0 =	vadd.f32 v6, v1  }
0xe7: {  	v1 =	vld [tilespmem:s16+$0x12080]  }
0xe8: {  	v6 =	vld [tilespmem:s16+$0x3100];
	v4 =	vadd.f32 v4, v7;
	[tilespmem:s8+$0x10B00] =	vst v0;
	s8 =	smov.u32 s17;
	s17 =	smov.u32 s16  }
0xe9: {  	v0 =	vld [tilespmem:s17+$0x12100]  }
0xea: {  	v7 =	vld [tilespmem:s17+$0x3180];
	[tilespmem:s8+$0x10B80] =	vst v4  }
0xeb: {  	v4 =	vld [tilespmem:s17+$0x12180]  }
0xec: {  	v8 =	vld [tilespmem:s17+$0x3200]  }
0xed: {  	v9 =	vld [tilespmem:s17+$0x12200]  }
0xee: {  	v10 =	vld [tilespmem:s17+$0x3280]  }
0xef: {  	v11 =	vld [tilespmem:s17+$0x12280]  }
0xf0: {  	v2 =	vadd.f32 v2, v5;
	v5 =	vld [tilespmem:s17+$0x3300]  }
0xf1: {  	v1 =	vadd.f32 v1, v3;
	v3 =	vld [tilespmem:s17+$0x12300]  }
0xf2: {  	v0 =	vadd.f32 v0, v6;
	[tilespmem:s17+$0xF000] =	vst v2;
	v2 =	vld [tilespmem:s8+$0x4800]  }
0xf3: {  	[tilespmem:s17+$0xF080] =	vst v1;
	v1 =	vadd.f32 v4, v7;
	v4 =	vld [tilespmem:s8+$0x13800]  }
0xf4: {  	[tilespmem:s17+$0xF100] =	vst v0;
	v0 =	vadd.f32 v9, v8;
	v6 =	vld [tilespmem:s8+$0x4880]  }
0xf5: {  	[tilespmem:s17+$0xF180] =	vst v1;
	v1 =	vadd.f32 v11, v10;
	v7 =	vld [tilespmem:s8+$0x13880]  }
0xf6: {  	[tilespmem:s17+$0xF200] =	vst v0;
	v0 =	vadd.f32 v3, v5;
	v3 =	vld [tilespmem:s8+$0x4900]  }
0xf7: {  	s16 =	sor.u32 s12, s3;
	[tilespmem:s17+$0xF280] =	vst v1;
	v1 =	vld [tilespmem:s8+$0x13900]  }
0xf8: {  	s16 =	sor.u32 $0x380, s16;
	[tilespmem:s17+$0xF300] =	vst v0;
	v0 =	vadd.f32 v4, v2;
	v5 =	vld [tilespmem:s8+$0x4980]  }
0xf9: {  	v8 =	vld [tilespmem:s16+$0x3000]  }
0xfa: {  	v9 =	vld [tilespmem:s16+$0x12000];
	[tilespmem:s8+$0x10800] =	vst v0;
	v0 =	vadd.f32 v7, v6  }
0xfb: {  	v7 =	vld [tilespmem:s8+$0x13980]  }
.Ltmp1:
0xfc: {  	[tilespmem:s8+$0x10880] =	vst v0;
	v0 =	vadd.f32 v1, v3;
	v2 =	vld [tilespmem:s8+$0x4A00];
	(pc) =	sbr.rel @p0 .LBB2_5-.Ltmp1, $4  }
0xfd: {  	v4 =	vld [tilespmem:s8+$0x13A00]  }
0xfe: {  	[tilespmem:s8+$0x10900] =	vst v0;
	v0 =	vld [tilespmem:s8+$0x4A80]  }
0xff: {  	v6 =	vadd.f32 v9, v8;
	v3 =	vld [tilespmem:s8+$0x13A80]  }
0x100: {  	v5 =	vadd.f32 v7, v5;
	v1 =	vld [tilespmem:s8+$0x4B00]  }
0x101: {  	[tilespmem:s16+$0xF000] =	vst v6  }
0x102: {  	v6 =	vld [tilespmem:s17+$0x4B80]  }
0x103: {  	v7 =	vld [tilespmem:s17+$0x13B80];
	_ =	sdelay $0x3  }
0x104: {  	v56 =	vld [tilespmem:s8+$0x13B00]  }
0x105: {  	v8 =	vld [tilespmem:s17+$0x4880];
	v6 =	vadd.f32 v7, v6  }
0x106: {  	v7 =	vld [tilespmem:s17+$0x13800]  }
0x107: {  	[tilespmem:s17+$0x10B80] =	vst v6;
	v6 =	vld [tilespmem:s17+$0x4800]  }
0x108: {  	v9 =	vld [tilespmem:s17+$0x13880]  }
0x109: {  	v10 =	vld [tilespmem:s17+$0x4900]  }
0x10a: {  	v11 =	vld [tilespmem:s17+$0x13900]  }
0x10b: {  	v54 =	vld [tilespmem:s17+$0x4A00]  }
0x10c: {  	v55 =	vld [tilespmem:s17+$0x13A00];
	v6 =	vadd.f32 v7, v6  }
0x10d: {  	v12 =	vld [tilespmem:s17+$0x13A80]  }
0x10e: {  	v2 =	vadd.f32 v4, v2;
	v4 =	vld [tilespmem:s17+$0x4B00];
	[tilespmem:s17+$0x10800] =	vst v6;
	v6 =	vadd.f32 v9, v8  }
0x10f: {  	v7 =	vld [tilespmem:s17+$0x4980]  }
0x110: {  	v8 =	vld [tilespmem:s17+$0x13980];
	[tilespmem:s17+$0x10880] =	vst v6;
	v6 =	vadd.f32 v11, v10  }
0x111: {  	[tilespmem:s8+$0x10980] =	vst v5;
	v0 =	vadd.f32 v3, v0;
	v3 =	vld [tilespmem:s17+$0x13B00]  }
0x112: {  	v1 =	vadd.f32 v56, v1;
	[tilespmem:s17+$0x10900] =	vst v6;
	v6 =	vld [tilespmem:s17+$0x4A80]  }
0x113: {  	[tilespmem:s8+$0x10A00] =	vst v2  }
0x114: {  	[tilespmem:s8+$0x10B00] =	vst v1;
	v1 =	vadd.f32 v55, v54  }
0x115: {  	s3 =	sor.u32 s7, s11;
	[tilespmem:s8+$0x10A80] =	vst v0;
	v0 =	vadd.f32 v8, v7  }
0x116: {  	s12 =	sor.u32 $0x10, s11;
	s3 =	sshrl.u32 s3, $0x3;
	[tilespmem:s17+$0x10A00] =	vst v1;
	v1 =	vadd.f32 v3, v4  }
0x117: {  	s24 =	sor.u32 s5, s12;
	s3 =	smul.u32 $0x300, s3;
	[tilespmem:s17+$0x10980] =	vst v0;
	v0 =	vadd.f32 v12, v6  }
0x118: {  	s8 =	sshrl.u32 s24, $0x3;
	[tilespmem:s17+$0x10B00] =	vst v1  }
0x119: {  	s6 =	simm.s32 $0x0;
	s3 =	sadd.s32 s4, s3;
	[tilespmem:s17+$0x10A80] =	vst v0;
	s17 =	smul.u32 $0x300, s8  }
0x11a: {  	[hbm4b:s3+s6] =	stream.linear.scatter [tilespmem:s22], [sflag:$0x6], $0x3000, $0x38;
	[tilespmem:$0x18000] =	vst v63  }
0x11b: {  	s18 =	sadd.s32 s1, s17  }
0x11c: {  	[tilespmem:s6], [sflag:$0x1] =	stream.linear.gather [hbm4b:s18+s6], $0x3000, $0x38;
	[tilespmem:$0x18000] =	vst v63  }
0x11d: {  	_ =	swait.ge [sflag:s31], $0x3000  }
0x11e: {  	[sflag:s31] =	ssyncset.done $0x0  }
0x11f: {  	[sflag:s31] =	ssyncadd.s32 $0xFFFFD000  }
0x120: {  	s19 =	simm.s32 $0x0;
	_ =	swait.ge [sflag:s26], $0x3000  }
0x121: {  	s24 =	sand.u32 $0x70, s19;
	s18 =	sand.u32 $0x1C00, s6;
	[sflag:s26] =	ssyncset.done $0x0  }
0x122: {  	s8 =	sor.u32 s24, s18;
	[sflag:s26] =	ssyncadd.s32 $0xFFFFD000  }
0x123: {  	v0 =	vld [tilespmem:s8+$0x6000]  }
0x124: {  	v1 =	vld [tilespmem:s8+$0x12000]  }
0x125: {  	v2 =	vld [tilespmem:s8+$0x6080]  }
0x126: {  	v3 =	vld [tilespmem:s8+$0x12080]  }
0x127: {  	v4 =	vld [tilespmem:s8+$0x6100]  }
0x128: {  	v5 =	vld [tilespmem:s8+$0x12100]  }
0x129: {  	v6 =	vld [tilespmem:s8+$0x6180]  }
0x12a: {  	v7 =	vld [tilespmem:s8+$0x12180]  }
0x12b: {  	v8 =	vld [tilespmem:s8+$0x6200]  }
0x12c: {  	v57 =	vld [tilespmem:s8+$0x12200]  }
0x12d: {  	v58 =	vld [tilespmem:s8+$0x6280]  }
0x12e: {  	v59 =	vld [tilespmem:s8+$0x12280]  }
0x12f: {  	v0 =	vadd.f32 v1, v0;
	v1 =	vld [tilespmem:s8+$0x6300]  }
0x130: {  	v2 =	vadd.f32 v3, v2;
	v3 =	vld [tilespmem:s8+$0x12300]  }
0x131: {  	[tilespmem:s8+$0xC000] =	vst v0;
	v0 =	vadd.f32 v5, v4  }
0x132: {  	[tilespmem:s8+$0xC080] =	vst v2;
	v2 =	vadd.f32 v7, v6  }
0x133: {  	[tilespmem:s8+$0xC100] =	vst v0;
	v0 =	vadd.f32 v57, v8  }
0x134: {  	[tilespmem:s8+$0xC180] =	vst v2;
	v2 =	vadd.f32 v59, v58  }
0x135: {  	[tilespmem:s8+$0xC200] =	vst v0;
	v0 =	vadd.f32 v3, v1  }
0x136: {  	s3 =	sor.u32 s6, s19;
	[tilespmem:s8+$0xC280] =	vst v2  }
0x137: {  	s16 =	sor.u32 $0x380, s3;
	[tilespmem:s8+$0xC300] =	vst v0  }
0x138: {  	v0 =	vld [tilespmem:s16+$0x6000]  }
0x139: {  	v1 =	vld [tilespmem:s16+$0x12000];
	_ =	sdelay $0x4  }
0x13a: {  	v0 =	vadd.f32 v1, v0;
	_ =	sdelay $0x1  }
0x13b: {  	s3 =	simm.s32 $0x10;
	[tilespmem:s16+$0xC000] =	vst v0;
	s16 =	simm.s32 $0x80  }
0x13c: {  	s6 =	sand.u32 $0x70, s3;
	s19 =	sand.u32 $0x1C00, s16;
	v0 =	vld [tilespmem:s8+$0x7B80]  }
0x13d: {  	v1 =	vld [tilespmem:s8+$0x13B80];
	s18 =	sor.u32 s6, s19  }
0x13e: {  	v2 =	vld [tilespmem:s18+$0x6000]  }
0x13f: {  	v3 =	vld [tilespmem:s18+$0x12000]  }
0x140: {  	v4 =	vld [tilespmem:s18+$0x6080]  }
0x141: {  	v5 =	vld [tilespmem:s18+$0x12080]  }
0x142: {  	v6 =	vld [tilespmem:s18+$0x6100]  }
0x143: {  	v7 =	vld [tilespmem:s18+$0x12100]  }
0x144: {  	v8 =	vld [tilespmem:s18+$0x6180]  }
0x145: {  	v60 =	vld [tilespmem:s18+$0x12180]  }
0x146: {  	v61 =	vld [tilespmem:s18+$0x6200]  }
0x147: {  	v62 =	vld [tilespmem:s18+$0x12200]  }
0x148: {  	v63 =	vld [tilespmem:s18+$0x6280]  }
0x149: {  	v0 =	vadd.f32 v1, v0;
	v1 =	vld [tilespmem:s18+$0x12280]  }
0x14a: {  	v13 =	vld [tilespmem:s18+$0x6300]  }
0x14b: {  	[tilespmem:s8+$0xDB80] =	vst v0;
	v0 =	vadd.f32 v3, v2;
	v2 =	vld [tilespmem:s18+$0x12300]  }
0x14c: {  	v3 =	vadd.f32 v5, v4;
	v4 =	vld [tilespmem:s8+$0x7800]  }
0x14d: {  	v5 =	vld [tilespmem:s8+$0x13800];
	[tilespmem:s18+$0xC000] =	vst v0;
	v0 =	vadd.f32 v7, v6  }
0x14e: {  	[tilespmem:s18+$0xC080] =	vst v3;
	v1 =	vadd.f32 v1, v63  }
0x14f: {  	v6 =	vld [tilespmem:s8+$0x7880];
	[tilespmem:s18+$0xC100] =	vst v0;
	v0 =	vadd.f32 v62, v61  }
0x150: {  	v3 =	vadd.f32 v60, v8;
	v7 =	vld [tilespmem:s8+$0x13880];
	[tilespmem:s18+$0xC280] =	vst v1  }
0x151: {  	v1 =	vld [tilespmem:s8+$0x13900];
	[tilespmem:s18+$0xC200] =	vst v0;
	v0 =	vadd.f32 v2, v13  }
0x152: {  	s24 =	sor.u32 s16, s3;
	[tilespmem:s18+$0xC180] =	vst v3;
	v3 =	vadd.f32 v5, v4;
	v5 =	vld [tilespmem:s8+$0x7980]  }
0x153: {  	s19 =	sor.u32 $0x380, s24;
	v2 =	vld [tilespmem:s8+$0x7900];
	[tilespmem:s18+$0xC300] =	vst v0  }
0x154: {  	v8 =	vld [tilespmem:s19+$0x6000]  }
0x155: {  	v0 =	vadd.f32 v7, v6;
	v6 =	vld [tilespmem:s19+$0x12000]  }
0x156: {  	v7 =	vld [tilespmem:s8+$0x13980]  }
0x157: {  	v4 =	vld [tilespmem:s8+$0x13A00]  }
0x158: {  	[tilespmem:s8+$0xD880] =	vst v0;
	v0 =	vadd.f32 v1, v2;
	v2 =	vld [tilespmem:s8+$0x7A00]  }
0x159: {  	[tilespmem:s8+$0xD800] =	vst v3;
	v3 =	vld [tilespmem:s8+$0x13A80]  }
0x15a: {  	[tilespmem:s8+$0xD900] =	vst v0;
	v0 =	vld [tilespmem:s8+$0x7A80];
	v6 =	vadd.f32 v6, v8  }
0x15b: {  	v1 =	vld [tilespmem:s8+$0x7B00];
	v5 =	vadd.f32 v7, v5  }
.LBB2_7:
0x15c: {  	s3 =	sadd.s32 $0x10, s3;
	[tilespmem:s19+$0xC000] =	vst v6;
	s16 =	sadd.s32 $0x80, s16;
	v6 =	vld [tilespmem:s8+$0x13B00]  }
0x15d: {  	s19 =	sand.u32 $0x70, s3;
	s24 =	sand.u32 $0x1C00, s16;
	p0 =	slt.u32 s3, $0x2F0;
	v7 =	vld [tilespmem:s18+$0x7B80];
	[tilespmem:s8+$0xD980] =	vst v5;
	v2 =	vadd.f32 v4, v2  }
0x15e: {  	s19 =	sor.u32 s19, s24;
	v4 =	vld [tilespmem:s18+$0x13B80]  }
0x15f: {  	v5 =	vld [tilespmem:s19+$0x6000];
	[tilespmem:s8+$0xDA00] =	vst v2;
	v0 =	vadd.f32 v3, v0  }
0x160: {  	v2 =	vld [tilespmem:s19+$0x12000]  }
0x161: {  	v3 =	vld [tilespmem:s19+$0x6080];
	[tilespmem:s8+$0xDA80] =	vst v0;
	v0 =	vadd.f32 v6, v1  }
0x162: {  	v1 =	vld [tilespmem:s19+$0x12080]  }
0x163: {  	v6 =	vld [tilespmem:s19+$0x6100];
	v4 =	vadd.f32 v4, v7;
	[tilespmem:s8+$0xDB00] =	vst v0;
	s8 =	smov.u32 s18;
	s18 =	smov.u32 s19  }
0x164: {  	v0 =	vld [tilespmem:s18+$0x12100]  }
0x165: {  	v7 =	vld [tilespmem:s18+$0x6180];
	[tilespmem:s8+$0xDB80] =	vst v4  }
0x166: {  	v4 =	vld [tilespmem:s18+$0x12180]  }
0x167: {  	v8 =	vld [tilespmem:s18+$0x6200]  }
0x168: {  	v9 =	vld [tilespmem:s18+$0x12200]  }
0x169: {  	v10 =	vld [tilespmem:s18+$0x6280]  }
0x16a: {  	v11 =	vld [tilespmem:s18+$0x12280]  }
0x16b: {  	v2 =	vadd.f32 v2, v5;
	v5 =	vld [tilespmem:s18+$0x6300]  }
0x16c: {  	v1 =	vadd.f32 v1, v3;
	v3 =	vld [tilespmem:s18+$0x12300]  }
0x16d: {  	v0 =	vadd.f32 v0, v6;
	[tilespmem:s18+$0xC000] =	vst v2;
	v2 =	vld [tilespmem:s8+$0x7800]  }
0x16e: {  	[tilespmem:s18+$0xC080] =	vst v1;
	v1 =	vadd.f32 v4, v7;
	v4 =	vld [tilespmem:s8+$0x13800]  }
0x16f: {  	[tilespmem:s18+$0xC100] =	vst v0;
	v0 =	vadd.f32 v9, v8;
	v6 =	vld [tilespmem:s8+$0x7880]  }
0x170: {  	[tilespmem:s18+$0xC180] =	vst v1;
	v1 =	vadd.f32 v11, v10;
	v7 =	vld [tilespmem:s8+$0x13880]  }
0x171: {  	[tilespmem:s18+$0xC200] =	vst v0;
	v0 =	vadd.f32 v3, v5;
	v3 =	vld [tilespmem:s8+$0x7900]  }
0x172: {  	s19 =	sor.u32 s16, s3;
	[tilespmem:s18+$0xC280] =	vst v1;
	v1 =	vld [tilespmem:s8+$0x13900]  }
0x173: {  	s19 =	sor.u32 $0x380, s19;
	[tilespmem:s18+$0xC300] =	vst v0;
	v0 =	vadd.f32 v4, v2;
	v5 =	vld [tilespmem:s8+$0x7980]  }
0x174: {  	v8 =	vld [tilespmem:s19+$0x6000]  }
0x175: {  	v9 =	vld [tilespmem:s19+$0x12000];
	[tilespmem:s8+$0xD800] =	vst v0;
	v0 =	vadd.f32 v7, v6  }
0x176: {  	v7 =	vld [tilespmem:s8+$0x13980]  }
.Ltmp2:
0x177: {  	[tilespmem:s8+$0xD880] =	vst v0;
	v0 =	vadd.f32 v1, v3;
	v2 =	vld [tilespmem:s8+$0x7A00];
	(pc) =	sbr.rel @p0 .LBB2_7-.Ltmp2, $4  }
0x178: {  	v4 =	vld [tilespmem:s8+$0x13A00]  }
0x179: {  	[tilespmem:s8+$0xD900] =	vst v0;
	v0 =	vld [tilespmem:s8+$0x7A80]  }
0x17a: {  	v6 =	vadd.f32 v9, v8;
	v3 =	vld [tilespmem:s8+$0x13A80]  }
0x17b: {  	v5 =	vadd.f32 v7, v5;
	v1 =	vld [tilespmem:s8+$0x7B00]  }
0x17c: {  	[tilespmem:s19+$0xC000] =	vst v6  }
0x17d: {  	v6 =	vld [tilespmem:s18+$0x7B80]  }
0x17e: {  	v7 =	vld [tilespmem:s18+$0x13B80];
	_ =	sdelay $0x3  }
0x17f: {  	v56 =	vld [tilespmem:s8+$0x13B00]  }
0x180: {  	v8 =	vld [tilespmem:s18+$0x7880];
	v6 =	vadd.f32 v7, v6  }
0x181: {  	v7 =	vld [tilespmem:s18+$0x13800]  }
0x182: {  	[tilespmem:s18+$0xDB80] =	vst v6;
	v6 =	vld [tilespmem:s18+$0x7800]  }
0x183: {  	v9 =	vld [tilespmem:s18+$0x13880]  }
0x184: {  	v10 =	vld [tilespmem:s18+$0x7900]  }
0x185: {  	v11 =	vld [tilespmem:s18+$0x13900]  }
0x186: {  	v54 =	vld [tilespmem:s18+$0x7A00]  }
0x187: {  	v55 =	vld [tilespmem:s18+$0x13A00];
	v6 =	vadd.f32 v7, v6  }
0x188: {  	v12 =	vld [tilespmem:s18+$0x13A80]  }
0x189: {  	v2 =	vadd.f32 v4, v2;
	v4 =	vld [tilespmem:s18+$0x7B00];
	[tilespmem:s18+$0xD800] =	vst v6;
	v6 =	vadd.f32 v9, v8  }
0x18a: {  	v7 =	vld [tilespmem:s18+$0x7980]  }
0x18b: {  	v8 =	vld [tilespmem:s18+$0x13980];
	[tilespmem:s18+$0xD880] =	vst v6;
	v6 =	vadd.f32 v11, v10  }
0x18c: {  	[tilespmem:s8+$0xD980] =	vst v5;
	v0 =	vadd.f32 v3, v0;
	v3 =	vld [tilespmem:s18+$0x13B00]  }
0x18d: {  	v1 =	vadd.f32 v56, v1;
	[tilespmem:s18+$0xD900] =	vst v6;
	v6 =	vld [tilespmem:s18+$0x7A80]  }
0x18e: {  	[tilespmem:s8+$0xDA00] =	vst v2  }
0x18f: {  	[tilespmem:s8+$0xDB00] =	vst v1;
	v1 =	vadd.f32 v55, v54  }
0x190: {  	[tilespmem:s8+$0xDA80] =	vst v0;
	v0 =	vadd.f32 v8, v7  }
0x191: {  	[tilespmem:s18+$0xDA00] =	vst v1;
	v1 =	vadd.f32 v3, v4  }
0x192: {  	s3 =	sor.u32 s7, s12;
	[tilespmem:s18+$0xD980] =	vst v0;
	v0 =	vadd.f32 v12, v6  }
0x193: {  	s3 =	sshrl.u32 s3, $0x3;
	[tilespmem:s18+$0xDB00] =	vst v1  }
0x194: {  	s13 =	sadd.s32 s4, s13;
	s16 =	simm.s32 $0x0;
	s8 =	smul.u32 $0x300, s3;
	[tilespmem:s18+$0xDA80] =	vst v0  }
0x195: {  	[hbm4b:s13+s16] =	stream.linear.scatter [tilespmem:s21], [sflag:$0x5], $0x3000, $0x38;
	[tilespmem:$0x18000] =	vst v63  }
0x196: {  	s3 =	sadd.s32 s1, s8  }
0x197: {  	[tilespmem:s28], [sflag:$0x2] =	stream.linear.gather [hbm4b:s3+s16], $0x3000, $0x38;
	[tilespmem:$0x18000] =	vst v63  }
0x198: {  	_ =	swait.ge [sflag:s2], $0x3000  }
0x199: {  	[sflag:s2] =	ssyncset.done $0x0  }
0x19a: {  	[sflag:s2] =	ssyncadd.s32 $0xFFFFD000  }
0x19b: {  	s24 =	simm.s32 $0x0;
	_ =	swait.ge [sflag:s30], $0x3000  }
0x19c: {  	s6 =	sand.u32 $0x1C00, s16;
	s28 =	sand.u32 $0x70, s24;
	[sflag:s30] =	ssyncset.done $0x0  }
0x19d: {  	s13 =	sor.u32 s28, s6;
	[sflag:s30] =	ssyncadd.s32 $0xFFFFD000  }
0x19e: {  	v0 =	vld [tilespmem:s13+$0x9000]  }
0x19f: {  	v1 =	vld [tilespmem:s13+$0x12000]  }
0x1a0: {  	v2 =	vld [tilespmem:s13+$0x9080]  }
0x1a1: {  	v3 =	vld [tilespmem:s13+$0x12080]  }
0x1a2: {  	v4 =	vld [tilespmem:s13+$0x9100]  }
0x1a3: {  	v5 =	vld [tilespmem:s13+$0x12100]  }
0x1a4: {  	v6 =	vld [tilespmem:s13+$0x9180]  }
0x1a5: {  	v7 =	vld [tilespmem:s13+$0x12180]  }
0x1a6: {  	v8 =	vld [tilespmem:s13+$0x9200]  }
0x1a7: {  	v57 =	vld [tilespmem:s13+$0x12200]  }
0x1a8: {  	v58 =	vld [tilespmem:s13+$0x9280]  }
0x1a9: {  	v59 =	vld [tilespmem:s13+$0x12280]  }
0x1aa: {  	v0 =	vadd.f32 v1, v0;
	v1 =	vld [tilespmem:s13+$0x9300]  }
0x1ab: {  	v2 =	vadd.f32 v3, v2;
	v3 =	vld [tilespmem:s13+$0x12300]  }
0x1ac: {  	[tilespmem:s13+$0xF000] =	vst v0;
	v0 =	vadd.f32 v5, v4  }
0x1ad: {  	[tilespmem:s13+$0xF080] =	vst v2;
	v2 =	vadd.f32 v7, v6  }
0x1ae: {  	[tilespmem:s13+$0xF100] =	vst v0;
	v0 =	vadd.f32 v57, v8  }
0x1af: {  	[tilespmem:s13+$0xF180] =	vst v2;
	v2 =	vadd.f32 v59, v58  }
0x1b0: {  	[tilespmem:s13+$0xF200] =	vst v0;
	v0 =	vadd.f32 v3, v1  }
0x1b1: {  	s3 =	sor.u32 s16, s24;
	[tilespmem:s13+$0xF280] =	vst v2  }
0x1b2: {  	s16 =	sor.u32 $0x380, s3;
	[tilespmem:s13+$0xF300] =	vst v0  }
0x1b3: {  	v0 =	vld [tilespmem:s16+$0x9000]  }
0x1b4: {  	v1 =	vld [tilespmem:s16+$0x12000];
	_ =	sdelay $0x4  }
0x1b5: {  	v0 =	vadd.f32 v1, v0;
	_ =	sdelay $0x1  }
0x1b6: {  	s3 =	simm.s32 $0x10;
	[tilespmem:s16+$0xF000] =	vst v0;
	s16 =	simm.s32 $0x80  }
0x1b7: {  	s19 =	sand.u32 $0x70, s3;
	s24 =	sand.u32 $0x1C00, s16;
	v0 =	vld [tilespmem:s13+$0xAB80]  }
0x1b8: {  	v1 =	vld [tilespmem:s13+$0x13B80];
	s19 =	sor.u32 s19, s24  }
0x1b9: {  	v2 =	vld [tilespmem:s19+$0x9000]  }
0x1ba: {  	v3 =	vld [tilespmem:s19+$0x12000]  }
0x1bb: {  	v4 =	vld [tilespmem:s19+$0x9080]  }
0x1bc: {  	v5 =	vld [tilespmem:s19+$0x12080]  }
0x1bd: {  	v6 =	vld [tilespmem:s19+$0x9100]  }
0x1be: {  	v7 =	vld [tilespmem:s19+$0x12100]  }
0x1bf: {  	v8 =	vld [tilespmem:s19+$0x9180]  }
0x1c0: {  	v60 =	vld [tilespmem:s19+$0x12180]  }
0x1c1: {  	v61 =	vld [tilespmem:s19+$0x9200]  }
0x1c2: {  	v62 =	vld [tilespmem:s19+$0x12200]  }
0x1c3: {  	v63 =	vld [tilespmem:s19+$0x9280]  }
0x1c4: {  	v0 =	vadd.f32 v1, v0;
	v1 =	vld [tilespmem:s19+$0x12280]  }
0x1c5: {  	v13 =	vld [tilespmem:s19+$0x9300]  }
0x1c6: {  	[tilespmem:s13+$0x10B80] =	vst v0;
	v0 =	vadd.f32 v3, v2;
	v2 =	vld [tilespmem:s19+$0x12300]  }
0x1c7: {  	v3 =	vadd.f32 v5, v4;
	v4 =	vld [tilespmem:s13+$0xA800]  }
0x1c8: {  	v5 =	vld [tilespmem:s13+$0x13800];
	[tilespmem:s19+$0xF000] =	vst v0;
	v0 =	vadd.f32 v7, v6  }
0x1c9: {  	[tilespmem:s19+$0xF080] =	vst v3;
	v1 =	vadd.f32 v1, v63  }
0x1ca: {  	v6 =	vld [tilespmem:s13+$0xA880];
	[tilespmem:s19+$0xF100] =	vst v0;
	v0 =	vadd.f32 v62, v61  }
0x1cb: {  	v3 =	vadd.f32 v60, v8;
	v7 =	vld [tilespmem:s13+$0x13880];
	[tilespmem:s19+$0xF280] =	vst v1  }
0x1cc: {  	v1 =	vld [tilespmem:s13+$0x13900];
	[tilespmem:s19+$0xF200] =	vst v0;
	v0 =	vadd.f32 v2, v13  }
0x1cd: {  	s28 =	sor.u32 s16, s3;
	[tilespmem:s19+$0xF180] =	vst v3;
	v3 =	vadd.f32 v5, v4;
	v5 =	vld [tilespmem:s13+$0xA980]  }
0x1ce: {  	s18 =	sor.u32 $0x380, s28;
	v2 =	vld [tilespmem:s13+$0xA900];
	[tilespmem:s19+$0xF300] =	vst v0  }
0x1cf: {  	v8 =	vld [tilespmem:s18+$0x9000]  }
0x1d0: {  	v0 =	vadd.f32 v7, v6;
	v6 =	vld [tilespmem:s18+$0x12000]  }
0x1d1: {  	v7 =	vld [tilespmem:s13+$0x13980]  }
0x1d2: {  	v4 =	vld [tilespmem:s13+$0x13A00]  }
0x1d3: {  	[tilespmem:s13+$0x10880] =	vst v0;
	v0 =	vadd.f32 v1, v2;
	v2 =	vld [tilespmem:s13+$0xAA00]  }
0x1d4: {  	[tilespmem:s13+$0x10800] =	vst v3;
	v3 =	vld [tilespmem:s13+$0x13A80]  }
0x1d5: {  	[tilespmem:s13+$0x10900] =	vst v0;
	v0 =	vld [tilespmem:s13+$0xAA80];
	v6 =	vadd.f32 v6, v8  }
0x1d6: {  	v1 =	vld [tilespmem:s13+$0xAB00];
	v5 =	vadd.f32 v7, v5  }
.LBB2_9:
0x1d7: {  	s3 =	sadd.s32 $0x10, s3;
	[tilespmem:s18+$0xF000] =	vst v6;
	s16 =	sadd.s32 $0x80, s16;
	v6 =	vld [tilespmem:s13+$0x13B00]  }
0x1d8: {  	s18 =	sand.u32 $0x70, s3;
	s24 =	sand.u32 $0x1C00, s16;
	p0 =	slt.u32 s3, $0x2F0;
	v7 =	vld [tilespmem:s19+$0xAB80];
	[tilespmem:s13+$0x10980] =	vst v5;
	v2 =	vadd.f32 v4, v2  }
0x1d9: {  	s18 =	sor.u32 s18, s24;
	v4 =	vld [tilespmem:s19+$0x13B80]  }
0x1da: {  	v5 =	vld [tilespmem:s18+$0x9000];
	[tilespmem:s13+$0x10A00] =	vst v2;
	v0 =	vadd.f32 v3, v0  }
0x1db: {  	v2 =	vld [tilespmem:s18+$0x12000]  }
0x1dc: {  	v3 =	vld [tilespmem:s18+$0x9080];
	[tilespmem:s13+$0x10A80] =	vst v0;
	v0 =	vadd.f32 v6, v1  }
0x1dd: {  	v1 =	vld [tilespmem:s18+$0x12080]  }
0x1de: {  	v6 =	vld [tilespmem:s18+$0x9100];
	v4 =	vadd.f32 v4, v7;
	[tilespmem:s13+$0x10B00] =	vst v0;
	s13 =	smov.u32 s19;
	s19 =	smov.u32 s18  }
0x1df: {  	v0 =	vld [tilespmem:s19+$0x12100]  }
0x1e0: {  	v7 =	vld [tilespmem:s19+$0x9180];
	[tilespmem:s13+$0x10B80] =	vst v4  }
0x1e1: {  	v4 =	vld [tilespmem:s19+$0x12180]  }
0x1e2: {  	v8 =	vld [tilespmem:s19+$0x9200]  }
0x1e3: {  	v9 =	vld [tilespmem:s19+$0x12200]  }
0x1e4: {  	v10 =	vld [tilespmem:s19+$0x9280]  }
0x1e5: {  	v11 =	vld [tilespmem:s19+$0x12280]  }
0x1e6: {  	v2 =	vadd.f32 v2, v5;
	v5 =	vld [tilespmem:s19+$0x9300]  }
0x1e7: {  	v1 =	vadd.f32 v1, v3;
	v3 =	vld [tilespmem:s19+$0x12300]  }
0x1e8: {  	v0 =	vadd.f32 v0, v6;
	[tilespmem:s19+$0xF000] =	vst v2;
	v2 =	vld [tilespmem:s13+$0xA800]  }
0x1e9: {  	[tilespmem:s19+$0xF080] =	vst v1;
	v1 =	vadd.f32 v4, v7;
	v4 =	vld [tilespmem:s13+$0x13800]  }
0x1ea: {  	[tilespmem:s19+$0xF100] =	vst v0;
	v0 =	vadd.f32 v9, v8;
	v6 =	vld [tilespmem:s13+$0xA880]  }
0x1eb: {  	[tilespmem:s19+$0xF180] =	vst v1;
	v1 =	vadd.f32 v11, v10;
	v7 =	vld [tilespmem:s13+$0x13880]  }
0x1ec: {  	[tilespmem:s19+$0xF200] =	vst v0;
	v0 =	vadd.f32 v3, v5;
	v3 =	vld [tilespmem:s13+$0xA900]  }
0x1ed: {  	s18 =	sor.u32 s16, s3;
	[tilespmem:s19+$0xF280] =	vst v1;
	v1 =	vld [tilespmem:s13+$0x13900]  }
0x1ee: {  	s18 =	sor.u32 $0x380, s18;
	[tilespmem:s19+$0xF300] =	vst v0;
	v0 =	vadd.f32 v4, v2;
	v5 =	vld [tilespmem:s13+$0xA980]  }
0x1ef: {  	v8 =	vld [tilespmem:s18+$0x9000]  }
0x1f0: {  	v9 =	vld [tilespmem:s18+$0x12000];
	[tilespmem:s13+$0x10800] =	vst v0;
	v0 =	vadd.f32 v7, v6  }
0x1f1: {  	v7 =	vld [tilespmem:s13+$0x13980]  }
.Ltmp3:
0x1f2: {  	[tilespmem:s13+$0x10880] =	vst v0;
	v0 =	vadd.f32 v1, v3;
	v2 =	vld [tilespmem:s13+$0xAA00];
	(pc) =	sbr.rel @p0 .LBB2_9-.Ltmp3, $4  }
0x1f3: {  	v4 =	vld [tilespmem:s13+$0x13A00]  }
0x1f4: {  	[tilespmem:s13+$0x10900] =	vst v0;
	v0 =	vld [tilespmem:s13+$0xAA80]  }
0x1f5: {  	v6 =	vadd.f32 v9, v8;
	v3 =	vld [tilespmem:s13+$0x13A80]  }
0x1f6: {  	v5 =	vadd.f32 v7, v5;
	v1 =	vld [tilespmem:s13+$0xAB00]  }
0x1f7: {  	[tilespmem:s18+$0xF000] =	vst v6  }
0x1f8: {  	v6 =	vld [tilespmem:s19+$0xAB80]  }
0x1f9: {  	v7 =	vld [tilespmem:s19+$0x13B80];
	_ =	sdelay $0x3  }
0x1fa: {  	v56 =	vld [tilespmem:s13+$0x13B00]  }
0x1fb: {  	v8 =	vld [tilespmem:s19+$0xA880];
	v6 =	vadd.f32 v7, v6  }
0x1fc: {  	v7 =	vld [tilespmem:s19+$0x13800]  }
0x1fd: {  	[tilespmem:s19+$0x10B80] =	vst v6;
	v6 =	vld [tilespmem:s19+$0xA800]  }
0x1fe: {  	v9 =	vld [tilespmem:s19+$0x13880]  }
0x1ff: {  	v10 =	vld [tilespmem:s19+$0xA900]  }
0x200: {  	v11 =	vld [tilespmem:s19+$0x13900]  }
0x201: {  	v54 =	vld [tilespmem:s19+$0xAA00]  }
0x202: {  	v55 =	vld [tilespmem:s19+$0x13A00];
	v6 =	vadd.f32 v7, v6  }
0x203: {  	v12 =	vld [tilespmem:s19+$0x13A80]  }
0x204: {  	v2 =	vadd.f32 v4, v2;
	v4 =	vld [tilespmem:s19+$0xAB00];
	[tilespmem:s19+$0x10800] =	vst v6;
	v6 =	vadd.f32 v9, v8  }
0x205: {  	v7 =	vld [tilespmem:s19+$0xA980]  }
0x206: {  	v8 =	vld [tilespmem:s19+$0x13980];
	[tilespmem:s19+$0x10880] =	vst v6;
	v6 =	vadd.f32 v11, v10  }
0x207: {  	[tilespmem:s13+$0x10980] =	vst v5;
	v0 =	vadd.f32 v3, v0;
	v3 =	vld [tilespmem:s19+$0x13B00]  }
0x208: {  	v1 =	vadd.f32 v56, v1;
	[tilespmem:s19+$0x10900] =	vst v6;
	v6 =	vld [tilespmem:s19+$0xAA80]  }
0x209: {  	[tilespmem:s13+$0x10A00] =	vst v2  }
0x20a: {  	[tilespmem:s13+$0x10B00] =	vst v1;
	v1 =	vadd.f32 v55, v54  }
0x20b: {  	[tilespmem:s13+$0x10A80] =	vst v0;
	s13 =	sadd.s32 $0x20, s11;
	v0 =	vadd.f32 v8, v7  }
0x20c: {  	s18 =	sadd.s32 s5, s13;
	[tilespmem:s19+$0x10A00] =	vst v1;
	v1 =	vadd.f32 v3, v4  }
0x20d: {  	s3 =	smin.u32 s18, $0x1FF0;
	[tilespmem:s19+$0x10980] =	vst v0;
	v0 =	vadd.f32 v12, v6  }
0x20e: {  	s9 =	sadd.s32 s4, s9;
	s3 =	sshrl.u32 s3, $0x3;
	[tilespmem:s19+$0x10B00] =	vst v1  }
0x20f: {  	s16 =	simm.s32 $0x0;
	s6 =	smov.u32 s20;
	s3 =	smul.u32 $0x300, s3;
	[tilespmem:s19+$0x10A80] =	vst v0  }
0x210: {  	[hbm4b:s9+s16] =	stream.linear.scatter [tilespmem:s22], [sflag:$0x6], $0x3000, $0x38;
	[tilespmem:$0x18000] =	vst v63  }
0x211: {  	s3 =	sadd.s32 s20, s3;
	s20 =	sor.u32 s14, s12;
	s19 =	simm.s32 $0x12000  }
0x212: {  	[tilespmem:s19], [sflag:$0x7] =	stream.linear.gather [hbm4b:s3+s16], $0x3000, $0x38;
	[tilespmem:$0x18000] =	vst v63  }
0x213: {  	s3 =	sshrl.u32 s20, $0x3  }
0x214: {  	_ =	swait.ge [sflag:s0], $0x3000;
	s9 =	smul.u32 $0x300, s3  }
0x215: {  	[sflag:s0] =	ssyncset.done $0x0  }
0x216: {  	s24 =	simm.s32 $0x6000;
	[sflag:s0] =	ssyncadd.s32 $0xFFFFD000;
	s3 =	sadd.s32 s1, s9  }
0x217: {  	[tilespmem:s24], [sflag:$0x3] =	stream.linear.gather [hbm4b:s3+s16], $0x3000, $0x38;
	[tilespmem:$0x18000] =	vst v63  }
0x218: {  	_ =	swait.ge [sflag:s25], $0x3000  }
0x219: {  	[sflag:s25] =	ssyncset.done $0x0  }
0x21a: {  	[sflag:s25] =	ssyncadd.s32 $0xFFFFD000  }
0x21b: {  	s3 =	simm.s32 $0x0;
	_ =	swait.ge [sflag:s26], $0x3000  }
0x21c: {  	s24 =	sand.u32 $0x1C00, s16;
	s20 =	sand.u32 $0x70, s3;
	[sflag:s26] =	ssyncset.done $0x0  }
0x21d: {  	s19 =	sor.u32 s20, s24;
	[sflag:s26] =	ssyncadd.s32 $0xFFFFD000  }
0x21e: {  	v0 =	vld [tilespmem:s19+$0x0]  }
0x21f: {  	v1 =	vld [tilespmem:s19+$0x15000]  }
0x220: {  	v2 =	vld [tilespmem:s19+$0x80]  }
0x221: {  	v3 =	vld [tilespmem:s19+$0x15080]  }
0x222: {  	v4 =	vld [tilespmem:s19+$0x100]  }
0x223: {  	v5 =	vld [tilespmem:s19+$0x15100]  }
0x224: {  	v6 =	vld [tilespmem:s19+$0x180]  }
0x225: {  	v7 =	vld [tilespmem:s19+$0x15180]  }
0x226: {  	v8 =	vld [tilespmem:s19+$0x200]  }
0x227: {  	v57 =	vld [tilespmem:s19+$0x15200]  }
0x228: {  	v58 =	vld [tilespmem:s19+$0x280]  }
0x229: {  	v59 =	vld [tilespmem:s19+$0x15280]  }
0x22a: {  	v0 =	vadd.f32 v1, v0;
	v1 =	vld [tilespmem:s19+$0x300]  }
0x22b: {  	v2 =	vadd.f32 v3, v2;
	v3 =	vld [tilespmem:s19+$0x15300]  }
0x22c: {  	[tilespmem:s19+$0xC000] =	vst v0;
	v0 =	vadd.f32 v5, v4  }
0x22d: {  	[tilespmem:s19+$0xC080] =	vst v2;
	v2 =	vadd.f32 v7, v6  }
0x22e: {  	[tilespmem:s19+$0xC100] =	vst v0;
	v0 =	vadd.f32 v57, v8  }
0x22f: {  	[tilespmem:s19+$0xC180] =	vst v2;
	v2 =	vadd.f32 v59, v58  }
0x230: {  	[tilespmem:s19+$0xC200] =	vst v0;
	v0 =	vadd.f32 v3, v1  }
0x231: {  	s3 =	sor.u32 s16, s3;
	[tilespmem:s19+$0xC280] =	vst v2  }
0x232: {  	s3 =	sor.u32 $0x380, s3;
	[tilespmem:s19+$0xC300] =	vst v0  }
0x233: {  	v0 =	vld [tilespmem:s3+$0x0]  }
0x234: {  	v1 =	vld [tilespmem:s3+$0x15000];
	_ =	sdelay $0x4  }
0x235: {  	v0 =	vadd.f32 v1, v0;
	_ =	sdelay $0x1  }
0x236: {  	s16 =	simm.s32 $0x10;
	s24 =	simm.s32 $0x80;
	[tilespmem:s3+$0xC000] =	vst v0  }
0x237: {  	s20 =	sand.u32 $0x70, s16;
	s28 =	sand.u32 $0x1C00, s24;
	v0 =	vld [tilespmem:s19+$0x1B80]  }
0x238: {  	s3 =	sor.u32 s20, s28;
	v1 =	vld [tilespmem:s19+$0x16B80]  }
0x239: {  	v2 =	vld [tilespmem:s3+$0x0]  }
0x23a: {  	v3 =	vld [tilespmem:s3+$0x15000]  }
0x23b: {  	v4 =	vld [tilespmem:s3+$0x80]  }
0x23c: {  	v5 =	vld [tilespmem:s3+$0x15080]  }
0x23d: {  	v6 =	vld [tilespmem:s3+$0x100]  }
0x23e: {  	v7 =	vld [tilespmem:s3+$0x15100]  }
0x23f: {  	v8 =	vld [tilespmem:s3+$0x180]  }
0x240: {  	v60 =	vld [tilespmem:s3+$0x15180]  }
0x241: {  	v61 =	vld [tilespmem:s3+$0x200]  }
0x242: {  	v62 =	vld [tilespmem:s3+$0x15200]  }
0x243: {  	v63 =	vld [tilespmem:s3+$0x280]  }
0x244: {  	v0 =	vadd.f32 v1, v0;
	v1 =	vld [tilespmem:s3+$0x15280]  }
0x245: {  	v13 =	vld [tilespmem:s3+$0x300]  }
0x246: {  	[tilespmem:s19+$0xDB80] =	vst v0;
	v0 =	vadd.f32 v3, v2;
	v2 =	vld [tilespmem:s3+$0x15300]  }
0x247: {  	v3 =	vadd.f32 v5, v4;
	v4 =	vld [tilespmem:s19+$0x1800]  }
0x248: {  	v5 =	vld [tilespmem:s19+$0x16800];
	[tilespmem:s3+$0xC000] =	vst v0;
	v0 =	vadd.f32 v7, v6  }
0x249: {  	[tilespmem:s3+$0xC080] =	vst v3;
	v1 =	vadd.f32 v1, v63  }
0x24a: {  	v6 =	vld [tilespmem:s19+$0x1880];
	[tilespmem:s3+$0xC100] =	vst v0;
	v0 =	vadd.f32 v62, v61  }
0x24b: {  	v3 =	vadd.f32 v60, v8;
	v7 =	vld [tilespmem:s19+$0x16880];
	[tilespmem:s3+$0xC280] =	vst v1  }
0x24c: {  	v1 =	vld [tilespmem:s19+$0x16900];
	[tilespmem:s3+$0xC200] =	vst v0;
	v0 =	vadd.f32 v2, v13  }
0x24d: {  	s28 =	sor.u32 s24, s16;
	[tilespmem:s3+$0xC180] =	vst v3;
	v3 =	vadd.f32 v5, v4;
	v5 =	vld [tilespmem:s19+$0x1980]  }
0x24e: {  	s28 =	sor.u32 $0x380, s28;
	v2 =	vld [tilespmem:s19+$0x1900];
	[tilespmem:s3+$0xC300] =	vst v0  }
0x24f: {  	v8 =	vld [tilespmem:s28+$0x0]  }
0x250: {  	v0 =	vadd.f32 v7, v6;
	v6 =	vld [tilespmem:s28+$0x15000]  }
0x251: {  	v7 =	vld [tilespmem:s19+$0x16980]  }
0x252: {  	v4 =	vld [tilespmem:s19+$0x16A00]  }
0x253: {  	[tilespmem:s19+$0xD880] =	vst v0;
	v0 =	vadd.f32 v1, v2;
	v2 =	vld [tilespmem:s19+$0x1A00]  }
0x254: {  	[tilespmem:s19+$0xD800] =	vst v3;
	v3 =	vld [tilespmem:s19+$0x16A80]  }
0x255: {  	[tilespmem:s19+$0xD900] =	vst v0;
	v0 =	vld [tilespmem:s19+$0x1A80];
	v6 =	vadd.f32 v6, v8  }
0x256: {  	v1 =	vld [tilespmem:s19+$0x1B00];
	v5 =	vadd.f32 v7, v5  }
.LBB2_11:
0x257: {  	s16 =	sadd.s32 $0x10, s16;
	[tilespmem:s28+$0xC000] =	vst v6;
	s24 =	sadd.s32 $0x80, s24;
	v6 =	vld [tilespmem:s19+$0x16B00]  }
0x258: {  	s28 =	sand.u32 $0x70, s16;
	s20 =	sand.u32 $0x1C00, s24;
	p0 =	slt.u32 s16, $0x2F0;
	v7 =	vld [tilespmem:s3+$0x1B80];
	[tilespmem:s19+$0xD980] =	vst v5;
	v2 =	vadd.f32 v4, v2  }
0x259: {  	s20 =	sor.u32 s28, s20;
	v4 =	vld [tilespmem:s3+$0x16B80]  }
0x25a: {  	v5 =	vld [tilespmem:s20+$0x0];
	[tilespmem:s19+$0xDA00] =	vst v2;
	v0 =	vadd.f32 v3, v0  }
0x25b: {  	v2 =	vld [tilespmem:s20+$0x15000]  }
0x25c: {  	v3 =	vld [tilespmem:s20+$0x80];
	[tilespmem:s19+$0xDA80] =	vst v0;
	v0 =	vadd.f32 v6, v1  }
0x25d: {  	v1 =	vld [tilespmem:s20+$0x15080]  }
0x25e: {  	v6 =	vld [tilespmem:s20+$0x100];
	v4 =	vadd.f32 v4, v7;
	[tilespmem:s19+$0xDB00] =	vst v0;
	s19 =	smov.u32 s3;
	s3 =	smov.u32 s20  }
0x25f: {  	v0 =	vld [tilespmem:s3+$0x15100]  }
0x260: {  	v7 =	vld [tilespmem:s3+$0x180];
	[tilespmem:s19+$0xDB80] =	vst v4  }
0x261: {  	v4 =	vld [tilespmem:s3+$0x15180]  }
0x262: {  	v8 =	vld [tilespmem:s3+$0x200]  }
0x263: {  	v9 =	vld [tilespmem:s3+$0x15200]  }
0x264: {  	v10 =	vld [tilespmem:s3+$0x280]  }
0x265: {  	v11 =	vld [tilespmem:s3+$0x15280]  }
0x266: {  	v2 =	vadd.f32 v2, v5;
	v5 =	vld [tilespmem:s3+$0x300]  }
0x267: {  	v1 =	vadd.f32 v1, v3;
	v3 =	vld [tilespmem:s3+$0x15300]  }
0x268: {  	v0 =	vadd.f32 v0, v6;
	[tilespmem:s3+$0xC000] =	vst v2;
	v2 =	vld [tilespmem:s19+$0x1800]  }
0x269: {  	[tilespmem:s3+$0xC080] =	vst v1;
	v1 =	vadd.f32 v4, v7;
	v4 =	vld [tilespmem:s19+$0x16800]  }
0x26a: {  	[tilespmem:s3+$0xC100] =	vst v0;
	v0 =	vadd.f32 v9, v8;
	v6 =	vld [tilespmem:s19+$0x1880]  }
0x26b: {  	[tilespmem:s3+$0xC180] =	vst v1;
	v1 =	vadd.f32 v11, v10;
	v7 =	vld [tilespmem:s19+$0x16880]  }
0x26c: {  	[tilespmem:s3+$0xC200] =	vst v0;
	v0 =	vadd.f32 v3, v5;
	v3 =	vld [tilespmem:s19+$0x1900]  }
0x26d: {  	s20 =	sor.u32 s24, s16;
	[tilespmem:s3+$0xC280] =	vst v1;
	v1 =	vld [tilespmem:s19+$0x16900]  }
0x26e: {  	s28 =	sor.u32 $0x380, s20;
	[tilespmem:s3+$0xC300] =	vst v0;
	v0 =	vadd.f32 v4, v2;
	v5 =	vld [tilespmem:s19+$0x1980]  }
0x26f: {  	v8 =	vld [tilespmem:s28+$0x0]  }
0x270: {  	v9 =	vld [tilespmem:s28+$0x15000];
	[tilespmem:s19+$0xD800] =	vst v0;
	v0 =	vadd.f32 v7, v6  }
0x271: {  	v7 =	vld [tilespmem:s19+$0x16980]  }
.Ltmp4:
0x272: {  	[tilespmem:s19+$0xD880] =	vst v0;
	v0 =	vadd.f32 v1, v3;
	v2 =	vld [tilespmem:s19+$0x1A00];
	(pc) =	sbr.rel @p0 .LBB2_11-.Ltmp4, $4  }
0x273: {  	v4 =	vld [tilespmem:s19+$0x16A00]  }
0x274: {  	[tilespmem:s19+$0xD900] =	vst v0;
	v0 =	vld [tilespmem:s19+$0x1A80]  }
0x275: {  	v6 =	vadd.f32 v9, v8;
	v3 =	vld [tilespmem:s19+$0x16A80]  }
0x276: {  	v5 =	vadd.f32 v7, v5;
	v1 =	vld [tilespmem:s19+$0x1B00]  }
0x277: {  	[tilespmem:s28+$0xC000] =	vst v6  }
0x278: {  	v6 =	vld [tilespmem:s3+$0x1B80]  }
0x279: {  	v7 =	vld [tilespmem:s3+$0x16B80];
	_ =	sdelay $0x3  }
0x27a: {  	v56 =	vld [tilespmem:s19+$0x16B00]  }
0x27b: {  	v8 =	vld [tilespmem:s3+$0x1880];
	v6 =	vadd.f32 v7, v6  }
0x27c: {  	v7 =	vld [tilespmem:s3+$0x16800]  }
0x27d: {  	[tilespmem:s3+$0xDB80] =	vst v6;
	v6 =	vld [tilespmem:s3+$0x1800]  }
0x27e: {  	v9 =	vld [tilespmem:s3+$0x16880]  }
0x27f: {  	v10 =	vld [tilespmem:s3+$0x1900]  }
0x280: {  	v11 =	vld [tilespmem:s3+$0x16900]  }
0x281: {  	v54 =	vld [tilespmem:s3+$0x1A00]  }
0x282: {  	v55 =	vld [tilespmem:s3+$0x16A00];
	v6 =	vadd.f32 v7, v6  }
0x283: {  	v12 =	vld [tilespmem:s3+$0x16A80]  }
0x284: {  	v2 =	vadd.f32 v4, v2;
	v4 =	vld [tilespmem:s3+$0x1B00];
	[tilespmem:s3+$0xD800] =	vst v6;
	v6 =	vadd.f32 v9, v8  }
0x285: {  	v7 =	vld [tilespmem:s3+$0x1980]  }
0x286: {  	v8 =	vld [tilespmem:s3+$0x16980];
	[tilespmem:s3+$0xD880] =	vst v6;
	v6 =	vadd.f32 v11, v10  }
0x287: {  	[tilespmem:s19+$0xD980] =	vst v5;
	v0 =	vadd.f32 v3, v0;
	v3 =	vld [tilespmem:s3+$0x16B00]  }
0x288: {  	v1 =	vadd.f32 v56, v1;
	[tilespmem:s3+$0xD900] =	vst v6;
	v6 =	vld [tilespmem:s3+$0x1A80]  }
0x289: {  	[tilespmem:s19+$0xDA00] =	vst v2  }
0x28a: {  	[tilespmem:s19+$0xDB00] =	vst v1;
	v1 =	vadd.f32 v55, v54  }
0x28b: {  	[tilespmem:s19+$0xDA80] =	vst v0;
	v0 =	vadd.f32 v8, v7  }
0x28c: {  	[tilespmem:s3+$0xDA00] =	vst v1;
	v1 =	vadd.f32 v3, v4  }
0x28d: {  	s12 =	sor.u32 s15, s12;
	[tilespmem:s3+$0xD980] =	vst v0;
	v0 =	vadd.f32 v12, v6  }
0x28e: {  	s12 =	sshrl.u32 s12, $0x3;
	[tilespmem:s3+$0xDB00] =	vst v1  }
0x28f: {  	s16 =	simm.s32 $0x0;
	s12 =	smul.u32 $0x300, s12;
	s19 =	sadd.s32 s4, s17;
	[tilespmem:s3+$0xDA80] =	vst v0  }
0x290: {  	[hbm4b:s19+s16] =	stream.linear.scatter [tilespmem:s21], [sflag:$0x5], $0x3000, $0x38;
	[tilespmem:$0x18000] =	vst v63  }
0x291: {  	s24 =	simm.s32 $0x9000;
	s20 =	sadd.s32 s1, s12  }
0x292: {  	[tilespmem:s24], [sflag:$0x4] =	stream.linear.gather [hbm4b:s20+s16], $0x3000, $0x38;
	[tilespmem:$0x18000] =	vst v63  }
0x293: {  	_ =	swait.ge [sflag:s29], $0x3000  }
0x294: {  	[sflag:s29] =	ssyncset.done $0x0  }
0x295: {  	[sflag:s29] =	ssyncadd.s32 $0xFFFFD000  }
0x296: {  	s28 =	simm.s32 $0x0;
	_ =	swait.ge [sflag:s30], $0x3000  }
0x297: {  	s19 =	sand.u32 $0x70, s28;
	s20 =	sand.u32 $0x1C00, s16;
	[sflag:s30] =	ssyncset.done $0x0  }
0x298: {  	s17 =	sor.u32 s19, s20;
	[sflag:s30] =	ssyncadd.s32 $0xFFFFD000  }
0x299: {  	v0 =	vld [tilespmem:s17+$0x3000]  }
0x29a: {  	v1 =	vld [tilespmem:s17+$0x15000]  }
0x29b: {  	v2 =	vld [tilespmem:s17+$0x3080]  }
0x29c: {  	v3 =	vld [tilespmem:s17+$0x15080]  }
0x29d: {  	v4 =	vld [tilespmem:s17+$0x3100]  }
0x29e: {  	v5 =	vld [tilespmem:s17+$0x15100]  }
0x29f: {  	v6 =	vld [tilespmem:s17+$0x3180]  }
0x2a0: {  	v7 =	vld [tilespmem:s17+$0x15180]  }
0x2a1: {  	v8 =	vld [tilespmem:s17+$0x3200]  }
0x2a2: {  	v57 =	vld [tilespmem:s17+$0x15200]  }
0x2a3: {  	v58 =	vld [tilespmem:s17+$0x3280]  }
0x2a4: {  	v59 =	vld [tilespmem:s17+$0x15280]  }
0x2a5: {  	v0 =	vadd.f32 v1, v0;
	v1 =	vld [tilespmem:s17+$0x3300]  }
0x2a6: {  	v2 =	vadd.f32 v3, v2;
	v3 =	vld [tilespmem:s17+$0x15300]  }
0x2a7: {  	[tilespmem:s17+$0xF000] =	vst v0;
	v0 =	vadd.f32 v5, v4  }
0x2a8: {  	[tilespmem:s17+$0xF080] =	vst v2;
	v2 =	vadd.f32 v7, v6  }
0x2a9: {  	[tilespmem:s17+$0xF100] =	vst v0;
	v0 =	vadd.f32 v57, v8  }
0x2aa: {  	[tilespmem:s17+$0xF180] =	vst v2;
	v2 =	vadd.f32 v59, v58  }
0x2ab: {  	[tilespmem:s17+$0xF200] =	vst v0;
	v0 =	vadd.f32 v3, v1  }
0x2ac: {  	s3 =	sor.u32 s16, s28;
	[tilespmem:s17+$0xF280] =	vst v2  }
0x2ad: {  	s3 =	sor.u32 $0x380, s3;
	[tilespmem:s17+$0xF300] =	vst v0  }
0x2ae: {  	v0 =	vld [tilespmem:s3+$0x3000]  }
0x2af: {  	v1 =	vld [tilespmem:s3+$0x15000];
	_ =	sdelay $0x4  }
0x2b0: {  	v0 =	vadd.f32 v1, v0;
	_ =	sdelay $0x1  }
0x2b1: {  	s16 =	simm.s32 $0x10;
	s19 =	simm.s32 $0x80;
	[tilespmem:s3+$0xF000] =	vst v0  }
0x2b2: {  	s24 =	sand.u32 $0x70, s16;
	s20 =	sand.u32 $0x1C00, s19;
	v0 =	vld [tilespmem:s17+$0x4B80]  }
0x2b3: {  	s3 =	sor.u32 s24, s20;
	v1 =	vld [tilespmem:s17+$0x16B80]  }
0x2b4: {  	v2 =	vld [tilespmem:s3+$0x3000]  }
0x2b5: {  	v3 =	vld [tilespmem:s3+$0x15000]  }
0x2b6: {  	v4 =	vld [tilespmem:s3+$0x3080]  }
0x2b7: {  	v5 =	vld [tilespmem:s3+$0x15080]  }
0x2b8: {  	v6 =	vld [tilespmem:s3+$0x3100]  }
0x2b9: {  	v7 =	vld [tilespmem:s3+$0x15100]  }
0x2ba: {  	v8 =	vld [tilespmem:s3+$0x3180]  }
0x2bb: {  	v60 =	vld [tilespmem:s3+$0x15180]  }
0x2bc: {  	v61 =	vld [tilespmem:s3+$0x3200]  }
0x2bd: {  	v62 =	vld [tilespmem:s3+$0x15200]  }
0x2be: {  	v63 =	vld [tilespmem:s3+$0x3280]  }
0x2bf: {  	v0 =	vadd.f32 v1, v0;
	v1 =	vld [tilespmem:s3+$0x15280]  }
0x2c0: {  	v13 =	vld [tilespmem:s3+$0x3300]  }
0x2c1: {  	[tilespmem:s17+$0x10B80] =	vst v0;
	v0 =	vadd.f32 v3, v2;
	v2 =	vld [tilespmem:s3+$0x15300]  }
0x2c2: {  	v3 =	vadd.f32 v5, v4;
	v4 =	vld [tilespmem:s17+$0x4800]  }
0x2c3: {  	v5 =	vld [tilespmem:s17+$0x16800];
	[tilespmem:s3+$0xF000] =	vst v0;
	v0 =	vadd.f32 v7, v6  }
0x2c4: {  	[tilespmem:s3+$0xF080] =	vst v3;
	v1 =	vadd.f32 v1, v63  }
0x2c5: {  	v6 =	vld [tilespmem:s17+$0x4880];
	[tilespmem:s3+$0xF100] =	vst v0;
	v0 =	vadd.f32 v62, v61  }
0x2c6: {  	v3 =	vadd.f32 v60, v8;
	v7 =	vld [tilespmem:s17+$0x16880];
	[tilespmem:s3+$0xF280] =	vst v1  }
0x2c7: {  	v1 =	vld [tilespmem:s17+$0x16900];
	[tilespmem:s3+$0xF200] =	vst v0;
	v0 =	vadd.f32 v2, v13  }
0x2c8: {  	s28 =	sor.u32 s19, s16;
	[tilespmem:s3+$0xF180] =	vst v3;
	v3 =	vadd.f32 v5, v4;
	v5 =	vld [tilespmem:s17+$0x4980]  }
0x2c9: {  	s24 =	sor.u32 $0x380, s28;
	v2 =	vld [tilespmem:s17+$0x4900];
	[tilespmem:s3+$0xF300] =	vst v0  }
0x2ca: {  	v8 =	vld [tilespmem:s24+$0x3000]  }
0x2cb: {  	v0 =	vadd.f32 v7, v6;
	v6 =	vld [tilespmem:s24+$0x15000]  }
0x2cc: {  	v7 =	vld [tilespmem:s17+$0x16980]  }
0x2cd: {  	v4 =	vld [tilespmem:s17+$0x16A00]  }
0x2ce: {  	[tilespmem:s17+$0x10880] =	vst v0;
	v0 =	vadd.f32 v1, v2;
	v2 =	vld [tilespmem:s17+$0x4A00]  }
0x2cf: {  	[tilespmem:s17+$0x10800] =	vst v3;
	v3 =	vld [tilespmem:s17+$0x16A80]  }
0x2d0: {  	[tilespmem:s17+$0x10900] =	vst v0;
	v0 =	vld [tilespmem:s17+$0x4A80];
	v6 =	vadd.f32 v6, v8  }
0x2d1: {  	v1 =	vld [tilespmem:s17+$0x4B00];
	v5 =	vadd.f32 v7, v5  }
.LBB2_13:
0x2d2: {  	s16 =	sadd.s32 $0x10, s16;
	[tilespmem:s24+$0xF000] =	vst v6;
	s19 =	sadd.s32 $0x80, s19;
	v6 =	vld [tilespmem:s17+$0x16B00]  }
0x2d3: {  	s20 =	sand.u32 $0x70, s16;
	s24 =	sand.u32 $0x1C00, s19;
	p0 =	slt.u32 s16, $0x2F0;
	v7 =	vld [tilespmem:s3+$0x4B80];
	[tilespmem:s17+$0x10980] =	vst v5;
	v2 =	vadd.f32 v4, v2  }
0x2d4: {  	s20 =	sor.u32 s20, s24;
	v4 =	vld [tilespmem:s3+$0x16B80]  }
0x2d5: {  	v5 =	vld [tilespmem:s20+$0x3000];
	[tilespmem:s17+$0x10A00] =	vst v2;
	v0 =	vadd.f32 v3, v0  }
0x2d6: {  	v2 =	vld [tilespmem:s20+$0x15000]  }
0x2d7: {  	v3 =	vld [tilespmem:s20+$0x3080];
	[tilespmem:s17+$0x10A80] =	vst v0;
	v0 =	vadd.f32 v6, v1  }
0x2d8: {  	v1 =	vld [tilespmem:s20+$0x15080]  }
0x2d9: {  	v6 =	vld [tilespmem:s20+$0x3100];
	v4 =	vadd.f32 v4, v7;
	[tilespmem:s17+$0x10B00] =	vst v0;
	s17 =	smov.u32 s3;
	s3 =	smov.u32 s20  }
0x2da: {  	v0 =	vld [tilespmem:s3+$0x15100]  }
0x2db: {  	v7 =	vld [tilespmem:s3+$0x3180];
	[tilespmem:s17+$0x10B80] =	vst v4  }
0x2dc: {  	v4 =	vld [tilespmem:s3+$0x15180]  }
0x2dd: {  	v8 =	vld [tilespmem:s3+$0x3200]  }
0x2de: {  	v9 =	vld [tilespmem:s3+$0x15200]  }
0x2df: {  	v10 =	vld [tilespmem:s3+$0x3280]  }
0x2e0: {  	v11 =	vld [tilespmem:s3+$0x15280]  }
0x2e1: {  	v2 =	vadd.f32 v2, v5;
	v5 =	vld [tilespmem:s3+$0x3300]  }
0x2e2: {  	v1 =	vadd.f32 v1, v3;
	v3 =	vld [tilespmem:s3+$0x15300]  }
0x2e3: {  	v0 =	vadd.f32 v0, v6;
	[tilespmem:s3+$0xF000] =	vst v2;
	v2 =	vld [tilespmem:s17+$0x4800]  }
0x2e4: {  	[tilespmem:s3+$0xF080] =	vst v1;
	v1 =	vadd.f32 v4, v7;
	v4 =	vld [tilespmem:s17+$0x16800]  }
0x2e5: {  	[tilespmem:s3+$0xF100] =	vst v0;
	v0 =	vadd.f32 v9, v8;
	v6 =	vld [tilespmem:s17+$0x4880]  }
0x2e6: {  	[tilespmem:s3+$0xF180] =	vst v1;
	v1 =	vadd.f32 v11, v10;
	v7 =	vld [tilespmem:s17+$0x16880]  }
0x2e7: {  	[tilespmem:s3+$0xF200] =	vst v0;
	v0 =	vadd.f32 v3, v5;
	v3 =	vld [tilespmem:s17+$0x4900]  }
0x2e8: {  	s20 =	sor.u32 s19, s16;
	[tilespmem:s3+$0xF280] =	vst v1;
	v1 =	vld [tilespmem:s17+$0x16900]  }
0x2e9: {  	s24 =	sor.u32 $0x380, s20;
	[tilespmem:s3+$0xF300] =	vst v0;
	v0 =	vadd.f32 v4, v2;
	v5 =	vld [tilespmem:s17+$0x4980]  }
0x2ea: {  	v8 =	vld [tilespmem:s24+$0x3000]  }
0x2eb: {  	v9 =	vld [tilespmem:s24+$0x15000];
	[tilespmem:s17+$0x10800] =	vst v0;
	v0 =	vadd.f32 v7, v6  }
0x2ec: {  	v7 =	vld [tilespmem:s17+$0x16980]  }
.Ltmp5:
0x2ed: {  	[tilespmem:s17+$0x10880] =	vst v0;
	v0 =	vadd.f32 v1, v3;
	v2 =	vld [tilespmem:s17+$0x4A00];
	(pc) =	sbr.rel @p0 .LBB2_13-.Ltmp5, $4  }
0x2ee: {  	v4 =	vld [tilespmem:s17+$0x16A00]  }
0x2ef: {  	[tilespmem:s17+$0x10900] =	vst v0;
	v0 =	vld [tilespmem:s17+$0x4A80]  }
0x2f0: {  	v6 =	vadd.f32 v9, v8;
	v3 =	vld [tilespmem:s17+$0x16A80]  }
0x2f1: {  	v5 =	vadd.f32 v7, v5;
	v1 =	vld [tilespmem:s17+$0x4B00]  }
0x2f2: {  	[tilespmem:s24+$0xF000] =	vst v6  }
0x2f3: {  	v6 =	vld [tilespmem:s3+$0x4B80]  }
0x2f4: {  	v7 =	vld [tilespmem:s3+$0x16B80];
	_ =	sdelay $0x3  }
0x2f5: {  	v56 =	vld [tilespmem:s17+$0x16B00]  }
0x2f6: {  	v8 =	vld [tilespmem:s3+$0x4880];
	v6 =	vadd.f32 v7, v6  }
0x2f7: {  	v7 =	vld [tilespmem:s3+$0x16800]  }
0x2f8: {  	[tilespmem:s3+$0x10B80] =	vst v6;
	v6 =	vld [tilespmem:s3+$0x4800]  }
0x2f9: {  	v9 =	vld [tilespmem:s3+$0x16880]  }
0x2fa: {  	v10 =	vld [tilespmem:s3+$0x4900]  }
0x2fb: {  	v11 =	vld [tilespmem:s3+$0x16900]  }
0x2fc: {  	v54 =	vld [tilespmem:s3+$0x4A00]  }
0x2fd: {  	v55 =	vld [tilespmem:s3+$0x16A00];
	v6 =	vadd.f32 v7, v6  }
0x2fe: {  	v12 =	vld [tilespmem:s3+$0x16A80]  }
0x2ff: {  	v2 =	vadd.f32 v4, v2;
	v4 =	vld [tilespmem:s3+$0x4B00];
	[tilespmem:s3+$0x10800] =	vst v6;
	v6 =	vadd.f32 v9, v8  }
0x300: {  	v7 =	vld [tilespmem:s3+$0x4980]  }
0x301: {  	v8 =	vld [tilespmem:s3+$0x16980];
	[tilespmem:s3+$0x10880] =	vst v6;
	v6 =	vadd.f32 v11, v10  }
0x302: {  	[tilespmem:s17+$0x10980] =	vst v5;
	v0 =	vadd.f32 v3, v0;
	v3 =	vld [tilespmem:s3+$0x16B00]  }
0x303: {  	v1 =	vadd.f32 v56, v1;
	[tilespmem:s3+$0x10900] =	vst v6;
	v6 =	vld [tilespmem:s3+$0x4A80]  }
0x304: {  	[tilespmem:s17+$0x10A00] =	vst v2  }
0x305: {  	[tilespmem:s17+$0x10B00] =	vst v1;
	v1 =	vadd.f32 v55, v54  }
0x306: {  	[tilespmem:s17+$0x10A80] =	vst v0;
	v0 =	vadd.f32 v8, v7  }
0x307: {  	[tilespmem:s3+$0x10A00] =	vst v1;
	v1 =	vadd.f32 v3, v4  }
0x308: {  	[tilespmem:s3+$0x10980] =	vst v0;
	v0 =	vadd.f32 v12, v6  }
0x309: {  	s16 =	sshrl.u32 s18, $0x3;
	[tilespmem:s3+$0x10B00] =	vst v1  }
0x30a: {  	s18 =	sadd.s32 s4, s8;
	s19 =	smul.u32 $0x300, s16;
	s17 =	simm.s32 $0x0;
	[tilespmem:s3+$0x10A80] =	vst v0  }
0x30b: {  	[hbm4b:s18+s17] =	stream.linear.scatter [tilespmem:s22], [sflag:$0x6], $0x3000, $0x38;
	[tilespmem:$0x18000] =	vst v63  }
0x30c: {  	s20 =	sadd.s32 s1, s19  }
0x30d: {  	[tilespmem:s17], [sflag:$0x1] =	stream.linear.gather [hbm4b:s20+s17], $0x3000, $0x38;
	[tilespmem:$0x18000] =	vst v63  }
0x30e: {  	_ =	swait.ge [sflag:s31], $0x3000  }
0x30f: {  	[sflag:s31] =	ssyncset.done $0x0  }
0x310: {  	[sflag:s31] =	ssyncadd.s32 $0xFFFFD000  }
0x311: {  	s24 =	simm.s32 $0x0;
	_ =	swait.ge [sflag:s26], $0x3000  }
0x312: {  	s16 =	sand.u32 $0x70, s24;
	s18 =	sand.u32 $0x1C00, s17;
	[sflag:s26] =	ssyncset.done $0x0  }
0x313: {  	s8 =	sor.u32 s16, s18;
	[sflag:s26] =	ssyncadd.s32 $0xFFFFD000  }
0x314: {  	v0 =	vld [tilespmem:s8+$0x6000]  }
0x315: {  	v1 =	vld [tilespmem:s8+$0x15000]  }
0x316: {  	v2 =	vld [tilespmem:s8+$0x6080]  }
0x317: {  	v3 =	vld [tilespmem:s8+$0x15080]  }
0x318: {  	v4 =	vld [tilespmem:s8+$0x6100]  }
0x319: {  	v5 =	vld [tilespmem:s8+$0x15100]  }
0x31a: {  	v6 =	vld [tilespmem:s8+$0x6180]  }
0x31b: {  	v7 =	vld [tilespmem:s8+$0x15180]  }
0x31c: {  	v8 =	vld [tilespmem:s8+$0x6200]  }
0x31d: {  	v57 =	vld [tilespmem:s8+$0x15200]  }
0x31e: {  	v58 =	vld [tilespmem:s8+$0x6280]  }
0x31f: {  	v59 =	vld [tilespmem:s8+$0x15280]  }
0x320: {  	v0 =	vadd.f32 v1, v0;
	v1 =	vld [tilespmem:s8+$0x6300]  }
0x321: {  	v2 =	vadd.f32 v3, v2;
	v3 =	vld [tilespmem:s8+$0x15300]  }
0x322: {  	[tilespmem:s8+$0xC000] =	vst v0;
	v0 =	vadd.f32 v5, v4  }
0x323: {  	[tilespmem:s8+$0xC080] =	vst v2;
	v2 =	vadd.f32 v7, v6  }
0x324: {  	[tilespmem:s8+$0xC100] =	vst v0;
	v0 =	vadd.f32 v57, v8  }
0x325: {  	[tilespmem:s8+$0xC180] =	vst v2;
	v2 =	vadd.f32 v59, v58  }
0x326: {  	[tilespmem:s8+$0xC200] =	vst v0;
	v0 =	vadd.f32 v3, v1  }
0x327: {  	s3 =	sor.u32 s17, s24;
	[tilespmem:s8+$0xC280] =	vst v2  }
0x328: {  	s3 =	sor.u32 $0x380, s3;
	[tilespmem:s8+$0xC300] =	vst v0  }
0x329: {  	v0 =	vld [tilespmem:s3+$0x6000]  }
0x32a: {  	v1 =	vld [tilespmem:s3+$0x15000];
	_ =	sdelay $0x4  }
0x32b: {  	v0 =	vadd.f32 v1, v0;
	_ =	sdelay $0x1  }
0x32c: {  	s16 =	simm.s32 $0x10;
	s17 =	simm.s32 $0x80;
	[tilespmem:s3+$0xC000] =	vst v0  }
0x32d: {  	s19 =	sand.u32 $0x70, s16;
	s20 =	sand.u32 $0x1C00, s17;
	v0 =	vld [tilespmem:s8+$0x7B80]  }
0x32e: {  	s3 =	sor.u32 s19, s20;
	v1 =	vld [tilespmem:s8+$0x16B80]  }
0x32f: {  	v2 =	vld [tilespmem:s3+$0x6000]  }
0x330: {  	v3 =	vld [tilespmem:s3+$0x15000]  }
0x331: {  	v4 =	vld [tilespmem:s3+$0x6080]  }
0x332: {  	v5 =	vld [tilespmem:s3+$0x15080]  }
0x333: {  	v6 =	vld [tilespmem:s3+$0x6100]  }
0x334: {  	v7 =	vld [tilespmem:s3+$0x15100]  }
0x335: {  	v8 =	vld [tilespmem:s3+$0x6180]  }
0x336: {  	v60 =	vld [tilespmem:s3+$0x15180]  }
0x337: {  	v61 =	vld [tilespmem:s3+$0x6200]  }
0x338: {  	v62 =	vld [tilespmem:s3+$0x15200]  }
0x339: {  	v63 =	vld [tilespmem:s3+$0x6280]  }
0x33a: {  	v0 =	vadd.f32 v1, v0;
	v1 =	vld [tilespmem:s3+$0x15280]  }
0x33b: {  	v13 =	vld [tilespmem:s3+$0x6300]  }
0x33c: {  	[tilespmem:s8+$0xDB80] =	vst v0;
	v0 =	vadd.f32 v3, v2;
	v2 =	vld [tilespmem:s3+$0x15300]  }
0x33d: {  	v3 =	vadd.f32 v5, v4;
	v4 =	vld [tilespmem:s8+$0x7800]  }
0x33e: {  	v5 =	vld [tilespmem:s8+$0x16800];
	[tilespmem:s3+$0xC000] =	vst v0;
	v0 =	vadd.f32 v7, v6  }
0x33f: {  	[tilespmem:s3+$0xC080] =	vst v3;
	v1 =	vadd.f32 v1, v63  }
0x340: {  	v6 =	vld [tilespmem:s8+$0x7880];
	[tilespmem:s3+$0xC100] =	vst v0;
	v0 =	vadd.f32 v62, v61  }
0x341: {  	v3 =	vadd.f32 v60, v8;
	v7 =	vld [tilespmem:s8+$0x16880];
	[tilespmem:s3+$0xC280] =	vst v1  }
0x342: {  	v1 =	vld [tilespmem:s8+$0x16900];
	[tilespmem:s3+$0xC200] =	vst v0;
	v0 =	vadd.f32 v2, v13  }
0x343: {  	s24 =	sor.u32 s17, s16;
	[tilespmem:s3+$0xC180] =	vst v3;
	v3 =	vadd.f32 v5, v4;
	v5 =	vld [tilespmem:s8+$0x7980]  }
0x344: {  	s18 =	sor.u32 $0x380, s24;
	v2 =	vld [tilespmem:s8+$0x7900];
	[tilespmem:s3+$0xC300] =	vst v0  }
0x345: {  	v8 =	vld [tilespmem:s18+$0x6000]  }
0x346: {  	v0 =	vadd.f32 v7, v6;
	v6 =	vld [tilespmem:s18+$0x15000]  }
0x347: {  	v7 =	vld [tilespmem:s8+$0x16980]  }
0x348: {  	v4 =	vld [tilespmem:s8+$0x16A00]  }
0x349: {  	[tilespmem:s8+$0xD880] =	vst v0;
	v0 =	vadd.f32 v1, v2;
	v2 =	vld [tilespmem:s8+$0x7A00]  }
0x34a: {  	[tilespmem:s8+$0xD800] =	vst v3;
	v3 =	vld [tilespmem:s8+$0x16A80]  }
0x34b: {  	[tilespmem:s8+$0xD900] =	vst v0;
	v0 =	vld [tilespmem:s8+$0x7A80];
	v6 =	vadd.f32 v6, v8  }
0x34c: {  	s28 =	simm.s32 $0x3000;
	v1 =	vld [tilespmem:s8+$0x7B00];
	v5 =	vadd.f32 v7, v5  }
.LBB2_15:
0x34d: {  	s16 =	sadd.s32 $0x10, s16;
	[tilespmem:s18+$0xC000] =	vst v6;
	s17 =	sadd.s32 $0x80, s17;
	v6 =	vld [tilespmem:s8+$0x16B00]  }
0x34e: {  	s18 =	sand.u32 $0x70, s16;
	s19 =	sand.u32 $0x1C00, s17;
	p0 =	slt.u32 s16, $0x2F0;
	v7 =	vld [tilespmem:s3+$0x7B80];
	[tilespmem:s8+$0xD980] =	vst v5;
	v2 =	vadd.f32 v4, v2  }
0x34f: {  	s18 =	sor.u32 s18, s19;
	v4 =	vld [tilespmem:s3+$0x16B80]  }
0x350: {  	v5 =	vld [tilespmem:s18+$0x6000];
	[tilespmem:s8+$0xDA00] =	vst v2;
	v0 =	vadd.f32 v3, v0  }
0x351: {  	v2 =	vld [tilespmem:s18+$0x15000]  }
0x352: {  	v3 =	vld [tilespmem:s18+$0x6080];
	[tilespmem:s8+$0xDA80] =	vst v0;
	v0 =	vadd.f32 v6, v1  }
0x353: {  	v1 =	vld [tilespmem:s18+$0x15080]  }
0x354: {  	v6 =	vld [tilespmem:s18+$0x6100];
	v4 =	vadd.f32 v4, v7;
	[tilespmem:s8+$0xDB00] =	vst v0;
	s8 =	smov.u32 s3;
	s3 =	smov.u32 s18  }
0x355: {  	v0 =	vld [tilespmem:s3+$0x15100]  }
0x356: {  	v7 =	vld [tilespmem:s3+$0x6180];
	[tilespmem:s8+$0xDB80] =	vst v4  }
0x357: {  	v4 =	vld [tilespmem:s3+$0x15180]  }
0x358: {  	v8 =	vld [tilespmem:s3+$0x6200]  }
0x359: {  	v9 =	vld [tilespmem:s3+$0x15200]  }
0x35a: {  	v10 =	vld [tilespmem:s3+$0x6280]  }
0x35b: {  	v11 =	vld [tilespmem:s3+$0x15280]  }
0x35c: {  	v2 =	vadd.f32 v2, v5;
	v5 =	vld [tilespmem:s3+$0x6300]  }
0x35d: {  	v1 =	vadd.f32 v1, v3;
	v3 =	vld [tilespmem:s3+$0x15300]  }
0x35e: {  	v0 =	vadd.f32 v0, v6;
	[tilespmem:s3+$0xC000] =	vst v2;
	v2 =	vld [tilespmem:s8+$0x7800]  }
0x35f: {  	[tilespmem:s3+$0xC080] =	vst v1;
	v1 =	vadd.f32 v4, v7;
	v4 =	vld [tilespmem:s8+$0x16800]  }
0x360: {  	[tilespmem:s3+$0xC100] =	vst v0;
	v0 =	vadd.f32 v9, v8;
	v6 =	vld [tilespmem:s8+$0x7880]  }
0x361: {  	[tilespmem:s3+$0xC180] =	vst v1;
	v1 =	vadd.f32 v11, v10;
	v7 =	vld [tilespmem:s8+$0x16880]  }
0x362: {  	[tilespmem:s3+$0xC200] =	vst v0;
	v0 =	vadd.f32 v3, v5;
	v3 =	vld [tilespmem:s8+$0x7900]  }
0x363: {  	s18 =	sor.u32 s17, s16;
	[tilespmem:s3+$0xC280] =	vst v1;
	v1 =	vld [tilespmem:s8+$0x16900]  }
0x364: {  	s18 =	sor.u32 $0x380, s18;
	[tilespmem:s3+$0xC300] =	vst v0;
	v0 =	vadd.f32 v4, v2;
	v5 =	vld [tilespmem:s8+$0x7980]  }
0x365: {  	v8 =	vld [tilespmem:s18+$0x6000]  }
0x366: {  	v9 =	vld [tilespmem:s18+$0x15000];
	[tilespmem:s8+$0xD800] =	vst v0;
	v0 =	vadd.f32 v7, v6  }
0x367: {  	v7 =	vld [tilespmem:s8+$0x16980]  }
.Ltmp6:
0x368: {  	[tilespmem:s8+$0xD880] =	vst v0;
	v0 =	vadd.f32 v1, v3;
	v2 =	vld [tilespmem:s8+$0x7A00];
	(pc) =	sbr.rel @p0 .LBB2_15-.Ltmp6, $4  }
0x369: {  	v4 =	vld [tilespmem:s8+$0x16A00]  }
0x36a: {  	[tilespmem:s8+$0xD900] =	vst v0;
	v0 =	vld [tilespmem:s8+$0x7A80]  }
0x36b: {  	v6 =	vadd.f32 v9, v8;
	v3 =	vld [tilespmem:s8+$0x16A80]  }
0x36c: {  	v5 =	vadd.f32 v7, v5;
	v1 =	vld [tilespmem:s8+$0x7B00]  }
0x36d: {  	[tilespmem:s18+$0xC000] =	vst v6  }
0x36e: {  	v6 =	vld [tilespmem:s3+$0x7B80]  }
0x36f: {  	v7 =	vld [tilespmem:s3+$0x16B80];
	_ =	sdelay $0x3  }
0x370: {  	v56 =	vld [tilespmem:s8+$0x16B00]  }
0x371: {  	v8 =	vld [tilespmem:s3+$0x7880];
	v6 =	vadd.f32 v7, v6  }
0x372: {  	v7 =	vld [tilespmem:s3+$0x16800]  }
0x373: {  	[tilespmem:s3+$0xDB80] =	vst v6;
	v6 =	vld [tilespmem:s3+$0x7800]  }
0x374: {  	v9 =	vld [tilespmem:s3+$0x16880]  }
0x375: {  	v10 =	vld [tilespmem:s3+$0x7900]  }
0x376: {  	v11 =	vld [tilespmem:s3+$0x16900]  }
0x377: {  	v54 =	vld [tilespmem:s3+$0x7A00]  }
0x378: {  	v55 =	vld [tilespmem:s3+$0x16A00];
	v6 =	vadd.f32 v7, v6  }
0x379: {  	v12 =	vld [tilespmem:s3+$0x16A80]  }
0x37a: {  	v2 =	vadd.f32 v4, v2;
	v4 =	vld [tilespmem:s3+$0x7B00];
	[tilespmem:s3+$0xD800] =	vst v6;
	v6 =	vadd.f32 v9, v8  }
0x37b: {  	v7 =	vld [tilespmem:s3+$0x7980]  }
0x37c: {  	v8 =	vld [tilespmem:s3+$0x16980];
	[tilespmem:s3+$0xD880] =	vst v6;
	v6 =	vadd.f32 v11, v10  }
0x37d: {  	[tilespmem:s8+$0xD980] =	vst v5;
	v0 =	vadd.f32 v3, v0;
	v3 =	vld [tilespmem:s3+$0x16B00]  }
0x37e: {  	v1 =	vadd.f32 v56, v1;
	[tilespmem:s3+$0xD900] =	vst v6;
	v6 =	vld [tilespmem:s3+$0x7A80]  }
0x37f: {  	[tilespmem:s8+$0xDA00] =	vst v2  }
0x380: {  	[tilespmem:s8+$0xDB00] =	vst v1;
	v1 =	vadd.f32 v55, v54  }
0x381: {  	[tilespmem:s8+$0xDA80] =	vst v0;
	v0 =	vadd.f32 v8, v7  }
0x382: {  	[tilespmem:s3+$0xDA00] =	vst v1;
	v1 =	vadd.f32 v3, v4  }
0x383: {  	s19 =	sadd.s32 s7, s13;
	[tilespmem:s3+$0xD980] =	vst v0;
	v0 =	vadd.f32 v12, v6  }
0x384: {  	s8 =	sshrl.u32 s19, $0x3;
	[tilespmem:s3+$0xDB00] =	vst v1  }
0x385: {  	s20 =	sadd.s32 s4, s9;
	s24 =	simm.s32 $0x0;
	s8 =	smul.u32 $0x300, s8;
	[tilespmem:s3+$0xDA80] =	vst v0  }
0x386: {  	[hbm4b:s20+s24] =	stream.linear.scatter [tilespmem:s21], [sflag:$0x5], $0x3000, $0x38;
	[tilespmem:$0x18000] =	vst v63  }
0x387: {  	s16 =	sadd.s32 s1, s8  }
0x388: {  	[tilespmem:s28], [sflag:$0x2] =	stream.linear.gather [hbm4b:s16+s24], $0x3000, $0x38;
	[tilespmem:$0x18000] =	vst v63  }
0x389: {  	_ =	swait.ge [sflag:s2], $0x3000  }
0x38a: {  	[sflag:s2] =	ssyncset.done $0x0  }
0x38b: {  	[sflag:s2] =	ssyncadd.s32 $0xFFFFD000  }
0x38c: {  	s17 =	simm.s32 $0x0;
	_ =	swait.ge [sflag:s30], $0x3000  }
0x38d: {  	s18 =	sand.u32 $0x70, s17;
	s19 =	sand.u32 $0x1C00, s24;
	[sflag:s30] =	ssyncset.done $0x0  }
0x38e: {  	s8 =	sor.u32 s18, s19;
	[sflag:s30] =	ssyncadd.s32 $0xFFFFD000  }
0x38f: {  	v0 =	vld [tilespmem:s8+$0x9000]  }
0x390: {  	v1 =	vld [tilespmem:s8+$0x15000]  }
0x391: {  	v2 =	vld [tilespmem:s8+$0x9080]  }
0x392: {  	v3 =	vld [tilespmem:s8+$0x15080]  }
0x393: {  	v4 =	vld [tilespmem:s8+$0x9100]  }
0x394: {  	v5 =	vld [tilespmem:s8+$0x15100]  }
0x395: {  	v6 =	vld [tilespmem:s8+$0x9180]  }
0x396: {  	v7 =	vld [tilespmem:s8+$0x15180]  }
0x397: {  	v8 =	vld [tilespmem:s8+$0x9200]  }
0x398: {  	v57 =	vld [tilespmem:s8+$0x15200]  }
0x399: {  	v58 =	vld [tilespmem:s8+$0x9280]  }
0x39a: {  	v59 =	vld [tilespmem:s8+$0x15280]  }
0x39b: {  	v0 =	vadd.f32 v1, v0;
	v1 =	vld [tilespmem:s8+$0x9300]  }
0x39c: {  	v2 =	vadd.f32 v3, v2;
	v3 =	vld [tilespmem:s8+$0x15300]  }
0x39d: {  	[tilespmem:s8+$0xF000] =	vst v0;
	v0 =	vadd.f32 v5, v4  }
0x39e: {  	[tilespmem:s8+$0xF080] =	vst v2;
	v2 =	vadd.f32 v7, v6  }
0x39f: {  	[tilespmem:s8+$0xF100] =	vst v0;
	v0 =	vadd.f32 v57, v8  }
0x3a0: {  	[tilespmem:s8+$0xF180] =	vst v2;
	v2 =	vadd.f32 v59, v58  }
0x3a1: {  	[tilespmem:s8+$0xF200] =	vst v0;
	v0 =	vadd.f32 v3, v1  }
0x3a2: {  	s3 =	sor.u32 s24, s17;
	[tilespmem:s8+$0xF280] =	vst v2  }
0x3a3: {  	s9 =	sor.u32 $0x380, s3;
	[tilespmem:s8+$0xF300] =	vst v0  }
0x3a4: {  	v0 =	vld [tilespmem:s9+$0x9000]  }
0x3a5: {  	v1 =	vld [tilespmem:s9+$0x15000];
	_ =	sdelay $0x4  }
0x3a6: {  	v0 =	vadd.f32 v1, v0;
	_ =	sdelay $0x1  }
0x3a7: {  	s13 =	simm.s32 $0x80;
	s3 =	simm.s32 $0x10;
	[tilespmem:s9+$0xF000] =	vst v0  }
0x3a8: {  	s20 =	sand.u32 $0x70, s3;
	s16 =	sand.u32 $0x1C00, s13;
	v0 =	vld [tilespmem:s8+$0xAB80]  }
0x3a9: {  	s9 =	sor.u32 s20, s16;
	v1 =	vld [tilespmem:s8+$0x16B80]  }
0x3aa: {  	v2 =	vld [tilespmem:s9+$0x9000]  }
0x3ab: {  	v3 =	vld [tilespmem:s9+$0x15000]  }
0x3ac: {  	v4 =	vld [tilespmem:s9+$0x9080]  }
0x3ad: {  	v5 =	vld [tilespmem:s9+$0x15080]  }
0x3ae: {  	v6 =	vld [tilespmem:s9+$0x9100]  }
0x3af: {  	v7 =	vld [tilespmem:s9+$0x15100]  }
0x3b0: {  	v8 =	vld [tilespmem:s9+$0x9180]  }
0x3b1: {  	v60 =	vld [tilespmem:s9+$0x15180]  }
0x3b2: {  	v61 =	vld [tilespmem:s9+$0x9200]  }
0x3b3: {  	v62 =	vld [tilespmem:s9+$0x15200]  }
0x3b4: {  	v63 =	vld [tilespmem:s9+$0x9280]  }
0x3b5: {  	v0 =	vadd.f32 v1, v0;
	v1 =	vld [tilespmem:s9+$0x15280]  }
0x3b6: {  	v13 =	vld [tilespmem:s9+$0x9300]  }
0x3b7: {  	[tilespmem:s8+$0x10B80] =	vst v0;
	v0 =	vadd.f32 v3, v2;
	v2 =	vld [tilespmem:s9+$0x15300]  }
0x3b8: {  	v3 =	vadd.f32 v5, v4;
	v4 =	vld [tilespmem:s8+$0xA800]  }
0x3b9: {  	v5 =	vld [tilespmem:s8+$0x16800];
	[tilespmem:s9+$0xF000] =	vst v0;
	v0 =	vadd.f32 v7, v6  }
0x3ba: {  	[tilespmem:s9+$0xF080] =	vst v3;
	v1 =	vadd.f32 v1, v63  }
0x3bb: {  	v6 =	vld [tilespmem:s8+$0xA880];
	[tilespmem:s9+$0xF100] =	vst v0;
	v0 =	vadd.f32 v62, v61  }
0x3bc: {  	v3 =	vadd.f32 v60, v8;
	v7 =	vld [tilespmem:s8+$0x16880];
	[tilespmem:s9+$0xF280] =	vst v1  }
0x3bd: {  	v1 =	vld [tilespmem:s8+$0x16900];
	[tilespmem:s9+$0xF200] =	vst v0;
	v0 =	vadd.f32 v2, v13  }
0x3be: {  	s24 =	sor.u32 s13, s3;
	[tilespmem:s9+$0xF180] =	vst v3;
	v3 =	vadd.f32 v5, v4;
	v5 =	vld [tilespmem:s8+$0xA980]  }
0x3bf: {  	s16 =	sor.u32 $0x380, s24;
	v2 =	vld [tilespmem:s8+$0xA900];
	[tilespmem:s9+$0xF300] =	vst v0  }
0x3c0: {  	v8 =	vld [tilespmem:s16+$0x9000]  }
0x3c1: {  	v0 =	vadd.f32 v7, v6;
	v6 =	vld [tilespmem:s16+$0x15000]  }
0x3c2: {  	v7 =	vld [tilespmem:s8+$0x16980]  }
0x3c3: {  	v4 =	vld [tilespmem:s8+$0x16A00]  }
0x3c4: {  	[tilespmem:s8+$0x10880] =	vst v0;
	v0 =	vadd.f32 v1, v2;
	v2 =	vld [tilespmem:s8+$0xAA00]  }
0x3c5: {  	[tilespmem:s8+$0x10800] =	vst v3;
	v3 =	vld [tilespmem:s8+$0x16A80]  }
0x3c6: {  	[tilespmem:s8+$0x10900] =	vst v0;
	v0 =	vld [tilespmem:s8+$0xAA80];
	v6 =	vadd.f32 v6, v8  }
0x3c7: {  	s20 =	smov.u32 s6;
	v1 =	vld [tilespmem:s8+$0xAB00];
	v5 =	vadd.f32 v7, v5  }
.LBB2_17:
0x3c8: {  	s3 =	sadd.s32 $0x10, s3;
	[tilespmem:s16+$0xF000] =	vst v6;
	s13 =	sadd.s32 $0x80, s13;
	v6 =	vld [tilespmem:s8+$0x16B00]  }
0x3c9: {  	s16 =	sand.u32 $0x70, s3;
	s17 =	sand.u32 $0x1C00, s13;
	p0 =	slt.u32 s3, $0x2F0;
	v7 =	vld [tilespmem:s9+$0xAB80];
	[tilespmem:s8+$0x10980] =	vst v5;
	v2 =	vadd.f32 v4, v2  }
0x3ca: {  	s16 =	sor.u32 s16, s17;
	v4 =	vld [tilespmem:s9+$0x16B80]  }
0x3cb: {  	v5 =	vld [tilespmem:s16+$0x9000];
	[tilespmem:s8+$0x10A00] =	vst v2;
	v0 =	vadd.f32 v3, v0  }
0x3cc: {  	v2 =	vld [tilespmem:s16+$0x15000]  }
0x3cd: {  	v3 =	vld [tilespmem:s16+$0x9080];
	[tilespmem:s8+$0x10A80] =	vst v0;
	v0 =	vadd.f32 v6, v1  }
0x3ce: {  	v1 =	vld [tilespmem:s16+$0x15080]  }
0x3cf: {  	v6 =	vld [tilespmem:s16+$0x9100];
	v4 =	vadd.f32 v4, v7;
	[tilespmem:s8+$0x10B00] =	vst v0;
	s8 =	smov.u32 s9;
	s9 =	smov.u32 s16  }
0x3d0: {  	v0 =	vld [tilespmem:s9+$0x15100]  }
0x3d1: {  	v7 =	vld [tilespmem:s9+$0x9180];
	[tilespmem:s8+$0x10B80] =	vst v4  }
0x3d2: {  	v4 =	vld [tilespmem:s9+$0x15180]  }
0x3d3: {  	v8 =	vld [tilespmem:s9+$0x9200]  }
0x3d4: {  	v9 =	vld [tilespmem:s9+$0x15200]  }
0x3d5: {  	v10 =	vld [tilespmem:s9+$0x9280]  }
0x3d6: {  	v11 =	vld [tilespmem:s9+$0x15280]  }
0x3d7: {  	v2 =	vadd.f32 v2, v5;
	v5 =	vld [tilespmem:s9+$0x9300]  }
0x3d8: {  	v1 =	vadd.f32 v1, v3;
	v3 =	vld [tilespmem:s9+$0x15300]  }
0x3d9: {  	v0 =	vadd.f32 v0, v6;
	[tilespmem:s9+$0xF000] =	vst v2;
	v2 =	vld [tilespmem:s8+$0xA800]  }
0x3da: {  	[tilespmem:s9+$0xF080] =	vst v1;
	v1 =	vadd.f32 v4, v7;
	v4 =	vld [tilespmem:s8+$0x16800]  }
0x3db: {  	[tilespmem:s9+$0xF100] =	vst v0;
	v0 =	vadd.f32 v9, v8;
	v6 =	vld [tilespmem:s8+$0xA880]  }
0x3dc: {  	[tilespmem:s9+$0xF180] =	vst v1;
	v1 =	vadd.f32 v11, v10;
	v7 =	vld [tilespmem:s8+$0x16880]  }
0x3dd: {  	[tilespmem:s9+$0xF200] =	vst v0;
	v0 =	vadd.f32 v3, v5;
	v3 =	vld [tilespmem:s8+$0xA900]  }
0x3de: {  	s16 =	sor.u32 s13, s3;
	[tilespmem:s9+$0xF280] =	vst v1;
	v1 =	vld [tilespmem:s8+$0x16900]  }
0x3df: {  	s16 =	sor.u32 $0x380, s16;
	[tilespmem:s9+$0xF300] =	vst v0;
	v0 =	vadd.f32 v4, v2;
	v5 =	vld [tilespmem:s8+$0xA980]  }
0x3e0: {  	v8 =	vld [tilespmem:s16+$0x9000]  }
0x3e1: {  	v9 =	vld [tilespmem:s16+$0x15000];
	[tilespmem:s8+$0x10800] =	vst v0;
	v0 =	vadd.f32 v7, v6  }
0x3e2: {  	v7 =	vld [tilespmem:s8+$0x16980]  }
.Ltmp7:
0x3e3: {  	[tilespmem:s8+$0x10880] =	vst v0;
	v0 =	vadd.f32 v1, v3;
	v2 =	vld [tilespmem:s8+$0xAA00];
	(pc) =	sbr.rel @p0 .LBB2_17-.Ltmp7, $4  }
0x3e4: {  	v4 =	vld [tilespmem:s8+$0x16A00]  }
0x3e5: {  	[tilespmem:s8+$0x10900] =	vst v0;
	v0 =	vld [tilespmem:s8+$0xAA80]  }
0x3e6: {  	v6 =	vadd.f32 v9, v8;
	v3 =	vld [tilespmem:s8+$0x16A80]  }
0x3e7: {  	v5 =	vadd.f32 v7, v5;
	v1 =	vld [tilespmem:s8+$0xAB00]  }
0x3e8: {  	[tilespmem:s16+$0xF000] =	vst v6;
	v56 =	vld [tilespmem:s8+$0x16B00]  }
0x3e9: {  	v6 =	vld [tilespmem:s9+$0xAB80]  }
0x3ea: {  	v7 =	vld [tilespmem:s9+$0x16B80]  }
0x3eb: {  	v48 =	vld [tilespmem:s9+$0xA800]  }
0x3ec: {  	v49 =	vld [tilespmem:s9+$0x16800]  }
0x3ed: {  	v8 =	vld [tilespmem:s9+$0xA880]  }
0x3ee: {  	v9 =	vld [tilespmem:s9+$0x16880]  }
0x3ef: {  	v10 =	vld [tilespmem:s9+$0xA900]  }
0x3f0: {  	v11 =	vld [tilespmem:s9+$0x16900]  }
0x3f1: {  	v50 =	vld [tilespmem:s9+$0xA980];
	v2 =	vadd.f32 v4, v2  }
0x3f2: {  	v52 =	vld [tilespmem:s9+$0x16980];
	[tilespmem:s8+$0x10980] =	vst v5;
	v0 =	vadd.f32 v3, v0  }
0x3f3: {  	v54 =	vld [tilespmem:s9+$0xAA00];
	[tilespmem:s8+$0x10A00] =	vst v2;
	v1 =	vadd.f32 v56, v1  }
0x3f4: {  	v55 =	vld [tilespmem:s9+$0x16A00];
	[tilespmem:s8+$0x10A80] =	vst v0;
	v6 =	vadd.f32 v7, v6  }
0x3f5: {  	v57 =	vld [tilespmem:s9+$0xAA80];
	v51 =	vadd.f32 v9, v8;
	[tilespmem:s8+$0x10B00] =	vst v1  }
0x3f6: {  	v12 =	vld [tilespmem:s9+$0x16A80];
	v53 =	vadd.f32 v11, v10;
	[tilespmem:s9+$0x10B80] =	vst v6  }
0x3f7: {  	v58 =	vld [tilespmem:s9+$0xAB00];
	v60 =	vadd.f32 v52, v50;
	[tilespmem:s9+$0x10880] =	vst v51  }
0x3f8: {  	v59 =	vld [tilespmem:s9+$0x16B00];
	v6 =	vadd.f32 v49, v48;
	[tilespmem:s9+$0x10900] =	vst v53  }
0x3f9: {  	[tilespmem:s9+$0x10980] =	vst v60  }
0x3fa: {  	[tilespmem:s9+$0x10800] =	vst v6  }
0x3fb: {  	v61 =	vadd.f32 v55, v54;
	s3 =	rddreg [dreg:$0xa]  }
0x3fc: {  	s10 =	sadd.s32 $0x1, s10;
	v62 =	vadd.f32 v12, v57;
	s3 =	sadd.s32 s11, s3  }
0x3fd: {  	p0 =	sne.s32 s10, $0x8;
	v63 =	vadd.f32 v59, v58;
	[tilespmem:s9+$0x10A00] =	vst v61;
	s3 =	smin.u32 s3, $0x1FF0  }
.Ltmp8:
0x3fe: {  	[tilespmem:s9+$0x10A80] =	vst v62;
	s3 =	sshrl.u32 s3, $0x3;
	(pc) =	sbr.rel @p0 .LBB2_2-.Ltmp8, $4  }
0x3ff: {  	s19 =	sadd.s32 s4, s12;
	s6 =	simm.s32 $0x0;
	[tilespmem:s9+$0x10B00] =	vst v63;
	s3 =	smul.u32 $0x300, s3  }
0x400: {  	[hbm4b:s19+s6] =	stream.linear.scatter [tilespmem:s22], [sflag:$0x6], $0x3000, $0x38;
	[tilespmem:$0x18000] =	vst v63  }
0x401: {  	s24 =	simm.s32 $0x15000;
	s3 =	sadd.s32 s20, s3  }
0x402: {  	[tilespmem:s24], [sflag:$0x8] =	stream.linear.gather [hbm4b:s3+s6], $0x3000, $0x38;
	[tilespmem:$0x18000] =	vst v63  }
0x403: {  	_ =	swait.ge [sflag:s25], $0x3000  }
0x404: {  	[sflag:s25] =	ssyncset.done $0x0  }
0x405: {  	[sflag:s25] =	ssyncadd.s32 $0xFFFFD000  }
0x406: {  	_ =	swait.ge [sflag:s29], $0x3000  }
0x407: {  	[sflag:s29] =	ssyncset.done $0x0  }
0x408: {  	[sflag:s29] =	ssyncadd.s32 $0xFFFFD000  }
0x409: {  	_ =	swait.ge [sflag:s23], $0x3000  }
0x40a: {  	[sflag:s23] =	ssyncset.done $0x0  }
0x40b: {  	[sflag:s23] =	ssyncadd.s32 $0xFFFFD000  }
0x40c: {  	_ =	swait.ge [sflag:s0], $0x3000  }
0x40d: {  	[sflag:s0] =	ssyncset.done $0x0  }
0x40e: {  	[sflag:s0] =	ssyncadd.s32 $0xFFFFD000  }
0x40f: {  	_ =	swait.ge [sflag:s26], $0x3000  }
0x410: {  	[sflag:s26] =	ssyncset.done $0x0  }
0x411: {  	[sflag:s26] =	ssyncadd.s32 $0xFFFFD000  }
0x412: {  	_ =	swait.ge [sflag:s30], $0x3000  }
0x413: {  	s6 =	rddreg [dreg:$0xc]  }
0x414: {  	s3 =	rddreg [dreg:$0xb];
	s6 =	sadd.s32 $0x1, s6  }
0x415: {  	p0 =	sne.s32 s6, s3  }
.Ltmp9:
0x416: {  	_ = 	snop;
	(pc) =	sbr.rel @p0 .LBB2_1-.Ltmp9, $3  }
0x417: {  	_ =	sdelay $0x1  }
0x418: {  	[sflag:s30] =	ssyncset.done $0x0  }
0x419: {  	[sflag:s30] =	ssyncadd.s32 $0xFFFFD000  }
0x41a: {  	_ =	sfence.sel $0x180000  }
0x41b: {  	[bflag:$0x0] =	sbarrier.arrive $0xFFFF  }
0x41c: {  	_ =	strace $0x90000047  }
0x41d: {  	s0 =	stileid.u32;
	[bflag:$0x2] =	sbarrier.arrive $0xFFFF  }
0x41e: {  	p0 =	sne.s32 s0, $0x0;
	s0 =	rddreg [dreg:$0x3]  }
0x41f: {  	s0 =	sadd.s32 @!p0 $0x100000, s0  }
0x420: {  	[sflag:s0] =	ssyncadd.tile.s32 @!p0 $0x1;
	_ =	shalt  }
.Lfunc_end2:
_tile_overlayer_lowered:
.L_overlay_start_2:
0x421: {  	(tag) =	ssettag $0x2  }
0x422: {  	s0 =	rddreg [dreg:$0x0];
	s2 =	stileid.u32  }
0x423: {  	s1 =	rddreg [dreg:$0x1];
	p0 =	sne.s32 s2, $0x0  }
0x424: {  	s3 =	rddreg [dreg:$0x2];
	[bflag:$0x3] =	sbarrier.arrive $0xFFFF;
	s2 =	simm.s32 @!p0 $0x1C09  }
0x425: {  	[timem:s3], [sflag:s2] =	dma.local @!p0 [hbm:s0], s1  }
0x426: {  	s0 =	simm.s32 @!p0 $0x9  }
0x427: {  	_ =	swait.ge @!p0 [sflag:s0], s1  }
0x428: {  	s1 =	ssub.s32 @!p0 $0x0, s1;
	[sflag:s0] =	ssyncset.done @!p0 $0x0  }
0x429: {  	[sflag:s0] =	ssyncadd.s32 @!p0 s1  }
0x42a: {  	[bflag:$0x3] =	sbarrier.arrive $0xFFFF  }
0x42b: {  	_ =	shalt  }

</sc_bundles>
